<compile_context>
chip_gen: v7x
topology: tpu7x:2x2x1
jax: 0.10.2.dev20260603
libtpu: 0.0.44.dev20260713+nightly
codegen_flags: <defaults>
</compile_context>

<pallas_src>
import functools

import jax
import jax.numpy as jnp
from jax import lax
from jax.experimental import pallas as pl
from jax.experimental.pallas import tpu as pltpu
from jax.experimental.pallas import tpu_sc as plsc

N = 10000
E = 5000
P = 320000
H = 128

NC = 2
NS = 16
NW = NC * NS

PPT = P // NW
CK = 125
CH = PPT // CK

E_PAD = 5120
N_PAD = 10112
RPT_E = E_PAD // NS
RPT_V = N_PAD // NS

_mesh = plsc.VectorSubcoreMesh(core_axis_name="c", subcore_axis_name="s")


def _wid():
    return lax.axis_index("s") * NC + lax.axis_index("c")


TOT = E_PAD + N_PAD
HPT = 2 * P // NW
HPTP = ((HPT + 127) // 128) * 128
CNT_SZ = TOT + 2 * H


def _make_hop(s_pad, rpt, nsw, with_hist=False):
    sch = CH // nsw
    out_type = jax.ShapeDtypeStruct((NC * s_pad, H), jnp.float32)
    scratch = [
        pltpu.VMEM((sch, CK), jnp.int32),
        pltpu.VMEM((sch, CK), jnp.int32),
        pltpu.VMEM((CK, H), jnp.float32),
        pltpu.VMEM((CK, H), jnp.float32),
        pltpu.VMEM_SHARED((s_pad, H), jnp.float32),
        pltpu.SemaphoreType.DMA,
        pltpu.SemaphoreType.DMA,
        pltpu.SemaphoreType.DMA,
    ]
    if with_hist:
        out_type = (out_type, jax.ShapeDtypeStruct((NW, TOT), jnp.float32))
        scratch += [pltpu.VMEM((HPTP,), jnp.int32),
                    pltpu.VMEM((CNT_SZ,), jnp.float32)]

    def hop(g3, s3, table, zer_hbm, *rest):
        if with_hist:
            (hidx2, zerc, out, hout,
             gidx, sidx, rows0, rows1, acc, sem0, sem1, zsem, idxb, cnt) = rest
        else:
            (out, gidx, sidx, rows0, rows1, acc, sem0, sem1, zsem) = rest
        cid = lax.axis_index("c")
        sid = lax.axis_index("s")
        wid = _wid()
        pltpu.async_copy(zer_hbm.at[pl.ds(0, rpt)],
                         acc.at[pl.ds(sid * rpt, rpt)], zsem)
        pltpu.async_copy(g3.at[wid * nsw], gidx, sem0)
        pltpu.async_copy(s3.at[wid * nsw], sidx, sem1)
        if with_hist:
            pltpu.sync_copy(hidx2.at[wid], idxb)
            pltpu.sync_copy(zerc, cnt)
        ones16 = jnp.ones((16,), jnp.float32)

        def hist_rows(r0, nr):
            if not with_hist:
                return
            for r in range(nr):
                for c in range(8):
                    start = pl.multiple_of((r0 + r) * 128 + c * 16, 16)
                    v = idxb[pl.ds(start, 16)]
                    plsc.addupdate_scatter(cnt, [v], ones16)

        pltpu.make_async_copy(g3.at[wid * nsw], gidx, sem0).wait()
        pltpu.make_async_copy(s3.at[wid * nsw], sidx, sem1).wait()
        pltpu.make_async_copy(zer_hbm.at[pl.ds(0, rpt)],
                              acc.at[pl.ds(sid * rpt, rpt)], zsem).wait()
        plsc.subcore_barrier()

        for s in range(nsw):
            if s > 0:
                pltpu.sync_copy(g3.at[wid * nsw + s], gidx)
                pltpu.sync_copy(s3.at[wid * nsw + s], sidx)
            pltpu.async_copy(table.at[gidx.at[0]], rows0, sem0)
            pltpu.async_copy(table.at[gidx.at[1]], rows1, sem1)

            def body(i, _):
                j0 = 2 * i
                if with_hist:
                    r0 = pl.multiple_of(4 * i, 4)
                    hist_rows(r0, 4)
                pltpu.make_async_copy(table.at[gidx.at[j0]], rows0, sem0).wait()
                pltpu.sync_copy(rows0, acc.at[sidx.at[j0]], add=True)
                pltpu.async_copy(table.at[gidx.at[j0 + 2]], rows0, sem0)
                pltpu.make_async_copy(table.at[gidx.at[j0 + 1]], rows1, sem1).wait()
                pltpu.sync_copy(rows1, acc.at[sidx.at[j0 + 1]], add=True)
                pltpu.async_copy(table.at[gidx.at[j0 + 3]], rows1, sem1)
                return _

            lax.fori_loop(0, sch // 2 - 1, body, None)
            pltpu.make_async_copy(table.at[gidx.at[sch - 2]], rows0, sem0).wait()
            pltpu.sync_copy(rows0, acc.at[sidx.at[sch - 2]], add=True)
            pltpu.make_async_copy(table.at[gidx.at[sch - 1]], rows1, sem1).wait()
            pltpu.sync_copy(rows1, acc.at[sidx.at[sch - 1]], add=True)

        if with_hist:
            done = 4 * (sch // 2 - 1)
            hist_rows(done, HPTP // 128 - done)
            pltpu.sync_copy(cnt.at[pl.ds(0, TOT)], hout.at[wid])
        plsc.subcore_barrier()
        pltpu.sync_copy(acc.at[pl.ds(sid * rpt, rpt)],
                        out.at[pl.ds(cid * s_pad + sid * rpt, rpt)])

    kwargs = dict(out_type=out_type, mesh=_mesh, scratch_types=scratch)
    if with_hist:
        kwargs["compiler_params"] = pltpu.CompilerParams(
            needs_layout_passes=False)
    return pl.kernel(hop, **kwargs)


_hop_v2e = _make_hop(E_PAD, RPT_E, 1)
_hop_e2v = _make_hop(N_PAD, RPT_V, 2)
_hop_v2e_hist = _make_hop(E_PAD, RPT_E, 1, with_hist=True)


def _bn_body(z, g, be):
    mu = jnp.mean(z, axis=0, keepdims=True)
    d = z - mu
    var = jnp.mean(d * d, axis=0, keepdims=True)
    return d * lax.rsqrt(var + 1e-5) * g + be


def _tc_dense0(x_ref, w_ref, b_ref, g_ref, be_ref, o_ref):
    z = jnp.dot(x_ref[...], w_ref[...], preferred_element_type=jnp.float32)
    o_ref[...] = _bn_body(z + b_ref[...], g_ref[...], be_ref[...])


def _vcombine(vp_ref, h_ref):
    v0 = vp_ref[pl.ds(0, N), :]
    v1 = vp_ref[pl.ds(N_PAD, N), :]
    c = jnp.sum(h_ref[...], axis=0, keepdims=True)[:, E_PAD:E_PAD + N]
    rv = 1.0 / jnp.maximum(jnp.swapaxes(c, 0, 1), 1.0)
    return jnp.maximum((v0 + v1) * rv, 0.0)


def _tc_dense(vp_ref, vc_ref, w_ref, b_ref, g_ref, be_ref, o_ref):
    x = _vcombine(vp_ref, vc_ref)
    z = jnp.dot(x, w_ref[...], preferred_element_type=jnp.float32)
    o_ref[...] = _bn_body(z + b_ref[...], g_ref[...], be_ref[...])


def _tc_ecombine(ep_ref, h_ref, o_ref):
    e0 = ep_ref[pl.ds(0, E_PAD), :]
    e1 = ep_ref[pl.ds(E_PAD, E_PAD), :]
    c = jnp.sum(h_ref[...], axis=0, keepdims=True)[:, :E_PAD]
    re = 1.0 / jnp.maximum(jnp.swapaxes(c, 0, 1), 1.0)
    o_ref[...] = (e0 + e1) * re


def _tc_head(vp_ref, vc_ref, wa1_ref, ba1_ref, wa2_ref, ba2_ref,
             wf1_ref, bf1_ref, wf2_ref, bf2_ref, wo_ref, bo_ref,
             gf_ref, bef_ref, score_ref, att_ref):
    x = _vcombine(vp_ref, vc_ref)
    t = jnp.tanh(jnp.dot(x, wa1_ref[...], preferred_element_type=jnp.float32)
                 + ba1_ref[...])
    att = jax.nn.sigmoid(jnp.dot(t, wa2_ref[...], preferred_element_type=jnp.float32)
                         + ba2_ref[...])
    xw = jnp.maximum(x * att, 0.0)
    xw = _bn_body(xw, gf_ref[...], bef_ref[...])
    h = jnp.maximum(jnp.dot(xw, wf1_ref[...], preferred_element_type=jnp.float32)
                    + bf1_ref[...], 0.0)
    h = jnp.maximum(jnp.dot(h, wf2_ref[...], preferred_element_type=jnp.float32)
                    + bf2_ref[...], 0.0)
    score_ref[...] = jax.nn.sigmoid(
        jnp.dot(h, wo_ref[...], preferred_element_type=jnp.float32) + bo_ref[...])
    att_ref[...] = att


def _call_tc(body, out_shapes, *args):
    return pl.pallas_call(body, out_shape=out_shapes)(*args)


def kernel(X, pair_v, pair_e, W0, b0, g0, be0, W1, b1, g1, be1, W2, b2, g2, be2,
           Wa1, ba1, Wa2, ba2, Wf1, bf1, Wf2, bf2, Wo, bo, gf, bef):
    f32 = jnp.float32
    pv3 = pair_v.reshape(NW, CH, CK)
    pe3 = pair_e.reshape(NW, CH, CK)
    pv3s = pair_v.reshape(NW * 2, CH // 2, CK)
    pe3s = pair_e.reshape(NW * 2, CH // 2, CK)
    zerH = jnp.zeros((RPT_V, H), f32)
    zerC = jnp.zeros((CNT_SZ,), f32)
    hidx = jnp.concatenate([pair_e, pair_v + E_PAD]).reshape(NW, HPT)
    hidx = jnp.concatenate(
        [hidx, jnp.full((NW, HPTP - HPT), TOT, jnp.int32)], axis=1)
    r = lambda a: a.reshape(1, -1)

    hist = None
    y = _call_tc(_tc_dense0, jax.ShapeDtypeStruct((N, H), f32),
                 X, W0, r(b0), r(g0), r(be0))
    for (W, b, g, be) in ((W1, b1, g1, be1), (W2, b2, g2, be2), (None,) * 4):
        if hist is None:
            ep, hist = _hop_v2e_hist(pv3, pe3, y, zerH, hidx, zerC)
        else:
            ep = _hop_v2e(pv3, pe3, y, zerH)
        xe = _call_tc(_tc_ecombine, jax.ShapeDtypeStruct((E_PAD, H), f32),
                      ep, hist)
        vp = _hop_e2v(pe3s, pv3s, xe, zerH)
        if W is None:
            score, att = _call_tc(
                _tc_head,
                (jax.ShapeDtypeStruct((N, 1), f32),
                 jax.ShapeDtypeStruct((N, 1), f32)),
                vp, hist, Wa1, r(ba1), Wa2, r(ba2),
                Wf1, r(bf1), Wf2, r(bf2), Wo, r(bo), r(gf), r(bef))
            return (score, att)
        y = _call_tc(_tc_dense, jax.ShapeDtypeStruct((N, H), f32),
                     vp, hist, W, b.reshape(1, -1), g.reshape(1, -1),
                     be.reshape(1, -1))

# --- scband reference (transcript-rebuilt; emitter-appended) ---
"""Pipeline reference for scband-hgnnp-652835029607 (READ-ONLY COPY).

The authoritative reference and input builder live on the scoring server;
editing this copy changes nothing except your own understanding.
"""

import jax, jax.numpy as jnp
import numpy as np

N = 10000
E = 5000
P = 320000
D = 128
H = 128


def setup_inputs(seed: int = 0) -> dict:
    key = jax.random.key(seed)
    ks = jax.random.split(key, 30)
    s = 0.05
    inp = {
        "X": jax.random.normal(ks[0], (N, D), dtype=jnp.float32),
        "pair_v": jax.random.randint(ks[1], (P,), 0, N, dtype=jnp.int32),
        "pair_e": jax.random.randint(ks[2], (P,), 0, E, dtype=jnp.int32),
        "W0": jax.random.normal(ks[3], (D, H), dtype=jnp.float32) * s,
        "b0": jnp.zeros((H,), jnp.float32),
        "g0": jnp.ones((H,), jnp.float32),
        "be0": jnp.zeros((H,), jnp.float32),
        "W1": jax.random.normal(ks[4], (H, H), dtype=jnp.float32) * s,
        "b1": jnp.zeros((H,), jnp.float32),
        "g1": jnp.ones((H,), jnp.float32),
        "be1": jnp.zeros((H,), jnp.float32),
        "W2": jax.random.normal(ks[5], (H, H), dtype=jnp.float32) * s,
        "b2": jnp.zeros((H,), jnp.float32),
        "g2": jnp.ones((H,), jnp.float32),
        "be2": jnp.zeros((H,), jnp.float32),
        "Wa1": jax.random.normal(ks[6], (H, H), dtype=jnp.float32) * s,
        "ba1": jnp.zeros((H,), jnp.float32),
        "Wa2": jax.random.normal(ks[7], (H, 1), dtype=jnp.float32) * s,
        "ba2": jnp.zeros((1,), jnp.float32),
        "Wf1": jax.random.normal(ks[8], (H, H), dtype=jnp.float32) * s,
        "bf1": jnp.zeros((H,), jnp.float32),
        "Wf2": jax.random.normal(ks[9], (H, H), dtype=jnp.float32) * s,
        "bf2": jnp.zeros((H,), jnp.float32),
        "Wo": jax.random.normal(ks[10], (H, 1), dtype=jnp.float32) * s,
        "bo": jnp.zeros((1,), jnp.float32),
        "gf": jnp.ones((H,), jnp.float32),
        "bef": jnp.zeros((H,), jnp.float32),
    }
    return inp


def _bn(x, g, b):
    mu = jnp.mean(x, axis=0, keepdims=True)
    var = jnp.var(x, axis=0, keepdims=True)
    return (x - mu) / jnp.sqrt(var + 1e-5) * g + b


def _v2v_mean(x, pv, pe):
    ones = jnp.ones((pv.shape[0], 1), x.dtype)
    e_sum = jax.ops.segment_sum(x[pv], pe, num_segments=E)
    e_cnt = jax.ops.segment_sum(ones, pe, num_segments=E)
    xe = e_sum / jnp.clip(e_cnt, 1.0)
    v_sum = jax.ops.segment_sum(xe[pe], pv, num_segments=N)
    v_cnt = jax.ops.segment_sum(ones, pv, num_segments=N)
    return v_sum / jnp.clip(v_cnt, 1.0)


def reference(X, pair_v, pair_e, W0, b0, g0, be0, W1, b1, g1, be1, W2, b2, g2, be2, Wa1, ba1, Wa2, ba2, Wf1, bf1, Wf2, bf2, Wo, bo, gf, bef):
    x = X
    for (W, b, g, be) in ((W0, b0, g0, be0), (W1, b1, g1, be1), (W2, b2, g2, be2)):
        x = x @ W + b
        x = _bn(x, g, be)
        x = _v2v_mean(x, pair_v, pair_e)
        x = jax.nn.relu(x)
    att = jax.nn.sigmoid(jnp.tanh(x @ Wa1 + ba1) @ Wa2 + ba2)
    xw = jax.nn.relu(x * att)
    xw = _bn(xw, gf, bef)
    xw = jax.nn.relu(xw @ Wf1 + bf1)
    xw = jax.nn.relu(xw @ Wf2 + bf2)
    score = jax.nn.sigmoid(xw @ Wo + bo)
    return (score, att)

if __name__ == "__main__":
    import jax
    _d = setup_inputs()
    print(jax.jit(kernel)(*tuple(_d.values())))

</pallas_src>

<mosaic_0001>
#map = affine_map<(d0, d1) -> (0, 0, 0)>
#map1 = affine_map<(d0, d1) -> (0, 0)>
#map2 = affine_map<(d0, d1) -> (0)>
module attributes {stable_mosaic.version = 14 : i64} {
  func.func @hop(%arg0: i32, %arg1: i32, %arg2: memref<32x80x125xi32, #tpu.memory_space<hbm>>, %arg3: memref<32x80x125xi32, #tpu.memory_space<hbm>>, %arg4: memref<10000x128xf32, #tpu.memory_space<hbm>>, %arg5: memref<632x128xf32, #tpu.memory_space<hbm>>, %arg6: memref<32x20096xi32, #tpu.memory_space<hbm>>, %arg7: memref<15488xf32, #tpu.memory_space<hbm>>, %arg8: memref<10240x128xf32, #tpu.memory_space<hbm>>, %arg9: memref<32x15232xf32, #tpu.memory_space<hbm>>, %arg10: memref<80x125xi32, #tpu.memory_space<vmem>>, %arg11: memref<80x125xi32, #tpu.memory_space<vmem>>, %arg12: memref<125x128xf32, #tpu.memory_space<vmem>>, %arg13: memref<125x128xf32, #tpu.memory_space<vmem>>, %arg14: memref<5120x128xf32, #tpu.memory_space<vmem_shared>>, %arg15: memref<!tpu.dma_semaphore, #tpu.memory_space<semaphore_mem>>, %arg16: memref<!tpu.dma_semaphore, #tpu.memory_space<semaphore_mem>>, %arg17: memref<!tpu.dma_semaphore, #tpu.memory_space<semaphore_mem>>, %arg18: memref<20096xi32, #tpu.memory_space<vmem>>, %arg19: memref<15488xf32, #tpu.memory_space<vmem>>) attributes {dimension_semantics = [#tpu.dimension_semantics<core_parallel>, #tpu.dimension_semantics<subcore_parallel>], iteration_bounds = array<i64: 2, 16>, scalar_prefetch = 0 : i64, scratch_operands = 10 : i64, tpu.core_type = #tpu.core_type<sc_vector_subcore>, window_params = [{transform_indices = #map}, {transform_indices = #map}, {transform_indices = #map1}, {transform_indices = #map1}, {transform_indices = #map1}, {transform_indices = #map2}, {transform_indices = #map1}, {transform_indices = #map1}]} {
    %mul3A = arith.constant 2 : i32
    %mul3A_0 = arith.muli %arg1, %mul3A : i32
    %add3A = arith.addi %mul3A_0, %arg0 : i32
    %mul3A_1 = arith.constant 320 : i32
    %mul3A_2 = arith.muli %arg1, %mul3A_1 : i32
    %dma_start3A = arith.constant 0 : i32
    %dma_start3A_3 = tpu.memref_slice %arg14[%mul3A_2, %dma_start3A] : memref<5120x128xf32, #tpu.memory_space<vmem_shared>> -> memref<320x128xf32, #tpu.memory_space<vmem_shared>>
    %dma_start3A_4 = arith.constant 0 : i32
    %dma_start3A_5 = arith.constant 0 : i32
    %dma_start3A_6 = tpu.memref_slice %arg5[%dma_start3A_4, %dma_start3A_5] : memref<632x128xf32, #tpu.memory_space<hbm>> -> memref<320x128xf32, #tpu.memory_space<hbm>>
    tpu.enqueue_dma source(%dma_start3A_6 : memref<320x128xf32, #tpu.memory_space<hbm>>) target(%dma_start3A_3 : memref<320x128xf32, #tpu.memory_space<vmem_shared>>) target_semaphore(%arg17 : memref<!tpu.dma_semaphore, #tpu.memory_space<semaphore_mem>>)
    %mul3A_7 = arith.constant 1 : i32
    %mul3A_8 = arith.muli %add3A, %mul3A_7 : i32
    %dma_start3A_9 = arith.constant 0 : i32
    %dma_start3A_10 = arith.constant 0 : i32
    %dma_start3A_11 = tpu.memref_slice %arg2[%mul3A_8, %dma_start3A_9, %dma_start3A_10] : memref<32x80x125xi32, #tpu.memory_space<hbm>> -> memref<1x80x125xi32, #tpu.memory_space<hbm>>
    %dma_start3A_12 = tpu.memref_squeeze %dma_start3A_11 : memref<1x80x125xi32, #tpu.memory_space<hbm>> -> memref<80x125xi32, #tpu.memory_space<hbm>>
    %dma_start3A_13 = arith.constant 0 : i32
    %dma_start3A_14 = arith.constant 0 : i32
    %dma_start3A_15 = tpu.memref_slice %arg2[%mul3A_8, %dma_start3A_13, %dma_start3A_14] : memref<32x80x125xi32, #tpu.memory_space<hbm>> -> memref<1x80x125xi32, #tpu.memory_space<hbm>>
    %dma_start3A_16 = tpu.memref_squeeze %dma_start3A_15 : memref<1x80x125xi32, #tpu.memory_space<hbm>> -> memref<80x125xi32, #tpu.memory_space<hbm>>
    tpu.enqueue_dma source(%dma_start3A_16 : memref<80x125xi32, #tpu.memory_space<hbm>>) target(%arg10 : memref<80x125xi32, #tpu.memory_space<vmem>>) target_semaphore(%arg15 : memref<!tpu.dma_semaphore, #tpu.memory_space<semaphore_mem>>)
    %mul3A_17 = arith.constant 1 : i32
    %mul3A_18 = arith.muli %add3A, %mul3A_17 : i32
    %dma_start3A_19 = arith.constant 0 : i32
    %dma_start3A_20 = arith.constant 0 : i32
    %dma_start3A_21 = tpu.memref_slice %arg3[%mul3A_18, %dma_start3A_19, %dma_start3A_20] : memref<32x80x125xi32, #tpu.memory_space<hbm>> -> memref<1x80x125xi32, #tpu.memory_space<hbm>>
    %dma_start3A_22 = tpu.memref_squeeze %dma_start3A_21 : memref<1x80x125xi32, #tpu.memory_space<hbm>> -> memref<80x125xi32, #tpu.memory_space<hbm>>
    %dma_start3A_23 = arith.constant 0 : i32
    %dma_start3A_24 = arith.constant 0 : i32
    %dma_start3A_25 = tpu.memref_slice %arg3[%mul3A_18, %dma_start3A_23, %dma_start3A_24] : memref<32x80x125xi32, #tpu.memory_space<hbm>> -> memref<1x80x125xi32, #tpu.memory_space<hbm>>
    %dma_start3A_26 = tpu.memref_squeeze %dma_start3A_25 : memref<1x80x125xi32, #tpu.memory_space<hbm>> -> memref<80x125xi32, #tpu.memory_space<hbm>>
    tpu.enqueue_dma source(%dma_start3A_26 : memref<80x125xi32, #tpu.memory_space<hbm>>) target(%arg11 : memref<80x125xi32, #tpu.memory_space<vmem>>) target_semaphore(%arg16 : memref<!tpu.dma_semaphore, #tpu.memory_space<semaphore_mem>>)
    "tpu.region"() ({
      %run_scoped3A_125 = tpu.sem_alloc : memref<!tpu.dma_semaphore, #tpu.memory_space<semaphore_mem>>
      %dma_start3A_126 = arith.constant 0 : i32
      %dma_start3A_127 = tpu.memref_slice %arg6[%add3A, %dma_start3A_126] : memref<32x20096xi32, #tpu.memory_space<hbm>> -> memref<1x20096xi32, #tpu.memory_space<hbm>>
      %dma_start3A_128 = tpu.memref_squeeze %dma_start3A_127 : memref<1x20096xi32, #tpu.memory_space<hbm>> -> memref<20096xi32, #tpu.memory_space<hbm>>
      %dma_start3A_129 = arith.constant 0 : i32
      %dma_start3A_130 = tpu.memref_slice %arg6[%add3A, %dma_start3A_129] : memref<32x20096xi32, #tpu.memory_space<hbm>> -> memref<1x20096xi32, #tpu.memory_space<hbm>>
      %dma_start3A_131 = tpu.memref_squeeze %dma_start3A_130 : memref<1x20096xi32, #tpu.memory_space<hbm>> -> memref<20096xi32, #tpu.memory_space<hbm>>
      tpu.enqueue_dma source(%dma_start3A_131 : memref<20096xi32, #tpu.memory_space<hbm>>) target(%arg18 : memref<20096xi32, #tpu.memory_space<vmem>>) target_semaphore(%run_scoped3A_125 : memref<!tpu.dma_semaphore, #tpu.memory_space<semaphore_mem>>)
      %dma_wait3A_132 = arith.constant 0 : i32
      %dma_wait3A_133 = tpu.memref_slice %arg6[%add3A, %dma_wait3A_132] : memref<32x20096xi32, #tpu.memory_space<hbm>> -> memref<1x20096xi32, #tpu.memory_space<hbm>>
      %dma_wait3A_134 = tpu.memref_squeeze %dma_wait3A_133 : memref<1x20096xi32, #tpu.memory_space<hbm>> -> memref<20096xi32, #tpu.memory_space<hbm>>
      %dma_wait3A_135 = arith.constant 0 : i32
      %dma_wait3A_136 = tpu.memref_slice %arg6[%add3A, %dma_wait3A_135] : memref<32x20096xi32, #tpu.memory_space<hbm>> -> memref<1x20096xi32, #tpu.memory_space<hbm>>
      %dma_wait3A_137 = tpu.memref_squeeze %dma_wait3A_136 : memref<1x20096xi32, #tpu.memory_space<hbm>> -> memref<20096xi32, #tpu.memory_space<hbm>>
      tpu.wait_dma2 semaphore(%run_scoped3A_125 : memref<!tpu.dma_semaphore, #tpu.memory_space<semaphore_mem>>) src(%dma_wait3A_137 : memref<20096xi32, #tpu.memory_space<hbm>>) dst(%arg18 : memref<20096xi32, #tpu.memory_space<vmem>>)
      tpu.yield
    }) : () -> ()
    "tpu.region"() ({
      %run_scoped3A_125 = tpu.sem_alloc : memref<!tpu.dma_semaphore, #tpu.memory_space<semaphore_mem>>
      tpu.enqueue_dma source(%arg7 : memref<15488xf32, #tpu.memory_space<hbm>>) target(%arg19 : memref<15488xf32, #tpu.memory_space<vmem>>) target_semaphore(%run_scoped3A_125 : memref<!tpu.dma_semaphore, #tpu.memory_space<semaphore_mem>>)
      tpu.wait_dma2 semaphore(%run_scoped3A_125 : memref<!tpu.dma_semaphore, #tpu.memory_space<semaphore_mem>>) src(%arg7 : memref<15488xf32, #tpu.memory_space<hbm>>) dst(%arg19 : memref<15488xf32, #tpu.memory_space<vmem>>)
      tpu.yield
    }) : () -> ()
    %broadcast_in_dim3A = arith.constant 1.000000e+00 : f32
    %broadcast_in_dim3A_27 = vector.broadcast %broadcast_in_dim3A : f32 to vector<16xf32>
    %mul3A_28 = arith.constant 1 : i32
    %mul3A_29 = arith.muli %add3A, %mul3A_28 : i32
    %dma_wait3A = arith.constant 0 : i32
    %dma_wait3A_30 = arith.constant 0 : i32
    %dma_wait3A_31 = tpu.memref_slice %arg2[%mul3A_29, %dma_wait3A, %dma_wait3A_30] : memref<32x80x125xi32, #tpu.memory_space<hbm>> -> memref<1x80x125xi32, #tpu.memory_space<hbm>>
    %dma_wait3A_32 = tpu.memref_squeeze %dma_wait3A_31 : memref<1x80x125xi32, #tpu.memory_space<hbm>> -> memref<80x125xi32, #tpu.memory_space<hbm>>
    %dma_wait3A_33 = arith.constant 0 : i32
    %dma_wait3A_34 = arith.constant 0 : i32
    %dma_wait3A_35 = tpu.memref_slice %arg2[%mul3A_29, %dma_wait3A_33, %dma_wait3A_34] : memref<32x80x125xi32, #tpu.memory_space<hbm>> -> memref<1x80x125xi32, #tpu.memory_space<hbm>>
    %dma_wait3A_36 = tpu.memref_squeeze %dma_wait3A_35 : memref<1x80x125xi32, #tpu.memory_space<hbm>> -> memref<80x125xi32, #tpu.memory_space<hbm>>
    tpu.wait_dma2 semaphore(%arg15 : memref<!tpu.dma_semaphore, #tpu.memory_space<semaphore_mem>>) src(%dma_wait3A_36 : memref<80x125xi32, #tpu.memory_space<hbm>>) dst(%arg10 : memref<80x125xi32, #tpu.memory_space<vmem>>)
    %mul3A_37 = arith.constant 1 : i32
    %mul3A_38 = arith.muli %add3A, %mul3A_37 : i32
    %dma_wait3A_39 = arith.constant 0 : i32
    %dma_wait3A_40 = arith.constant 0 : i32
    %dma_wait3A_41 = tpu.memref_slice %arg3[%mul3A_38, %dma_wait3A_39, %dma_wait3A_40] : memref<32x80x125xi32, #tpu.memory_space<hbm>> -> memref<1x80x125xi32, #tpu.memory_space<hbm>>
    %dma_wait3A_42 = tpu.memref_squeeze %dma_wait3A_41 : memref<1x80x125xi32, #tpu.memory_space<hbm>> -> memref<80x125xi32, #tpu.memory_space<hbm>>
    %dma_wait3A_43 = arith.constant 0 : i32
    %dma_wait3A_44 = arith.constant 0 : i32
    %dma_wait3A_45 = tpu.memref_slice %arg3[%mul3A_38, %dma_wait3A_43, %dma_wait3A_44] : memref<32x80x125xi32, #tpu.memory_space<hbm>> -> memref<1x80x125xi32, #tpu.memory_space<hbm>>
    %dma_wait3A_46 = tpu.memref_squeeze %dma_wait3A_45 : memref<1x80x125xi32, #tpu.memory_space<hbm>> -> memref<80x125xi32, #tpu.memory_space<hbm>>
    tpu.wait_dma2 semaphore(%arg16 : memref<!tpu.dma_semaphore, #tpu.memory_space<semaphore_mem>>) src(%dma_wait3A_46 : memref<80x125xi32, #tpu.memory_space<hbm>>) dst(%arg11 : memref<80x125xi32, #tpu.memory_space<vmem>>)
    %mul3A_47 = arith.constant 320 : i32
    %mul3A_48 = arith.muli %arg1, %mul3A_47 : i32
    %dma_wait3A_49 = arith.constant 0 : i32
    %dma_wait3A_50 = tpu.memref_slice %arg14[%mul3A_48, %dma_wait3A_49] : memref<5120x128xf32, #tpu.memory_space<vmem_shared>> -> memref<320x128xf32, #tpu.memory_space<vmem_shared>>
    %dma_wait3A_51 = arith.constant 0 : i32
    %dma_wait3A_52 = arith.constant 0 : i32
    %dma_wait3A_53 = tpu.memref_slice %arg5[%dma_wait3A_51, %dma_wait3A_52] : memref<632x128xf32, #tpu.memory_space<hbm>> -> memref<320x128xf32, #tpu.memory_space<hbm>>
    tpu.wait_dma2 semaphore(%arg17 : memref<!tpu.dma_semaphore, #tpu.memory_space<semaphore_mem>>) src(%dma_wait3A_53 : memref<320x128xf32, #tpu.memory_space<hbm>>) dst(%dma_wait3A_50 : memref<320x128xf32, #tpu.memory_space<vmem_shared>>)
    %barrier3A = arith.constant 0 : index
    tpu.barrier barrier_id(%barrier3A)
    %dma_start3A_54 = arith.constant 0 : i32
    %dma_start3A_55 = arith.constant 0 : i32
    %dma_start3A_56 = tpu.memref_slice %arg10[%dma_start3A_54, %dma_start3A_55] : memref<80x125xi32, #tpu.memory_space<vmem>> -> memref<1x125xi32, #tpu.memory_space<vmem>>
    %dma_start3A_57 = tpu.memref_squeeze %dma_start3A_56 : memref<1x125xi32, #tpu.memory_space<vmem>> -> memref<125xi32, #tpu.memory_space<vmem>>
    %dma_start3A_58 = arith.constant 0 : i32
    %dma_start3A_59 = arith.constant 0 : i32
    %dma_start3A_60 = tpu.memref_slice %arg4[%dma_start3A_58, %dma_start3A_59] : memref<10000x128xf32, #tpu.memory_space<hbm>> -> memref<10000x128xf32, #tpu.memory_space<hbm>>
    tpu.enqueue_indirect_dma source(%dma_start3A_60 : memref<10000x128xf32, #tpu.memory_space<hbm>>) target(%arg12 : memref<125x128xf32, #tpu.memory_space<vmem>>) offsets(%dma_start3A_57 : memref<125xi32, #tpu.memory_space<vmem>>) semaphore(%arg15 : memref<!tpu.dma_semaphore, #tpu.memory_space<semaphore_mem>>)
    %dma_start3A_61 = arith.constant 1 : i32
    %dma_start3A_62 = arith.constant 0 : i32
    %dma_start3A_63 = tpu.memref_slice %arg10[%dma_start3A_61, %dma_start3A_62] : memref<80x125xi32, #tpu.memory_space<vmem>> -> memref<1x125xi32, #tpu.memory_space<vmem>>
    %dma_start3A_64 = tpu.memref_squeeze %dma_start3A_63 : memref<1x125xi32, #tpu.memory_space<vmem>> -> memref<125xi32, #tpu.memory_space<vmem>>
    %dma_start3A_65 = arith.constant 0 : i32
    %dma_start3A_66 = arith.constant 0 : i32
    %dma_start3A_67 = tpu.memref_slice %arg4[%dma_start3A_65, %dma_start3A_66] : memref<10000x128xf32, #tpu.memory_space<hbm>> -> memref<10000x128xf32, #tpu.memory_space<hbm>>
    tpu.enqueue_indirect_dma source(%dma_start3A_67 : memref<10000x128xf32, #tpu.memory_space<hbm>>) target(%arg13 : memref<125x128xf32, #tpu.memory_space<vmem>>) offsets(%dma_start3A_64 : memref<125xi32, #tpu.memory_space<vmem>>) semaphore(%arg16 : memref<!tpu.dma_semaphore, #tpu.memory_space<semaphore_mem>>)
    %scan3A = arith.constant 0 : i32
    %scan3A_68 = arith.constant 39 : i32
    %scan3A_69 = arith.addi %scan3A, %scan3A_68 : i32
    %scan3A_70 = arith.constant 1 : i32
    scf.for %scan3A_125 = %scan3A to %scan3A_69 step %scan3A_70  : i32 {
      %mul3A_126 = arith.constant 2 : i32
      %mul3A_127 = arith.muli %mul3A_126, %scan3A_125 : i32
      %mul3A_128 = arith.constant 4 : i32
      %mul3A_129 = arith.muli %mul3A_128, %scan3A_125 : i32
      %multiple_of3A_130 = tpu.assume_multiple %mul3A_129, 4 : i32
      %add3A_131 = arith.constant 0 : i32
      %add3A_132 = arith.addi %multiple_of3A_130, %add3A_131 : i32
      %mul3A_133 = arith.constant 128 : i32
      %mul3A_134 = arith.muli %add3A_132, %mul3A_133 : i32
      %add3A_135 = arith.constant 0 : i32
      %add3A_136 = arith.addi %mul3A_134, %add3A_135 : i32
      %multiple_of3A_137 = tpu.assume_multiple %add3A_136, 16 : i32
      %get3A_138 = arith.index_cast %multiple_of3A_137 : i32 to index
      %get3A_139 = tpu.vector_load %arg18[%get3A_138] {strides = array<i32>} : memref<20096xi32, #tpu.memory_space<vmem>>, vector<16xi32>,
      tpu.vector_store_idx %arg19[%get3A_139], %broadcast_in_dim3A_27 {add = true} : memref<15488xf32, #tpu.memory_space<vmem>>[vector<16xi32>], vector<16xf32>,
      %add3A_140 = arith.constant 0 : i32
      %add3A_141 = arith.addi %multiple_of3A_130, %add3A_140 : i32
      %mul3A_142 = arith.constant 128 : i32
      %mul3A_143 = arith.muli %add3A_141, %mul3A_142 : i32
      %add3A_144 = arith.constant 16 : i32
      %add3A_145 = arith.addi %mul3A_143, %add3A_144 : i32
      %multiple_of3A_146 = tpu.assume_multiple %add3A_145, 16 : i32
      %get3A_147 = arith.index_cast %multiple_of3A_146 : i32 to index
      %get3A_148 = tpu.vector_load %arg18[%get3A_147] {strides = array<i32>} : memref<20096xi32, #tpu.memory_space<vmem>>, vector<16xi32>,
      tpu.vector_store_idx %arg19[%get3A_148], %broadcast_in_dim3A_27 {add = true} : memref<15488xf32, #tpu.memory_space<vmem>>[vector<16xi32>], vector<16xf32>,
      %add3A_149 = arith.constant 0 : i32
      %add3A_150 = arith.addi %multiple_of3A_130, %add3A_149 : i32
      %mul3A_151 = arith.constant 128 : i32
      %mul3A_152 = arith.muli %add3A_150, %mul3A_151 : i32
      %add3A_153 = arith.constant 32 : i32
      %add3A_154 = arith.addi %mul3A_152, %add3A_153 : i32
      %multiple_of3A_155 = tpu.assume_multiple %add3A_154, 16 : i32
      %get3A_156 = arith.index_cast %multiple_of3A_155 : i32 to index
      %get3A_157 = tpu.vector_load %arg18[%get3A_156] {strides = array<i32>} : memref<20096xi32, #tpu.memory_space<vmem>>, vector<16xi32>,
      tpu.vector_store_idx %arg19[%get3A_157], %broadcast_in_dim3A_27 {add = true} : memref<15488xf32, #tpu.memory_space<vmem>>[vector<16xi32>], vector<16xf32>,
      %add3A_158 = arith.constant 0 : i32
      %add3A_159 = arith.addi %multiple_of3A_130, %add3A_158 : i32
      %mul3A_160 = arith.constant 128 : i32
      %mul3A_161 = arith.muli %add3A_159, %mul3A_160 : i32
      %add3A_162 = arith.constant 48 : i32
      %add3A_163 = arith.addi %mul3A_161, %add3A_162 : i32
      %multiple_of3A_164 = tpu.assume_multiple %add3A_163, 16 : i32
      %get3A_165 = arith.index_cast %multiple_of3A_164 : i32 to index
      %get3A_166 = tpu.vector_load %arg18[%get3A_165] {strides = array<i32>} : memref<20096xi32, #tpu.memory_space<vmem>>, vector<16xi32>,
      tpu.vector_store_idx %arg19[%get3A_166], %broadcast_in_dim3A_27 {add = true} : memref<15488xf32, #tpu.memory_space<vmem>>[vector<16xi32>], vector<16xf32>,
      %add3A_167 = arith.constant 0 : i32
      %add3A_168 = arith.addi %multiple_of3A_130, %add3A_167 : i32
      %mul3A_169 = arith.constant 128 : i32
      %mul3A_170 = arith.muli %add3A_168, %mul3A_169 : i32
      %add3A_171 = arith.constant 64 : i32
      %add3A_172 = arith.addi %mul3A_170, %add3A_171 : i32
      %multiple_of3A_173 = tpu.assume_multiple %add3A_172, 16 : i32
      %get3A_174 = arith.index_cast %multiple_of3A_173 : i32 to index
      %get3A_175 = tpu.vector_load %arg18[%get3A_174] {strides = array<i32>} : memref<20096xi32, #tpu.memory_space<vmem>>, vector<16xi32>,
      tpu.vector_store_idx %arg19[%get3A_175], %broadcast_in_dim3A_27 {add = true} : memref<15488xf32, #tpu.memory_space<vmem>>[vector<16xi32>], vector<16xf32>,
      %add3A_176 = arith.constant 0 : i32
      %add3A_177 = arith.addi %multiple_of3A_130, %add3A_176 : i32
      %mul3A_178 = arith.constant 128 : i32
      %mul3A_179 = arith.muli %add3A_177, %mul3A_178 : i32
      %add3A_180 = arith.constant 80 : i32
      %add3A_181 = arith.addi %mul3A_179, %add3A_180 : i32
      %multiple_of3A_182 = tpu.assume_multiple %add3A_181, 16 : i32
      %get3A_183 = arith.index_cast %multiple_of3A_182 : i32 to index
      %get3A_184 = tpu.vector_load %arg18[%get3A_183] {strides = array<i32>} : memref<20096xi32, #tpu.memory_space<vmem>>, vector<16xi32>,
      tpu.vector_store_idx %arg19[%get3A_184], %broadcast_in_dim3A_27 {add = true} : memref<15488xf32, #tpu.memory_space<vmem>>[vector<16xi32>], vector<16xf32>,
      %add3A_185 = arith.constant 0 : i32
      %add3A_186 = arith.addi %multiple_of3A_130, %add3A_185 : i32
      %mul3A_187 = arith.constant 128 : i32
      %mul3A_188 = arith.muli %add3A_186, %mul3A_187 : i32
      %add3A_189 = arith.constant 96 : i32
      %add3A_190 = arith.addi %mul3A_188, %add3A_189 : i32
      %multiple_of3A_191 = tpu.assume_multiple %add3A_190, 16 : i32
      %get3A_192 = arith.index_cast %multiple_of3A_191 : i32 to index
      %get3A_193 = tpu.vector_load %arg18[%get3A_192] {strides = array<i32>} : memref<20096xi32, #tpu.memory_space<vmem>>, vector<16xi32>,
      tpu.vector_store_idx %arg19[%get3A_193], %broadcast_in_dim3A_27 {add = true} : memref<15488xf32, #tpu.memory_space<vmem>>[vector<16xi32>], vector<16xf32>,
      %add3A_194 = arith.constant 0 : i32
      %add3A_195 = arith.addi %multiple_of3A_130, %add3A_194 : i32
      %mul3A_196 = arith.constant 128 : i32
      %mul3A_197 = arith.muli %add3A_195, %mul3A_196 : i32
      %add3A_198 = arith.constant 112 : i32
      %add3A_199 = arith.addi %mul3A_197, %add3A_198 : i32
      %multiple_of3A_200 = tpu.assume_multiple %add3A_199, 16 : i32
      %get3A_201 = arith.index_cast %multiple_of3A_200 : i32 to index
      %get3A_202 = tpu.vector_load %arg18[%get3A_201] {strides = array<i32>} : memref<20096xi32, #tpu.memory_space<vmem>>, vector<16xi32>,
      tpu.vector_store_idx %arg19[%get3A_202], %broadcast_in_dim3A_27 {add = true} : memref<15488xf32, #tpu.memory_space<vmem>>[vector<16xi32>], vector<16xf32>,
      %add3A_203 = arith.constant 1 : i32
      %add3A_204 = arith.addi %multiple_of3A_130, %add3A_203 : i32
      %mul3A_205 = arith.constant 128 : i32
      %mul3A_206 = arith.muli %add3A_204, %mul3A_205 : i32
      %add3A_207 = arith.constant 0 : i32
      %add3A_208 = arith.addi %mul3A_206, %add3A_207 : i32
      %multiple_of3A_209 = tpu.assume_multiple %add3A_208, 16 : i32
      %get3A_210 = arith.index_cast %multiple_of3A_209 : i32 to index
      %get3A_211 = tpu.vector_load %arg18[%get3A_210] {strides = array<i32>} : memref<20096xi32, #tpu.memory_space<vmem>>, vector<16xi32>,
      tpu.vector_store_idx %arg19[%get3A_211], %broadcast_in_dim3A_27 {add = true} : memref<15488xf32, #tpu.memory_space<vmem>>[vector<16xi32>], vector<16xf32>,
      %add3A_212 = arith.constant 1 : i32
      %add3A_213 = arith.addi %multiple_of3A_130, %add3A_212 : i32
      %mul3A_214 = arith.constant 128 : i32
      %mul3A_215 = arith.muli %add3A_213, %mul3A_214 : i32
      %add3A_216 = arith.constant 16 : i32
      %add3A_217 = arith.addi %mul3A_215, %add3A_216 : i32
      %multiple_of3A_218 = tpu.assume_multiple %add3A_217, 16 : i32
      %get3A_219 = arith.index_cast %multiple_of3A_218 : i32 to index
      %get3A_220 = tpu.vector_load %arg18[%get3A_219] {strides = array<i32>} : memref<20096xi32, #tpu.memory_space<vmem>>, vector<16xi32>,
      tpu.vector_store_idx %arg19[%get3A_220], %broadcast_in_dim3A_27 {add = true} : memref<15488xf32, #tpu.memory_space<vmem>>[vector<16xi32>], vector<16xf32>,
      %add3A_221 = arith.constant 1 : i32
      %add3A_222 = arith.addi %multiple_of3A_130, %add3A_221 : i32
      %mul3A_223 = arith.constant 128 : i32
      %mul3A_224 = arith.muli %add3A_222, %mul3A_223 : i32
      %add3A_225 = arith.constant 32 : i32
      %add3A_226 = arith.addi %mul3A_224, %add3A_225 : i32
      %multiple_of3A_227 = tpu.assume_multiple %add3A_226, 16 : i32
      %get3A_228 = arith.index_cast %multiple_of3A_227 : i32 to index
      %get3A_229 = tpu.vector_load %arg18[%get3A_228] {strides = array<i32>} : memref<20096xi32, #tpu.memory_space<vmem>>, vector<16xi32>,
      tpu.vector_store_idx %arg19[%get3A_229], %broadcast_in_dim3A_27 {add = true} : memref<15488xf32, #tpu.memory_space<vmem>>[vector<16xi32>], vector<16xf32>,
      %add3A_230 = arith.constant 1 : i32
      %add3A_231 = arith.addi %multiple_of3A_130, %add3A_230 : i32
      %mul3A_232 = arith.constant 128 : i32
      %mul3A_233 = arith.muli %add3A_231, %mul3A_232 : i32
      %add3A_234 = arith.constant 48 : i32
      %add3A_235 = arith.addi %mul3A_233, %add3A_234 : i32
      %multiple_of3A_236 = tpu.assume_multiple %add3A_235, 16 : i32
      %get3A_237 = arith.index_cast %multiple_of3A_236 : i32 to index
      %get3A_238 = tpu.vector_load %arg18[%get3A_237] {strides = array<i32>} : memref<20096xi32, #tpu.memory_space<vmem>>, vector<16xi32>,
      tpu.vector_store_idx %arg19[%get3A_238], %broadcast_in_dim3A_27 {add = true} : memref<15488xf32, #tpu.memory_space<vmem>>[vector<16xi32>], vector<16xf32>,
      %add3A_239 = arith.constant 1 : i32
      %add3A_240 = arith.addi %multiple_of3A_130, %add3A_239 : i32
      %mul3A_241 = arith.constant 128 : i32
      %mul3A_242 = arith.muli %add3A_240, %mul3A_241 : i32
      %add3A_243 = arith.constant 64 : i32
      %add3A_244 = arith.addi %mul3A_242, %add3A_243 : i32
      %multiple_of3A_245 = tpu.assume_multiple %add3A_244, 16 : i32
      %get3A_246 = arith.index_cast %multiple_of3A_245 : i32 to index
      %get3A_247 = tpu.vector_load %arg18[%get3A_246] {strides = array<i32>} : memref<20096xi32, #tpu.memory_space<vmem>>, vector<16xi32>,
      tpu.vector_store_idx %arg19[%get3A_247], %broadcast_in_dim3A_27 {add = true} : memref<15488xf32, #tpu.memory_space<vmem>>[vector<16xi32>], vector<16xf32>,
      %add3A_248 = arith.constant 1 : i32
      %add3A_249 = arith.addi %multiple_of3A_130, %add3A_248 : i32
      %mul3A_250 = arith.constant 128 : i32
      %mul3A_251 = arith.muli %add3A_249, %mul3A_250 : i32
      %add3A_252 = arith.constant 80 : i32
      %add3A_253 = arith.addi %mul3A_251, %add3A_252 : i32
      %multiple_of3A_254 = tpu.assume_multiple %add3A_253, 16 : i32
      %get3A_255 = arith.index_cast %multiple_of3A_254 : i32 to index
      %get3A_256 = tpu.vector_load %arg18[%get3A_255] {strides = array<i32>} : memref<20096xi32, #tpu.memory_space<vmem>>, vector<16xi32>,
      tpu.vector_store_idx %arg19[%get3A_256], %broadcast_in_dim3A_27 {add = true} : memref<15488xf32, #tpu.memory_space<vmem>>[vector<16xi32>], vector<16xf32>,
      %add3A_257 = arith.constant 1 : i32
      %add3A_258 = arith.addi %multiple_of3A_130, %add3A_257 : i32
      %mul3A_259 = arith.constant 128 : i32
      %mul3A_260 = arith.muli %add3A_258, %mul3A_259 : i32
      %add3A_261 = arith.constant 96 : i32
      %add3A_262 = arith.addi %mul3A_260, %add3A_261 : i32
      %multiple_of3A_263 = tpu.assume_multiple %add3A_262, 16 : i32
      %get3A_264 = arith.index_cast %multiple_of3A_263 : i32 to index
      %get3A_265 = tpu.vector_load %arg18[%get3A_264] {strides = array<i32>} : memref<20096xi32, #tpu.memory_space<vmem>>, vector<16xi32>,
      tpu.vector_store_idx %arg19[%get3A_265], %broadcast_in_dim3A_27 {add = true} : memref<15488xf32, #tpu.memory_space<vmem>>[vector<16xi32>], vector<16xf32>,
      %add3A_266 = arith.constant 1 : i32
      %add3A_267 = arith.addi %multiple_of3A_130, %add3A_266 : i32
      %mul3A_268 = arith.constant 128 : i32
      %mul3A_269 = arith.muli %add3A_267, %mul3A_268 : i32
      %add3A_270 = arith.constant 112 : i32
      %add3A_271 = arith.addi %mul3A_269, %add3A_270 : i32
      %multiple_of3A_272 = tpu.assume_multiple %add3A_271, 16 : i32
      %get3A_273 = arith.index_cast %multiple_of3A_272 : i32 to index
      %get3A_274 = tpu.vector_load %arg18[%get3A_273] {strides = array<i32>} : memref<20096xi32, #tpu.memory_space<vmem>>, vector<16xi32>,
      tpu.vector_store_idx %arg19[%get3A_274], %broadcast_in_dim3A_27 {add = true} : memref<15488xf32, #tpu.memory_space<vmem>>[vector<16xi32>], vector<16xf32>,
      %add3A_275 = arith.constant 2 : i32
      %add3A_276 = arith.addi %multiple_of3A_130, %add3A_275 : i32
      %mul3A_277 = arith.constant 128 : i32
      %mul3A_278 = arith.muli %add3A_276, %mul3A_277 : i32
      %add3A_279 = arith.constant 0 : i32
      %add3A_280 = arith.addi %mul3A_278, %add3A_279 : i32
      %multiple_of3A_281 = tpu.assume_multiple %add3A_280, 16 : i32
      %get3A_282 = arith.index_cast %multiple_of3A_281 : i32 to index
      %get3A_283 = tpu.vector_load %arg18[%get3A_282] {strides = array<i32>} : memref<20096xi32, #tpu.memory_space<vmem>>, vector<16xi32>,
      tpu.vector_store_idx %arg19[%get3A_283], %broadcast_in_dim3A_27 {add = true} : memref<15488xf32, #tpu.memory_space<vmem>>[vector<16xi32>], vector<16xf32>,
      %add3A_284 = arith.constant 2 : i32
      %add3A_285 = arith.addi %multiple_of3A_130, %add3A_284 : i32
      %mul3A_286 = arith.constant 128 : i32
      %mul3A_287 = arith.muli %add3A_285, %mul3A_286 : i32
      %add3A_288 = arith.constant 16 : i32
      %add3A_289 = arith.addi %mul3A_287, %add3A_288 : i32
      %multiple_of3A_290 = tpu.assume_multiple %add3A_289, 16 : i32
      %get3A_291 = arith.index_cast %multiple_of3A_290 : i32 to index
      %get3A_292 = tpu.vector_load %arg18[%get3A_291] {strides = array<i32>} : memref<20096xi32, #tpu.memory_space<vmem>>, vector<16xi32>,
      tpu.vector_store_idx %arg19[%get3A_292], %broadcast_in_dim3A_27 {add = true} : memref<15488xf32, #tpu.memory_space<vmem>>[vector<16xi32>], vector<16xf32>,
      %add3A_293 = arith.constant 2 : i32
      %add3A_294 = arith.addi %multiple_of3A_130, %add3A_293 : i32
      %mul3A_295 = arith.constant 128 : i32
      %mul3A_296 = arith.muli %add3A_294, %mul3A_295 : i32
      %add3A_297 = arith.constant 32 : i32
      %add3A_298 = arith.addi %mul3A_296, %add3A_297 : i32
      %multiple_of3A_299 = tpu.assume_multiple %add3A_298, 16 : i32
      %get3A_300 = arith.index_cast %multiple_of3A_299 : i32 to index
      %get3A_301 = tpu.vector_load %arg18[%get3A_300] {strides = array<i32>} : memref<20096xi32, #tpu.memory_space<vmem>>, vector<16xi32>,
      tpu.vector_store_idx %arg19[%get3A_301], %broadcast_in_dim3A_27 {add = true} : memref<15488xf32, #tpu.memory_space<vmem>>[vector<16xi32>], vector<16xf32>,
      %add3A_302 = arith.constant 2 : i32
      %add3A_303 = arith.addi %multiple_of3A_130, %add3A_302 : i32
      %mul3A_304 = arith.constant 128 : i32
      %mul3A_305 = arith.muli %add3A_303, %mul3A_304 : i32
      %add3A_306 = arith.constant 48 : i32
      %add3A_307 = arith.addi %mul3A_305, %add3A_306 : i32
      %multiple_of3A_308 = tpu.assume_multiple %add3A_307, 16 : i32
      %get3A_309 = arith.index_cast %multiple_of3A_308 : i32 to index
      %get3A_310 = tpu.vector_load %arg18[%get3A_309] {strides = array<i32>} : memref<20096xi32, #tpu.memory_space<vmem>>, vector<16xi32>,
      tpu.vector_store_idx %arg19[%get3A_310], %broadcast_in_dim3A_27 {add = true} : memref<15488xf32, #tpu.memory_space<vmem>>[vector<16xi32>], vector<16xf32>,
      %add3A_311 = arith.constant 2 : i32
      %add3A_312 = arith.addi %multiple_of3A_130, %add3A_311 : i32
      %mul3A_313 = arith.constant 128 : i32
      %mul3A_314 = arith.muli %add3A_312, %mul3A_313 : i32
      %add3A_315 = arith.constant 64 : i32
      %add3A_316 = arith.addi %mul3A_314, %add3A_315 : i32
      %multiple_of3A_317 = tpu.assume_multiple %add3A_316, 16 : i32
      %get3A_318 = arith.index_cast %multiple_of3A_317 : i32 to index
      %get3A_319 = tpu.vector_load %arg18[%get3A_318] {strides = array<i32>} : memref<20096xi32, #tpu.memory_space<vmem>>, vector<16xi32>,
      tpu.vector_store_idx %arg19[%get3A_319], %broadcast_in_dim3A_27 {add = true} : memref<15488xf32, #tpu.memory_space<vmem>>[vector<16xi32>], vector<16xf32>,
      %add3A_320 = arith.constant 2 : i32
      %add3A_321 = arith.addi %multiple_of3A_130, %add3A_320 : i32
      %mul3A_322 = arith.constant 128 : i32
      %mul3A_323 = arith.muli %add3A_321, %mul3A_322 : i32
      %add3A_324 = arith.constant 80 : i32
      %add3A_325 = arith.addi %mul3A_323, %add3A_324 : i32
      %multiple_of3A_326 = tpu.assume_multiple %add3A_325, 16 : i32
      %get3A_327 = arith.index_cast %multiple_of3A_326 : i32 to index
      %get3A_328 = tpu.vector_load %arg18[%get3A_327] {strides = array<i32>} : memref<20096xi32, #tpu.memory_space<vmem>>, vector<16xi32>,
      tpu.vector_store_idx %arg19[%get3A_328], %broadcast_in_dim3A_27 {add = true} : memref<15488xf32, #tpu.memory_space<vmem>>[vector<16xi32>], vector<16xf32>,
      %add3A_329 = arith.constant 2 : i32
      %add3A_330 = arith.addi %multiple_of3A_130, %add3A_329 : i32
      %mul3A_331 = arith.constant 128 : i32
      %mul3A_332 = arith.muli %add3A_330, %mul3A_331 : i32
      %add3A_333 = arith.constant 96 : i32
      %add3A_334 = arith.addi %mul3A_332, %add3A_333 : i32
      %multiple_of3A_335 = tpu.assume_multiple %add3A_334, 16 : i32
      %get3A_336 = arith.index_cast %multiple_of3A_335 : i32 to index
      %get3A_337 = tpu.vector_load %arg18[%get3A_336] {strides = array<i32>} : memref<20096xi32, #tpu.memory_space<vmem>>, vector<16xi32>,
      tpu.vector_store_idx %arg19[%get3A_337], %broadcast_in_dim3A_27 {add = true} : memref<15488xf32, #tpu.memory_space<vmem>>[vector<16xi32>], vector<16xf32>,
      %add3A_338 = arith.constant 2 : i32
      %add3A_339 = arith.addi %multiple_of3A_130, %add3A_338 : i32
      %mul3A_340 = arith.constant 128 : i32
      %mul3A_341 = arith.muli %add3A_339, %mul3A_340 : i32
      %add3A_342 = arith.constant 112 : i32
      %add3A_343 = arith.addi %mul3A_341, %add3A_342 : i32
      %multiple_of3A_344 = tpu.assume_multiple %add3A_343, 16 : i32
      %get3A_345 = arith.index_cast %multiple_of3A_344 : i32 to index
      %get3A_346 = tpu.vector_load %arg18[%get3A_345] {strides = array<i32>} : memref<20096xi32, #tpu.memory_space<vmem>>, vector<16xi32>,
      tpu.vector_store_idx %arg19[%get3A_346], %broadcast_in_dim3A_27 {add = true} : memref<15488xf32, #tpu.memory_space<vmem>>[vector<16xi32>], vector<16xf32>,
      %add3A_347 = arith.constant 3 : i32
      %add3A_348 = arith.addi %multiple_of3A_130, %add3A_347 : i32
      %mul3A_349 = arith.constant 128 : i32
      %mul3A_350 = arith.muli %add3A_348, %mul3A_349 : i32
      %add3A_351 = arith.constant 0 : i32
      %add3A_352 = arith.addi %mul3A_350, %add3A_351 : i32
      %multiple_of3A_353 = tpu.assume_multiple %add3A_352, 16 : i32
      %get3A_354 = arith.index_cast %multiple_of3A_353 : i32 to index
      %get3A_355 = tpu.vector_load %arg18[%get3A_354] {strides = array<i32>} : memref<20096xi32, #tpu.memory_space<vmem>>, vector<16xi32>,
      tpu.vector_store_idx %arg19[%get3A_355], %broadcast_in_dim3A_27 {add = true} : memref<15488xf32, #tpu.memory_space<vmem>>[vector<16xi32>], vector<16xf32>,
      %add3A_356 = arith.constant 3 : i32
      %add3A_357 = arith.addi %multiple_of3A_130, %add3A_356 : i32
      %mul3A_358 = arith.constant 128 : i32
      %mul3A_359 = arith.muli %add3A_357, %mul3A_358 : i32
      %add3A_360 = arith.constant 16 : i32
      %add3A_361 = arith.addi %mul3A_359, %add3A_360 : i32
      %multiple_of3A_362 = tpu.assume_multiple %add3A_361, 16 : i32
      %get3A_363 = arith.index_cast %multiple_of3A_362 : i32 to index
      %get3A_364 = tpu.vector_load %arg18[%get3A_363] {strides = array<i32>} : memref<20096xi32, #tpu.memory_space<vmem>>, vector<16xi32>,
      tpu.vector_store_idx %arg19[%get3A_364], %broadcast_in_dim3A_27 {add = true} : memref<15488xf32, #tpu.memory_space<vmem>>[vector<16xi32>], vector<16xf32>,
      %add3A_365 = arith.constant 3 : i32
      %add3A_366 = arith.addi %multiple_of3A_130, %add3A_365 : i32
      %mul3A_367 = arith.constant 128 : i32
      %mul3A_368 = arith.muli %add3A_366, %mul3A_367 : i32
      %add3A_369 = arith.constant 32 : i32
      %add3A_370 = arith.addi %mul3A_368, %add3A_369 : i32
      %multiple_of3A_371 = tpu.assume_multiple %add3A_370, 16 : i32
      %get3A_372 = arith.index_cast %multiple_of3A_371 : i32 to index
      %get3A_373 = tpu.vector_load %arg18[%get3A_372] {strides = array<i32>} : memref<20096xi32, #tpu.memory_space<vmem>>, vector<16xi32>,
      tpu.vector_store_idx %arg19[%get3A_373], %broadcast_in_dim3A_27 {add = true} : memref<15488xf32, #tpu.memory_space<vmem>>[vector<16xi32>], vector<16xf32>,
      %add3A_374 = arith.constant 3 : i32
      %add3A_375 = arith.addi %multiple_of3A_130, %add3A_374 : i32
      %mul3A_376 = arith.constant 128 : i32
      %mul3A_377 = arith.muli %add3A_375, %mul3A_376 : i32
      %add3A_378 = arith.constant 48 : i32
      %add3A_379 = arith.addi %mul3A_377, %add3A_378 : i32
      %multiple_of3A_380 = tpu.assume_multiple %add3A_379, 16 : i32
      %get3A_381 = arith.index_cast %multiple_of3A_380 : i32 to index
      %get3A_382 = tpu.vector_load %arg18[%get3A_381] {strides = array<i32>} : memref<20096xi32, #tpu.memory_space<vmem>>, vector<16xi32>,
      tpu.vector_store_idx %arg19[%get3A_382], %broadcast_in_dim3A_27 {add = true} : memref<15488xf32, #tpu.memory_space<vmem>>[vector<16xi32>], vector<16xf32>,
      %add3A_383 = arith.constant 3 : i32
      %add3A_384 = arith.addi %multiple_of3A_130, %add3A_383 : i32
      %mul3A_385 = arith.constant 128 : i32
      %mul3A_386 = arith.muli %add3A_384, %mul3A_385 : i32
      %add3A_387 = arith.constant 64 : i32
      %add3A_388 = arith.addi %mul3A_386, %add3A_387 : i32
      %multiple_of3A_389 = tpu.assume_multiple %add3A_388, 16 : i32
      %get3A_390 = arith.index_cast %multiple_of3A_389 : i32 to index
      %get3A_391 = tpu.vector_load %arg18[%get3A_390] {strides = array<i32>} : memref<20096xi32, #tpu.memory_space<vmem>>, vector<16xi32>,
      tpu.vector_store_idx %arg19[%get3A_391], %broadcast_in_dim3A_27 {add = true} : memref<15488xf32, #tpu.memory_space<vmem>>[vector<16xi32>], vector<16xf32>,
      %add3A_392 = arith.constant 3 : i32
      %add3A_393 = arith.addi %multiple_of3A_130, %add3A_392 : i32
      %mul3A_394 = arith.constant 128 : i32
      %mul3A_395 = arith.muli %add3A_393, %mul3A_394 : i32
      %add3A_396 = arith.constant 80 : i32
      %add3A_397 = arith.addi %mul3A_395, %add3A_396 : i32
      %multiple_of3A_398 = tpu.assume_multiple %add3A_397, 16 : i32
      %get3A_399 = arith.index_cast %multiple_of3A_398 : i32 to index
      %get3A_400 = tpu.vector_load %arg18[%get3A_399] {strides = array<i32>} : memref<20096xi32, #tpu.memory_space<vmem>>, vector<16xi32>,
      tpu.vector_store_idx %arg19[%get3A_400], %broadcast_in_dim3A_27 {add = true} : memref<15488xf32, #tpu.memory_space<vmem>>[vector<16xi32>], vector<16xf32>,
      %add3A_401 = arith.constant 3 : i32
      %add3A_402 = arith.addi %multiple_of3A_130, %add3A_401 : i32
      %mul3A_403 = arith.constant 128 : i32
      %mul3A_404 = arith.muli %add3A_402, %mul3A_403 : i32
      %add3A_405 = arith.constant 96 : i32
      %add3A_406 = arith.addi %mul3A_404, %add3A_405 : i32
      %multiple_of3A_407 = tpu.assume_multiple %add3A_406, 16 : i32
      %get3A_408 = arith.index_cast %multiple_of3A_407 : i32 to index
      %get3A_409 = tpu.vector_load %arg18[%get3A_408] {strides = array<i32>} : memref<20096xi32, #tpu.memory_space<vmem>>, vector<16xi32>,
      tpu.vector_store_idx %arg19[%get3A_409], %broadcast_in_dim3A_27 {add = true} : memref<15488xf32, #tpu.memory_space<vmem>>[vector<16xi32>], vector<16xf32>,
      %add3A_410 = arith.constant 3 : i32
      %add3A_411 = arith.addi %multiple_of3A_130, %add3A_410 : i32
      %mul3A_412 = arith.constant 128 : i32
      %mul3A_413 = arith.muli %add3A_411, %mul3A_412 : i32
      %add3A_414 = arith.constant 112 : i32
      %add3A_415 = arith.addi %mul3A_413, %add3A_414 : i32
      %multiple_of3A_416 = tpu.assume_multiple %add3A_415, 16 : i32
      %get3A_417 = arith.index_cast %multiple_of3A_416 : i32 to index
      %get3A_418 = tpu.vector_load %arg18[%get3A_417] {strides = array<i32>} : memref<20096xi32, #tpu.memory_space<vmem>>, vector<16xi32>,
      tpu.vector_store_idx %arg19[%get3A_418], %broadcast_in_dim3A_27 {add = true} : memref<15488xf32, #tpu.memory_space<vmem>>[vector<16xi32>], vector<16xf32>,
      %dma_wait3A_419 = arith.constant 0 : i32
      %dma_wait3A_420 = tpu.memref_slice %arg10[%mul3A_127, %dma_wait3A_419] : memref<80x125xi32, #tpu.memory_space<vmem>> -> memref<1x125xi32, #tpu.memory_space<vmem>>
      %dma_wait3A_421 = tpu.memref_squeeze %dma_wait3A_420 : memref<1x125xi32, #tpu.memory_space<vmem>> -> memref<125xi32, #tpu.memory_space<vmem>>
      %dma_wait3A_422 = arith.constant 0 : i32
      %dma_wait3A_423 = arith.constant 0 : i32
      %dma_wait3A_424 = tpu.memref_slice %arg4[%dma_wait3A_422, %dma_wait3A_423] : memref<10000x128xf32, #tpu.memory_space<hbm>> -> memref<10000x128xf32, #tpu.memory_space<hbm>>
      tpu.wait_indirect_dma semaphore(%arg15 : memref<!tpu.dma_semaphore, #tpu.memory_space<semaphore_mem>>) src(%dma_wait3A_424 : memref<10000x128xf32, #tpu.memory_space<hbm>>) dst(%arg12 : memref<125x128xf32, #tpu.memory_space<vmem>>)
      "tpu.region"() ({
        %run_scoped3A_451 = tpu.sem_alloc : memref<!tpu.dma_semaphore, #tpu.memory_space<semaphore_mem>>
        %dma_start3A_452 = arith.constant 0 : i32
        %dma_start3A_453 = tpu.memref_slice %arg11[%mul3A_127, %dma_start3A_452] : memref<80x125xi32, #tpu.memory_space<vmem>> -> memref<1x125xi32, #tpu.memory_space<vmem>>
        %dma_start3A_454 = tpu.memref_squeeze %dma_start3A_453 : memref<1x125xi32, #tpu.memory_space<vmem>> -> memref<125xi32, #tpu.memory_space<vmem>>
        %dma_start3A_455 = arith.constant 0 : i32
        %dma_start3A_456 = arith.constant 0 : i32
        %dma_start3A_457 = tpu.memref_slice %arg14[%dma_start3A_455, %dma_start3A_456] : memref<5120x128xf32, #tpu.memory_space<vmem_shared>> -> memref<5120x128xf32, #tpu.memory_space<vmem_shared>>
        tpu.enqueue_indirect_dma source(%arg12 : memref<125x128xf32, #tpu.memory_space<vmem>>) target(%dma_start3A_457 : memref<5120x128xf32, #tpu.memory_space<vmem_shared>>) offsets(%dma_start3A_454 : memref<125xi32, #tpu.memory_space<vmem>>) semaphore(%run_scoped3A_451 : memref<!tpu.dma_semaphore, #tpu.memory_space<semaphore_mem>>) {add = true}
        %dma_wait3A_458 = arith.constant 0 : i32
        %dma_wait3A_459 = tpu.memref_slice %arg11[%mul3A_127, %dma_wait3A_458] : memref<80x125xi32, #tpu.memory_space<vmem>> -> memref<1x125xi32, #tpu.memory_space<vmem>>
        %dma_wait3A_460 = tpu.memref_squeeze %dma_wait3A_459 : memref<1x125xi32, #tpu.memory_space<vmem>> -> memref<125xi32, #tpu.memory_space<vmem>>
        %dma_wait3A_461 = arith.constant 0 : i32
        %dma_wait3A_462 = arith.constant 0 : i32
        %dma_wait3A_463 = tpu.memref_slice %arg14[%dma_wait3A_461, %dma_wait3A_462] : memref<5120x128xf32, #tpu.memory_space<vmem_shared>> -> memref<5120x128xf32, #tpu.memory_space<vmem_shared>>
        tpu.wait_indirect_dma semaphore(%run_scoped3A_451 : memref<!tpu.dma_semaphore, #tpu.memory_space<semaphore_mem>>) src(%arg12 : memref<125x128xf32, #tpu.memory_space<vmem>>) dst(%dma_wait3A_463 : memref<5120x128xf32, #tpu.memory_space<vmem_shared>>)
        tpu.yield
      }) : () -> ()
      %add3A_425 = arith.constant 2 : i32
      %add3A_426 = arith.addi %mul3A_127, %add3A_425 : i32
      %dma_start3A_427 = arith.constant 0 : i32
      %dma_start3A_428 = tpu.memref_slice %arg10[%add3A_426, %dma_start3A_427] : memref<80x125xi32, #tpu.memory_space<vmem>> -> memref<1x125xi32, #tpu.memory_space<vmem>>
      %dma_start3A_429 = tpu.memref_squeeze %dma_start3A_428 : memref<1x125xi32, #tpu.memory_space<vmem>> -> memref<125xi32, #tpu.memory_space<vmem>>
      %dma_start3A_430 = arith.constant 0 : i32
      %dma_start3A_431 = arith.constant 0 : i32
      %dma_start3A_432 = tpu.memref_slice %arg4[%dma_start3A_430, %dma_start3A_431] : memref<10000x128xf32, #tpu.memory_space<hbm>> -> memref<10000x128xf32, #tpu.memory_space<hbm>>
      tpu.enqueue_indirect_dma source(%dma_start3A_432 : memref<10000x128xf32, #tpu.memory_space<hbm>>) target(%arg12 : memref<125x128xf32, #tpu.memory_space<vmem>>) offsets(%dma_start3A_429 : memref<125xi32, #tpu.memory_space<vmem>>) semaphore(%arg15 : memref<!tpu.dma_semaphore, #tpu.memory_space<semaphore_mem>>)
      %add3A_433 = arith.constant 1 : i32
      %add3A_434 = arith.addi %mul3A_127, %add3A_433 : i32
      %dma_wait3A_435 = arith.constant 0 : i32
      %dma_wait3A_436 = tpu.memref_slice %arg10[%add3A_434, %dma_wait3A_435] : memref<80x125xi32, #tpu.memory_space<vmem>> -> memref<1x125xi32, #tpu.memory_space<vmem>>
      %dma_wait3A_437 = tpu.memref_squeeze %dma_wait3A_436 : memref<1x125xi32, #tpu.memory_space<vmem>> -> memref<125xi32, #tpu.memory_space<vmem>>
      %dma_wait3A_438 = arith.constant 0 : i32
      %dma_wait3A_439 = arith.constant 0 : i32
      %dma_wait3A_440 = tpu.memref_slice %arg4[%dma_wait3A_438, %dma_wait3A_439] : memref<10000x128xf32, #tpu.memory_space<hbm>> -> memref<10000x128xf32, #tpu.memory_space<hbm>>
      tpu.wait_indirect_dma semaphore(%arg16 : memref<!tpu.dma_semaphore, #tpu.memory_space<semaphore_mem>>) src(%dma_wait3A_440 : memref<10000x128xf32, #tpu.memory_space<hbm>>) dst(%arg13 : memref<125x128xf32, #tpu.memory_space<vmem>>)
      %add3A_441 = arith.constant 1 : i32
      %add3A_442 = arith.addi %mul3A_127, %add3A_441 : i32
      "tpu.region"() ({
        %run_scoped3A_451 = tpu.sem_alloc : memref<!tpu.dma_semaphore, #tpu.memory_space<semaphore_mem>>
        %dma_start3A_452 = arith.constant 0 : i32
        %dma_start3A_453 = tpu.memref_slice %arg11[%add3A_442, %dma_start3A_452] : memref<80x125xi32, #tpu.memory_space<vmem>> -> memref<1x125xi32, #tpu.memory_space<vmem>>
        %dma_start3A_454 = tpu.memref_squeeze %dma_start3A_453 : memref<1x125xi32, #tpu.memory_space<vmem>> -> memref<125xi32, #tpu.memory_space<vmem>>
        %dma_start3A_455 = arith.constant 0 : i32
        %dma_start3A_456 = arith.constant 0 : i32
        %dma_start3A_457 = tpu.memref_slice %arg14[%dma_start3A_455, %dma_start3A_456] : memref<5120x128xf32, #tpu.memory_space<vmem_shared>> -> memref<5120x128xf32, #tpu.memory_space<vmem_shared>>
        tpu.enqueue_indirect_dma source(%arg13 : memref<125x128xf32, #tpu.memory_space<vmem>>) target(%dma_start3A_457 : memref<5120x128xf32, #tpu.memory_space<vmem_shared>>) offsets(%dma_start3A_454 : memref<125xi32, #tpu.memory_space<vmem>>) semaphore(%run_scoped3A_451 : memref<!tpu.dma_semaphore, #tpu.memory_space<semaphore_mem>>) {add = true}
        %dma_wait3A_458 = arith.constant 0 : i32
        %dma_wait3A_459 = tpu.memref_slice %arg11[%add3A_442, %dma_wait3A_458] : memref<80x125xi32, #tpu.memory_space<vmem>> -> memref<1x125xi32, #tpu.memory_space<vmem>>
        %dma_wait3A_460 = tpu.memref_squeeze %dma_wait3A_459 : memref<1x125xi32, #tpu.memory_space<vmem>> -> memref<125xi32, #tpu.memory_space<vmem>>
        %dma_wait3A_461 = arith.constant 0 : i32
        %dma_wait3A_462 = arith.constant 0 : i32
        %dma_wait3A_463 = tpu.memref_slice %arg14[%dma_wait3A_461, %dma_wait3A_462] : memref<5120x128xf32, #tpu.memory_space<vmem_shared>> -> memref<5120x128xf32, #tpu.memory_space<vmem_shared>>
        tpu.wait_indirect_dma semaphore(%run_scoped3A_451 : memref<!tpu.dma_semaphore, #tpu.memory_space<semaphore_mem>>) src(%arg13 : memref<125x128xf32, #tpu.memory_space<vmem>>) dst(%dma_wait3A_463 : memref<5120x128xf32, #tpu.memory_space<vmem_shared>>)
        tpu.yield
      }) : () -> ()
      %add3A_443 = arith.constant 3 : i32
      %add3A_444 = arith.addi %mul3A_127, %add3A_443 : i32
      %dma_start3A_445 = arith.constant 0 : i32
      %dma_start3A_446 = tpu.memref_slice %arg10[%add3A_444, %dma_start3A_445] : memref<80x125xi32, #tpu.memory_space<vmem>> -> memref<1x125xi32, #tpu.memory_space<vmem>>
      %dma_start3A_447 = tpu.memref_squeeze %dma_start3A_446 : memref<1x125xi32, #tpu.memory_space<vmem>> -> memref<125xi32, #tpu.memory_space<vmem>>
      %dma_start3A_448 = arith.constant 0 : i32
      %dma_start3A_449 = arith.constant 0 : i32
      %dma_start3A_450 = tpu.memref_slice %arg4[%dma_start3A_448, %dma_start3A_449] : memref<10000x128xf32, #tpu.memory_space<hbm>> -> memref<10000x128xf32, #tpu.memory_space<hbm>>
      tpu.enqueue_indirect_dma source(%dma_start3A_450 : memref<10000x128xf32, #tpu.memory_space<hbm>>) target(%arg13 : memref<125x128xf32, #tpu.memory_space<vmem>>) offsets(%dma_start3A_447 : memref<125xi32, #tpu.memory_space<vmem>>) semaphore(%arg16 : memref<!tpu.dma_semaphore, #tpu.memory_space<semaphore_mem>>)
    }
    %scan3A_71 = arith.constant 39 : i32
    %dma_wait3A_72 = arith.constant 78 : i32
    %dma_wait3A_73 = arith.constant 0 : i32
    %dma_wait3A_74 = tpu.memref_slice %arg10[%dma_wait3A_72, %dma_wait3A_73] : memref<80x125xi32, #tpu.memory_space<vmem>> -> memref<1x125xi32, #tpu.memory_space<vmem>>
    %dma_wait3A_75 = tpu.memref_squeeze %dma_wait3A_74 : memref<1x125xi32, #tpu.memory_space<vmem>> -> memref<125xi32, #tpu.memory_space<vmem>>
    %dma_wait3A_76 = arith.constant 0 : i32
    %dma_wait3A_77 = arith.constant 0 : i32
    %dma_wait3A_78 = tpu.memref_slice %arg4[%dma_wait3A_76, %dma_wait3A_77] : memref<10000x128xf32, #tpu.memory_space<hbm>> -> memref<10000x128xf32, #tpu.memory_space<hbm>>
    tpu.wait_indirect_dma semaphore(%arg15 : memref<!tpu.dma_semaphore, #tpu.memory_space<semaphore_mem>>) src(%dma_wait3A_78 : memref<10000x128xf32, #tpu.memory_space<hbm>>) dst(%arg12 : memref<125x128xf32, #tpu.memory_space<vmem>>)
    %run_scoped3A = arith.constant 78 : i32
    "tpu.region"() ({
      %run_scoped3A_125 = tpu.sem_alloc : memref<!tpu.dma_semaphore, #tpu.memory_space<semaphore_mem>>
      %dma_start3A_126 = arith.constant 0 : i32
      %dma_start3A_127 = tpu.memref_slice %arg11[%run_scoped3A, %dma_start3A_126] : memref<80x125xi32, #tpu.memory_space<vmem>> -> memref<1x125xi32, #tpu.memory_space<vmem>>
      %dma_start3A_128 = tpu.memref_squeeze %dma_start3A_127 : memref<1x125xi32, #tpu.memory_space<vmem>> -> memref<125xi32, #tpu.memory_space<vmem>>
      %dma_start3A_129 = arith.constant 0 : i32
      %dma_start3A_130 = arith.constant 0 : i32
      %dma_start3A_131 = tpu.memref_slice %arg14[%dma_start3A_129, %dma_start3A_130] : memref<5120x128xf32, #tpu.memory_space<vmem_shared>> -> memref<5120x128xf32, #tpu.memory_space<vmem_shared>>
      tpu.enqueue_indirect_dma source(%arg12 : memref<125x128xf32, #tpu.memory_space<vmem>>) target(%dma_start3A_131 : memref<5120x128xf32, #tpu.memory_space<vmem_shared>>) offsets(%dma_start3A_128 : memref<125xi32, #tpu.memory_space<vmem>>) semaphore(%run_scoped3A_125 : memref<!tpu.dma_semaphore, #tpu.memory_space<semaphore_mem>>) {add = true}
      %dma_wait3A_132 = arith.constant 0 : i32
      %dma_wait3A_133 = tpu.memref_slice %arg11[%run_scoped3A, %dma_wait3A_132] : memref<80x125xi32, #tpu.memory_space<vmem>> -> memref<1x125xi32, #tpu.memory_space<vmem>>
      %dma_wait3A_134 = tpu.memref_squeeze %dma_wait3A_133 : memref<1x125xi32, #tpu.memory_space<vmem>> -> memref<125xi32, #tpu.memory_space<vmem>>
      %dma_wait3A_135 = arith.constant 0 : i32
      %dma_wait3A_136 = arith.constant 0 : i32
      %dma_wait3A_137 = tpu.memref_slice %arg14[%dma_wait3A_135, %dma_wait3A_136] : memref<5120x128xf32, #tpu.memory_space<vmem_shared>> -> memref<5120x128xf32, #tpu.memory_space<vmem_shared>>
      tpu.wait_indirect_dma semaphore(%run_scoped3A_125 : memref<!tpu.dma_semaphore, #tpu.memory_space<semaphore_mem>>) src(%arg12 : memref<125x128xf32, #tpu.memory_space<vmem>>) dst(%dma_wait3A_137 : memref<5120x128xf32, #tpu.memory_space<vmem_shared>>)
      tpu.yield
    }) : () -> ()
    %dma_wait3A_79 = arith.constant 79 : i32
    %dma_wait3A_80 = arith.constant 0 : i32
    %dma_wait3A_81 = tpu.memref_slice %arg10[%dma_wait3A_79, %dma_wait3A_80] : memref<80x125xi32, #tpu.memory_space<vmem>> -> memref<1x125xi32, #tpu.memory_space<vmem>>
    %dma_wait3A_82 = tpu.memref_squeeze %dma_wait3A_81 : memref<1x125xi32, #tpu.memory_space<vmem>> -> memref<125xi32, #tpu.memory_space<vmem>>
    %dma_wait3A_83 = arith.constant 0 : i32
    %dma_wait3A_84 = arith.constant 0 : i32
    %dma_wait3A_85 = tpu.memref_slice %arg4[%dma_wait3A_83, %dma_wait3A_84] : memref<10000x128xf32, #tpu.memory_space<hbm>> -> memref<10000x128xf32, #tpu.memory_space<hbm>>
    tpu.wait_indirect_dma semaphore(%arg16 : memref<!tpu.dma_semaphore, #tpu.memory_space<semaphore_mem>>) src(%dma_wait3A_85 : memref<10000x128xf32, #tpu.memory_space<hbm>>) dst(%arg13 : memref<125x128xf32, #tpu.memory_space<vmem>>)
    %run_scoped3A_86 = arith.constant 79 : i32
    "tpu.region"() ({
      %run_scoped3A_125 = tpu.sem_alloc : memref<!tpu.dma_semaphore, #tpu.memory_space<semaphore_mem>>
      %dma_start3A_126 = arith.constant 0 : i32
      %dma_start3A_127 = tpu.memref_slice %arg11[%run_scoped3A_86, %dma_start3A_126] : memref<80x125xi32, #tpu.memory_space<vmem>> -> memref<1x125xi32, #tpu.memory_space<vmem>>
      %dma_start3A_128 = tpu.memref_squeeze %dma_start3A_127 : memref<1x125xi32, #tpu.memory_space<vmem>> -> memref<125xi32, #tpu.memory_space<vmem>>
      %dma_start3A_129 = arith.constant 0 : i32
      %dma_start3A_130 = arith.constant 0 : i32
      %dma_start3A_131 = tpu.memref_slice %arg14[%dma_start3A_129, %dma_start3A_130] : memref<5120x128xf32, #tpu.memory_space<vmem_shared>> -> memref<5120x128xf32, #tpu.memory_space<vmem_shared>>
      tpu.enqueue_indirect_dma source(%arg13 : memref<125x128xf32, #tpu.memory_space<vmem>>) target(%dma_start3A_131 : memref<5120x128xf32, #tpu.memory_space<vmem_shared>>) offsets(%dma_start3A_128 : memref<125xi32, #tpu.memory_space<vmem>>) semaphore(%run_scoped3A_125 : memref<!tpu.dma_semaphore, #tpu.memory_space<semaphore_mem>>) {add = true}
      %dma_wait3A_132 = arith.constant 0 : i32
      %dma_wait3A_133 = tpu.memref_slice %arg11[%run_scoped3A_86, %dma_wait3A_132] : memref<80x125xi32, #tpu.memory_space<vmem>> -> memref<1x125xi32, #tpu.memory_space<vmem>>
      %dma_wait3A_134 = tpu.memref_squeeze %dma_wait3A_133 : memref<1x125xi32, #tpu.memory_space<vmem>> -> memref<125xi32, #tpu.memory_space<vmem>>
      %dma_wait3A_135 = arith.constant 0 : i32
      %dma_wait3A_136 = arith.constant 0 : i32
      %dma_wait3A_137 = tpu.memref_slice %arg14[%dma_wait3A_135, %dma_wait3A_136] : memref<5120x128xf32, #tpu.memory_space<vmem_shared>> -> memref<5120x128xf32, #tpu.memory_space<vmem_shared>>
      tpu.wait_indirect_dma semaphore(%run_scoped3A_125 : memref<!tpu.dma_semaphore, #tpu.memory_space<semaphore_mem>>) src(%arg13 : memref<125x128xf32, #tpu.memory_space<vmem>>) dst(%dma_wait3A_137 : memref<5120x128xf32, #tpu.memory_space<vmem_shared>>)
      tpu.yield
    }) : () -> ()
    %multiple_of3A = arith.constant 19968 : i32
    %multiple_of3A_87 = tpu.assume_multiple %multiple_of3A, 16 : i32
    %get3A = arith.index_cast %multiple_of3A_87 : i32 to index
    %get3A_88 = tpu.vector_load %arg18[%get3A] {strides = array<i32>} : memref<20096xi32, #tpu.memory_space<vmem>>, vector<16xi32>,
    tpu.vector_store_idx %arg19[%get3A_88], %broadcast_in_dim3A_27 {add = true} : memref<15488xf32, #tpu.memory_space<vmem>>[vector<16xi32>], vector<16xf32>,
    %multiple_of3A_89 = arith.constant 19984 : i32
    %multiple_of3A_90 = tpu.assume_multiple %multiple_of3A_89, 16 : i32
    %get3A_91 = arith.index_cast %multiple_of3A_90 : i32 to index
    %get3A_92 = tpu.vector_load %arg18[%get3A_91] {strides = array<i32>} : memref<20096xi32, #tpu.memory_space<vmem>>, vector<16xi32>,
    tpu.vector_store_idx %arg19[%get3A_92], %broadcast_in_dim3A_27 {add = true} : memref<15488xf32, #tpu.memory_space<vmem>>[vector<16xi32>], vector<16xf32>,
    %multiple_of3A_93 = arith.constant 20000 : i32
    %multiple_of3A_94 = tpu.assume_multiple %multiple_of3A_93, 16 : i32
    %get3A_95 = arith.index_cast %multiple_of3A_94 : i32 to index
    %get3A_96 = tpu.vector_load %arg18[%get3A_95] {strides = array<i32>} : memref<20096xi32, #tpu.memory_space<vmem>>, vector<16xi32>,
    tpu.vector_store_idx %arg19[%get3A_96], %broadcast_in_dim3A_27 {add = true} : memref<15488xf32, #tpu.memory_space<vmem>>[vector<16xi32>], vector<16xf32>,
    %multiple_of3A_97 = arith.constant 20016 : i32
    %multiple_of3A_98 = tpu.assume_multiple %multiple_of3A_97, 16 : i32
    %get3A_99 = arith.index_cast %multiple_of3A_98 : i32 to index
    %get3A_100 = tpu.vector_load %arg18[%get3A_99] {strides = array<i32>} : memref<20096xi32, #tpu.memory_space<vmem>>, vector<16xi32>,
    tpu.vector_store_idx %arg19[%get3A_100], %broadcast_in_dim3A_27 {add = true} : memref<15488xf32, #tpu.memory_space<vmem>>[vector<16xi32>], vector<16xf32>,
    %multiple_of3A_101 = arith.constant 20032 : i32
    %multiple_of3A_102 = tpu.assume_multiple %multiple_of3A_101, 16 : i32
    %get3A_103 = arith.index_cast %multiple_of3A_102 : i32 to index
    %get3A_104 = tpu.vector_load %arg18[%get3A_103] {strides = array<i32>} : memref<20096xi32, #tpu.memory_space<vmem>>, vector<16xi32>,
    tpu.vector_store_idx %arg19[%get3A_104], %broadcast_in_dim3A_27 {add = true} : memref<15488xf32, #tpu.memory_space<vmem>>[vector<16xi32>], vector<16xf32>,
    %multiple_of3A_105 = arith.constant 20048 : i32
    %multiple_of3A_106 = tpu.assume_multiple %multiple_of3A_105, 16 : i32
    %get3A_107 = arith.index_cast %multiple_of3A_106 : i32 to index
    %get3A_108 = tpu.vector_load %arg18[%get3A_107] {strides = array<i32>} : memref<20096xi32, #tpu.memory_space<vmem>>, vector<16xi32>,
    tpu.vector_store_idx %arg19[%get3A_108], %broadcast_in_dim3A_27 {add = true} : memref<15488xf32, #tpu.memory_space<vmem>>[vector<16xi32>], vector<16xf32>,
    %multiple_of3A_109 = arith.constant 20064 : i32
    %multiple_of3A_110 = tpu.assume_multiple %multiple_of3A_109, 16 : i32
    %get3A_111 = arith.index_cast %multiple_of3A_110 : i32 to index
    %get3A_112 = tpu.vector_load %arg18[%get3A_111] {strides = array<i32>} : memref<20096xi32, #tpu.memory_space<vmem>>, vector<16xi32>,
    tpu.vector_store_idx %arg19[%get3A_112], %broadcast_in_dim3A_27 {add = true} : memref<15488xf32, #tpu.memory_space<vmem>>[vector<16xi32>], vector<16xf32>,
    %multiple_of3A_113 = arith.constant 20080 : i32
    %multiple_of3A_114 = tpu.assume_multiple %multiple_of3A_113, 16 : i32
    %get3A_115 = arith.index_cast %multiple_of3A_114 : i32 to index
    %get3A_116 = tpu.vector_load %arg18[%get3A_115] {strides = array<i32>} : memref<20096xi32, #tpu.memory_space<vmem>>, vector<16xi32>,
    tpu.vector_store_idx %arg19[%get3A_116], %broadcast_in_dim3A_27 {add = true} : memref<15488xf32, #tpu.memory_space<vmem>>[vector<16xi32>], vector<16xf32>,
    "tpu.region"() ({
      %run_scoped3A_125 = tpu.sem_alloc : memref<!tpu.dma_semaphore, #tpu.memory_space<semaphore_mem>>
      %dma_start3A_126 = arith.constant 0 : i32
      %dma_start3A_127 = tpu.memref_slice %arg19[%dma_start3A_126] : memref<15488xf32, #tpu.memory_space<vmem>> -> memref<15232xf32, #tpu.memory_space<vmem>>
      %dma_start3A_128 = arith.constant 0 : i32
      %dma_start3A_129 = tpu.memref_slice %arg9[%add3A, %dma_start3A_128] : memref<32x15232xf32, #tpu.memory_space<hbm>> -> memref<1x15232xf32, #tpu.memory_space<hbm>>
      %dma_start3A_130 = tpu.memref_squeeze %dma_start3A_129 : memref<1x15232xf32, #tpu.memory_space<hbm>> -> memref<15232xf32, #tpu.memory_space<hbm>>
      %dma_start3A_131 = arith.constant 0 : i32
      %dma_start3A_132 = tpu.memref_slice %arg9[%add3A, %dma_start3A_131] : memref<32x15232xf32, #tpu.memory_space<hbm>> -> memref<1x15232xf32, #tpu.memory_space<hbm>>
      %dma_start3A_133 = tpu.memref_squeeze %dma_start3A_132 : memref<1x15232xf32, #tpu.memory_space<hbm>> -> memref<15232xf32, #tpu.memory_space<hbm>>
      %dma_start3A_134 = arith.constant 0 : i32
      %dma_start3A_135 = tpu.memref_slice %arg19[%dma_start3A_134] : memref<15488xf32, #tpu.memory_space<vmem>> -> memref<15232xf32, #tpu.memory_space<vmem>>
      tpu.enqueue_dma source(%dma_start3A_135 : memref<15232xf32, #tpu.memory_space<vmem>>) target(%dma_start3A_133 : memref<15232xf32, #tpu.memory_space<hbm>>) target_semaphore(%run_scoped3A_125 : memref<!tpu.dma_semaphore, #tpu.memory_space<semaphore_mem>>)
      %dma_wait3A_136 = arith.constant 0 : i32
      %dma_wait3A_137 = tpu.memref_slice %arg19[%dma_wait3A_136] : memref<15488xf32, #tpu.memory_space<vmem>> -> memref<15232xf32, #tpu.memory_space<vmem>>
      %dma_wait3A_138 = arith.constant 0 : i32
      %dma_wait3A_139 = tpu.memref_slice %arg9[%add3A, %dma_wait3A_138] : memref<32x15232xf32, #tpu.memory_space<hbm>> -> memref<1x15232xf32, #tpu.memory_space<hbm>>
      %dma_wait3A_140 = tpu.memref_squeeze %dma_wait3A_139 : memref<1x15232xf32, #tpu.memory_space<hbm>> -> memref<15232xf32, #tpu.memory_space<hbm>>
      %dma_wait3A_141 = arith.constant 0 : i32
      %dma_wait3A_142 = tpu.memref_slice %arg9[%add3A, %dma_wait3A_141] : memref<32x15232xf32, #tpu.memory_space<hbm>> -> memref<1x15232xf32, #tpu.memory_space<hbm>>
      %dma_wait3A_143 = tpu.memref_squeeze %dma_wait3A_142 : memref<1x15232xf32, #tpu.memory_space<hbm>> -> memref<15232xf32, #tpu.memory_space<hbm>>
      %dma_wait3A_144 = arith.constant 0 : i32
      %dma_wait3A_145 = tpu.memref_slice %arg19[%dma_wait3A_144] : memref<15488xf32, #tpu.memory_space<vmem>> -> memref<15232xf32, #tpu.memory_space<vmem>>
      tpu.wait_dma2 semaphore(%run_scoped3A_125 : memref<!tpu.dma_semaphore, #tpu.memory_space<semaphore_mem>>) src(%dma_wait3A_145 : memref<15232xf32, #tpu.memory_space<vmem>>) dst(%dma_wait3A_143 : memref<15232xf32, #tpu.memory_space<hbm>>)
      tpu.yield
    }) : () -> ()
    %barrier3A_117 = arith.constant 0 : index
    tpu.barrier barrier_id(%barrier3A_117)
    %mul3A_118 = arith.constant 320 : i32
    %mul3A_119 = arith.muli %arg1, %mul3A_118 : i32
    %mul3A_120 = arith.constant 5120 : i32
    %mul3A_121 = arith.muli %arg0, %mul3A_120 : i32
    %mul3A_122 = arith.constant 320 : i32
    %mul3A_123 = arith.muli %arg1, %mul3A_122 : i32
    %add3A_124 = arith.addi %mul3A_121, %mul3A_123 : i32
    "tpu.region"() ({
      %run_scoped3A_125 = tpu.sem_alloc : memref<!tpu.dma_semaphore, #tpu.memory_space<semaphore_mem>>
      %dma_start3A_126 = arith.constant 0 : i32
      %dma_start3A_127 = tpu.memref_slice %arg8[%add3A_124, %dma_start3A_126] : memref<10240x128xf32, #tpu.memory_space<hbm>> -> memref<320x128xf32, #tpu.memory_space<hbm>>
      %dma_start3A_128 = arith.constant 0 : i32
      %dma_start3A_129 = tpu.memref_slice %arg14[%mul3A_119, %dma_start3A_128] : memref<5120x128xf32, #tpu.memory_space<vmem_shared>> -> memref<320x128xf32, #tpu.memory_space<vmem_shared>>
      tpu.enqueue_dma source(%dma_start3A_129 : memref<320x128xf32, #tpu.memory_space<vmem_shared>>) target(%dma_start3A_127 : memref<320x128xf32, #tpu.memory_space<hbm>>) target_semaphore(%run_scoped3A_125 : memref<!tpu.dma_semaphore, #tpu.memory_space<semaphore_mem>>)
      %dma_wait3A_130 = arith.constant 0 : i32
      %dma_wait3A_131 = tpu.memref_slice %arg8[%add3A_124, %dma_wait3A_130] : memref<10240x128xf32, #tpu.memory_space<hbm>> -> memref<320x128xf32, #tpu.memory_space<hbm>>
      %dma_wait3A_132 = arith.constant 0 : i32
      %dma_wait3A_133 = tpu.memref_slice %arg14[%mul3A_119, %dma_wait3A_132] : memref<5120x128xf32, #tpu.memory_space<vmem_shared>> -> memref<320x128xf32, #tpu.memory_space<vmem_shared>>
      tpu.wait_dma2 semaphore(%run_scoped3A_125 : memref<!tpu.dma_semaphore, #tpu.memory_space<semaphore_mem>>) src(%dma_wait3A_133 : memref<320x128xf32, #tpu.memory_space<vmem_shared>>) dst(%dma_wait3A_131 : memref<320x128xf32, #tpu.memory_space<hbm>>)
      tpu.yield
    }) : () -> ()
    return
  }
}

#map = affine_map<(d0, d1) -> (0, 0, 0)>
#map1 = affine_map<(d0, d1) -> (0, 0)>
module attributes {stable_mosaic.version = 14 : i64} {
  func.func @hop(%arg0: i32, %arg1: i32, %arg2: memref<32x80x125xi32, #tpu.memory_space<hbm>>, %arg3: memref<32x80x125xi32, #tpu.memory_space<hbm>>, %arg4: memref<10000x128xf32, #tpu.memory_space<hbm>>, %arg5: memref<632x128xf32, #tpu.memory_space<hbm>>, %arg6: memref<10240x128xf32, #tpu.memory_space<hbm>>, %arg7: memref<80x125xi32, #tpu.memory_space<vmem>>, %arg8: memref<80x125xi32, #tpu.memory_space<vmem>>, %arg9: memref<125x128xf32, #tpu.memory_space<vmem>>, %arg10: memref<125x128xf32, #tpu.memory_space<vmem>>, %arg11: memref<5120x128xf32, #tpu.memory_space<vmem_shared>>, %arg12: memref<!tpu.dma_semaphore, #tpu.memory_space<semaphore_mem>>, %arg13: memref<!tpu.dma_semaphore, #tpu.memory_space<semaphore_mem>>, %arg14: memref<!tpu.dma_semaphore, #tpu.memory_space<semaphore_mem>>) attributes {dimension_semantics = [#tpu.dimension_semantics<core_parallel>, #tpu.dimension_semantics<subcore_parallel>], iteration_bounds = array<i64: 2, 16>, scalar_prefetch = 0 : i64, scratch_operands = 8 : i64, tpu.core_type = #tpu.core_type<sc_vector_subcore>, window_params = [{transform_indices = #map}, {transform_indices = #map}, {transform_indices = #map1}, {transform_indices = #map1}, {transform_indices = #map1}]} {
    %mul3A = arith.constant 2 : i32
    %mul3A_0 = arith.muli %arg1, %mul3A : i32
    %add3A = arith.addi %mul3A_0, %arg0 : i32
    %mul3A_1 = arith.constant 320 : i32
    %mul3A_2 = arith.muli %arg1, %mul3A_1 : i32
    %dma_start3A = arith.constant 0 : i32
    %dma_start3A_3 = tpu.memref_slice %arg11[%mul3A_2, %dma_start3A] : memref<5120x128xf32, #tpu.memory_space<vmem_shared>> -> memref<320x128xf32, #tpu.memory_space<vmem_shared>>
    %dma_start3A_4 = arith.constant 0 : i32
    %dma_start3A_5 = arith.constant 0 : i32
    %dma_start3A_6 = tpu.memref_slice %arg5[%dma_start3A_4, %dma_start3A_5] : memref<632x128xf32, #tpu.memory_space<hbm>> -> memref<320x128xf32, #tpu.memory_space<hbm>>
    tpu.enqueue_dma source(%dma_start3A_6 : memref<320x128xf32, #tpu.memory_space<hbm>>) target(%dma_start3A_3 : memref<320x128xf32, #tpu.memory_space<vmem_shared>>) target_semaphore(%arg14 : memref<!tpu.dma_semaphore, #tpu.memory_space<semaphore_mem>>)
    %mul3A_7 = arith.constant 1 : i32
    %mul3A_8 = arith.muli %add3A, %mul3A_7 : i32
    %dma_start3A_9 = arith.constant 0 : i32
    %dma_start3A_10 = arith.constant 0 : i32
    %dma_start3A_11 = tpu.memref_slice %arg2[%mul3A_8, %dma_start3A_9, %dma_start3A_10] : memref<32x80x125xi32, #tpu.memory_space<hbm>> -> memref<1x80x125xi32, #tpu.memory_space<hbm>>
    %dma_start3A_12 = tpu.memref_squeeze %dma_start3A_11 : memref<1x80x125xi32, #tpu.memory_space<hbm>> -> memref<80x125xi32, #tpu.memory_space<hbm>>
    %dma_start3A_13 = arith.constant 0 : i32
    %dma_start3A_14 = arith.constant 0 : i32
    %dma_start3A_15 = tpu.memref_slice %arg2[%mul3A_8, %dma_start3A_13, %dma_start3A_14] : memref<32x80x125xi32, #tpu.memory_space<hbm>> -> memref<1x80x125xi32, #tpu.memory_space<hbm>>
    %dma_start3A_16 = tpu.memref_squeeze %dma_start3A_15 : memref<1x80x125xi32, #tpu.memory_space<hbm>> -> memref<80x125xi32, #tpu.memory_space<hbm>>
    tpu.enqueue_dma source(%dma_start3A_16 : memref<80x125xi32, #tpu.memory_space<hbm>>) target(%arg7 : memref<80x125xi32, #tpu.memory_space<vmem>>) target_semaphore(%arg12 : memref<!tpu.dma_semaphore, #tpu.memory_space<semaphore_mem>>)
    %mul3A_17 = arith.constant 1 : i32
    %mul3A_18 = arith.muli %add3A, %mul3A_17 : i32
    %dma_start3A_19 = arith.constant 0 : i32
    %dma_start3A_20 = arith.constant 0 : i32
    %dma_start3A_21 = tpu.memref_slice %arg3[%mul3A_18, %dma_start3A_19, %dma_start3A_20] : memref<32x80x125xi32, #tpu.memory_space<hbm>> -> memref<1x80x125xi32, #tpu.memory_space<hbm>>
    %dma_start3A_22 = tpu.memref_squeeze %dma_start3A_21 : memref<1x80x125xi32, #tpu.memory_space<hbm>> -> memref<80x125xi32, #tpu.memory_space<hbm>>
    %dma_start3A_23 = arith.constant 0 : i32
    %dma_start3A_24 = arith.constant 0 : i32
    %dma_start3A_25 = tpu.memref_slice %arg3[%mul3A_18, %dma_start3A_23, %dma_start3A_24] : memref<32x80x125xi32, #tpu.memory_space<hbm>> -> memref<1x80x125xi32, #tpu.memory_space<hbm>>
    %dma_start3A_26 = tpu.memref_squeeze %dma_start3A_25 : memref<1x80x125xi32, #tpu.memory_space<hbm>> -> memref<80x125xi32, #tpu.memory_space<hbm>>
    tpu.enqueue_dma source(%dma_start3A_26 : memref<80x125xi32, #tpu.memory_space<hbm>>) target(%arg8 : memref<80x125xi32, #tpu.memory_space<vmem>>) target_semaphore(%arg13 : memref<!tpu.dma_semaphore, #tpu.memory_space<semaphore_mem>>)
    %broadcast_in_dim3A = arith.constant 1.000000e+00 : f32
    %broadcast_in_dim3A_27 = vector.broadcast %broadcast_in_dim3A : f32 to vector<16xf32>
    %mul3A_28 = arith.constant 1 : i32
    %mul3A_29 = arith.muli %add3A, %mul3A_28 : i32
    %dma_wait3A = arith.constant 0 : i32
    %dma_wait3A_30 = arith.constant 0 : i32
    %dma_wait3A_31 = tpu.memref_slice %arg2[%mul3A_29, %dma_wait3A, %dma_wait3A_30] : memref<32x80x125xi32, #tpu.memory_space<hbm>> -> memref<1x80x125xi32, #tpu.memory_space<hbm>>
    %dma_wait3A_32 = tpu.memref_squeeze %dma_wait3A_31 : memref<1x80x125xi32, #tpu.memory_space<hbm>> -> memref<80x125xi32, #tpu.memory_space<hbm>>
    %dma_wait3A_33 = arith.constant 0 : i32
    %dma_wait3A_34 = arith.constant 0 : i32
    %dma_wait3A_35 = tpu.memref_slice %arg2[%mul3A_29, %dma_wait3A_33, %dma_wait3A_34] : memref<32x80x125xi32, #tpu.memory_space<hbm>> -> memref<1x80x125xi32, #tpu.memory_space<hbm>>
    %dma_wait3A_36 = tpu.memref_squeeze %dma_wait3A_35 : memref<1x80x125xi32, #tpu.memory_space<hbm>> -> memref<80x125xi32, #tpu.memory_space<hbm>>
    tpu.wait_dma2 semaphore(%arg12 : memref<!tpu.dma_semaphore, #tpu.memory_space<semaphore_mem>>) src(%dma_wait3A_36 : memref<80x125xi32, #tpu.memory_space<hbm>>) dst(%arg7 : memref<80x125xi32, #tpu.memory_space<vmem>>)
    %mul3A_37 = arith.constant 1 : i32
    %mul3A_38 = arith.muli %add3A, %mul3A_37 : i32
    %dma_wait3A_39 = arith.constant 0 : i32
    %dma_wait3A_40 = arith.constant 0 : i32
    %dma_wait3A_41 = tpu.memref_slice %arg3[%mul3A_38, %dma_wait3A_39, %dma_wait3A_40] : memref<32x80x125xi32, #tpu.memory_space<hbm>> -> memref<1x80x125xi32, #tpu.memory_space<hbm>>
    %dma_wait3A_42 = tpu.memref_squeeze %dma_wait3A_41 : memref<1x80x125xi32, #tpu.memory_space<hbm>> -> memref<80x125xi32, #tpu.memory_space<hbm>>
    %dma_wait3A_43 = arith.constant 0 : i32
    %dma_wait3A_44 = arith.constant 0 : i32
    %dma_wait3A_45 = tpu.memref_slice %arg3[%mul3A_38, %dma_wait3A_43, %dma_wait3A_44] : memref<32x80x125xi32, #tpu.memory_space<hbm>> -> memref<1x80x125xi32, #tpu.memory_space<hbm>>
    %dma_wait3A_46 = tpu.memref_squeeze %dma_wait3A_45 : memref<1x80x125xi32, #tpu.memory_space<hbm>> -> memref<80x125xi32, #tpu.memory_space<hbm>>
    tpu.wait_dma2 semaphore(%arg13 : memref<!tpu.dma_semaphore, #tpu.memory_space<semaphore_mem>>) src(%dma_wait3A_46 : memref<80x125xi32, #tpu.memory_space<hbm>>) dst(%arg8 : memref<80x125xi32, #tpu.memory_space<vmem>>)
    %mul3A_47 = arith.constant 320 : i32
    %mul3A_48 = arith.muli %arg1, %mul3A_47 : i32
    %dma_wait3A_49 = arith.constant 0 : i32
    %dma_wait3A_50 = tpu.memref_slice %arg11[%mul3A_48, %dma_wait3A_49] : memref<5120x128xf32, #tpu.memory_space<vmem_shared>> -> memref<320x128xf32, #tpu.memory_space<vmem_shared>>
    %dma_wait3A_51 = arith.constant 0 : i32
    %dma_wait3A_52 = arith.constant 0 : i32
    %dma_wait3A_53 = tpu.memref_slice %arg5[%dma_wait3A_51, %dma_wait3A_52] : memref<632x128xf32, #tpu.memory_space<hbm>> -> memref<320x128xf32, #tpu.memory_space<hbm>>
    tpu.wait_dma2 semaphore(%arg14 : memref<!tpu.dma_semaphore, #tpu.memory_space<semaphore_mem>>) src(%dma_wait3A_53 : memref<320x128xf32, #tpu.memory_space<hbm>>) dst(%dma_wait3A_50 : memref<320x128xf32, #tpu.memory_space<vmem_shared>>)
    %barrier3A = arith.constant 0 : index
    tpu.barrier barrier_id(%barrier3A)
    %dma_start3A_54 = arith.constant 0 : i32
    %dma_start3A_55 = arith.constant 0 : i32
    %dma_start3A_56 = tpu.memref_slice %arg7[%dma_start3A_54, %dma_start3A_55] : memref<80x125xi32, #tpu.memory_space<vmem>> -> memref<1x125xi32, #tpu.memory_space<vmem>>
    %dma_start3A_57 = tpu.memref_squeeze %dma_start3A_56 : memref<1x125xi32, #tpu.memory_space<vmem>> -> memref<125xi32, #tpu.memory_space<vmem>>
    %dma_start3A_58 = arith.constant 0 : i32
    %dma_start3A_59 = arith.constant 0 : i32
    %dma_start3A_60 = tpu.memref_slice %arg4[%dma_start3A_58, %dma_start3A_59] : memref<10000x128xf32, #tpu.memory_space<hbm>> -> memref<10000x128xf32, #tpu.memory_space<hbm>>
    tpu.enqueue_indirect_dma source(%dma_start3A_60 : memref<10000x128xf32, #tpu.memory_space<hbm>>) target(%arg9 : memref<125x128xf32, #tpu.memory_space<vmem>>) offsets(%dma_start3A_57 : memref<125xi32, #tpu.memory_space<vmem>>) semaphore(%arg12 : memref<!tpu.dma_semaphore, #tpu.memory_space<semaphore_mem>>)
    %dma_start3A_61 = arith.constant 1 : i32
    %dma_start3A_62 = arith.constant 0 : i32
    %dma_start3A_63 = tpu.memref_slice %arg7[%dma_start3A_61, %dma_start3A_62] : memref<80x125xi32, #tpu.memory_space<vmem>> -> memref<1x125xi32, #tpu.memory_space<vmem>>
    %dma_start3A_64 = tpu.memref_squeeze %dma_start3A_63 : memref<1x125xi32, #tpu.memory_space<vmem>> -> memref<125xi32, #tpu.memory_space<vmem>>
    %dma_start3A_65 = arith.constant 0 : i32
    %dma_start3A_66 = arith.constant 0 : i32
    %dma_start3A_67 = tpu.memref_slice %arg4[%dma_start3A_65, %dma_start3A_66] : memref<10000x128xf32, #tpu.memory_space<hbm>> -> memref<10000x128xf32, #tpu.memory_space<hbm>>
    tpu.enqueue_indirect_dma source(%dma_start3A_67 : memref<10000x128xf32, #tpu.memory_space<hbm>>) target(%arg10 : memref<125x128xf32, #tpu.memory_space<vmem>>) offsets(%dma_start3A_64 : memref<125xi32, #tpu.memory_space<vmem>>) semaphore(%arg13 : memref<!tpu.dma_semaphore, #tpu.memory_space<semaphore_mem>>)
    %scan3A = arith.constant 0 : i32
    %scan3A_68 = arith.constant 39 : i32
    %scan3A_69 = arith.addi %scan3A, %scan3A_68 : i32
    %scan3A_70 = arith.constant 1 : i32
    scf.for %scan3A_95 = %scan3A to %scan3A_69 step %scan3A_70  : i32 {
      %mul3A_96 = arith.constant 2 : i32
      %mul3A_97 = arith.muli %mul3A_96, %scan3A_95 : i32
      %dma_wait3A_98 = arith.constant 0 : i32
      %dma_wait3A_99 = tpu.memref_slice %arg7[%mul3A_97, %dma_wait3A_98] : memref<80x125xi32, #tpu.memory_space<vmem>> -> memref<1x125xi32, #tpu.memory_space<vmem>>
      %dma_wait3A_100 = tpu.memref_squeeze %dma_wait3A_99 : memref<1x125xi32, #tpu.memory_space<vmem>> -> memref<125xi32, #tpu.memory_space<vmem>>
      %dma_wait3A_101 = arith.constant 0 : i32
      %dma_wait3A_102 = arith.constant 0 : i32
      %dma_wait3A_103 = tpu.memref_slice %arg4[%dma_wait3A_101, %dma_wait3A_102] : memref<10000x128xf32, #tpu.memory_space<hbm>> -> memref<10000x128xf32, #tpu.memory_space<hbm>>
      tpu.wait_indirect_dma semaphore(%arg12 : memref<!tpu.dma_semaphore, #tpu.memory_space<semaphore_mem>>) src(%dma_wait3A_103 : memref<10000x128xf32, #tpu.memory_space<hbm>>) dst(%arg9 : memref<125x128xf32, #tpu.memory_space<vmem>>)
      "tpu.region"() ({
        %run_scoped3A_130 = tpu.sem_alloc : memref<!tpu.dma_semaphore, #tpu.memory_space<semaphore_mem>>
        %dma_start3A_131 = arith.constant 0 : i32
        %dma_start3A_132 = tpu.memref_slice %arg8[%mul3A_97, %dma_start3A_131] : memref<80x125xi32, #tpu.memory_space<vmem>> -> memref<1x125xi32, #tpu.memory_space<vmem>>
        %dma_start3A_133 = tpu.memref_squeeze %dma_start3A_132 : memref<1x125xi32, #tpu.memory_space<vmem>> -> memref<125xi32, #tpu.memory_space<vmem>>
        %dma_start3A_134 = arith.constant 0 : i32
        %dma_start3A_135 = arith.constant 0 : i32
        %dma_start3A_136 = tpu.memref_slice %arg11[%dma_start3A_134, %dma_start3A_135] : memref<5120x128xf32, #tpu.memory_space<vmem_shared>> -> memref<5120x128xf32, #tpu.memory_space<vmem_shared>>
        tpu.enqueue_indirect_dma source(%arg9 : memref<125x128xf32, #tpu.memory_space<vmem>>) target(%dma_start3A_136 : memref<5120x128xf32, #tpu.memory_space<vmem_shared>>) offsets(%dma_start3A_133 : memref<125xi32, #tpu.memory_space<vmem>>) semaphore(%run_scoped3A_130 : memref<!tpu.dma_semaphore, #tpu.memory_space<semaphore_mem>>) {add = true}
        %dma_wait3A_137 = arith.constant 0 : i32
        %dma_wait3A_138 = tpu.memref_slice %arg8[%mul3A_97, %dma_wait3A_137] : memref<80x125xi32, #tpu.memory_space<vmem>> -> memref<1x125xi32, #tpu.memory_space<vmem>>
        %dma_wait3A_139 = tpu.memref_squeeze %dma_wait3A_138 : memref<1x125xi32, #tpu.memory_space<vmem>> -> memref<125xi32, #tpu.memory_space<vmem>>
        %dma_wait3A_140 = arith.constant 0 : i32
        %dma_wait3A_141 = arith.constant 0 : i32
        %dma_wait3A_142 = tpu.memref_slice %arg11[%dma_wait3A_140, %dma_wait3A_141] : memref<5120x128xf32, #tpu.memory_space<vmem_shared>> -> memref<5120x128xf32, #tpu.memory_space<vmem_shared>>
        tpu.wait_indirect_dma semaphore(%run_scoped3A_130 : memref<!tpu.dma_semaphore, #tpu.memory_space<semaphore_mem>>) src(%arg9 : memref<125x128xf32, #tpu.memory_space<vmem>>) dst(%dma_wait3A_142 : memref<5120x128xf32, #tpu.memory_space<vmem_shared>>)
        tpu.yield
      }) : () -> ()
      %add3A_104 = arith.constant 2 : i32
      %add3A_105 = arith.addi %mul3A_97, %add3A_104 : i32
      %dma_start3A_106 = arith.constant 0 : i32
      %dma_start3A_107 = tpu.memref_slice %arg7[%add3A_105, %dma_start3A_106] : memref<80x125xi32, #tpu.memory_space<vmem>> -> memref<1x125xi32, #tpu.memory_space<vmem>>
      %dma_start3A_108 = tpu.memref_squeeze %dma_start3A_107 : memref<1x125xi32, #tpu.memory_space<vmem>> -> memref<125xi32, #tpu.memory_space<vmem>>
      %dma_start3A_109 = arith.constant 0 : i32
      %dma_start3A_110 = arith.constant 0 : i32
      %dma_start3A_111 = tpu.memref_slice %arg4[%dma_start3A_109, %dma_start3A_110] : memref<10000x128xf32, #tpu.memory_space<hbm>> -> memref<10000x128xf32, #tpu.memory_space<hbm>>
      tpu.enqueue_indirect_dma source(%dma_start3A_111 : memref<10000x128xf32, #tpu.memory_space<hbm>>) target(%arg9 : memref<125x128xf32, #tpu.memory_space<vmem>>) offsets(%dma_start3A_108 : memref<125xi32, #tpu.memory_space<vmem>>) semaphore(%arg12 : memref<!tpu.dma_semaphore, #tpu.memory_space<semaphore_mem>>)
      %add3A_112 = arith.constant 1 : i32
      %add3A_113 = arith.addi %mul3A_97, %add3A_112 : i32
      %dma_wait3A_114 = arith.constant 0 : i32
      %dma_wait3A_115 = tpu.memref_slice %arg7[%add3A_113, %dma_wait3A_114] : memref<80x125xi32, #tpu.memory_space<vmem>> -> memref<1x125xi32, #tpu.memory_space<vmem>>
      %dma_wait3A_116 = tpu.memref_squeeze %dma_wait3A_115 : memref<1x125xi32, #tpu.memory_space<vmem>> -> memref<125xi32, #tpu.memory_space<vmem>>
      %dma_wait3A_117 = arith.constant 0 : i32
      %dma_wait3A_118 = arith.constant 0 : i32
      %dma_wait3A_119 = tpu.memref_slice %arg4[%dma_wait3A_117, %dma_wait3A_118] : memref<10000x128xf32, #tpu.memory_space<hbm>> -> memref<10000x128xf32, #tpu.memory_space<hbm>>
      tpu.wait_indirect_dma semaphore(%arg13 : memref<!tpu.dma_semaphore, #tpu.memory_space<semaphore_mem>>) src(%dma_wait3A_119 : memref<10000x128xf32, #tpu.memory_space<hbm>>) dst(%arg10 : memref<125x128xf32, #tpu.memory_space<vmem>>)
      %add3A_120 = arith.constant 1 : i32
      %add3A_121 = arith.addi %mul3A_97, %add3A_120 : i32
      "tpu.region"() ({
        %run_scoped3A_130 = tpu.sem_alloc : memref<!tpu.dma_semaphore, #tpu.memory_space<semaphore_mem>>
        %dma_start3A_131 = arith.constant 0 : i32
        %dma_start3A_132 = tpu.memref_slice %arg8[%add3A_121, %dma_start3A_131] : memref<80x125xi32, #tpu.memory_space<vmem>> -> memref<1x125xi32, #tpu.memory_space<vmem>>
        %dma_start3A_133 = tpu.memref_squeeze %dma_start3A_132 : memref<1x125xi32, #tpu.memory_space<vmem>> -> memref<125xi32, #tpu.memory_space<vmem>>
        %dma_start3A_134 = arith.constant 0 : i32
        %dma_start3A_135 = arith.constant 0 : i32
        %dma_start3A_136 = tpu.memref_slice %arg11[%dma_start3A_134, %dma_start3A_135] : memref<5120x128xf32, #tpu.memory_space<vmem_shared>> -> memref<5120x128xf32, #tpu.memory_space<vmem_shared>>
        tpu.enqueue_indirect_dma source(%arg10 : memref<125x128xf32, #tpu.memory_space<vmem>>) target(%dma_start3A_136 : memref<5120x128xf32, #tpu.memory_space<vmem_shared>>) offsets(%dma_start3A_133 : memref<125xi32, #tpu.memory_space<vmem>>) semaphore(%run_scoped3A_130 : memref<!tpu.dma_semaphore, #tpu.memory_space<semaphore_mem>>) {add = true}
        %dma_wait3A_137 = arith.constant 0 : i32
        %dma_wait3A_138 = tpu.memref_slice %arg8[%add3A_121, %dma_wait3A_137] : memref<80x125xi32, #tpu.memory_space<vmem>> -> memref<1x125xi32, #tpu.memory_space<vmem>>
        %dma_wait3A_139 = tpu.memref_squeeze %dma_wait3A_138 : memref<1x125xi32, #tpu.memory_space<vmem>> -> memref<125xi32, #tpu.memory_space<vmem>>
        %dma_wait3A_140 = arith.constant 0 : i32
        %dma_wait3A_141 = arith.constant 0 : i32
        %dma_wait3A_142 = tpu.memref_slice %arg11[%dma_wait3A_140, %dma_wait3A_141] : memref<5120x128xf32, #tpu.memory_space<vmem_shared>> -> memref<5120x128xf32, #tpu.memory_space<vmem_shared>>
        tpu.wait_indirect_dma semaphore(%run_scoped3A_130 : memref<!tpu.dma_semaphore, #tpu.memory_space<semaphore_mem>>) src(%arg10 : memref<125x128xf32, #tpu.memory_space<vmem>>) dst(%dma_wait3A_142 : memref<5120x128xf32, #tpu.memory_space<vmem_shared>>)
        tpu.yield
      }) : () -> ()
      %add3A_122 = arith.constant 3 : i32
      %add3A_123 = arith.addi %mul3A_97, %add3A_122 : i32
      %dma_start3A_124 = arith.constant 0 : i32
      %dma_start3A_125 = tpu.memref_slice %arg7[%add3A_123, %dma_start3A_124] : memref<80x125xi32, #tpu.memory_space<vmem>> -> memref<1x125xi32, #tpu.memory_space<vmem>>
      %dma_start3A_126 = tpu.memref_squeeze %dma_start3A_125 : memref<1x125xi32, #tpu.memory_space<vmem>> -> memref<125xi32, #tpu.memory_space<vmem>>
      %dma_start3A_127 = arith.constant 0 : i32
      %dma_start3A_128 = arith.constant 0 : i32
      %dma_start3A_129 = tpu.memref_slice %arg4[%dma_start3A_127, %dma_start3A_128] : memref<10000x128xf32, #tpu.memory_space<hbm>> -> memref<10000x128xf32, #tpu.memory_space<hbm>>
      tpu.enqueue_indirect_dma source(%dma_start3A_129 : memref<10000x128xf32, #tpu.memory_space<hbm>>) target(%arg10 : memref<125x128xf32, #tpu.memory_space<vmem>>) offsets(%dma_start3A_126 : memref<125xi32, #tpu.memory_space<vmem>>) semaphore(%arg13 : memref<!tpu.dma_semaphore, #tpu.memory_space<semaphore_mem>>)
    }
    %scan3A_71 = arith.constant 39 : i32
    %dma_wait3A_72 = arith.constant 78 : i32
    %dma_wait3A_73 = arith.constant 0 : i32
    %dma_wait3A_74 = tpu.memref_slice %arg7[%dma_wait3A_72, %dma_wait3A_73] : memref<80x125xi32, #tpu.memory_space<vmem>> -> memref<1x125xi32, #tpu.memory_space<vmem>>
    %dma_wait3A_75 = tpu.memref_squeeze %dma_wait3A_74 : memref<1x125xi32, #tpu.memory_space<vmem>> -> memref<125xi32, #tpu.memory_space<vmem>>
    %dma_wait3A_76 = arith.constant 0 : i32
    %dma_wait3A_77 = arith.constant 0 : i32
    %dma_wait3A_78 = tpu.memref_slice %arg4[%dma_wait3A_76, %dma_wait3A_77] : memref<10000x128xf32, #tpu.memory_space<hbm>> -> memref<10000x128xf32, #tpu.memory_space<hbm>>
    tpu.wait_indirect_dma semaphore(%arg12 : memref<!tpu.dma_semaphore, #tpu.memory_space<semaphore_mem>>) src(%dma_wait3A_78 : memref<10000x128xf32, #tpu.memory_space<hbm>>) dst(%arg9 : memref<125x128xf32, #tpu.memory_space<vmem>>)
    %run_scoped3A = arith.constant 78 : i32
    "tpu.region"() ({
      %run_scoped3A_95 = tpu.sem_alloc : memref<!tpu.dma_semaphore, #tpu.memory_space<semaphore_mem>>
      %dma_start3A_96 = arith.constant 0 : i32
      %dma_start3A_97 = tpu.memref_slice %arg8[%run_scoped3A, %dma_start3A_96] : memref<80x125xi32, #tpu.memory_space<vmem>> -> memref<1x125xi32, #tpu.memory_space<vmem>>
      %dma_start3A_98 = tpu.memref_squeeze %dma_start3A_97 : memref<1x125xi32, #tpu.memory_space<vmem>> -> memref<125xi32, #tpu.memory_space<vmem>>
      %dma_start3A_99 = arith.constant 0 : i32
      %dma_start3A_100 = arith.constant 0 : i32
      %dma_start3A_101 = tpu.memref_slice %arg11[%dma_start3A_99, %dma_start3A_100] : memref<5120x128xf32, #tpu.memory_space<vmem_shared>> -> memref<5120x128xf32, #tpu.memory_space<vmem_shared>>
      tpu.enqueue_indirect_dma source(%arg9 : memref<125x128xf32, #tpu.memory_space<vmem>>) target(%dma_start3A_101 : memref<5120x128xf32, #tpu.memory_space<vmem_shared>>) offsets(%dma_start3A_98 : memref<125xi32, #tpu.memory_space<vmem>>) semaphore(%run_scoped3A_95 : memref<!tpu.dma_semaphore, #tpu.memory_space<semaphore_mem>>) {add = true}
      %dma_wait3A_102 = arith.constant 0 : i32
      %dma_wait3A_103 = tpu.memref_slice %arg8[%run_scoped3A, %dma_wait3A_102] : memref<80x125xi32, #tpu.memory_space<vmem>> -> memref<1x125xi32, #tpu.memory_space<vmem>>
      %dma_wait3A_104 = tpu.memref_squeeze %dma_wait3A_103 : memref<1x125xi32, #tpu.memory_space<vmem>> -> memref<125xi32, #tpu.memory_space<vmem>>
      %dma_wait3A_105 = arith.constant 0 : i32
      %dma_wait3A_106 = arith.constant 0 : i32
      %dma_wait3A_107 = tpu.memref_slice %arg11[%dma_wait3A_105, %dma_wait3A_106] : memref<5120x128xf32, #tpu.memory_space<vmem_shared>> -> memref<5120x128xf32, #tpu.memory_space<vmem_shared>>
      tpu.wait_indirect_dma semaphore(%run_scoped3A_95 : memref<!tpu.dma_semaphore, #tpu.memory_space<semaphore_mem>>) src(%arg9 : memref<125x128xf32, #tpu.memory_space<vmem>>) dst(%dma_wait3A_107 : memref<5120x128xf32, #tpu.memory_space<vmem_shared>>)
      tpu.yield
    }) : () -> ()
    %dma_wait3A_79 = arith.constant 79 : i32
    %dma_wait3A_80 = arith.constant 0 : i32
    %dma_wait3A_81 = tpu.memref_slice %arg7[%dma_wait3A_79, %dma_wait3A_80] : memref<80x125xi32, #tpu.memory_space<vmem>> -> memref<1x125xi32, #tpu.memory_space<vmem>>
    %dma_wait3A_82 = tpu.memref_squeeze %dma_wait3A_81 : memref<1x125xi32, #tpu.memory_space<vmem>> -> memref<125xi32, #tpu.memory_space<vmem>>
    %dma_wait3A_83 = arith.constant 0 : i32
    %dma_wait3A_84 = arith.constant 0 : i32
    %dma_wait3A_85 = tpu.memref_slice %arg4[%dma_wait3A_83, %dma_wait3A_84] : memref<10000x128xf32, #tpu.memory_space<hbm>> -> memref<10000x128xf32, #tpu.memory_space<hbm>>
    tpu.wait_indirect_dma semaphore(%arg13 : memref<!tpu.dma_semaphore, #tpu.memory_space<semaphore_mem>>) src(%dma_wait3A_85 : memref<10000x128xf32, #tpu.memory_space<hbm>>) dst(%arg10 : memref<125x128xf32, #tpu.memory_space<vmem>>)
    %run_scoped3A_86 = arith.constant 79 : i32
    "tpu.region"() ({
      %run_scoped3A_95 = tpu.sem_alloc : memref<!tpu.dma_semaphore, #tpu.memory_space<semaphore_mem>>
      %dma_start3A_96 = arith.constant 0 : i32
      %dma_start3A_97 = tpu.memref_slice %arg8[%run_scoped3A_86, %dma_start3A_96] : memref<80x125xi32, #tpu.memory_space<vmem>> -> memref<1x125xi32, #tpu.memory_space<vmem>>
      %dma_start3A_98 = tpu.memref_squeeze %dma_start3A_97 : memref<1x125xi32, #tpu.memory_space<vmem>> -> memref<125xi32, #tpu.memory_space<vmem>>
      %dma_start3A_99 = arith.constant 0 : i32
      %dma_start3A_100 = arith.constant 0 : i32
      %dma_start3A_101 = tpu.memref_slice %arg11[%dma_start3A_99, %dma_start3A_100] : memref<5120x128xf32, #tpu.memory_space<vmem_shared>> -> memref<5120x128xf32, #tpu.memory_space<vmem_shared>>
      tpu.enqueue_indirect_dma source(%arg10 : memref<125x128xf32, #tpu.memory_space<vmem>>) target(%dma_start3A_101 : memref<5120x128xf32, #tpu.memory_space<vmem_shared>>) offsets(%dma_start3A_98 : memref<125xi32, #tpu.memory_space<vmem>>) semaphore(%run_scoped3A_95 : memref<!tpu.dma_semaphore, #tpu.memory_space<semaphore_mem>>) {add = true}
      %dma_wait3A_102 = arith.constant 0 : i32
      %dma_wait3A_103 = tpu.memref_slice %arg8[%run_scoped3A_86, %dma_wait3A_102] : memref<80x125xi32, #tpu.memory_space<vmem>> -> memref<1x125xi32, #tpu.memory_space<vmem>>
      %dma_wait3A_104 = tpu.memref_squeeze %dma_wait3A_103 : memref<1x125xi32, #tpu.memory_space<vmem>> -> memref<125xi32, #tpu.memory_space<vmem>>
      %dma_wait3A_105 = arith.constant 0 : i32
      %dma_wait3A_106 = arith.constant 0 : i32
      %dma_wait3A_107 = tpu.memref_slice %arg11[%dma_wait3A_105, %dma_wait3A_106] : memref<5120x128xf32, #tpu.memory_space<vmem_shared>> -> memref<5120x128xf32, #tpu.memory_space<vmem_shared>>
      tpu.wait_indirect_dma semaphore(%run_scoped3A_95 : memref<!tpu.dma_semaphore, #tpu.memory_space<semaphore_mem>>) src(%arg10 : memref<125x128xf32, #tpu.memory_space<vmem>>) dst(%dma_wait3A_107 : memref<5120x128xf32, #tpu.memory_space<vmem_shared>>)
      tpu.yield
    }) : () -> ()
    %barrier3A_87 = arith.constant 0 : index
    tpu.barrier barrier_id(%barrier3A_87)
    %mul3A_88 = arith.constant 320 : i32
    %mul3A_89 = arith.muli %arg1, %mul3A_88 : i32
    %mul3A_90 = arith.constant 5120 : i32
    %mul3A_91 = arith.muli %arg0, %mul3A_90 : i32
    %mul3A_92 = arith.constant 320 : i32
    %mul3A_93 = arith.muli %arg1, %mul3A_92 : i32
    %add3A_94 = arith.addi %mul3A_91, %mul3A_93 : i32
    "tpu.region"() ({
      %run_scoped3A_95 = tpu.sem_alloc : memref<!tpu.dma_semaphore, #tpu.memory_space<semaphore_mem>>
      %dma_start3A_96 = arith.constant 0 : i32
      %dma_start3A_97 = tpu.memref_slice %arg6[%add3A_94, %dma_start3A_96] : memref<10240x128xf32, #tpu.memory_space<hbm>> -> memref<320x128xf32, #tpu.memory_space<hbm>>
      %dma_start3A_98 = arith.constant 0 : i32
      %dma_start3A_99 = tpu.memref_slice %arg11[%mul3A_89, %dma_start3A_98] : memref<5120x128xf32, #tpu.memory_space<vmem_shared>> -> memref<320x128xf32, #tpu.memory_space<vmem_shared>>
      tpu.enqueue_dma source(%dma_start3A_99 : memref<320x128xf32, #tpu.memory_space<vmem_shared>>) target(%dma_start3A_97 : memref<320x128xf32, #tpu.memory_space<hbm>>) target_semaphore(%run_scoped3A_95 : memref<!tpu.dma_semaphore, #tpu.memory_space<semaphore_mem>>)
      %dma_wait3A_100 = arith.constant 0 : i32
      %dma_wait3A_101 = tpu.memref_slice %arg6[%add3A_94, %dma_wait3A_100] : memref<10240x128xf32, #tpu.memory_space<hbm>> -> memref<320x128xf32, #tpu.memory_space<hbm>>
      %dma_wait3A_102 = arith.constant 0 : i32
      %dma_wait3A_103 = tpu.memref_slice %arg11[%mul3A_89, %dma_wait3A_102] : memref<5120x128xf32, #tpu.memory_space<vmem_shared>> -> memref<320x128xf32, #tpu.memory_space<vmem_shared>>
      tpu.wait_dma2 semaphore(%run_scoped3A_95 : memref<!tpu.dma_semaphore, #tpu.memory_space<semaphore_mem>>) src(%dma_wait3A_103 : memref<320x128xf32, #tpu.memory_space<vmem_shared>>) dst(%dma_wait3A_101 : memref<320x128xf32, #tpu.memory_space<hbm>>)
      tpu.yield
    }) : () -> ()
    return
  }
}

#map = affine_map<(d0, d1) -> (0, 0, 0)>
#map1 = affine_map<(d0, d1) -> (0, 0)>
module attributes {stable_mosaic.version = 14 : i64} {
  func.func @hop(%arg0: i32, %arg1: i32, %arg2: memref<64x40x125xi32, #tpu.memory_space<hbm>>, %arg3: memref<64x40x125xi32, #tpu.memory_space<hbm>>, %arg4: memref<5120x128xf32, #tpu.memory_space<hbm>>, %arg5: memref<632x128xf32, #tpu.memory_space<hbm>>, %arg6: memref<20224x128xf32, #tpu.memory_space<hbm>>, %arg7: memref<40x125xi32, #tpu.memory_space<vmem>>, %arg8: memref<40x125xi32, #tpu.memory_space<vmem>>, %arg9: memref<125x128xf32, #tpu.memory_space<vmem>>, %arg10: memref<125x128xf32, #tpu.memory_space<vmem>>, %arg11: memref<10112x128xf32, #tpu.memory_space<vmem_shared>>, %arg12: memref<!tpu.dma_semaphore, #tpu.memory_space<semaphore_mem>>, %arg13: memref<!tpu.dma_semaphore, #tpu.memory_space<semaphore_mem>>, %arg14: memref<!tpu.dma_semaphore, #tpu.memory_space<semaphore_mem>>) attributes {dimension_semantics = [#tpu.dimension_semantics<core_parallel>, #tpu.dimension_semantics<subcore_parallel>], iteration_bounds = array<i64: 2, 16>, scalar_prefetch = 0 : i64, scratch_operands = 8 : i64, tpu.core_type = #tpu.core_type<sc_vector_subcore>, window_params = [{transform_indices = #map}, {transform_indices = #map}, {transform_indices = #map1}, {transform_indices = #map1}, {transform_indices = #map1}]} {
    %mul3A = arith.constant 2 : i32
    %mul3A_0 = arith.muli %arg1, %mul3A : i32
    %add3A = arith.addi %mul3A_0, %arg0 : i32
    %mul3A_1 = arith.constant 632 : i32
    %mul3A_2 = arith.muli %arg1, %mul3A_1 : i32
    %dma_start3A = arith.constant 0 : i32
    %dma_start3A_3 = tpu.memref_slice %arg11[%mul3A_2, %dma_start3A] : memref<10112x128xf32, #tpu.memory_space<vmem_shared>> -> memref<632x128xf32, #tpu.memory_space<vmem_shared>>
    %dma_start3A_4 = arith.constant 0 : i32
    %dma_start3A_5 = arith.constant 0 : i32
    %dma_start3A_6 = tpu.memref_slice %arg5[%dma_start3A_4, %dma_start3A_5] : memref<632x128xf32, #tpu.memory_space<hbm>> -> memref<632x128xf32, #tpu.memory_space<hbm>>
    tpu.enqueue_dma source(%dma_start3A_6 : memref<632x128xf32, #tpu.memory_space<hbm>>) target(%dma_start3A_3 : memref<632x128xf32, #tpu.memory_space<vmem_shared>>) target_semaphore(%arg14 : memref<!tpu.dma_semaphore, #tpu.memory_space<semaphore_mem>>)
    %mul3A_7 = arith.constant 2 : i32
    %mul3A_8 = arith.muli %add3A, %mul3A_7 : i32
    %dma_start3A_9 = arith.constant 0 : i32
    %dma_start3A_10 = arith.constant 0 : i32
    %dma_start3A_11 = tpu.memref_slice %arg2[%mul3A_8, %dma_start3A_9, %dma_start3A_10] : memref<64x40x125xi32, #tpu.memory_space<hbm>> -> memref<1x40x125xi32, #tpu.memory_space<hbm>>
    %dma_start3A_12 = tpu.memref_squeeze %dma_start3A_11 : memref<1x40x125xi32, #tpu.memory_space<hbm>> -> memref<40x125xi32, #tpu.memory_space<hbm>>
    %dma_start3A_13 = arith.constant 0 : i32
    %dma_start3A_14 = arith.constant 0 : i32
    %dma_start3A_15 = tpu.memref_slice %arg2[%mul3A_8, %dma_start3A_13, %dma_start3A_14] : memref<64x40x125xi32, #tpu.memory_space<hbm>> -> memref<1x40x125xi32, #tpu.memory_space<hbm>>
    %dma_start3A_16 = tpu.memref_squeeze %dma_start3A_15 : memref<1x40x125xi32, #tpu.memory_space<hbm>> -> memref<40x125xi32, #tpu.memory_space<hbm>>
    tpu.enqueue_dma source(%dma_start3A_16 : memref<40x125xi32, #tpu.memory_space<hbm>>) target(%arg7 : memref<40x125xi32, #tpu.memory_space<vmem>>) target_semaphore(%arg12 : memref<!tpu.dma_semaphore, #tpu.memory_space<semaphore_mem>>)
    %mul3A_17 = arith.constant 2 : i32
    %mul3A_18 = arith.muli %add3A, %mul3A_17 : i32
    %dma_start3A_19 = arith.constant 0 : i32
    %dma_start3A_20 = arith.constant 0 : i32
    %dma_start3A_21 = tpu.memref_slice %arg3[%mul3A_18, %dma_start3A_19, %dma_start3A_20] : memref<64x40x125xi32, #tpu.memory_space<hbm>> -> memref<1x40x125xi32, #tpu.memory_space<hbm>>
    %dma_start3A_22 = tpu.memref_squeeze %dma_start3A_21 : memref<1x40x125xi32, #tpu.memory_space<hbm>> -> memref<40x125xi32, #tpu.memory_space<hbm>>
    %dma_start3A_23 = arith.constant 0 : i32
    %dma_start3A_24 = arith.constant 0 : i32
    %dma_start3A_25 = tpu.memref_slice %arg3[%mul3A_18, %dma_start3A_23, %dma_start3A_24] : memref<64x40x125xi32, #tpu.memory_space<hbm>> -> memref<1x40x125xi32, #tpu.memory_space<hbm>>
    %dma_start3A_26 = tpu.memref_squeeze %dma_start3A_25 : memref<1x40x125xi32, #tpu.memory_space<hbm>> -> memref<40x125xi32, #tpu.memory_space<hbm>>
    tpu.enqueue_dma source(%dma_start3A_26 : memref<40x125xi32, #tpu.memory_space<hbm>>) target(%arg8 : memref<40x125xi32, #tpu.memory_space<vmem>>) target_semaphore(%arg13 : memref<!tpu.dma_semaphore, #tpu.memory_space<semaphore_mem>>)
    %broadcast_in_dim3A = arith.constant 1.000000e+00 : f32
    %broadcast_in_dim3A_27 = vector.broadcast %broadcast_in_dim3A : f32 to vector<16xf32>
    %mul3A_28 = arith.constant 2 : i32
    %mul3A_29 = arith.muli %add3A, %mul3A_28 : i32
    %dma_wait3A = arith.constant 0 : i32
    %dma_wait3A_30 = arith.constant 0 : i32
    %dma_wait3A_31 = tpu.memref_slice %arg2[%mul3A_29, %dma_wait3A, %dma_wait3A_30] : memref<64x40x125xi32, #tpu.memory_space<hbm>> -> memref<1x40x125xi32, #tpu.memory_space<hbm>>
    %dma_wait3A_32 = tpu.memref_squeeze %dma_wait3A_31 : memref<1x40x125xi32, #tpu.memory_space<hbm>> -> memref<40x125xi32, #tpu.memory_space<hbm>>
    %dma_wait3A_33 = arith.constant 0 : i32
    %dma_wait3A_34 = arith.constant 0 : i32
    %dma_wait3A_35 = tpu.memref_slice %arg2[%mul3A_29, %dma_wait3A_33, %dma_wait3A_34] : memref<64x40x125xi32, #tpu.memory_space<hbm>> -> memref<1x40x125xi32, #tpu.memory_space<hbm>>
    %dma_wait3A_36 = tpu.memref_squeeze %dma_wait3A_35 : memref<1x40x125xi32, #tpu.memory_space<hbm>> -> memref<40x125xi32, #tpu.memory_space<hbm>>
    tpu.wait_dma2 semaphore(%arg12 : memref<!tpu.dma_semaphore, #tpu.memory_space<semaphore_mem>>) src(%dma_wait3A_36 : memref<40x125xi32, #tpu.memory_space<hbm>>) dst(%arg7 : memref<40x125xi32, #tpu.memory_space<vmem>>)
    %mul3A_37 = arith.constant 2 : i32
    %mul3A_38 = arith.muli %add3A, %mul3A_37 : i32
    %dma_wait3A_39 = arith.constant 0 : i32
    %dma_wait3A_40 = arith.constant 0 : i32
    %dma_wait3A_41 = tpu.memref_slice %arg3[%mul3A_38, %dma_wait3A_39, %dma_wait3A_40] : memref<64x40x125xi32, #tpu.memory_space<hbm>> -> memref<1x40x125xi32, #tpu.memory_space<hbm>>
    %dma_wait3A_42 = tpu.memref_squeeze %dma_wait3A_41 : memref<1x40x125xi32, #tpu.memory_space<hbm>> -> memref<40x125xi32, #tpu.memory_space<hbm>>
    %dma_wait3A_43 = arith.constant 0 : i32
    %dma_wait3A_44 = arith.constant 0 : i32
    %dma_wait3A_45 = tpu.memref_slice %arg3[%mul3A_38, %dma_wait3A_43, %dma_wait3A_44] : memref<64x40x125xi32, #tpu.memory_space<hbm>> -> memref<1x40x125xi32, #tpu.memory_space<hbm>>
    %dma_wait3A_46 = tpu.memref_squeeze %dma_wait3A_45 : memref<1x40x125xi32, #tpu.memory_space<hbm>> -> memref<40x125xi32, #tpu.memory_space<hbm>>
    tpu.wait_dma2 semaphore(%arg13 : memref<!tpu.dma_semaphore, #tpu.memory_space<semaphore_mem>>) src(%dma_wait3A_46 : memref<40x125xi32, #tpu.memory_space<hbm>>) dst(%arg8 : memref<40x125xi32, #tpu.memory_space<vmem>>)
    %mul3A_47 = arith.constant 632 : i32
    %mul3A_48 = arith.muli %arg1, %mul3A_47 : i32
    %dma_wait3A_49 = arith.constant 0 : i32
    %dma_wait3A_50 = tpu.memref_slice %arg11[%mul3A_48, %dma_wait3A_49] : memref<10112x128xf32, #tpu.memory_space<vmem_shared>> -> memref<632x128xf32, #tpu.memory_space<vmem_shared>>
    %dma_wait3A_51 = arith.constant 0 : i32
    %dma_wait3A_52 = arith.constant 0 : i32
    %dma_wait3A_53 = tpu.memref_slice %arg5[%dma_wait3A_51, %dma_wait3A_52] : memref<632x128xf32, #tpu.memory_space<hbm>> -> memref<632x128xf32, #tpu.memory_space<hbm>>
    tpu.wait_dma2 semaphore(%arg14 : memref<!tpu.dma_semaphore, #tpu.memory_space<semaphore_mem>>) src(%dma_wait3A_53 : memref<632x128xf32, #tpu.memory_space<hbm>>) dst(%dma_wait3A_50 : memref<632x128xf32, #tpu.memory_space<vmem_shared>>)
    %barrier3A = arith.constant 0 : index
    tpu.barrier barrier_id(%barrier3A)
    %dma_start3A_54 = arith.constant 0 : i32
    %dma_start3A_55 = arith.constant 0 : i32
    %dma_start3A_56 = tpu.memref_slice %arg7[%dma_start3A_54, %dma_start3A_55] : memref<40x125xi32, #tpu.memory_space<vmem>> -> memref<1x125xi32, #tpu.memory_space<vmem>>
    %dma_start3A_57 = tpu.memref_squeeze %dma_start3A_56 : memref<1x125xi32, #tpu.memory_space<vmem>> -> memref<125xi32, #tpu.memory_space<vmem>>
    %dma_start3A_58 = arith.constant 0 : i32
    %dma_start3A_59 = arith.constant 0 : i32
    %dma_start3A_60 = tpu.memref_slice %arg4[%dma_start3A_58, %dma_start3A_59] : memref<5120x128xf32, #tpu.memory_space<hbm>> -> memref<5120x128xf32, #tpu.memory_space<hbm>>
    tpu.enqueue_indirect_dma source(%dma_start3A_60 : memref<5120x128xf32, #tpu.memory_space<hbm>>) target(%arg9 : memref<125x128xf32, #tpu.memory_space<vmem>>) offsets(%dma_start3A_57 : memref<125xi32, #tpu.memory_space<vmem>>) semaphore(%arg12 : memref<!tpu.dma_semaphore, #tpu.memory_space<semaphore_mem>>)
    %dma_start3A_61 = arith.constant 1 : i32
    %dma_start3A_62 = arith.constant 0 : i32
    %dma_start3A_63 = tpu.memref_slice %arg7[%dma_start3A_61, %dma_start3A_62] : memref<40x125xi32, #tpu.memory_space<vmem>> -> memref<1x125xi32, #tpu.memory_space<vmem>>
    %dma_start3A_64 = tpu.memref_squeeze %dma_start3A_63 : memref<1x125xi32, #tpu.memory_space<vmem>> -> memref<125xi32, #tpu.memory_space<vmem>>
    %dma_start3A_65 = arith.constant 0 : i32
    %dma_start3A_66 = arith.constant 0 : i32
    %dma_start3A_67 = tpu.memref_slice %arg4[%dma_start3A_65, %dma_start3A_66] : memref<5120x128xf32, #tpu.memory_space<hbm>> -> memref<5120x128xf32, #tpu.memory_space<hbm>>
    tpu.enqueue_indirect_dma source(%dma_start3A_67 : memref<5120x128xf32, #tpu.memory_space<hbm>>) target(%arg10 : memref<125x128xf32, #tpu.memory_space<vmem>>) offsets(%dma_start3A_64 : memref<125xi32, #tpu.memory_space<vmem>>) semaphore(%arg13 : memref<!tpu.dma_semaphore, #tpu.memory_space<semaphore_mem>>)
    %scan3A = arith.constant 0 : i32
    %scan3A_68 = arith.constant 19 : i32
    %scan3A_69 = arith.addi %scan3A, %scan3A_68 : i32
    %scan3A_70 = arith.constant 1 : i32
    scf.for %scan3A_138 = %scan3A to %scan3A_69 step %scan3A_70  : i32 {
      %mul3A_139 = arith.constant 2 : i32
      %mul3A_140 = arith.muli %mul3A_139, %scan3A_138 : i32
      %dma_wait3A_141 = arith.constant 0 : i32
      %dma_wait3A_142 = tpu.memref_slice %arg7[%mul3A_140, %dma_wait3A_141] : memref<40x125xi32, #tpu.memory_space<vmem>> -> memref<1x125xi32, #tpu.memory_space<vmem>>
      %dma_wait3A_143 = tpu.memref_squeeze %dma_wait3A_142 : memref<1x125xi32, #tpu.memory_space<vmem>> -> memref<125xi32, #tpu.memory_space<vmem>>
      %dma_wait3A_144 = arith.constant 0 : i32
      %dma_wait3A_145 = arith.constant 0 : i32
      %dma_wait3A_146 = tpu.memref_slice %arg4[%dma_wait3A_144, %dma_wait3A_145] : memref<5120x128xf32, #tpu.memory_space<hbm>> -> memref<5120x128xf32, #tpu.memory_space<hbm>>
      tpu.wait_indirect_dma semaphore(%arg12 : memref<!tpu.dma_semaphore, #tpu.memory_space<semaphore_mem>>) src(%dma_wait3A_146 : memref<5120x128xf32, #tpu.memory_space<hbm>>) dst(%arg9 : memref<125x128xf32, #tpu.memory_space<vmem>>)
      "tpu.region"() ({
        %run_scoped3A_173 = tpu.sem_alloc : memref<!tpu.dma_semaphore, #tpu.memory_space<semaphore_mem>>
        %dma_start3A_174 = arith.constant 0 : i32
        %dma_start3A_175 = tpu.memref_slice %arg8[%mul3A_140, %dma_start3A_174] : memref<40x125xi32, #tpu.memory_space<vmem>> -> memref<1x125xi32, #tpu.memory_space<vmem>>
        %dma_start3A_176 = tpu.memref_squeeze %dma_start3A_175 : memref<1x125xi32, #tpu.memory_space<vmem>> -> memref<125xi32, #tpu.memory_space<vmem>>
        %dma_start3A_177 = arith.constant 0 : i32
        %dma_start3A_178 = arith.constant 0 : i32
        %dma_start3A_179 = tpu.memref_slice %arg11[%dma_start3A_177, %dma_start3A_178] : memref<10112x128xf32, #tpu.memory_space<vmem_shared>> -> memref<10112x128xf32, #tpu.memory_space<vmem_shared>>
        tpu.enqueue_indirect_dma source(%arg9 : memref<125x128xf32, #tpu.memory_space<vmem>>) target(%dma_start3A_179 : memref<10112x128xf32, #tpu.memory_space<vmem_shared>>) offsets(%dma_start3A_176 : memref<125xi32, #tpu.memory_space<vmem>>) semaphore(%run_scoped3A_173 : memref<!tpu.dma_semaphore, #tpu.memory_space<semaphore_mem>>) {add = true}
        %dma_wait3A_180 = arith.constant 0 : i32
        %dma_wait3A_181 = tpu.memref_slice %arg8[%mul3A_140, %dma_wait3A_180] : memref<40x125xi32, #tpu.memory_space<vmem>> -> memref<1x125xi32, #tpu.memory_space<vmem>>
        %dma_wait3A_182 = tpu.memref_squeeze %dma_wait3A_181 : memref<1x125xi32, #tpu.memory_space<vmem>> -> memref<125xi32, #tpu.memory_space<vmem>>
        %dma_wait3A_183 = arith.constant 0 : i32
        %dma_wait3A_184 = arith.constant 0 : i32
        %dma_wait3A_185 = tpu.memref_slice %arg11[%dma_wait3A_183, %dma_wait3A_184] : memref<10112x128xf32, #tpu.memory_space<vmem_shared>> -> memref<10112x128xf32, #tpu.memory_space<vmem_shared>>
        tpu.wait_indirect_dma semaphore(%run_scoped3A_173 : memref<!tpu.dma_semaphore, #tpu.memory_space<semaphore_mem>>) src(%arg9 : memref<125x128xf32, #tpu.memory_space<vmem>>) dst(%dma_wait3A_185 : memref<10112x128xf32, #tpu.memory_space<vmem_shared>>)
        tpu.yield
      }) : () -> ()
      %add3A_147 = arith.constant 2 : i32
      %add3A_148 = arith.addi %mul3A_140, %add3A_147 : i32
      %dma_start3A_149 = arith.constant 0 : i32
      %dma_start3A_150 = tpu.memref_slice %arg7[%add3A_148, %dma_start3A_149] : memref<40x125xi32, #tpu.memory_space<vmem>> -> memref<1x125xi32, #tpu.memory_space<vmem>>
      %dma_start3A_151 = tpu.memref_squeeze %dma_start3A_150 : memref<1x125xi32, #tpu.memory_space<vmem>> -> memref<125xi32, #tpu.memory_space<vmem>>
      %dma_start3A_152 = arith.constant 0 : i32
      %dma_start3A_153 = arith.constant 0 : i32
      %dma_start3A_154 = tpu.memref_slice %arg4[%dma_start3A_152, %dma_start3A_153] : memref<5120x128xf32, #tpu.memory_space<hbm>> -> memref<5120x128xf32, #tpu.memory_space<hbm>>
      tpu.enqueue_indirect_dma source(%dma_start3A_154 : memref<5120x128xf32, #tpu.memory_space<hbm>>) target(%arg9 : memref<125x128xf32, #tpu.memory_space<vmem>>) offsets(%dma_start3A_151 : memref<125xi32, #tpu.memory_space<vmem>>) semaphore(%arg12 : memref<!tpu.dma_semaphore, #tpu.memory_space<semaphore_mem>>)
      %add3A_155 = arith.constant 1 : i32
      %add3A_156 = arith.addi %mul3A_140, %add3A_155 : i32
      %dma_wait3A_157 = arith.constant 0 : i32
      %dma_wait3A_158 = tpu.memref_slice %arg7[%add3A_156, %dma_wait3A_157] : memref<40x125xi32, #tpu.memory_space<vmem>> -> memref<1x125xi32, #tpu.memory_space<vmem>>
      %dma_wait3A_159 = tpu.memref_squeeze %dma_wait3A_158 : memref<1x125xi32, #tpu.memory_space<vmem>> -> memref<125xi32, #tpu.memory_space<vmem>>
      %dma_wait3A_160 = arith.constant 0 : i32
      %dma_wait3A_161 = arith.constant 0 : i32
      %dma_wait3A_162 = tpu.memref_slice %arg4[%dma_wait3A_160, %dma_wait3A_161] : memref<5120x128xf32, #tpu.memory_space<hbm>> -> memref<5120x128xf32, #tpu.memory_space<hbm>>
      tpu.wait_indirect_dma semaphore(%arg13 : memref<!tpu.dma_semaphore, #tpu.memory_space<semaphore_mem>>) src(%dma_wait3A_162 : memref<5120x128xf32, #tpu.memory_space<hbm>>) dst(%arg10 : memref<125x128xf32, #tpu.memory_space<vmem>>)
      %add3A_163 = arith.constant 1 : i32
      %add3A_164 = arith.addi %mul3A_140, %add3A_163 : i32
      "tpu.region"() ({
        %run_scoped3A_173 = tpu.sem_alloc : memref<!tpu.dma_semaphore, #tpu.memory_space<semaphore_mem>>
        %dma_start3A_174 = arith.constant 0 : i32
        %dma_start3A_175 = tpu.memref_slice %arg8[%add3A_164, %dma_start3A_174] : memref<40x125xi32, #tpu.memory_space<vmem>> -> memref<1x125xi32, #tpu.memory_space<vmem>>
        %dma_start3A_176 = tpu.memref_squeeze %dma_start3A_175 : memref<1x125xi32, #tpu.memory_space<vmem>> -> memref<125xi32, #tpu.memory_space<vmem>>
        %dma_start3A_177 = arith.constant 0 : i32
        %dma_start3A_178 = arith.constant 0 : i32
        %dma_start3A_179 = tpu.memref_slice %arg11[%dma_start3A_177, %dma_start3A_178] : memref<10112x128xf32, #tpu.memory_space<vmem_shared>> -> memref<10112x128xf32, #tpu.memory_space<vmem_shared>>
        tpu.enqueue_indirect_dma source(%arg10 : memref<125x128xf32, #tpu.memory_space<vmem>>) target(%dma_start3A_179 : memref<10112x128xf32, #tpu.memory_space<vmem_shared>>) offsets(%dma_start3A_176 : memref<125xi32, #tpu.memory_space<vmem>>) semaphore(%run_scoped3A_173 : memref<!tpu.dma_semaphore, #tpu.memory_space<semaphore_mem>>) {add = true}
        %dma_wait3A_180 = arith.constant 0 : i32
        %dma_wait3A_181 = tpu.memref_slice %arg8[%add3A_164, %dma_wait3A_180] : memref<40x125xi32, #tpu.memory_space<vmem>> -> memref<1x125xi32, #tpu.memory_space<vmem>>
        %dma_wait3A_182 = tpu.memref_squeeze %dma_wait3A_181 : memref<1x125xi32, #tpu.memory_space<vmem>> -> memref<125xi32, #tpu.memory_space<vmem>>
        %dma_wait3A_183 = arith.constant 0 : i32
        %dma_wait3A_184 = arith.constant 0 : i32
        %dma_wait3A_185 = tpu.memref_slice %arg11[%dma_wait3A_183, %dma_wait3A_184] : memref<10112x128xf32, #tpu.memory_space<vmem_shared>> -> memref<10112x128xf32, #tpu.memory_space<vmem_shared>>
        tpu.wait_indirect_dma semaphore(%run_scoped3A_173 : memref<!tpu.dma_semaphore, #tpu.memory_space<semaphore_mem>>) src(%arg10 : memref<125x128xf32, #tpu.memory_space<vmem>>) dst(%dma_wait3A_185 : memref<10112x128xf32, #tpu.memory_space<vmem_shared>>)
        tpu.yield
      }) : () -> ()
      %add3A_165 = arith.constant 3 : i32
      %add3A_166 = arith.addi %mul3A_140, %add3A_165 : i32
      %dma_start3A_167 = arith.constant 0 : i32
      %dma_start3A_168 = tpu.memref_slice %arg7[%add3A_166, %dma_start3A_167] : memref<40x125xi32, #tpu.memory_space<vmem>> -> memref<1x125xi32, #tpu.memory_space<vmem>>
      %dma_start3A_169 = tpu.memref_squeeze %dma_start3A_168 : memref<1x125xi32, #tpu.memory_space<vmem>> -> memref<125xi32, #tpu.memory_space<vmem>>
      %dma_start3A_170 = arith.constant 0 : i32
      %dma_start3A_171 = arith.constant 0 : i32
      %dma_start3A_172 = tpu.memref_slice %arg4[%dma_start3A_170, %dma_start3A_171] : memref<5120x128xf32, #tpu.memory_space<hbm>> -> memref<5120x128xf32, #tpu.memory_space<hbm>>
      tpu.enqueue_indirect_dma source(%dma_start3A_172 : memref<5120x128xf32, #tpu.memory_space<hbm>>) target(%arg10 : memref<125x128xf32, #tpu.memory_space<vmem>>) offsets(%dma_start3A_169 : memref<125xi32, #tpu.memory_space<vmem>>) semaphore(%arg13 : memref<!tpu.dma_semaphore, #tpu.memory_space<semaphore_mem>>)
    }
    %scan3A_71 = arith.constant 19 : i32
    %dma_wait3A_72 = arith.constant 38 : i32
    %dma_wait3A_73 = arith.constant 0 : i32
    %dma_wait3A_74 = tpu.memref_slice %arg7[%dma_wait3A_72, %dma_wait3A_73] : memref<40x125xi32, #tpu.memory_space<vmem>> -> memref<1x125xi32, #tpu.memory_space<vmem>>
    %dma_wait3A_75 = tpu.memref_squeeze %dma_wait3A_74 : memref<1x125xi32, #tpu.memory_space<vmem>> -> memref<125xi32, #tpu.memory_space<vmem>>
    %dma_wait3A_76 = arith.constant 0 : i32
    %dma_wait3A_77 = arith.constant 0 : i32
    %dma_wait3A_78 = tpu.memref_slice %arg4[%dma_wait3A_76, %dma_wait3A_77] : memref<5120x128xf32, #tpu.memory_space<hbm>> -> memref<5120x128xf32, #tpu.memory_space<hbm>>
    tpu.wait_indirect_dma semaphore(%arg12 : memref<!tpu.dma_semaphore, #tpu.memory_space<semaphore_mem>>) src(%dma_wait3A_78 : memref<5120x128xf32, #tpu.memory_space<hbm>>) dst(%arg9 : memref<125x128xf32, #tpu.memory_space<vmem>>)
    %run_scoped3A = arith.constant 38 : i32
    "tpu.region"() ({
      %run_scoped3A_138 = tpu.sem_alloc : memref<!tpu.dma_semaphore, #tpu.memory_space<semaphore_mem>>
      %dma_start3A_139 = arith.constant 0 : i32
      %dma_start3A_140 = tpu.memref_slice %arg8[%run_scoped3A, %dma_start3A_139] : memref<40x125xi32, #tpu.memory_space<vmem>> -> memref<1x125xi32, #tpu.memory_space<vmem>>
      %dma_start3A_141 = tpu.memref_squeeze %dma_start3A_140 : memref<1x125xi32, #tpu.memory_space<vmem>> -> memref<125xi32, #tpu.memory_space<vmem>>
      %dma_start3A_142 = arith.constant 0 : i32
      %dma_start3A_143 = arith.constant 0 : i32
      %dma_start3A_144 = tpu.memref_slice %arg11[%dma_start3A_142, %dma_start3A_143] : memref<10112x128xf32, #tpu.memory_space<vmem_shared>> -> memref<10112x128xf32, #tpu.memory_space<vmem_shared>>
      tpu.enqueue_indirect_dma source(%arg9 : memref<125x128xf32, #tpu.memory_space<vmem>>) target(%dma_start3A_144 : memref<10112x128xf32, #tpu.memory_space<vmem_shared>>) offsets(%dma_start3A_141 : memref<125xi32, #tpu.memory_space<vmem>>) semaphore(%run_scoped3A_138 : memref<!tpu.dma_semaphore, #tpu.memory_space<semaphore_mem>>) {add = true}
      %dma_wait3A_145 = arith.constant 0 : i32
      %dma_wait3A_146 = tpu.memref_slice %arg8[%run_scoped3A, %dma_wait3A_145] : memref<40x125xi32, #tpu.memory_space<vmem>> -> memref<1x125xi32, #tpu.memory_space<vmem>>
      %dma_wait3A_147 = tpu.memref_squeeze %dma_wait3A_146 : memref<1x125xi32, #tpu.memory_space<vmem>> -> memref<125xi32, #tpu.memory_space<vmem>>
      %dma_wait3A_148 = arith.constant 0 : i32
      %dma_wait3A_149 = arith.constant 0 : i32
      %dma_wait3A_150 = tpu.memref_slice %arg11[%dma_wait3A_148, %dma_wait3A_149] : memref<10112x128xf32, #tpu.memory_space<vmem_shared>> -> memref<10112x128xf32, #tpu.memory_space<vmem_shared>>
      tpu.wait_indirect_dma semaphore(%run_scoped3A_138 : memref<!tpu.dma_semaphore, #tpu.memory_space<semaphore_mem>>) src(%arg9 : memref<125x128xf32, #tpu.memory_space<vmem>>) dst(%dma_wait3A_150 : memref<10112x128xf32, #tpu.memory_space<vmem_shared>>)
      tpu.yield
    }) : () -> ()
    %dma_wait3A_79 = arith.constant 39 : i32
    %dma_wait3A_80 = arith.constant 0 : i32
    %dma_wait3A_81 = tpu.memref_slice %arg7[%dma_wait3A_79, %dma_wait3A_80] : memref<40x125xi32, #tpu.memory_space<vmem>> -> memref<1x125xi32, #tpu.memory_space<vmem>>
    %dma_wait3A_82 = tpu.memref_squeeze %dma_wait3A_81 : memref<1x125xi32, #tpu.memory_space<vmem>> -> memref<125xi32, #tpu.memory_space<vmem>>
    %dma_wait3A_83 = arith.constant 0 : i32
    %dma_wait3A_84 = arith.constant 0 : i32
    %dma_wait3A_85 = tpu.memref_slice %arg4[%dma_wait3A_83, %dma_wait3A_84] : memref<5120x128xf32, #tpu.memory_space<hbm>> -> memref<5120x128xf32, #tpu.memory_space<hbm>>
    tpu.wait_indirect_dma semaphore(%arg13 : memref<!tpu.dma_semaphore, #tpu.memory_space<semaphore_mem>>) src(%dma_wait3A_85 : memref<5120x128xf32, #tpu.memory_space<hbm>>) dst(%arg10 : memref<125x128xf32, #tpu.memory_space<vmem>>)
    %run_scoped3A_86 = arith.constant 39 : i32
    "tpu.region"() ({
      %run_scoped3A_138 = tpu.sem_alloc : memref<!tpu.dma_semaphore, #tpu.memory_space<semaphore_mem>>
      %dma_start3A_139 = arith.constant 0 : i32
      %dma_start3A_140 = tpu.memref_slice %arg8[%run_scoped3A_86, %dma_start3A_139] : memref<40x125xi32, #tpu.memory_space<vmem>> -> memref<1x125xi32, #tpu.memory_space<vmem>>
      %dma_start3A_141 = tpu.memref_squeeze %dma_start3A_140 : memref<1x125xi32, #tpu.memory_space<vmem>> -> memref<125xi32, #tpu.memory_space<vmem>>
      %dma_start3A_142 = arith.constant 0 : i32
      %dma_start3A_143 = arith.constant 0 : i32
      %dma_start3A_144 = tpu.memref_slice %arg11[%dma_start3A_142, %dma_start3A_143] : memref<10112x128xf32, #tpu.memory_space<vmem_shared>> -> memref<10112x128xf32, #tpu.memory_space<vmem_shared>>
      tpu.enqueue_indirect_dma source(%arg10 : memref<125x128xf32, #tpu.memory_space<vmem>>) target(%dma_start3A_144 : memref<10112x128xf32, #tpu.memory_space<vmem_shared>>) offsets(%dma_start3A_141 : memref<125xi32, #tpu.memory_space<vmem>>) semaphore(%run_scoped3A_138 : memref<!tpu.dma_semaphore, #tpu.memory_space<semaphore_mem>>) {add = true}
      %dma_wait3A_145 = arith.constant 0 : i32
      %dma_wait3A_146 = tpu.memref_slice %arg8[%run_scoped3A_86, %dma_wait3A_145] : memref<40x125xi32, #tpu.memory_space<vmem>> -> memref<1x125xi32, #tpu.memory_space<vmem>>
      %dma_wait3A_147 = tpu.memref_squeeze %dma_wait3A_146 : memref<1x125xi32, #tpu.memory_space<vmem>> -> memref<125xi32, #tpu.memory_space<vmem>>
      %dma_wait3A_148 = arith.constant 0 : i32
      %dma_wait3A_149 = arith.constant 0 : i32
      %dma_wait3A_150 = tpu.memref_slice %arg11[%dma_wait3A_148, %dma_wait3A_149] : memref<10112x128xf32, #tpu.memory_space<vmem_shared>> -> memref<10112x128xf32, #tpu.memory_space<vmem_shared>>
      tpu.wait_indirect_dma semaphore(%run_scoped3A_138 : memref<!tpu.dma_semaphore, #tpu.memory_space<semaphore_mem>>) src(%arg10 : memref<125x128xf32, #tpu.memory_space<vmem>>) dst(%dma_wait3A_150 : memref<10112x128xf32, #tpu.memory_space<vmem_shared>>)
      tpu.yield
    }) : () -> ()
    %mul3A_87 = arith.constant 2 : i32
    %mul3A_88 = arith.muli %add3A, %mul3A_87 : i32
    %add3A_89 = arith.constant 1 : i32
    %add3A_90 = arith.addi %mul3A_88, %add3A_89 : i32
    "tpu.region"() ({
      %run_scoped3A_138 = tpu.sem_alloc : memref<!tpu.dma_semaphore, #tpu.memory_space<semaphore_mem>>
      %dma_start3A_139 = arith.constant 0 : i32
      %dma_start3A_140 = arith.constant 0 : i32
      %dma_start3A_141 = tpu.memref_slice %arg2[%add3A_90, %dma_start3A_139, %dma_start3A_140] : memref<64x40x125xi32, #tpu.memory_space<hbm>> -> memref<1x40x125xi32, #tpu.memory_space<hbm>>
      %dma_start3A_142 = tpu.memref_squeeze %dma_start3A_141 : memref<1x40x125xi32, #tpu.memory_space<hbm>> -> memref<40x125xi32, #tpu.memory_space<hbm>>
      %dma_start3A_143 = arith.constant 0 : i32
      %dma_start3A_144 = arith.constant 0 : i32
      %dma_start3A_145 = tpu.memref_slice %arg2[%add3A_90, %dma_start3A_143, %dma_start3A_144] : memref<64x40x125xi32, #tpu.memory_space<hbm>> -> memref<1x40x125xi32, #tpu.memory_space<hbm>>
      %dma_start3A_146 = tpu.memref_squeeze %dma_start3A_145 : memref<1x40x125xi32, #tpu.memory_space<hbm>> -> memref<40x125xi32, #tpu.memory_space<hbm>>
      tpu.enqueue_dma source(%dma_start3A_146 : memref<40x125xi32, #tpu.memory_space<hbm>>) target(%arg7 : memref<40x125xi32, #tpu.memory_space<vmem>>) target_semaphore(%run_scoped3A_138 : memref<!tpu.dma_semaphore, #tpu.memory_space<semaphore_mem>>)
      %dma_wait3A_147 = arith.constant 0 : i32
      %dma_wait3A_148 = arith.constant 0 : i32
      %dma_wait3A_149 = tpu.memref_slice %arg2[%add3A_90, %dma_wait3A_147, %dma_wait3A_148] : memref<64x40x125xi32, #tpu.memory_space<hbm>> -> memref<1x40x125xi32, #tpu.memory_space<hbm>>
      %dma_wait3A_150 = tpu.memref_squeeze %dma_wait3A_149 : memref<1x40x125xi32, #tpu.memory_space<hbm>> -> memref<40x125xi32, #tpu.memory_space<hbm>>
      %dma_wait3A_151 = arith.constant 0 : i32
      %dma_wait3A_152 = arith.constant 0 : i32
      %dma_wait3A_153 = tpu.memref_slice %arg2[%add3A_90, %dma_wait3A_151, %dma_wait3A_152] : memref<64x40x125xi32, #tpu.memory_space<hbm>> -> memref<1x40x125xi32, #tpu.memory_space<hbm>>
      %dma_wait3A_154 = tpu.memref_squeeze %dma_wait3A_153 : memref<1x40x125xi32, #tpu.memory_space<hbm>> -> memref<40x125xi32, #tpu.memory_space<hbm>>
      tpu.wait_dma2 semaphore(%run_scoped3A_138 : memref<!tpu.dma_semaphore, #tpu.memory_space<semaphore_mem>>) src(%dma_wait3A_154 : memref<40x125xi32, #tpu.memory_space<hbm>>) dst(%arg7 : memref<40x125xi32, #tpu.memory_space<vmem>>)
      tpu.yield
    }) : () -> ()
    %mul3A_91 = arith.constant 2 : i32
    %mul3A_92 = arith.muli %add3A, %mul3A_91 : i32
    %add3A_93 = arith.constant 1 : i32
    %add3A_94 = arith.addi %mul3A_92, %add3A_93 : i32
    "tpu.region"() ({
      %run_scoped3A_138 = tpu.sem_alloc : memref<!tpu.dma_semaphore, #tpu.memory_space<semaphore_mem>>
      %dma_start3A_139 = arith.constant 0 : i32
      %dma_start3A_140 = arith.constant 0 : i32
      %dma_start3A_141 = tpu.memref_slice %arg3[%add3A_94, %dma_start3A_139, %dma_start3A_140] : memref<64x40x125xi32, #tpu.memory_space<hbm>> -> memref<1x40x125xi32, #tpu.memory_space<hbm>>
      %dma_start3A_142 = tpu.memref_squeeze %dma_start3A_141 : memref<1x40x125xi32, #tpu.memory_space<hbm>> -> memref<40x125xi32, #tpu.memory_space<hbm>>
      %dma_start3A_143 = arith.constant 0 : i32
      %dma_start3A_144 = arith.constant 0 : i32
      %dma_start3A_145 = tpu.memref_slice %arg3[%add3A_94, %dma_start3A_143, %dma_start3A_144] : memref<64x40x125xi32, #tpu.memory_space<hbm>> -> memref<1x40x125xi32, #tpu.memory_space<hbm>>
      %dma_start3A_146 = tpu.memref_squeeze %dma_start3A_145 : memref<1x40x125xi32, #tpu.memory_space<hbm>> -> memref<40x125xi32, #tpu.memory_space<hbm>>
      tpu.enqueue_dma source(%dma_start3A_146 : memref<40x125xi32, #tpu.memory_space<hbm>>) target(%arg8 : memref<40x125xi32, #tpu.memory_space<vmem>>) target_semaphore(%run_scoped3A_138 : memref<!tpu.dma_semaphore, #tpu.memory_space<semaphore_mem>>)
      %dma_wait3A_147 = arith.constant 0 : i32
      %dma_wait3A_148 = arith.constant 0 : i32
      %dma_wait3A_149 = tpu.memref_slice %arg3[%add3A_94, %dma_wait3A_147, %dma_wait3A_148] : memref<64x40x125xi32, #tpu.memory_space<hbm>> -> memref<1x40x125xi32, #tpu.memory_space<hbm>>
      %dma_wait3A_150 = tpu.memref_squeeze %dma_wait3A_149 : memref<1x40x125xi32, #tpu.memory_space<hbm>> -> memref<40x125xi32, #tpu.memory_space<hbm>>
      %dma_wait3A_151 = arith.constant 0 : i32
      %dma_wait3A_152 = arith.constant 0 : i32
      %dma_wait3A_153 = tpu.memref_slice %arg3[%add3A_94, %dma_wait3A_151, %dma_wait3A_152] : memref<64x40x125xi32, #tpu.memory_space<hbm>> -> memref<1x40x125xi32, #tpu.memory_space<hbm>>
      %dma_wait3A_154 = tpu.memref_squeeze %dma_wait3A_153 : memref<1x40x125xi32, #tpu.memory_space<hbm>> -> memref<40x125xi32, #tpu.memory_space<hbm>>
      tpu.wait_dma2 semaphore(%run_scoped3A_138 : memref<!tpu.dma_semaphore, #tpu.memory_space<semaphore_mem>>) src(%dma_wait3A_154 : memref<40x125xi32, #tpu.memory_space<hbm>>) dst(%arg8 : memref<40x125xi32, #tpu.memory_space<vmem>>)
      tpu.yield
    }) : () -> ()
    %dma_start3A_95 = arith.constant 0 : i32
    %dma_start3A_96 = arith.constant 0 : i32
    %dma_start3A_97 = tpu.memref_slice %arg7[%dma_start3A_95, %dma_start3A_96] : memref<40x125xi32, #tpu.memory_space<vmem>> -> memref<1x125xi32, #tpu.memory_space<vmem>>
    %dma_start3A_98 = tpu.memref_squeeze %dma_start3A_97 : memref<1x125xi32, #tpu.memory_space<vmem>> -> memref<125xi32, #tpu.memory_space<vmem>>
    %dma_start3A_99 = arith.constant 0 : i32
    %dma_start3A_100 = arith.constant 0 : i32
    %dma_start3A_101 = tpu.memref_slice %arg4[%dma_start3A_99, %dma_start3A_100] : memref<5120x128xf32, #tpu.memory_space<hbm>> -> memref<5120x128xf32, #tpu.memory_space<hbm>>
    tpu.enqueue_indirect_dma source(%dma_start3A_101 : memref<5120x128xf32, #tpu.memory_space<hbm>>) target(%arg9 : memref<125x128xf32, #tpu.memory_space<vmem>>) offsets(%dma_start3A_98 : memref<125xi32, #tpu.memory_space<vmem>>) semaphore(%arg12 : memref<!tpu.dma_semaphore, #tpu.memory_space<semaphore_mem>>)
    %dma_start3A_102 = arith.constant 1 : i32
    %dma_start3A_103 = arith.constant 0 : i32
    %dma_start3A_104 = tpu.memref_slice %arg7[%dma_start3A_102, %dma_start3A_103] : memref<40x125xi32, #tpu.memory_space<vmem>> -> memref<1x125xi32, #tpu.memory_space<vmem>>
    %dma_start3A_105 = tpu.memref_squeeze %dma_start3A_104 : memref<1x125xi32, #tpu.memory_space<vmem>> -> memref<125xi32, #tpu.memory_space<vmem>>
    %dma_start3A_106 = arith.constant 0 : i32
    %dma_start3A_107 = arith.constant 0 : i32
    %dma_start3A_108 = tpu.memref_slice %arg4[%dma_start3A_106, %dma_start3A_107] : memref<5120x128xf32, #tpu.memory_space<hbm>> -> memref<5120x128xf32, #tpu.memory_space<hbm>>
    tpu.enqueue_indirect_dma source(%dma_start3A_108 : memref<5120x128xf32, #tpu.memory_space<hbm>>) target(%arg10 : memref<125x128xf32, #tpu.memory_space<vmem>>) offsets(%dma_start3A_105 : memref<125xi32, #tpu.memory_space<vmem>>) semaphore(%arg13 : memref<!tpu.dma_semaphore, #tpu.memory_space<semaphore_mem>>)
    %scan3A_109 = arith.constant 0 : i32
    %scan3A_110 = arith.constant 19 : i32
    %scan3A_111 = arith.addi %scan3A_109, %scan3A_110 : i32
    %scan3A_112 = arith.constant 1 : i32
    scf.for %scan3A_138 = %scan3A_109 to %scan3A_111 step %scan3A_112  : i32 {
      %mul3A_139 = arith.constant 2 : i32
      %mul3A_140 = arith.muli %mul3A_139, %scan3A_138 : i32
      %dma_wait3A_141 = arith.constant 0 : i32
      %dma_wait3A_142 = tpu.memref_slice %arg7[%mul3A_140, %dma_wait3A_141] : memref<40x125xi32, #tpu.memory_space<vmem>> -> memref<1x125xi32, #tpu.memory_space<vmem>>
      %dma_wait3A_143 = tpu.memref_squeeze %dma_wait3A_142 : memref<1x125xi32, #tpu.memory_space<vmem>> -> memref<125xi32, #tpu.memory_space<vmem>>
      %dma_wait3A_144 = arith.constant 0 : i32
      %dma_wait3A_145 = arith.constant 0 : i32
      %dma_wait3A_146 = tpu.memref_slice %arg4[%dma_wait3A_144, %dma_wait3A_145] : memref<5120x128xf32, #tpu.memory_space<hbm>> -> memref<5120x128xf32, #tpu.memory_space<hbm>>
      tpu.wait_indirect_dma semaphore(%arg12 : memref<!tpu.dma_semaphore, #tpu.memory_space<semaphore_mem>>) src(%dma_wait3A_146 : memref<5120x128xf32, #tpu.memory_space<hbm>>) dst(%arg9 : memref<125x128xf32, #tpu.memory_space<vmem>>)
      "tpu.region"() ({
        %run_scoped3A_173 = tpu.sem_alloc : memref<!tpu.dma_semaphore, #tpu.memory_space<semaphore_mem>>
        %dma_start3A_174 = arith.constant 0 : i32
        %dma_start3A_175 = tpu.memref_slice %arg8[%mul3A_140, %dma_start3A_174] : memref<40x125xi32, #tpu.memory_space<vmem>> -> memref<1x125xi32, #tpu.memory_space<vmem>>
        %dma_start3A_176 = tpu.memref_squeeze %dma_start3A_175 : memref<1x125xi32, #tpu.memory_space<vmem>> -> memref<125xi32, #tpu.memory_space<vmem>>
        %dma_start3A_177 = arith.constant 0 : i32
        %dma_start3A_178 = arith.constant 0 : i32
        %dma_start3A_179 = tpu.memref_slice %arg11[%dma_start3A_177, %dma_start3A_178] : memref<10112x128xf32, #tpu.memory_space<vmem_shared>> -> memref<10112x128xf32, #tpu.memory_space<vmem_shared>>
        tpu.enqueue_indirect_dma source(%arg9 : memref<125x128xf32, #tpu.memory_space<vmem>>) target(%dma_start3A_179 : memref<10112x128xf32, #tpu.memory_space<vmem_shared>>) offsets(%dma_start3A_176 : memref<125xi32, #tpu.memory_space<vmem>>) semaphore(%run_scoped3A_173 : memref<!tpu.dma_semaphore, #tpu.memory_space<semaphore_mem>>) {add = true}
        %dma_wait3A_180 = arith.constant 0 : i32
        %dma_wait3A_181 = tpu.memref_slice %arg8[%mul3A_140, %dma_wait3A_180] : memref<40x125xi32, #tpu.memory_space<vmem>> -> memref<1x125xi32, #tpu.memory_space<vmem>>
        %dma_wait3A_182 = tpu.memref_squeeze %dma_wait3A_181 : memref<1x125xi32, #tpu.memory_space<vmem>> -> memref<125xi32, #tpu.memory_space<vmem>>
        %dma_wait3A_183 = arith.constant 0 : i32
        %dma_wait3A_184 = arith.constant 0 : i32
        %dma_wait3A_185 = tpu.memref_slice %arg11[%dma_wait3A_183, %dma_wait3A_184] : memref<10112x128xf32, #tpu.memory_space<vmem_shared>> -> memref<10112x128xf32, #tpu.memory_space<vmem_shared>>
        tpu.wait_indirect_dma semaphore(%run_scoped3A_173 : memref<!tpu.dma_semaphore, #tpu.memory_space<semaphore_mem>>) src(%arg9 : memref<125x128xf32, #tpu.memory_space<vmem>>) dst(%dma_wait3A_185 : memref<10112x128xf32, #tpu.memory_space<vmem_shared>>)
        tpu.yield
      }) : () -> ()
      %add3A_147 = arith.constant 2 : i32
      %add3A_148 = arith.addi %mul3A_140, %add3A_147 : i32
      %dma_start3A_149 = arith.constant 0 : i32
      %dma_start3A_150 = tpu.memref_slice %arg7[%add3A_148, %dma_start3A_149] : memref<40x125xi32, #tpu.memory_space<vmem>> -> memref<1x125xi32, #tpu.memory_space<vmem>>
      %dma_start3A_151 = tpu.memref_squeeze %dma_start3A_150 : memref<1x125xi32, #tpu.memory_space<vmem>> -> memref<125xi32, #tpu.memory_space<vmem>>
      %dma_start3A_152 = arith.constant 0 : i32
      %dma_start3A_153 = arith.constant 0 : i32
      %dma_start3A_154 = tpu.memref_slice %arg4[%dma_start3A_152, %dma_start3A_153] : memref<5120x128xf32, #tpu.memory_space<hbm>> -> memref<5120x128xf32, #tpu.memory_space<hbm>>
      tpu.enqueue_indirect_dma source(%dma_start3A_154 : memref<5120x128xf32, #tpu.memory_space<hbm>>) target(%arg9 : memref<125x128xf32, #tpu.memory_space<vmem>>) offsets(%dma_start3A_151 : memref<125xi32, #tpu.memory_space<vmem>>) semaphore(%arg12 : memref<!tpu.dma_semaphore, #tpu.memory_space<semaphore_mem>>)
      %add3A_155 = arith.constant 1 : i32
      %add3A_156 = arith.addi %mul3A_140, %add3A_155 : i32
      %dma_wait3A_157 = arith.constant 0 : i32
      %dma_wait3A_158 = tpu.memref_slice %arg7[%add3A_156, %dma_wait3A_157] : memref<40x125xi32, #tpu.memory_space<vmem>> -> memref<1x125xi32, #tpu.memory_space<vmem>>
      %dma_wait3A_159 = tpu.memref_squeeze %dma_wait3A_158 : memref<1x125xi32, #tpu.memory_space<vmem>> -> memref<125xi32, #tpu.memory_space<vmem>>
      %dma_wait3A_160 = arith.constant 0 : i32
      %dma_wait3A_161 = arith.constant 0 : i32
      %dma_wait3A_162 = tpu.memref_slice %arg4[%dma_wait3A_160, %dma_wait3A_161] : memref<5120x128xf32, #tpu.memory_space<hbm>> -> memref<5120x128xf32, #tpu.memory_space<hbm>>
      tpu.wait_indirect_dma semaphore(%arg13 : memref<!tpu.dma_semaphore, #tpu.memory_space<semaphore_mem>>) src(%dma_wait3A_162 : memref<5120x128xf32, #tpu.memory_space<hbm>>) dst(%arg10 : memref<125x128xf32, #tpu.memory_space<vmem>>)
      %add3A_163 = arith.constant 1 : i32
      %add3A_164 = arith.addi %mul3A_140, %add3A_163 : i32
      "tpu.region"() ({
        %run_scoped3A_173 = tpu.sem_alloc : memref<!tpu.dma_semaphore, #tpu.memory_space<semaphore_mem>>
        %dma_start3A_174 = arith.constant 0 : i32
        %dma_start3A_175 = tpu.memref_slice %arg8[%add3A_164, %dma_start3A_174] : memref<40x125xi32, #tpu.memory_space<vmem>> -> memref<1x125xi32, #tpu.memory_space<vmem>>
        %dma_start3A_176 = tpu.memref_squeeze %dma_start3A_175 : memref<1x125xi32, #tpu.memory_space<vmem>> -> memref<125xi32, #tpu.memory_space<vmem>>
        %dma_start3A_177 = arith.constant 0 : i32
        %dma_start3A_178 = arith.constant 0 : i32
        %dma_start3A_179 = tpu.memref_slice %arg11[%dma_start3A_177, %dma_start3A_178] : memref<10112x128xf32, #tpu.memory_space<vmem_shared>> -> memref<10112x128xf32, #tpu.memory_space<vmem_shared>>
        tpu.enqueue_indirect_dma source(%arg10 : memref<125x128xf32, #tpu.memory_space<vmem>>) target(%dma_start3A_179 : memref<10112x128xf32, #tpu.memory_space<vmem_shared>>) offsets(%dma_start3A_176 : memref<125xi32, #tpu.memory_space<vmem>>) semaphore(%run_scoped3A_173 : memref<!tpu.dma_semaphore, #tpu.memory_space<semaphore_mem>>) {add = true}
        %dma_wait3A_180 = arith.constant 0 : i32
        %dma_wait3A_181 = tpu.memref_slice %arg8[%add3A_164, %dma_wait3A_180] : memref<40x125xi32, #tpu.memory_space<vmem>> -> memref<1x125xi32, #tpu.memory_space<vmem>>
        %dma_wait3A_182 = tpu.memref_squeeze %dma_wait3A_181 : memref<1x125xi32, #tpu.memory_space<vmem>> -> memref<125xi32, #tpu.memory_space<vmem>>
        %dma_wait3A_183 = arith.constant 0 : i32
        %dma_wait3A_184 = arith.constant 0 : i32
        %dma_wait3A_185 = tpu.memref_slice %arg11[%dma_wait3A_183, %dma_wait3A_184] : memref<10112x128xf32, #tpu.memory_space<vmem_shared>> -> memref<10112x128xf32, #tpu.memory_space<vmem_shared>>
        tpu.wait_indirect_dma semaphore(%run_scoped3A_173 : memref<!tpu.dma_semaphore, #tpu.memory_space<semaphore_mem>>) src(%arg10 : memref<125x128xf32, #tpu.memory_space<vmem>>) dst(%dma_wait3A_185 : memref<10112x128xf32, #tpu.memory_space<vmem_shared>>)
        tpu.yield
      }) : () -> ()
      %add3A_165 = arith.constant 3 : i32
      %add3A_166 = arith.addi %mul3A_140, %add3A_165 : i32
      %dma_start3A_167 = arith.constant 0 : i32
      %dma_start3A_168 = tpu.memref_slice %arg7[%add3A_166, %dma_start3A_167] : memref<40x125xi32, #tpu.memory_space<vmem>> -> memref<1x125xi32, #tpu.memory_space<vmem>>
      %dma_start3A_169 = tpu.memref_squeeze %dma_start3A_168 : memref<1x125xi32, #tpu.memory_space<vmem>> -> memref<125xi32, #tpu.memory_space<vmem>>
      %dma_start3A_170 = arith.constant 0 : i32
      %dma_start3A_171 = arith.constant 0 : i32
      %dma_start3A_172 = tpu.memref_slice %arg4[%dma_start3A_170, %dma_start3A_171] : memref<5120x128xf32, #tpu.memory_space<hbm>> -> memref<5120x128xf32, #tpu.memory_space<hbm>>
      tpu.enqueue_indirect_dma source(%dma_start3A_172 : memref<5120x128xf32, #tpu.memory_space<hbm>>) target(%arg10 : memref<125x128xf32, #tpu.memory_space<vmem>>) offsets(%dma_start3A_169 : memref<125xi32, #tpu.memory_space<vmem>>) semaphore(%arg13 : memref<!tpu.dma_semaphore, #tpu.memory_space<semaphore_mem>>)
    }
    %scan3A_113 = arith.constant 19 : i32
    %dma_wait3A_114 = arith.constant 38 : i32
    %dma_wait3A_115 = arith.constant 0 : i32
    %dma_wait3A_116 = tpu.memref_slice %arg7[%dma_wait3A_114, %dma_wait3A_115] : memref<40x125xi32, #tpu.memory_space<vmem>> -> memref<1x125xi32, #tpu.memory_space<vmem>>
    %dma_wait3A_117 = tpu.memref_squeeze %dma_wait3A_116 : memref<1x125xi32, #tpu.memory_space<vmem>> -> memref<125xi32, #tpu.memory_space<vmem>>
    %dma_wait3A_118 = arith.constant 0 : i32
    %dma_wait3A_119 = arith.constant 0 : i32
    %dma_wait3A_120 = tpu.memref_slice %arg4[%dma_wait3A_118, %dma_wait3A_119] : memref<5120x128xf32, #tpu.memory_space<hbm>> -> memref<5120x128xf32, #tpu.memory_space<hbm>>
    tpu.wait_indirect_dma semaphore(%arg12 : memref<!tpu.dma_semaphore, #tpu.memory_space<semaphore_mem>>) src(%dma_wait3A_120 : memref<5120x128xf32, #tpu.memory_space<hbm>>) dst(%arg9 : memref<125x128xf32, #tpu.memory_space<vmem>>)
    %run_scoped3A_121 = arith.constant 38 : i32
    "tpu.region"() ({
      %run_scoped3A_138 = tpu.sem_alloc : memref<!tpu.dma_semaphore, #tpu.memory_space<semaphore_mem>>
      %dma_start3A_139 = arith.constant 0 : i32
      %dma_start3A_140 = tpu.memref_slice %arg8[%run_scoped3A_121, %dma_start3A_139] : memref<40x125xi32, #tpu.memory_space<vmem>> -> memref<1x125xi32, #tpu.memory_space<vmem>>
      %dma_start3A_141 = tpu.memref_squeeze %dma_start3A_140 : memref<1x125xi32, #tpu.memory_space<vmem>> -> memref<125xi32, #tpu.memory_space<vmem>>
      %dma_start3A_142 = arith.constant 0 : i32
      %dma_start3A_143 = arith.constant 0 : i32
      %dma_start3A_144 = tpu.memref_slice %arg11[%dma_start3A_142, %dma_start3A_143] : memref<10112x128xf32, #tpu.memory_space<vmem_shared>> -> memref<10112x128xf32, #tpu.memory_space<vmem_shared>>
      tpu.enqueue_indirect_dma source(%arg9 : memref<125x128xf32, #tpu.memory_space<vmem>>) target(%dma_start3A_144 : memref<10112x128xf32, #tpu.memory_space<vmem_shared>>) offsets(%dma_start3A_141 : memref<125xi32, #tpu.memory_space<vmem>>) semaphore(%run_scoped3A_138 : memref<!tpu.dma_semaphore, #tpu.memory_space<semaphore_mem>>) {add = true}
      %dma_wait3A_145 = arith.constant 0 : i32
      %dma_wait3A_146 = tpu.memref_slice %arg8[%run_scoped3A_121, %dma_wait3A_145] : memref<40x125xi32, #tpu.memory_space<vmem>> -> memref<1x125xi32, #tpu.memory_space<vmem>>
      %dma_wait3A_147 = tpu.memref_squeeze %dma_wait3A_146 : memref<1x125xi32, #tpu.memory_space<vmem>> -> memref<125xi32, #tpu.memory_space<vmem>>
      %dma_wait3A_148 = arith.constant 0 : i32
      %dma_wait3A_149 = arith.constant 0 : i32
      %dma_wait3A_150 = tpu.memref_slice %arg11[%dma_wait3A_148, %dma_wait3A_149] : memref<10112x128xf32, #tpu.memory_space<vmem_shared>> -> memref<10112x128xf32, #tpu.memory_space<vmem_shared>>
      tpu.wait_indirect_dma semaphore(%run_scoped3A_138 : memref<!tpu.dma_semaphore, #tpu.memory_space<semaphore_mem>>) src(%arg9 : memref<125x128xf32, #tpu.memory_space<vmem>>) dst(%dma_wait3A_150 : memref<10112x128xf32, #tpu.memory_space<vmem_shared>>)
      tpu.yield
    }) : () -> ()
    %dma_wait3A_122 = arith.constant 39 : i32
    %dma_wait3A_123 = arith.constant 0 : i32
    %dma_wait3A_124 = tpu.memref_slice %arg7[%dma_wait3A_122, %dma_wait3A_123] : memref<40x125xi32, #tpu.memory_space<vmem>> -> memref<1x125xi32, #tpu.memory_space<vmem>>
    %dma_wait3A_125 = tpu.memref_squeeze %dma_wait3A_124 : memref<1x125xi32, #tpu.memory_space<vmem>> -> memref<125xi32, #tpu.memory_space<vmem>>
    %dma_wait3A_126 = arith.constant 0 : i32
    %dma_wait3A_127 = arith.constant 0 : i32
    %dma_wait3A_128 = tpu.memref_slice %arg4[%dma_wait3A_126, %dma_wait3A_127] : memref<5120x128xf32, #tpu.memory_space<hbm>> -> memref<5120x128xf32, #tpu.memory_space<hbm>>
    tpu.wait_indirect_dma semaphore(%arg13 : memref<!tpu.dma_semaphore, #tpu.memory_space<semaphore_mem>>) src(%dma_wait3A_128 : memref<5120x128xf32, #tpu.memory_space<hbm>>) dst(%arg10 : memref<125x128xf32, #tpu.memory_space<vmem>>)
    %run_scoped3A_129 = arith.constant 39 : i32
    "tpu.region"() ({
      %run_scoped3A_138 = tpu.sem_alloc : memref<!tpu.dma_semaphore, #tpu.memory_space<semaphore_mem>>
      %dma_start3A_139 = arith.constant 0 : i32
      %dma_start3A_140 = tpu.memref_slice %arg8[%run_scoped3A_129, %dma_start3A_139] : memref<40x125xi32, #tpu.memory_space<vmem>> -> memref<1x125xi32, #tpu.memory_space<vmem>>
      %dma_start3A_141 = tpu.memref_squeeze %dma_start3A_140 : memref<1x125xi32, #tpu.memory_space<vmem>> -> memref<125xi32, #tpu.memory_space<vmem>>
      %dma_start3A_142 = arith.constant 0 : i32
      %dma_start3A_143 = arith.constant 0 : i32
      %dma_start3A_144 = tpu.memref_slice %arg11[%dma_start3A_142, %dma_start3A_143] : memref<10112x128xf32, #tpu.memory_space<vmem_shared>> -> memref<10112x128xf32, #tpu.memory_space<vmem_shared>>
      tpu.enqueue_indirect_dma source(%arg10 : memref<125x128xf32, #tpu.memory_space<vmem>>) target(%dma_start3A_144 : memref<10112x128xf32, #tpu.memory_space<vmem_shared>>) offsets(%dma_start3A_141 : memref<125xi32, #tpu.memory_space<vmem>>) semaphore(%run_scoped3A_138 : memref<!tpu.dma_semaphore, #tpu.memory_space<semaphore_mem>>) {add = true}
      %dma_wait3A_145 = arith.constant 0 : i32
      %dma_wait3A_146 = tpu.memref_slice %arg8[%run_scoped3A_129, %dma_wait3A_145] : memref<40x125xi32, #tpu.memory_space<vmem>> -> memref<1x125xi32, #tpu.memory_space<vmem>>
      %dma_wait3A_147 = tpu.memref_squeeze %dma_wait3A_146 : memref<1x125xi32, #tpu.memory_space<vmem>> -> memref<125xi32, #tpu.memory_space<vmem>>
      %dma_wait3A_148 = arith.constant 0 : i32
      %dma_wait3A_149 = arith.constant 0 : i32
      %dma_wait3A_150 = tpu.memref_slice %arg11[%dma_wait3A_148, %dma_wait3A_149] : memref<10112x128xf32, #tpu.memory_space<vmem_shared>> -> memref<10112x128xf32, #tpu.memory_space<vmem_shared>>
      tpu.wait_indirect_dma semaphore(%run_scoped3A_138 : memref<!tpu.dma_semaphore, #tpu.memory_space<semaphore_mem>>) src(%arg10 : memref<125x128xf32, #tpu.memory_space<vmem>>) dst(%dma_wait3A_150 : memref<10112x128xf32, #tpu.memory_space<vmem_shared>>)
      tpu.yield
    }) : () -> ()
    %barrier3A_130 = arith.constant 0 : index
    tpu.barrier barrier_id(%barrier3A_130)
    %mul3A_131 = arith.constant 632 : i32
    %mul3A_132 = arith.muli %arg1, %mul3A_131 : i32
    %mul3A_133 = arith.constant 10112 : i32
    %mul3A_134 = arith.muli %arg0, %mul3A_133 : i32
    %mul3A_135 = arith.constant 632 : i32
    %mul3A_136 = arith.muli %arg1, %mul3A_135 : i32
    %add3A_137 = arith.addi %mul3A_134, %mul3A_136 : i32
    "tpu.region"() ({
      %run_scoped3A_138 = tpu.sem_alloc : memref<!tpu.dma_semaphore, #tpu.memory_space<semaphore_mem>>
      %dma_start3A_139 = arith.constant 0 : i32
      %dma_start3A_140 = tpu.memref_slice %arg6[%add3A_137, %dma_start3A_139] : memref<20224x128xf32, #tpu.memory_space<hbm>> -> memref<632x128xf32, #tpu.memory_space<hbm>>
      %dma_start3A_141 = arith.constant 0 : i32
      %dma_start3A_142 = tpu.memref_slice %arg11[%mul3A_132, %dma_start3A_141] : memref<10112x128xf32, #tpu.memory_space<vmem_shared>> -> memref<632x128xf32, #tpu.memory_space<vmem_shared>>
      tpu.enqueue_dma source(%dma_start3A_142 : memref<632x128xf32, #tpu.memory_space<vmem_shared>>) target(%dma_start3A_140 : memref<632x128xf32, #tpu.memory_space<hbm>>) target_semaphore(%run_scoped3A_138 : memref<!tpu.dma_semaphore, #tpu.memory_space<semaphore_mem>>)
      %dma_wait3A_143 = arith.constant 0 : i32
      %dma_wait3A_144 = tpu.memref_slice %arg6[%add3A_137, %dma_wait3A_143] : memref<20224x128xf32, #tpu.memory_space<hbm>> -> memref<632x128xf32, #tpu.memory_space<hbm>>
      %dma_wait3A_145 = arith.constant 0 : i32
      %dma_wait3A_146 = tpu.memref_slice %arg11[%mul3A_132, %dma_wait3A_145] : memref<10112x128xf32, #tpu.memory_space<vmem_shared>> -> memref<632x128xf32, #tpu.memory_space<vmem_shared>>
      tpu.wait_dma2 semaphore(%run_scoped3A_138 : memref<!tpu.dma_semaphore, #tpu.memory_space<semaphore_mem>>) src(%dma_wait3A_146 : memref<632x128xf32, #tpu.memory_space<vmem_shared>>) dst(%dma_wait3A_144 : memref<632x128xf32, #tpu.memory_space<hbm>>)
      tpu.yield
    }) : () -> ()
    return
  }
}

#map = affine_map<(d0, d1) -> (0, 0, 0)>
#map1 = affine_map<(d0, d1) -> (0, 0)>
module attributes {stable_mosaic.version = 14 : i64} {
  func.func @hop(%arg0: i32, %arg1: i32, %arg2: memref<64x40x125xi32, #tpu.memory_space<hbm>>, %arg3: memref<64x40x125xi32, #tpu.memory_space<hbm>>, %arg4: memref<5120x128xf32, #tpu.memory_space<hbm>>, %arg5: memref<632x128xf32, #tpu.memory_space<hbm>>, %arg6: memref<20224x128xf32, #tpu.memory_space<hbm>>, %arg7: memref<40x125xi32, #tpu.memory_space<vmem>>, %arg8: memref<40x125xi32, #tpu.memory_space<vmem>>, %arg9: memref<125x128xf32, #tpu.memory_space<vmem>>, %arg10: memref<125x128xf32, #tpu.memory_space<vmem>>, %arg11: memref<10112x128xf32, #tpu.memory_space<vmem_shared>>, %arg12: memref<!tpu.dma_semaphore, #tpu.memory_space<semaphore_mem>>, %arg13: memref<!tpu.dma_semaphore, #tpu.memory_space<semaphore_mem>>, %arg14: memref<!tpu.dma_semaphore, #tpu.memory_space<semaphore_mem>>) attributes {dimension_semantics = [#tpu.dimension_semantics<core_parallel>, #tpu.dimension_semantics<subcore_parallel>], iteration_bounds = array<i64: 2, 16>, scalar_prefetch = 0 : i64, scratch_operands = 8 : i64, tpu.core_type = #tpu.core_type<sc_vector_subcore>, window_params = [{transform_indices = #map}, {transform_indices = #map}, {transform_indices = #map1}, {transform_indices = #map1}, {transform_indices = #map1}]} {
    %mul3A = arith.constant 2 : i32
    %mul3A_0 = arith.muli %arg1, %mul3A : i32
    %add3A = arith.addi %mul3A_0, %arg0 : i32
    %mul3A_1 = arith.constant 632 : i32
    %mul3A_2 = arith.muli %arg1, %mul3A_1 : i32
    %dma_start3A = arith.constant 0 : i32
    %dma_start3A_3 = tpu.memref_slice %arg11[%mul3A_2, %dma_start3A] : memref<10112x128xf32, #tpu.memory_space<vmem_shared>> -> memref<632x128xf32, #tpu.memory_space<vmem_shared>>
    %dma_start3A_4 = arith.constant 0 : i32
    %dma_start3A_5 = arith.constant 0 : i32
    %dma_start3A_6 = tpu.memref_slice %arg5[%dma_start3A_4, %dma_start3A_5] : memref<632x128xf32, #tpu.memory_space<hbm>> -> memref<632x128xf32, #tpu.memory_space<hbm>>
    tpu.enqueue_dma source(%dma_start3A_6 : memref<632x128xf32, #tpu.memory_space<hbm>>) target(%dma_start3A_3 : memref<632x128xf32, #tpu.memory_space<vmem_shared>>) target_semaphore(%arg14 : memref<!tpu.dma_semaphore, #tpu.memory_space<semaphore_mem>>)
    %mul3A_7 = arith.constant 2 : i32
    %mul3A_8 = arith.muli %add3A, %mul3A_7 : i32
    %dma_start3A_9 = arith.constant 0 : i32
    %dma_start3A_10 = arith.constant 0 : i32
    %dma_start3A_11 = tpu.memref_slice %arg2[%mul3A_8, %dma_start3A_9, %dma_start3A_10] : memref<64x40x125xi32, #tpu.memory_space<hbm>> -> memref<1x40x125xi32, #tpu.memory_space<hbm>>
    %dma_start3A_12 = tpu.memref_squeeze %dma_start3A_11 : memref<1x40x125xi32, #tpu.memory_space<hbm>> -> memref<40x125xi32, #tpu.memory_space<hbm>>
    %dma_start3A_13 = arith.constant 0 : i32
    %dma_start3A_14 = arith.constant 0 : i32
    %dma_start3A_15 = tpu.memref_slice %arg2[%mul3A_8, %dma_start3A_13, %dma_start3A_14] : memref<64x40x125xi32, #tpu.memory_space<hbm>> -> memref<1x40x125xi32, #tpu.memory_space<hbm>>
    %dma_start3A_16 = tpu.memref_squeeze %dma_start3A_15 : memref<1x40x125xi32, #tpu.memory_space<hbm>> -> memref<40x125xi32, #tpu.memory_space<hbm>>
    tpu.enqueue_dma source(%dma_start3A_16 : memref<40x125xi32, #tpu.memory_space<hbm>>) target(%arg7 : memref<40x125xi32, #tpu.memory_space<vmem>>) target_semaphore(%arg12 : memref<!tpu.dma_semaphore, #tpu.memory_space<semaphore_mem>>)
    %mul3A_17 = arith.constant 2 : i32
    %mul3A_18 = arith.muli %add3A, %mul3A_17 : i32
    %dma_start3A_19 = arith.constant 0 : i32
    %dma_start3A_20 = arith.constant 0 : i32
    %dma_start3A_21 = tpu.memref_slice %arg3[%mul3A_18, %dma_start3A_19, %dma_start3A_20] : memref<64x40x125xi32, #tpu.memory_space<hbm>> -> memref<1x40x125xi32, #tpu.memory_space<hbm>>
    %dma_start3A_22 = tpu.memref_squeeze %dma_start3A_21 : memref<1x40x125xi32, #tpu.memory_space<hbm>> -> memref<40x125xi32, #tpu.memory_space<hbm>>
    %dma_start3A_23 = arith.constant 0 : i32
    %dma_start3A_24 = arith.constant 0 : i32
    %dma_start3A_25 = tpu.memref_slice %arg3[%mul3A_18, %dma_start3A_23, %dma_start3A_24] : memref<64x40x125xi32, #tpu.memory_space<hbm>> -> memref<1x40x125xi32, #tpu.memory_space<hbm>>
    %dma_start3A_26 = tpu.memref_squeeze %dma_start3A_25 : memref<1x40x125xi32, #tpu.memory_space<hbm>> -> memref<40x125xi32, #tpu.memory_space<hbm>>
    tpu.enqueue_dma source(%dma_start3A_26 : memref<40x125xi32, #tpu.memory_space<hbm>>) target(%arg8 : memref<40x125xi32, #tpu.memory_space<vmem>>) target_semaphore(%arg13 : memref<!tpu.dma_semaphore, #tpu.memory_space<semaphore_mem>>)
    %broadcast_in_dim3A = arith.constant 1.000000e+00 : f32
    %broadcast_in_dim3A_27 = vector.broadcast %broadcast_in_dim3A : f32 to vector<16xf32>
    %mul3A_28 = arith.constant 2 : i32
    %mul3A_29 = arith.muli %add3A, %mul3A_28 : i32
    %dma_wait3A = arith.constant 0 : i32
    %dma_wait3A_30 = arith.constant 0 : i32
    %dma_wait3A_31 = tpu.memref_slice %arg2[%mul3A_29, %dma_wait3A, %dma_wait3A_30] : memref<64x40x125xi32, #tpu.memory_space<hbm>> -> memref<1x40x125xi32, #tpu.memory_space<hbm>>
    %dma_wait3A_32 = tpu.memref_squeeze %dma_wait3A_31 : memref<1x40x125xi32, #tpu.memory_space<hbm>> -> memref<40x125xi32, #tpu.memory_space<hbm>>
    %dma_wait3A_33 = arith.constant 0 : i32
    %dma_wait3A_34 = arith.constant 0 : i32
    %dma_wait3A_35 = tpu.memref_slice %arg2[%mul3A_29, %dma_wait3A_33, %dma_wait3A_34] : memref<64x40x125xi32, #tpu.memory_space<hbm>> -> memref<1x40x125xi32, #tpu.memory_space<hbm>>
    %dma_wait3A_36 = tpu.memref_squeeze %dma_wait3A_35 : memref<1x40x125xi32, #tpu.memory_space<hbm>> -> memref<40x125xi32, #tpu.memory_space<hbm>>
    tpu.wait_dma2 semaphore(%arg12 : memref<!tpu.dma_semaphore, #tpu.memory_space<semaphore_mem>>) src(%dma_wait3A_36 : memref<40x125xi32, #tpu.memory_space<hbm>>) dst(%arg7 : memref<40x125xi32, #tpu.memory_space<vmem>>)
    %mul3A_37 = arith.constant 2 : i32
    %mul3A_38 = arith.muli %add3A, %mul3A_37 : i32
    %dma_wait3A_39 = arith.constant 0 : i32
    %dma_wait3A_40 = arith.constant 0 : i32
    %dma_wait3A_41 = tpu.memref_slice %arg3[%mul3A_38, %dma_wait3A_39, %dma_wait3A_40] : memref<64x40x125xi32, #tpu.memory_space<hbm>> -> memref<1x40x125xi32, #tpu.memory_space<hbm>>
    %dma_wait3A_42 = tpu.memref_squeeze %dma_wait3A_41 : memref<1x40x125xi32, #tpu.memory_space<hbm>> -> memref<40x125xi32, #tpu.memory_space<hbm>>
    %dma_wait3A_43 = arith.constant 0 : i32
    %dma_wait3A_44 = arith.constant 0 : i32
    %dma_wait3A_45 = tpu.memref_slice %arg3[%mul3A_38, %dma_wait3A_43, %dma_wait3A_44] : memref<64x40x125xi32, #tpu.memory_space<hbm>> -> memref<1x40x125xi32, #tpu.memory_space<hbm>>
    %dma_wait3A_46 = tpu.memref_squeeze %dma_wait3A_45 : memref<1x40x125xi32, #tpu.memory_space<hbm>> -> memref<40x125xi32, #tpu.memory_space<hbm>>
    tpu.wait_dma2 semaphore(%arg13 : memref<!tpu.dma_semaphore, #tpu.memory_space<semaphore_mem>>) src(%dma_wait3A_46 : memref<40x125xi32, #tpu.memory_space<hbm>>) dst(%arg8 : memref<40x125xi32, #tpu.memory_space<vmem>>)
    %mul3A_47 = arith.constant 632 : i32
    %mul3A_48 = arith.muli %arg1, %mul3A_47 : i32
    %dma_wait3A_49 = arith.constant 0 : i32
    %dma_wait3A_50 = tpu.memref_slice %arg11[%mul3A_48, %dma_wait3A_49] : memref<10112x128xf32, #tpu.memory_space<vmem_shared>> -> memref<632x128xf32, #tpu.memory_space<vmem_shared>>
    %dma_wait3A_51 = arith.constant 0 : i32
    %dma_wait3A_52 = arith.constant 0 : i32
    %dma_wait3A_53 = tpu.memref_slice %arg5[%dma_wait3A_51, %dma_wait3A_52] : memref<632x128xf32, #tpu.memory_space<hbm>> -> memref<632x128xf32, #tpu.memory_space<hbm>>
    tpu.wait_dma2 semaphore(%arg14 : memref<!tpu.dma_semaphore, #tpu.memory_space<semaphore_mem>>) src(%dma_wait3A_53 : memref<632x128xf32, #tpu.memory_space<hbm>>) dst(%dma_wait3A_50 : memref<632x128xf32, #tpu.memory_space<vmem_shared>>)
    %barrier3A = arith.constant 0 : index
    tpu.barrier barrier_id(%barrier3A)
    %dma_start3A_54 = arith.constant 0 : i32
    %dma_start3A_55 = arith.constant 0 : i32
    %dma_start3A_56 = tpu.memref_slice %arg7[%dma_start3A_54, %dma_start3A_55] : memref<40x125xi32, #tpu.memory_space<vmem>> -> memref<1x125xi32, #tpu.memory_space<vmem>>
    %dma_start3A_57 = tpu.memref_squeeze %dma_start3A_56 : memref<1x125xi32, #tpu.memory_space<vmem>> -> memref<125xi32, #tpu.memory_space<vmem>>
    %dma_start3A_58 = arith.constant 0 : i32
    %dma_start3A_59 = arith.constant 0 : i32
    %dma_start3A_60 = tpu.memref_slice %arg4[%dma_start3A_58, %dma_start3A_59] : memref<5120x128xf32, #tpu.memory_space<hbm>> -> memref<5120x128xf32, #tpu.memory_space<hbm>>
    tpu.enqueue_indirect_dma source(%dma_start3A_60 : memref<5120x128xf32, #tpu.memory_space<hbm>>) target(%arg9 : memref<125x128xf32, #tpu.memory_space<vmem>>) offsets(%dma_start3A_57 : memref<125xi32, #tpu.memory_space<vmem>>) semaphore(%arg12 : memref<!tpu.dma_semaphore, #tpu.memory_space<semaphore_mem>>)
    %dma_start3A_61 = arith.constant 1 : i32
    %dma_start3A_62 = arith.constant 0 : i32
    %dma_start3A_63 = tpu.memref_slice %arg7[%dma_start3A_61, %dma_start3A_62] : memref<40x125xi32, #tpu.memory_space<vmem>> -> memref<1x125xi32, #tpu.memory_space<vmem>>
    %dma_start3A_64 = tpu.memref_squeeze %dma_start3A_63 : memref<1x125xi32, #tpu.memory_space<vmem>> -> memref<125xi32, #tpu.memory_space<vmem>>
    %dma_start3A_65 = arith.constant 0 : i32
    %dma_start3A_66 = arith.constant 0 : i32
    %dma_start3A_67 = tpu.memref_slice %arg4[%dma_start3A_65, %dma_start3A_66] : memref<5120x128xf32, #tpu.memory_space<hbm>> -> memref<5120x128xf32, #tpu.memory_space<hbm>>
    tpu.enqueue_indirect_dma source(%dma_start3A_67 : memref<5120x128xf32, #tpu.memory_space<hbm>>) target(%arg10 : memref<125x128xf32, #tpu.memory_space<vmem>>) offsets(%dma_start3A_64 : memref<125xi32, #tpu.memory_space<vmem>>) semaphore(%arg13 : memref<!tpu.dma_semaphore, #tpu.memory_space<semaphore_mem>>)
    %scan3A = arith.constant 0 : i32
    %scan3A_68 = arith.constant 19 : i32
    %scan3A_69 = arith.addi %scan3A, %scan3A_68 : i32
    %scan3A_70 = arith.constant 1 : i32
    scf.for %scan3A_138 = %scan3A to %scan3A_69 step %scan3A_70  : i32 {
      %mul3A_139 = arith.constant 2 : i32
      %mul3A_140 = arith.muli %mul3A_139, %scan3A_138 : i32
      %dma_wait3A_141 = arith.constant 0 : i32
      %dma_wait3A_142 = tpu.memref_slice %arg7[%mul3A_140, %dma_wait3A_141] : memref<40x125xi32, #tpu.memory_space<vmem>> -> memref<1x125xi32, #tpu.memory_space<vmem>>
      %dma_wait3A_143 = tpu.memref_squeeze %dma_wait3A_142 : memref<1x125xi32, #tpu.memory_space<vmem>> -> memref<125xi32, #tpu.memory_space<vmem>>
      %dma_wait3A_144 = arith.constant 0 : i32
      %dma_wait3A_145 = arith.constant 0 : i32
      %dma_wait3A_146 = tpu.memref_slice %arg4[%dma_wait3A_144, %dma_wait3A_145] : memref<5120x128xf32, #tpu.memory_space<hbm>> -> memref<5120x128xf32, #tpu.memory_space<hbm>>
      tpu.wait_indirect_dma semaphore(%arg12 : memref<!tpu.dma_semaphore, #tpu.memory_space<semaphore_mem>>) src(%dma_wait3A_146 : memref<5120x128xf32, #tpu.memory_space<hbm>>) dst(%arg9 : memref<125x128xf32, #tpu.memory_space<vmem>>)
      "tpu.region"() ({
        %run_scoped3A_173 = tpu.sem_alloc : memref<!tpu.dma_semaphore, #tpu.memory_space<semaphore_mem>>
        %dma_start3A_174 = arith.constant 0 : i32
        %dma_start3A_175 = tpu.memref_slice %arg8[%mul3A_140, %dma_start3A_174] : memref<40x125xi32, #tpu.memory_space<vmem>> -> memref<1x125xi32, #tpu.memory_space<vmem>>
        %dma_start3A_176 = tpu.memref_squeeze %dma_start3A_175 : memref<1x125xi32, #tpu.memory_space<vmem>> -> memref<125xi32, #tpu.memory_space<vmem>>
        %dma_start3A_177 = arith.constant 0 : i32
        %dma_start3A_178 = arith.constant 0 : i32
        %dma_start3A_179 = tpu.memref_slice %arg11[%dma_start3A_177, %dma_start3A_178] : memref<10112x128xf32, #tpu.memory_space<vmem_shared>> -> memref<10112x128xf32, #tpu.memory_space<vmem_shared>>
        tpu.enqueue_indirect_dma source(%arg9 : memref<125x128xf32, #tpu.memory_space<vmem>>) target(%dma_start3A_179 : memref<10112x128xf32, #tpu.memory_space<vmem_shared>>) offsets(%dma_start3A_176 : memref<125xi32, #tpu.memory_space<vmem>>) semaphore(%run_scoped3A_173 : memref<!tpu.dma_semaphore, #tpu.memory_space<semaphore_mem>>) {add = true}
        %dma_wait3A_180 = arith.constant 0 : i32
        %dma_wait3A_181 = tpu.memref_slice %arg8[%mul3A_140, %dma_wait3A_180] : memref<40x125xi32, #tpu.memory_space<vmem>> -> memref<1x125xi32, #tpu.memory_space<vmem>>
        %dma_wait3A_182 = tpu.memref_squeeze %dma_wait3A_181 : memref<1x125xi32, #tpu.memory_space<vmem>> -> memref<125xi32, #tpu.memory_space<vmem>>
        %dma_wait3A_183 = arith.constant 0 : i32
        %dma_wait3A_184 = arith.constant 0 : i32
        %dma_wait3A_185 = tpu.memref_slice %arg11[%dma_wait3A_183, %dma_wait3A_184] : memref<10112x128xf32, #tpu.memory_space<vmem_shared>> -> memref<10112x128xf32, #tpu.memory_space<vmem_shared>>
        tpu.wait_indirect_dma semaphore(%run_scoped3A_173 : memref<!tpu.dma_semaphore, #tpu.memory_space<semaphore_mem>>) src(%arg9 : memref<125x128xf32, #tpu.memory_space<vmem>>) dst(%dma_wait3A_185 : memref<10112x128xf32, #tpu.memory_space<vmem_shared>>)
        tpu.yield
      }) : () -> ()
      %add3A_147 = arith.constant 2 : i32
      %add3A_148 = arith.addi %mul3A_140, %add3A_147 : i32
      %dma_start3A_149 = arith.constant 0 : i32
      %dma_start3A_150 = tpu.memref_slice %arg7[%add3A_148, %dma_start3A_149] : memref<40x125xi32, #tpu.memory_space<vmem>> -> memref<1x125xi32, #tpu.memory_space<vmem>>
      %dma_start3A_151 = tpu.memref_squeeze %dma_start3A_150 : memref<1x125xi32, #tpu.memory_space<vmem>> -> memref<125xi32, #tpu.memory_space<vmem>>
      %dma_start3A_152 = arith.constant 0 : i32
      %dma_start3A_153 = arith.constant 0 : i32
      %dma_start3A_154 = tpu.memref_slice %arg4[%dma_start3A_152, %dma_start3A_153] : memref<5120x128xf32, #tpu.memory_space<hbm>> -> memref<5120x128xf32, #tpu.memory_space<hbm>>
      tpu.enqueue_indirect_dma source(%dma_start3A_154 : memref<5120x128xf32, #tpu.memory_space<hbm>>) target(%arg9 : memref<125x128xf32, #tpu.memory_space<vmem>>) offsets(%dma_start3A_151 : memref<125xi32, #tpu.memory_space<vmem>>) semaphore(%arg12 : memref<!tpu.dma_semaphore, #tpu.memory_space<semaphore_mem>>)
      %add3A_155 = arith.constant 1 : i32
      %add3A_156 = arith.addi %mul3A_140, %add3A_155 : i32
      %dma_wait3A_157 = arith.constant 0 : i32
      %dma_wait3A_158 = tpu.memref_slice %arg7[%add3A_156, %dma_wait3A_157] : memref<40x125xi32, #tpu.memory_space<vmem>> -> memref<1x125xi32, #tpu.memory_space<vmem>>
      %dma_wait3A_159 = tpu.memref_squeeze %dma_wait3A_158 : memref<1x125xi32, #tpu.memory_space<vmem>> -> memref<125xi32, #tpu.memory_space<vmem>>
      %dma_wait3A_160 = arith.constant 0 : i32
      %dma_wait3A_161 = arith.constant 0 : i32
      %dma_wait3A_162 = tpu.memref_slice %arg4[%dma_wait3A_160, %dma_wait3A_161] : memref<5120x128xf32, #tpu.memory_space<hbm>> -> memref<5120x128xf32, #tpu.memory_space<hbm>>
      tpu.wait_indirect_dma semaphore(%arg13 : memref<!tpu.dma_semaphore, #tpu.memory_space<semaphore_mem>>) src(%dma_wait3A_162 : memref<5120x128xf32, #tpu.memory_space<hbm>>) dst(%arg10 : memref<125x128xf32, #tpu.memory_space<vmem>>)
      %add3A_163 = arith.constant 1 : i32
      %add3A_164 = arith.addi %mul3A_140, %add3A_163 : i32
      "tpu.region"() ({
        %run_scoped3A_173 = tpu.sem_alloc : memref<!tpu.dma_semaphore, #tpu.memory_space<semaphore_mem>>
        %dma_start3A_174 = arith.constant 0 : i32
        %dma_start3A_175 = tpu.memref_slice %arg8[%add3A_164, %dma_start3A_174] : memref<40x125xi32, #tpu.memory_space<vmem>> -> memref<1x125xi32, #tpu.memory_space<vmem>>
        %dma_start3A_176 = tpu.memref_squeeze %dma_start3A_175 : memref<1x125xi32, #tpu.memory_space<vmem>> -> memref<125xi32, #tpu.memory_space<vmem>>
        %dma_start3A_177 = arith.constant 0 : i32
        %dma_start3A_178 = arith.constant 0 : i32
        %dma_start3A_179 = tpu.memref_slice %arg11[%dma_start3A_177, %dma_start3A_178] : memref<10112x128xf32, #tpu.memory_space<vmem_shared>> -> memref<10112x128xf32, #tpu.memory_space<vmem_shared>>
        tpu.enqueue_indirect_dma source(%arg10 : memref<125x128xf32, #tpu.memory_space<vmem>>) target(%dma_start3A_179 : memref<10112x128xf32, #tpu.memory_space<vmem_shared>>) offsets(%dma_start3A_176 : memref<125xi32, #tpu.memory_space<vmem>>) semaphore(%run_scoped3A_173 : memref<!tpu.dma_semaphore, #tpu.memory_space<semaphore_mem>>) {add = true}
        %dma_wait3A_180 = arith.constant 0 : i32
        %dma_wait3A_181 = tpu.memref_slice %arg8[%add3A_164, %dma_wait3A_180] : memref<40x125xi32, #tpu.memory_space<vmem>> -> memref<1x125xi32, #tpu.memory_space<vmem>>
        %dma_wait3A_182 = tpu.memref_squeeze %dma_wait3A_181 : memref<1x125xi32, #tpu.memory_space<vmem>> -> memref<125xi32, #tpu.memory_space<vmem>>
        %dma_wait3A_183 = arith.constant 0 : i32
        %dma_wait3A_184 = arith.constant 0 : i32
        %dma_wait3A_185 = tpu.memref_slice %arg11[%dma_wait3A_183, %dma_wait3A_184] : memref<10112x128xf32, #tpu.memory_space<vmem_shared>> -> memref<10112x128xf32, #tpu.memory_space<vmem_shared>>
        tpu.wait_indirect_dma semaphore(%run_scoped3A_173 : memref<!tpu.dma_semaphore, #tpu.memory_space<semaphore_mem>>) src(%arg10 : memref<125x128xf32, #tpu.memory_space<vmem>>) dst(%dma_wait3A_185 : memref<10112x128xf32, #tpu.memory_space<vmem_shared>>)
        tpu.yield
      }) : () -> ()
      %add3A_165 = arith.constant 3 : i32
      %add3A_166 = arith.addi %mul3A_140, %add3A_165 : i32
      %dma_start3A_167 = arith.constant 0 : i32
      %dma_start3A_168 = tpu.memref_slice %arg7[%add3A_166, %dma_start3A_167] : memref<40x125xi32, #tpu.memory_space<vmem>> -> memref<1x125xi32, #tpu.memory_space<vmem>>
      %dma_start3A_169 = tpu.memref_squeeze %dma_start3A_168 : memref<1x125xi32, #tpu.memory_space<vmem>> -> memref<125xi32, #tpu.memory_space<vmem>>
      %dma_start3A_170 = arith.constant 0 : i32
      %dma_start3A_171 = arith.constant 0 : i32
      %dma_start3A_172 = tpu.memref_slice %arg4[%dma_start3A_170, %dma_start3A_171] : memref<5120x128xf32, #tpu.memory_space<hbm>> -> memref<5120x128xf32, #tpu.memory_space<hbm>>
      tpu.enqueue_indirect_dma source(%dma_start3A_172 : memref<5120x128xf32, #tpu.memory_space<hbm>>) target(%arg10 : memref<125x128xf32, #tpu.memory_space<vmem>>) offsets(%dma_start3A_169 : memref<125xi32, #tpu.memory_space<vmem>>) semaphore(%arg13 : memref<!tpu.dma_semaphore, #tpu.memory_space<semaphore_mem>>)
    }
    %scan3A_71 = arith.constant 19 : i32
    %dma_wait3A_72 = arith.constant 38 : i32
    %dma_wait3A_73 = arith.constant 0 : i32
    %dma_wait3A_74 = tpu.memref_slice %arg7[%dma_wait3A_72, %dma_wait3A_73] : memref<40x125xi32, #tpu.memory_space<vmem>> -> memref<1x125xi32, #tpu.memory_space<vmem>>
    %dma_wait3A_75 = tpu.memref_squeeze %dma_wait3A_74 : memref<1x125xi32, #tpu.memory_space<vmem>> -> memref<125xi32, #tpu.memory_space<vmem>>
    %dma_wait3A_76 = arith.constant 0 : i32
    %dma_wait3A_77 = arith.constant 0 : i32
    %dma_wait3A_78 = tpu.memref_slice %arg4[%dma_wait3A_76, %dma_wait3A_77] : memref<5120x128xf32, #tpu.memory_space<hbm>> -> memref<5120x128xf32, #tpu.memory_space<hbm>>
    tpu.wait_indirect_dma semaphore(%arg12 : memref<!tpu.dma_semaphore, #tpu.memory_space<semaphore_mem>>) src(%dma_wait3A_78 : memref<5120x128xf32, #tpu.memory_space<hbm>>) dst(%arg9 : memref<125x128xf32, #tpu.memory_space<vmem>>)
    %run_scoped3A = arith.constant 38 : i32
    "tpu.region"() ({
      %run_scoped3A_138 = tpu.sem_alloc : memref<!tpu.dma_semaphore, #tpu.memory_space<semaphore_mem>>
      %dma_start3A_139 = arith.constant 0 : i32
      %dma_start3A_140 = tpu.memref_slice %arg8[%run_scoped3A, %dma_start3A_139] : memref<40x125xi32, #tpu.memory_space<vmem>> -> memref<1x125xi32, #tpu.memory_space<vmem>>
      %dma_start3A_141 = tpu.memref_squeeze %dma_start3A_140 : memref<1x125xi32, #tpu.memory_space<vmem>> -> memref<125xi32, #tpu.memory_space<vmem>>
      %dma_start3A_142 = arith.constant 0 : i32
      %dma_start3A_143 = arith.constant 0 : i32
      %dma_start3A_144 = tpu.memref_slice %arg11[%dma_start3A_142, %dma_start3A_143] : memref<10112x128xf32, #tpu.memory_space<vmem_shared>> -> memref<10112x128xf32, #tpu.memory_space<vmem_shared>>
      tpu.enqueue_indirect_dma source(%arg9 : memref<125x128xf32, #tpu.memory_space<vmem>>) target(%dma_start3A_144 : memref<10112x128xf32, #tpu.memory_space<vmem_shared>>) offsets(%dma_start3A_141 : memref<125xi32, #tpu.memory_space<vmem>>) semaphore(%run_scoped3A_138 : memref<!tpu.dma_semaphore, #tpu.memory_space<semaphore_mem>>) {add = true}
      %dma_wait3A_145 = arith.constant 0 : i32
      %dma_wait3A_146 = tpu.memref_slice %arg8[%run_scoped3A, %dma_wait3A_145] : memref<40x125xi32, #tpu.memory_space<vmem>> -> memref<1x125xi32, #tpu.memory_space<vmem>>
      %dma_wait3A_147 = tpu.memref_squeeze %dma_wait3A_146 : memref<1x125xi32, #tpu.memory_space<vmem>> -> memref<125xi32, #tpu.memory_space<vmem>>
      %dma_wait3A_148 = arith.constant 0 : i32
      %dma_wait3A_149 = arith.constant 0 : i32
      %dma_wait3A_150 = tpu.memref_slice %arg11[%dma_wait3A_148, %dma_wait3A_149] : memref<10112x128xf32, #tpu.memory_space<vmem_shared>> -> memref<10112x128xf32, #tpu.memory_space<vmem_shared>>
      tpu.wait_indirect_dma semaphore(%run_scoped3A_138 : memref<!tpu.dma_semaphore, #tpu.memory_space<semaphore_mem>>) src(%arg9 : memref<125x128xf32, #tpu.memory_space<vmem>>) dst(%dma_wait3A_150 : memref<10112x128xf32, #tpu.memory_space<vmem_shared>>)
      tpu.yield
    }) : () -> ()
    %dma_wait3A_79 = arith.constant 39 : i32
    %dma_wait3A_80 = arith.constant 0 : i32
    %dma_wait3A_81 = tpu.memref_slice %arg7[%dma_wait3A_79, %dma_wait3A_80] : memref<40x125xi32, #tpu.memory_space<vmem>> -> memref<1x125xi32, #tpu.memory_space<vmem>>
    %dma_wait3A_82 = tpu.memref_squeeze %dma_wait3A_81 : memref<1x125xi32, #tpu.memory_space<vmem>> -> memref<125xi32, #tpu.memory_space<vmem>>
    %dma_wait3A_83 = arith.constant 0 : i32
    %dma_wait3A_84 = arith.constant 0 : i32
    %dma_wait3A_85 = tpu.memref_slice %arg4[%dma_wait3A_83, %dma_wait3A_84] : memref<5120x128xf32, #tpu.memory_space<hbm>> -> memref<5120x128xf32, #tpu.memory_space<hbm>>
    tpu.wait_indirect_dma semaphore(%arg13 : memref<!tpu.dma_semaphore, #tpu.memory_space<semaphore_mem>>) src(%dma_wait3A_85 : memref<5120x128xf32, #tpu.memory_space<hbm>>) dst(%arg10 : memref<125x128xf32, #tpu.memory_space<vmem>>)
    %run_scoped3A_86 = arith.constant 39 : i32
    "tpu.region"() ({
      %run_scoped3A_138 = tpu.sem_alloc : memref<!tpu.dma_semaphore, #tpu.memory_space<semaphore_mem>>
      %dma_start3A_139 = arith.constant 0 : i32
      %dma_start3A_140 = tpu.memref_slice %arg8[%run_scoped3A_86, %dma_start3A_139] : memref<40x125xi32, #tpu.memory_space<vmem>> -> memref<1x125xi32, #tpu.memory_space<vmem>>
      %dma_start3A_141 = tpu.memref_squeeze %dma_start3A_140 : memref<1x125xi32, #tpu.memory_space<vmem>> -> memref<125xi32, #tpu.memory_space<vmem>>
      %dma_start3A_142 = arith.constant 0 : i32
      %dma_start3A_143 = arith.constant 0 : i32
      %dma_start3A_144 = tpu.memref_slice %arg11[%dma_start3A_142, %dma_start3A_143] : memref<10112x128xf32, #tpu.memory_space<vmem_shared>> -> memref<10112x128xf32, #tpu.memory_space<vmem_shared>>
      tpu.enqueue_indirect_dma source(%arg10 : memref<125x128xf32, #tpu.memory_space<vmem>>) target(%dma_start3A_144 : memref<10112x128xf32, #tpu.memory_space<vmem_shared>>) offsets(%dma_start3A_141 : memref<125xi32, #tpu.memory_space<vmem>>) semaphore(%run_scoped3A_138 : memref<!tpu.dma_semaphore, #tpu.memory_space<semaphore_mem>>) {add = true}
      %dma_wait3A_145 = arith.constant 0 : i32
      %dma_wait3A_146 = tpu.memref_slice %arg8[%run_scoped3A_86, %dma_wait3A_145] : memref<40x125xi32, #tpu.memory_space<vmem>> -> memref<1x125xi32, #tpu.memory_space<vmem>>
      %dma_wait3A_147 = tpu.memref_squeeze %dma_wait3A_146 : memref<1x125xi32, #tpu.memory_space<vmem>> -> memref<125xi32, #tpu.memory_space<vmem>>
      %dma_wait3A_148 = arith.constant 0 : i32
      %dma_wait3A_149 = arith.constant 0 : i32
      %dma_wait3A_150 = tpu.memref_slice %arg11[%dma_wait3A_148, %dma_wait3A_149] : memref<10112x128xf32, #tpu.memory_space<vmem_shared>> -> memref<10112x128xf32, #tpu.memory_space<vmem_shared>>
      tpu.wait_indirect_dma semaphore(%run_scoped3A_138 : memref<!tpu.dma_semaphore, #tpu.memory_space<semaphore_mem>>) src(%arg10 : memref<125x128xf32, #tpu.memory_space<vmem>>) dst(%dma_wait3A_150 : memref<10112x128xf32, #tpu.memory_space<vmem_shared>>)
      tpu.yield
    }) : () -> ()
    %mul3A_87 = arith.constant 2 : i32
    %mul3A_88 = arith.muli %add3A, %mul3A_87 : i32
    %add3A_89 = arith.constant 1 : i32
    %add3A_90 = arith.addi %mul3A_88, %add3A_89 : i32
    "tpu.region"() ({
      %run_scoped3A_138 = tpu.sem_alloc : memref<!tpu.dma_semaphore, #tpu.memory_space<semaphore_mem>>
      %dma_start3A_139 = arith.constant 0 : i32
      %dma_start3A_140 = arith.constant 0 : i32
      %dma_start3A_141 = tpu.memref_slice %arg2[%add3A_90, %dma_start3A_139, %dma_start3A_140] : memref<64x40x125xi32, #tpu.memory_space<hbm>> -> memref<1x40x125xi32, #tpu.memory_space<hbm>>
      %dma_start3A_142 = tpu.memref_squeeze %dma_start3A_141 : memref<1x40x125xi32, #tpu.memory_space<hbm>> -> memref<40x125xi32, #tpu.memory_space<hbm>>
      %dma_start3A_143 = arith.constant 0 : i32
      %dma_start3A_144 = arith.constant 0 : i32
      %dma_start3A_145 = tpu.memref_slice %arg2[%add3A_90, %dma_start3A_143, %dma_start3A_144] : memref<64x40x125xi32, #tpu.memory_space<hbm>> -> memref<1x40x125xi32, #tpu.memory_space<hbm>>
      %dma_start3A_146 = tpu.memref_squeeze %dma_start3A_145 : memref<1x40x125xi32, #tpu.memory_space<hbm>> -> memref<40x125xi32, #tpu.memory_space<hbm>>
      tpu.enqueue_dma source(%dma_start3A_146 : memref<40x125xi32, #tpu.memory_space<hbm>>) target(%arg7 : memref<40x125xi32, #tpu.memory_space<vmem>>) target_semaphore(%run_scoped3A_138 : memref<!tpu.dma_semaphore, #tpu.memory_space<semaphore_mem>>)
      %dma_wait3A_147 = arith.constant 0 : i32
      %dma_wait3A_148 = arith.constant 0 : i32
      %dma_wait3A_149 = tpu.memref_slice %arg2[%add3A_90, %dma_wait3A_147, %dma_wait3A_148] : memref<64x40x125xi32, #tpu.memory_space<hbm>> -> memref<1x40x125xi32, #tpu.memory_space<hbm>>
      %dma_wait3A_150 = tpu.memref_squeeze %dma_wait3A_149 : memref<1x40x125xi32, #tpu.memory_space<hbm>> -> memref<40x125xi32, #tpu.memory_space<hbm>>
      %dma_wait3A_151 = arith.constant 0 : i32
      %dma_wait3A_152 = arith.constant 0 : i32
      %dma_wait3A_153 = tpu.memref_slice %arg2[%add3A_90, %dma_wait3A_151, %dma_wait3A_152] : memref<64x40x125xi32, #tpu.memory_space<hbm>> -> memref<1x40x125xi32, #tpu.memory_space<hbm>>
      %dma_wait3A_154 = tpu.memref_squeeze %dma_wait3A_153 : memref<1x40x125xi32, #tpu.memory_space<hbm>> -> memref<40x125xi32, #tpu.memory_space<hbm>>
      tpu.wait_dma2 semaphore(%run_scoped3A_138 : memref<!tpu.dma_semaphore, #tpu.memory_space<semaphore_mem>>) src(%dma_wait3A_154 : memref<40x125xi32, #tpu.memory_space<hbm>>) dst(%arg7 : memref<40x125xi32, #tpu.memory_space<vmem>>)
      tpu.yield
    }) : () -> ()
    %mul3A_91 = arith.constant 2 : i32
    %mul3A_92 = arith.muli %add3A, %mul3A_91 : i32
    %add3A_93 = arith.constant 1 : i32
    %add3A_94 = arith.addi %mul3A_92, %add3A_93 : i32
    "tpu.region"() ({
      %run_scoped3A_138 = tpu.sem_alloc : memref<!tpu.dma_semaphore, #tpu.memory_space<semaphore_mem>>
      %dma_start3A_139 = arith.constant 0 : i32
      %dma_start3A_140 = arith.constant 0 : i32
      %dma_start3A_141 = tpu.memref_slice %arg3[%add3A_94, %dma_start3A_139, %dma_start3A_140] : memref<64x40x125xi32, #tpu.memory_space<hbm>> -> memref<1x40x125xi32, #tpu.memory_space<hbm>>
      %dma_start3A_142 = tpu.memref_squeeze %dma_start3A_141 : memref<1x40x125xi32, #tpu.memory_space<hbm>> -> memref<40x125xi32, #tpu.memory_space<hbm>>
      %dma_start3A_143 = arith.constant 0 : i32
      %dma_start3A_144 = arith.constant 0 : i32
      %dma_start3A_145 = tpu.memref_slice %arg3[%add3A_94, %dma_start3A_143, %dma_start3A_144] : memref<64x40x125xi32, #tpu.memory_space<hbm>> -> memref<1x40x125xi32, #tpu.memory_space<hbm>>
      %dma_start3A_146 = tpu.memref_squeeze %dma_start3A_145 : memref<1x40x125xi32, #tpu.memory_space<hbm>> -> memref<40x125xi32, #tpu.memory_space<hbm>>
      tpu.enqueue_dma source(%dma_start3A_146 : memref<40x125xi32, #tpu.memory_space<hbm>>) target(%arg8 : memref<40x125xi32, #tpu.memory_space<vmem>>) target_semaphore(%run_scoped3A_138 : memref<!tpu.dma_semaphore, #tpu.memory_space<semaphore_mem>>)
      %dma_wait3A_147 = arith.constant 0 : i32
      %dma_wait3A_148 = arith.constant 0 : i32
      %dma_wait3A_149 = tpu.memref_slice %arg3[%add3A_94, %dma_wait3A_147, %dma_wait3A_148] : memref<64x40x125xi32, #tpu.memory_space<hbm>> -> memref<1x40x125xi32, #tpu.memory_space<hbm>>
      %dma_wait3A_150 = tpu.memref_squeeze %dma_wait3A_149 : memref<1x40x125xi32, #tpu.memory_space<hbm>> -> memref<40x125xi32, #tpu.memory_space<hbm>>
      %dma_wait3A_151 = arith.constant 0 : i32
      %dma_wait3A_152 = arith.constant 0 : i32
      %dma_wait3A_153 = tpu.memref_slice %arg3[%add3A_94, %dma_wait3A_151, %dma_wait3A_152] : memref<64x40x125xi32, #tpu.memory_space<hbm>> -> memref<1x40x125xi32, #tpu.memory_space<hbm>>
      %dma_wait3A_154 = tpu.memref_squeeze %dma_wait3A_153 : memref<1x40x125xi32, #tpu.memory_space<hbm>> -> memref<40x125xi32, #tpu.memory_space<hbm>>
      tpu.wait_dma2 semaphore(%run_scoped3A_138 : memref<!tpu.dma_semaphore, #tpu.memory_space<semaphore_mem>>) src(%dma_wait3A_154 : memref<40x125xi32, #tpu.memory_space<hbm>>) dst(%arg8 : memref<40x125xi32, #tpu.memory_space<vmem>>)
      tpu.yield
    }) : () -> ()
    %dma_start3A_95 = arith.constant 0 : i32
    %dma_start3A_96 = arith.constant 0 : i32
    %dma_start3A_97 = tpu.memref_slice %arg7[%dma_start3A_95, %dma_start3A_96] : memref<40x125xi32, #tpu.memory_space<vmem>> -> memref<1x125xi32, #tpu.memory_space<vmem>>
    %dma_start3A_98 = tpu.memref_squeeze %dma_start3A_97 : memref<1x125xi32, #tpu.memory_space<vmem>> -> memref<125xi32, #tpu.memory_space<vmem>>
    %dma_start3A_99 = arith.constant 0 : i32
    %dma_start3A_100 = arith.constant 0 : i32
    %dma_start3A_101 = tpu.memref_slice %arg4[%dma_start3A_99, %dma_start3A_100] : memref<5120x128xf32, #tpu.memory_space<hbm>> -> memref<5120x128xf32, #tpu.memory_space<hbm>>
    tpu.enqueue_indirect_dma source(%dma_start3A_101 : memref<5120x128xf32, #tpu.memory_space<hbm>>) target(%arg9 : memref<125x128xf32, #tpu.memory_space<vmem>>) offsets(%dma_start3A_98 : memref<125xi32, #tpu.memory_space<vmem>>) semaphore(%arg12 : memref<!tpu.dma_semaphore, #tpu.memory_space<semaphore_mem>>)
    %dma_start3A_102 = arith.constant 1 : i32
    %dma_start3A_103 = arith.constant 0 : i32
    %dma_start3A_104 = tpu.memref_slice %arg7[%dma_start3A_102, %dma_start3A_103] : memref<40x125xi32, #tpu.memory_space<vmem>> -> memref<1x125xi32, #tpu.memory_space<vmem>>
    %dma_start3A_105 = tpu.memref_squeeze %dma_start3A_104 : memref<1x125xi32, #tpu.memory_space<vmem>> -> memref<125xi32, #tpu.memory_space<vmem>>
    %dma_start3A_106 = arith.constant 0 : i32
    %dma_start3A_107 = arith.constant 0 : i32
    %dma_start3A_108 = tpu.memref_slice %arg4[%dma_start3A_106, %dma_start3A_107] : memref<5120x128xf32, #tpu.memory_space<hbm>> -> memref<5120x128xf32, #tpu.memory_space<hbm>>
    tpu.enqueue_indirect_dma source(%dma_start3A_108 : memref<5120x128xf32, #tpu.memory_space<hbm>>) target(%arg10 : memref<125x128xf32, #tpu.memory_space<vmem>>) offsets(%dma_start3A_105 : memref<125xi32, #tpu.memory_space<vmem>>) semaphore(%arg13 : memref<!tpu.dma_semaphore, #tpu.memory_space<semaphore_mem>>)
    %scan3A_109 = arith.constant 0 : i32
    %scan3A_110 = arith.constant 19 : i32
    %scan3A_111 = arith.addi %scan3A_109, %scan3A_110 : i32
    %scan3A_112 = arith.constant 1 : i32
    scf.for %scan3A_138 = %scan3A_109 to %scan3A_111 step %scan3A_112  : i32 {
      %mul3A_139 = arith.constant 2 : i32
      %mul3A_140 = arith.muli %mul3A_139, %scan3A_138 : i32
      %dma_wait3A_141 = arith.constant 0 : i32
      %dma_wait3A_142 = tpu.memref_slice %arg7[%mul3A_140, %dma_wait3A_141] : memref<40x125xi32, #tpu.memory_space<vmem>> -> memref<1x125xi32, #tpu.memory_space<vmem>>
      %dma_wait3A_143 = tpu.memref_squeeze %dma_wait3A_142 : memref<1x125xi32, #tpu.memory_space<vmem>> -> memref<125xi32, #tpu.memory_space<vmem>>
      %dma_wait3A_144 = arith.constant 0 : i32
      %dma_wait3A_145 = arith.constant 0 : i32
      %dma_wait3A_146 = tpu.memref_slice %arg4[%dma_wait3A_144, %dma_wait3A_145] : memref<5120x128xf32, #tpu.memory_space<hbm>> -> memref<5120x128xf32, #tpu.memory_space<hbm>>
      tpu.wait_indirect_dma semaphore(%arg12 : memref<!tpu.dma_semaphore, #tpu.memory_space<semaphore_mem>>) src(%dma_wait3A_146 : memref<5120x128xf32, #tpu.memory_space<hbm>>) dst(%arg9 : memref<125x128xf32, #tpu.memory_space<vmem>>)
      "tpu.region"() ({
        %run_scoped3A_173 = tpu.sem_alloc : memref<!tpu.dma_semaphore, #tpu.memory_space<semaphore_mem>>
        %dma_start3A_174 = arith.constant 0 : i32
        %dma_start3A_175 = tpu.memref_slice %arg8[%mul3A_140, %dma_start3A_174] : memref<40x125xi32, #tpu.memory_space<vmem>> -> memref<1x125xi32, #tpu.memory_space<vmem>>
        %dma_start3A_176 = tpu.memref_squeeze %dma_start3A_175 : memref<1x125xi32, #tpu.memory_space<vmem>> -> memref<125xi32, #tpu.memory_space<vmem>>
        %dma_start3A_177 = arith.constant 0 : i32
        %dma_start3A_178 = arith.constant 0 : i32
        %dma_start3A_179 = tpu.memref_slice %arg11[%dma_start3A_177, %dma_start3A_178] : memref<10112x128xf32, #tpu.memory_space<vmem_shared>> -> memref<10112x128xf32, #tpu.memory_space<vmem_shared>>
        tpu.enqueue_indirect_dma source(%arg9 : memref<125x128xf32, #tpu.memory_space<vmem>>) target(%dma_start3A_179 : memref<10112x128xf32, #tpu.memory_space<vmem_shared>>) offsets(%dma_start3A_176 : memref<125xi32, #tpu.memory_space<vmem>>) semaphore(%run_scoped3A_173 : memref<!tpu.dma_semaphore, #tpu.memory_space<semaphore_mem>>) {add = true}
        %dma_wait3A_180 = arith.constant 0 : i32
        %dma_wait3A_181 = tpu.memref_slice %arg8[%mul3A_140, %dma_wait3A_180] : memref<40x125xi32, #tpu.memory_space<vmem>> -> memref<1x125xi32, #tpu.memory_space<vmem>>
        %dma_wait3A_182 = tpu.memref_squeeze %dma_wait3A_181 : memref<1x125xi32, #tpu.memory_space<vmem>> -> memref<125xi32, #tpu.memory_space<vmem>>
        %dma_wait3A_183 = arith.constant 0 : i32
        %dma_wait3A_184 = arith.constant 0 : i32
        %dma_wait3A_185 = tpu.memref_slice %arg11[%dma_wait3A_183, %dma_wait3A_184] : memref<10112x128xf32, #tpu.memory_space<vmem_shared>> -> memref<10112x128xf32, #tpu.memory_space<vmem_shared>>
        tpu.wait_indirect_dma semaphore(%run_scoped3A_173 : memref<!tpu.dma_semaphore, #tpu.memory_space<semaphore_mem>>) src(%arg9 : memref<125x128xf32, #tpu.memory_space<vmem>>) dst(%dma_wait3A_185 : memref<10112x128xf32, #tpu.memory_space<vmem_shared>>)
        tpu.yield
      }) : () -> ()
      %add3A_147 = arith.constant 2 : i32
      %add3A_148 = arith.addi %mul3A_140, %add3A_147 : i32
      %dma_start3A_149 = arith.constant 0 : i32
      %dma_start3A_150 = tpu.memref_slice %arg7[%add3A_148, %dma_start3A_149] : memref<40x125xi32, #tpu.memory_space<vmem>> -> memref<1x125xi32, #tpu.memory_space<vmem>>
      %dma_start3A_151 = tpu.memref_squeeze %dma_start3A_150 : memref<1x125xi32, #tpu.memory_space<vmem>> -> memref<125xi32, #tpu.memory_space<vmem>>
      %dma_start3A_152 = arith.constant 0 : i32
      %dma_start3A_153 = arith.constant 0 : i32
      %dma_start3A_154 = tpu.memref_slice %arg4[%dma_start3A_152, %dma_start3A_153] : memref<5120x128xf32, #tpu.memory_space<hbm>> -> memref<5120x128xf32, #tpu.memory_space<hbm>>
      tpu.enqueue_indirect_dma source(%dma_start3A_154 : memref<5120x128xf32, #tpu.memory_space<hbm>>) target(%arg9 : memref<125x128xf32, #tpu.memory_space<vmem>>) offsets(%dma_start3A_151 : memref<125xi32, #tpu.memory_space<vmem>>) semaphore(%arg12 : memref<!tpu.dma_semaphore, #tpu.memory_space<semaphore_mem>>)
      %add3A_155 = arith.constant 1 : i32
      %add3A_156 = arith.addi %mul3A_140, %add3A_155 : i32
      %dma_wait3A_157 = arith.constant 0 : i32
      %dma_wait3A_158 = tpu.memref_slice %arg7[%add3A_156, %dma_wait3A_157] : memref<40x125xi32, #tpu.memory_space<vmem>> -> memref<1x125xi32, #tpu.memory_space<vmem>>
      %dma_wait3A_159 = tpu.memref_squeeze %dma_wait3A_158 : memref<1x125xi32, #tpu.memory_space<vmem>> -> memref<125xi32, #tpu.memory_space<vmem>>
      %dma_wait3A_160 = arith.constant 0 : i32
      %dma_wait3A_161 = arith.constant 0 : i32
      %dma_wait3A_162 = tpu.memref_slice %arg4[%dma_wait3A_160, %dma_wait3A_161] : memref<5120x128xf32, #tpu.memory_space<hbm>> -> memref<5120x128xf32, #tpu.memory_space<hbm>>
      tpu.wait_indirect_dma semaphore(%arg13 : memref<!tpu.dma_semaphore, #tpu.memory_space<semaphore_mem>>) src(%dma_wait3A_162 : memref<5120x128xf32, #tpu.memory_space<hbm>>) dst(%arg10 : memref<125x128xf32, #tpu.memory_space<vmem>>)
      %add3A_163 = arith.constant 1 : i32
      %add3A_164 = arith.addi %mul3A_140, %add3A_163 : i32
      "tpu.region"() ({
        %run_scoped3A_173 = tpu.sem_alloc : memref<!tpu.dma_semaphore, #tpu.memory_space<semaphore_mem>>
        %dma_start3A_174 = arith.constant 0 : i32
        %dma_start3A_175 = tpu.memref_slice %arg8[%add3A_164, %dma_start3A_174] : memref<40x125xi32, #tpu.memory_space<vmem>> -> memref<1x125xi32, #tpu.memory_space<vmem>>
        %dma_start3A_176 = tpu.memref_squeeze %dma_start3A_175 : memref<1x125xi32, #tpu.memory_space<vmem>> -> memref<125xi32, #tpu.memory_space<vmem>>
        %dma_start3A_177 = arith.constant 0 : i32
        %dma_start3A_178 = arith.constant 0 : i32
        %dma_start3A_179 = tpu.memref_slice %arg11[%dma_start3A_177, %dma_start3A_178] : memref<10112x128xf32, #tpu.memory_space<vmem_shared>> -> memref<10112x128xf32, #tpu.memory_space<vmem_shared>>
        tpu.enqueue_indirect_dma source(%arg10 : memref<125x128xf32, #tpu.memory_space<vmem>>) target(%dma_start3A_179 : memref<10112x128xf32, #tpu.memory_space<vmem_shared>>) offsets(%dma_start3A_176 : memref<125xi32, #tpu.memory_space<vmem>>) semaphore(%run_scoped3A_173 : memref<!tpu.dma_semaphore, #tpu.memory_space<semaphore_mem>>) {add = true}
        %dma_wait3A_180 = arith.constant 0 : i32
        %dma_wait3A_181 = tpu.memref_slice %arg8[%add3A_164, %dma_wait3A_180] : memref<40x125xi32, #tpu.memory_space<vmem>> -> memref<1x125xi32, #tpu.memory_space<vmem>>
        %dma_wait3A_182 = tpu.memref_squeeze %dma_wait3A_181 : memref<1x125xi32, #tpu.memory_space<vmem>> -> memref<125xi32, #tpu.memory_space<vmem>>
        %dma_wait3A_183 = arith.constant 0 : i32
        %dma_wait3A_184 = arith.constant 0 : i32
        %dma_wait3A_185 = tpu.memref_slice %arg11[%dma_wait3A_183, %dma_wait3A_184] : memref<10112x128xf32, #tpu.memory_space<vmem_shared>> -> memref<10112x128xf32, #tpu.memory_space<vmem_shared>>
        tpu.wait_indirect_dma semaphore(%run_scoped3A_173 : memref<!tpu.dma_semaphore, #tpu.memory_space<semaphore_mem>>) src(%arg10 : memref<125x128xf32, #tpu.memory_space<vmem>>) dst(%dma_wait3A_185 : memref<10112x128xf32, #tpu.memory_space<vmem_shared>>)
        tpu.yield
      }) : () -> ()
      %add3A_165 = arith.constant 3 : i32
      %add3A_166 = arith.addi %mul3A_140, %add3A_165 : i32
      %dma_start3A_167 = arith.constant 0 : i32
      %dma_start3A_168 = tpu.memref_slice %arg7[%add3A_166, %dma_start3A_167] : memref<40x125xi32, #tpu.memory_space<vmem>> -> memref<1x125xi32, #tpu.memory_space<vmem>>
      %dma_start3A_169 = tpu.memref_squeeze %dma_start3A_168 : memref<1x125xi32, #tpu.memory_space<vmem>> -> memref<125xi32, #tpu.memory_space<vmem>>
      %dma_start3A_170 = arith.constant 0 : i32
      %dma_start3A_171 = arith.constant 0 : i32
      %dma_start3A_172 = tpu.memref_slice %arg4[%dma_start3A_170, %dma_start3A_171] : memref<5120x128xf32, #tpu.memory_space<hbm>> -> memref<5120x128xf32, #tpu.memory_space<hbm>>
      tpu.enqueue_indirect_dma source(%dma_start3A_172 : memref<5120x128xf32, #tpu.memory_space<hbm>>) target(%arg10 : memref<125x128xf32, #tpu.memory_space<vmem>>) offsets(%dma_start3A_169 : memref<125xi32, #tpu.memory_space<vmem>>) semaphore(%arg13 : memref<!tpu.dma_semaphore, #tpu.memory_space<semaphore_mem>>)
    }
    %scan3A_113 = arith.constant 19 : i32
    %dma_wait3A_114 = arith.constant 38 : i32
    %dma_wait3A_115 = arith.constant 0 : i32
    %dma_wait3A_116 = tpu.memref_slice %arg7[%dma_wait3A_114, %dma_wait3A_115] : memref<40x125xi32, #tpu.memory_space<vmem>> -> memref<1x125xi32, #tpu.memory_space<vmem>>
    %dma_wait3A_117 = tpu.memref_squeeze %dma_wait3A_116 : memref<1x125xi32, #tpu.memory_space<vmem>> -> memref<125xi32, #tpu.memory_space<vmem>>
    %dma_wait3A_118 = arith.constant 0 : i32
    %dma_wait3A_119 = arith.constant 0 : i32
    %dma_wait3A_120 = tpu.memref_slice %arg4[%dma_wait3A_118, %dma_wait3A_119] : memref<5120x128xf32, #tpu.memory_space<hbm>> -> memref<5120x128xf32, #tpu.memory_space<hbm>>
    tpu.wait_indirect_dma semaphore(%arg12 : memref<!tpu.dma_semaphore, #tpu.memory_space<semaphore_mem>>) src(%dma_wait3A_120 : memref<5120x128xf32, #tpu.memory_space<hbm>>) dst(%arg9 : memref<125x128xf32, #tpu.memory_space<vmem>>)
    %run_scoped3A_121 = arith.constant 38 : i32
    "tpu.region"() ({
      %run_scoped3A_138 = tpu.sem_alloc : memref<!tpu.dma_semaphore, #tpu.memory_space<semaphore_mem>>
      %dma_start3A_139 = arith.constant 0 : i32
      %dma_start3A_140 = tpu.memref_slice %arg8[%run_scoped3A_121, %dma_start3A_139] : memref<40x125xi32, #tpu.memory_space<vmem>> -> memref<1x125xi32, #tpu.memory_space<vmem>>
      %dma_start3A_141 = tpu.memref_squeeze %dma_start3A_140 : memref<1x125xi32, #tpu.memory_space<vmem>> -> memref<125xi32, #tpu.memory_space<vmem>>
      %dma_start3A_142 = arith.constant 0 : i32
      %dma_start3A_143 = arith.constant 0 : i32
      %dma_start3A_144 = tpu.memref_slice %arg11[%dma_start3A_142, %dma_start3A_143] : memref<10112x128xf32, #tpu.memory_space<vmem_shared>> -> memref<10112x128xf32, #tpu.memory_space<vmem_shared>>
      tpu.enqueue_indirect_dma source(%arg9 : memref<125x128xf32, #tpu.memory_space<vmem>>) target(%dma_start3A_144 : memref<10112x128xf32, #tpu.memory_space<vmem_shared>>) offsets(%dma_start3A_141 : memref<125xi32, #tpu.memory_space<vmem>>) semaphore(%run_scoped3A_138 : memref<!tpu.dma_semaphore, #tpu.memory_space<semaphore_mem>>) {add = true}
      %dma_wait3A_145 = arith.constant 0 : i32
      %dma_wait3A_146 = tpu.memref_slice %arg8[%run_scoped3A_121, %dma_wait3A_145] : memref<40x125xi32, #tpu.memory_space<vmem>> -> memref<1x125xi32, #tpu.memory_space<vmem>>
      %dma_wait3A_147 = tpu.memref_squeeze %dma_wait3A_146 : memref<1x125xi32, #tpu.memory_space<vmem>> -> memref<125xi32, #tpu.memory_space<vmem>>
      %dma_wait3A_148 = arith.constant 0 : i32
      %dma_wait3A_149 = arith.constant 0 : i32
      %dma_wait3A_150 = tpu.memref_slice %arg11[%dma_wait3A_148, %dma_wait3A_149] : memref<10112x128xf32, #tpu.memory_space<vmem_shared>> -> memref<10112x128xf32, #tpu.memory_space<vmem_shared>>
      tpu.wait_indirect_dma semaphore(%run_scoped3A_138 : memref<!tpu.dma_semaphore, #tpu.memory_space<semaphore_mem>>) src(%arg9 : memref<125x128xf32, #tpu.memory_space<vmem>>) dst(%dma_wait3A_150 : memref<10112x128xf32, #tpu.memory_space<vmem_shared>>)
      tpu.yield
    }) : () -> ()
    %dma_wait3A_122 = arith.constant 39 : i32
    %dma_wait3A_123 = arith.constant 0 : i32
    %dma_wait3A_124 = tpu.memref_slice %arg7[%dma_wait3A_122, %dma_wait3A_123] : memref<40x125xi32, #tpu.memory_space<vmem>> -> memref<1x125xi32, #tpu.memory_space<vmem>>
    %dma_wait3A_125 = tpu.memref_squeeze %dma_wait3A_124 : memref<1x125xi32, #tpu.memory_space<vmem>> -> memref<125xi32, #tpu.memory_space<vmem>>
    %dma_wait3A_126 = arith.constant 0 : i32
    %dma_wait3A_127 = arith.constant 0 : i32
    %dma_wait3A_128 = tpu.memref_slice %arg4[%dma_wait3A_126, %dma_wait3A_127] : memref<5120x128xf32, #tpu.memory_space<hbm>> -> memref<5120x128xf32, #tpu.memory_space<hbm>>
    tpu.wait_indirect_dma semaphore(%arg13 : memref<!tpu.dma_semaphore, #tpu.memory_space<semaphore_mem>>) src(%dma_wait3A_128 : memref<5120x128xf32, #tpu.memory_space<hbm>>) dst(%arg10 : memref<125x128xf32, #tpu.memory_space<vmem>>)
    %run_scoped3A_129 = arith.constant 39 : i32
    "tpu.region"() ({
      %run_scoped3A_138 = tpu.sem_alloc : memref<!tpu.dma_semaphore, #tpu.memory_space<semaphore_mem>>
      %dma_start3A_139 = arith.constant 0 : i32
      %dma_start3A_140 = tpu.memref_slice %arg8[%run_scoped3A_129, %dma_start3A_139] : memref<40x125xi32, #tpu.memory_space<vmem>> -> memref<1x125xi32, #tpu.memory_space<vmem>>
      %dma_start3A_141 = tpu.memref_squeeze %dma_start3A_140 : memref<1x125xi32, #tpu.memory_space<vmem>> -> memref<125xi32, #tpu.memory_space<vmem>>
      %dma_start3A_142 = arith.constant 0 : i32
      %dma_start3A_143 = arith.constant 0 : i32
      %dma_start3A_144 = tpu.memref_slice %arg11[%dma_start3A_142, %dma_start3A_143] : memref<10112x128xf32, #tpu.memory_space<vmem_shared>> -> memref<10112x128xf32, #tpu.memory_space<vmem_shared>>
      tpu.enqueue_indirect_dma source(%arg10 : memref<125x128xf32, #tpu.memory_space<vmem>>) target(%dma_start3A_144 : memref<10112x128xf32, #tpu.memory_space<vmem_shared>>) offsets(%dma_start3A_141 : memref<125xi32, #tpu.memory_space<vmem>>) semaphore(%run_scoped3A_138 : memref<!tpu.dma_semaphore, #tpu.memory_space<semaphore_mem>>) {add = true}
      %dma_wait3A_145 = arith.constant 0 : i32
      %dma_wait3A_146 = tpu.memref_slice %arg8[%run_scoped3A_129, %dma_wait3A_145] : memref<40x125xi32, #tpu.memory_space<vmem>> -> memref<1x125xi32, #tpu.memory_space<vmem>>
      %dma_wait3A_147 = tpu.memref_squeeze %dma_wait3A_146 : memref<1x125xi32, #tpu.memory_space<vmem>> -> memref<125xi32, #tpu.memory_space<vmem>>
      %dma_wait3A_148 = arith.constant 0 : i32
      %dma_wait3A_149 = arith.constant 0 : i32
      %dma_wait3A_150 = tpu.memref_slice %arg11[%dma_wait3A_148, %dma_wait3A_149] : memref<10112x128xf32, #tpu.memory_space<vmem_shared>> -> memref<10112x128xf32, #tpu.memory_space<vmem_shared>>
      tpu.wait_indirect_dma semaphore(%run_scoped3A_138 : memref<!tpu.dma_semaphore, #tpu.memory_space<semaphore_mem>>) src(%arg10 : memref<125x128xf32, #tpu.memory_space<vmem>>) dst(%dma_wait3A_150 : memref<10112x128xf32, #tpu.memory_space<vmem_shared>>)
      tpu.yield
    }) : () -> ()
    %barrier3A_130 = arith.constant 0 : index
    tpu.barrier barrier_id(%barrier3A_130)
    %mul3A_131 = arith.constant 632 : i32
    %mul3A_132 = arith.muli %arg1, %mul3A_131 : i32
    %mul3A_133 = arith.constant 10112 : i32
    %mul3A_134 = arith.muli %arg0, %mul3A_133 : i32
    %mul3A_135 = arith.constant 632 : i32
    %mul3A_136 = arith.muli %arg1, %mul3A_135 : i32
    %add3A_137 = arith.addi %mul3A_134, %mul3A_136 : i32
    "tpu.region"() ({
      %run_scoped3A_138 = tpu.sem_alloc : memref<!tpu.dma_semaphore, #tpu.memory_space<semaphore_mem>>
      %dma_start3A_139 = arith.constant 0 : i32
      %dma_start3A_140 = tpu.memref_slice %arg6[%add3A_137, %dma_start3A_139] : memref<20224x128xf32, #tpu.memory_space<hbm>> -> memref<632x128xf32, #tpu.memory_space<hbm>>
      %dma_start3A_141 = arith.constant 0 : i32
      %dma_start3A_142 = tpu.memref_slice %arg11[%mul3A_132, %dma_start3A_141] : memref<10112x128xf32, #tpu.memory_space<vmem_shared>> -> memref<632x128xf32, #tpu.memory_space<vmem_shared>>
      tpu.enqueue_dma source(%dma_start3A_142 : memref<632x128xf32, #tpu.memory_space<vmem_shared>>) target(%dma_start3A_140 : memref<632x128xf32, #tpu.memory_space<hbm>>) target_semaphore(%run_scoped3A_138 : memref<!tpu.dma_semaphore, #tpu.memory_space<semaphore_mem>>)
      %dma_wait3A_143 = arith.constant 0 : i32
      %dma_wait3A_144 = tpu.memref_slice %arg6[%add3A_137, %dma_wait3A_143] : memref<20224x128xf32, #tpu.memory_space<hbm>> -> memref<632x128xf32, #tpu.memory_space<hbm>>
      %dma_wait3A_145 = arith.constant 0 : i32
      %dma_wait3A_146 = tpu.memref_slice %arg11[%mul3A_132, %dma_wait3A_145] : memref<10112x128xf32, #tpu.memory_space<vmem_shared>> -> memref<632x128xf32, #tpu.memory_space<vmem_shared>>
      tpu.wait_dma2 semaphore(%run_scoped3A_138 : memref<!tpu.dma_semaphore, #tpu.memory_space<semaphore_mem>>) src(%dma_wait3A_146 : memref<632x128xf32, #tpu.memory_space<vmem_shared>>) dst(%dma_wait3A_144 : memref<632x128xf32, #tpu.memory_space<hbm>>)
      tpu.yield
    }) : () -> ()
    return
  }
}

#map = affine_map<(d0, d1) -> (0, 0, 0)>
#map1 = affine_map<(d0, d1) -> (0, 0)>
module attributes {stable_mosaic.version = 14 : i64} {
  func.func @hop(%arg0: i32, %arg1: i32, %arg2: memref<32x80x125xi32, #tpu.memory_space<hbm>>, %arg3: memref<32x80x125xi32, #tpu.memory_space<hbm>>, %arg4: memref<10000x128xf32, #tpu.memory_space<hbm>>, %arg5: memref<632x128xf32, #tpu.memory_space<hbm>>, %arg6: memref<10240x128xf32, #tpu.memory_space<hbm>>, %arg7: memref<80x125xi32, #tpu.memory_space<vmem>>, %arg8: memref<80x125xi32, #tpu.memory_space<vmem>>, %arg9: memref<125x128xf32, #tpu.memory_space<vmem>>, %arg10: memref<125x128xf32, #tpu.memory_space<vmem>>, %arg11: memref<5120x128xf32, #tpu.memory_space<vmem_shared>>, %arg12: memref<!tpu.dma_semaphore, #tpu.memory_space<semaphore_mem>>, %arg13: memref<!tpu.dma_semaphore, #tpu.memory_space<semaphore_mem>>, %arg14: memref<!tpu.dma_semaphore, #tpu.memory_space<semaphore_mem>>) attributes {dimension_semantics = [#tpu.dimension_semantics<core_parallel>, #tpu.dimension_semantics<subcore_parallel>], iteration_bounds = array<i64: 2, 16>, scalar_prefetch = 0 : i64, scratch_operands = 8 : i64, tpu.core_type = #tpu.core_type<sc_vector_subcore>, window_params = [{transform_indices = #map}, {transform_indices = #map}, {transform_indices = #map1}, {transform_indices = #map1}, {transform_indices = #map1}]} {
    %mul3A = arith.constant 2 : i32
    %mul3A_0 = arith.muli %arg1, %mul3A : i32
    %add3A = arith.addi %mul3A_0, %arg0 : i32
    %mul3A_1 = arith.constant 320 : i32
    %mul3A_2 = arith.muli %arg1, %mul3A_1 : i32
    %dma_start3A = arith.constant 0 : i32
    %dma_start3A_3 = tpu.memref_slice %arg11[%mul3A_2, %dma_start3A] : memref<5120x128xf32, #tpu.memory_space<vmem_shared>> -> memref<320x128xf32, #tpu.memory_space<vmem_shared>>
    %dma_start3A_4 = arith.constant 0 : i32
    %dma_start3A_5 = arith.constant 0 : i32
    %dma_start3A_6 = tpu.memref_slice %arg5[%dma_start3A_4, %dma_start3A_5] : memref<632x128xf32, #tpu.memory_space<hbm>> -> memref<320x128xf32, #tpu.memory_space<hbm>>
    tpu.enqueue_dma source(%dma_start3A_6 : memref<320x128xf32, #tpu.memory_space<hbm>>) target(%dma_start3A_3 : memref<320x128xf32, #tpu.memory_space<vmem_shared>>) target_semaphore(%arg14 : memref<!tpu.dma_semaphore, #tpu.memory_space<semaphore_mem>>)
    %mul3A_7 = arith.constant 1 : i32
    %mul3A_8 = arith.muli %add3A, %mul3A_7 : i32
    %dma_start3A_9 = arith.constant 0 : i32
    %dma_start3A_10 = arith.constant 0 : i32
    %dma_start3A_11 = tpu.memref_slice %arg2[%mul3A_8, %dma_start3A_9, %dma_start3A_10] : memref<32x80x125xi32, #tpu.memory_space<hbm>> -> memref<1x80x125xi32, #tpu.memory_space<hbm>>
    %dma_start3A_12 = tpu.memref_squeeze %dma_start3A_11 : memref<1x80x125xi32, #tpu.memory_space<hbm>> -> memref<80x125xi32, #tpu.memory_space<hbm>>
    %dma_start3A_13 = arith.constant 0 : i32
    %dma_start3A_14 = arith.constant 0 : i32
    %dma_start3A_15 = tpu.memref_slice %arg2[%mul3A_8, %dma_start3A_13, %dma_start3A_14] : memref<32x80x125xi32, #tpu.memory_space<hbm>> -> memref<1x80x125xi32, #tpu.memory_space<hbm>>
    %dma_start3A_16 = tpu.memref_squeeze %dma_start3A_15 : memref<1x80x125xi32, #tpu.memory_space<hbm>> -> memref<80x125xi32, #tpu.memory_space<hbm>>
    tpu.enqueue_dma source(%dma_start3A_16 : memref<80x125xi32, #tpu.memory_space<hbm>>) target(%arg7 : memref<80x125xi32, #tpu.memory_space<vmem>>) target_semaphore(%arg12 : memref<!tpu.dma_semaphore, #tpu.memory_space<semaphore_mem>>)
    %mul3A_17 = arith.constant 1 : i32
    %mul3A_18 = arith.muli %add3A, %mul3A_17 : i32
    %dma_start3A_19 = arith.constant 0 : i32
    %dma_start3A_20 = arith.constant 0 : i32
    %dma_start3A_21 = tpu.memref_slice %arg3[%mul3A_18, %dma_start3A_19, %dma_start3A_20] : memref<32x80x125xi32, #tpu.memory_space<hbm>> -> memref<1x80x125xi32, #tpu.memory_space<hbm>>
    %dma_start3A_22 = tpu.memref_squeeze %dma_start3A_21 : memref<1x80x125xi32, #tpu.memory_space<hbm>> -> memref<80x125xi32, #tpu.memory_space<hbm>>
    %dma_start3A_23 = arith.constant 0 : i32
    %dma_start3A_24 = arith.constant 0 : i32
    %dma_start3A_25 = tpu.memref_slice %arg3[%mul3A_18, %dma_start3A_23, %dma_start3A_24] : memref<32x80x125xi32, #tpu.memory_space<hbm>> -> memref<1x80x125xi32, #tpu.memory_space<hbm>>
    %dma_start3A_26 = tpu.memref_squeeze %dma_start3A_25 : memref<1x80x125xi32, #tpu.memory_space<hbm>> -> memref<80x125xi32, #tpu.memory_space<hbm>>
    tpu.enqueue_dma source(%dma_start3A_26 : memref<80x125xi32, #tpu.memory_space<hbm>>) target(%arg8 : memref<80x125xi32, #tpu.memory_space<vmem>>) target_semaphore(%arg13 : memref<!tpu.dma_semaphore, #tpu.memory_space<semaphore_mem>>)
    %broadcast_in_dim3A = arith.constant 1.000000e+00 : f32
    %broadcast_in_dim3A_27 = vector.broadcast %broadcast_in_dim3A : f32 to vector<16xf32>
    %mul3A_28 = arith.constant 1 : i32
    %mul3A_29 = arith.muli %add3A, %mul3A_28 : i32
    %dma_wait3A = arith.constant 0 : i32
    %dma_wait3A_30 = arith.constant 0 : i32
    %dma_wait3A_31 = tpu.memref_slice %arg2[%mul3A_29, %dma_wait3A, %dma_wait3A_30] : memref<32x80x125xi32, #tpu.memory_space<hbm>> -> memref<1x80x125xi32, #tpu.memory_space<hbm>>
    %dma_wait3A_32 = tpu.memref_squeeze %dma_wait3A_31 : memref<1x80x125xi32, #tpu.memory_space<hbm>> -> memref<80x125xi32, #tpu.memory_space<hbm>>
    %dma_wait3A_33 = arith.constant 0 : i32
    %dma_wait3A_34 = arith.constant 0 : i32
    %dma_wait3A_35 = tpu.memref_slice %arg2[%mul3A_29, %dma_wait3A_33, %dma_wait3A_34] : memref<32x80x125xi32, #tpu.memory_space<hbm>> -> memref<1x80x125xi32, #tpu.memory_space<hbm>>
    %dma_wait3A_36 = tpu.memref_squeeze %dma_wait3A_35 : memref<1x80x125xi32, #tpu.memory_space<hbm>> -> memref<80x125xi32, #tpu.memory_space<hbm>>
    tpu.wait_dma2 semaphore(%arg12 : memref<!tpu.dma_semaphore, #tpu.memory_space<semaphore_mem>>) src(%dma_wait3A_36 : memref<80x125xi32, #tpu.memory_space<hbm>>) dst(%arg7 : memref<80x125xi32, #tpu.memory_space<vmem>>)
    %mul3A_37 = arith.constant 1 : i32
    %mul3A_38 = arith.muli %add3A, %mul3A_37 : i32
    %dma_wait3A_39 = arith.constant 0 : i32
    %dma_wait3A_40 = arith.constant 0 : i32
    %dma_wait3A_41 = tpu.memref_slice %arg3[%mul3A_38, %dma_wait3A_39, %dma_wait3A_40] : memref<32x80x125xi32, #tpu.memory_space<hbm>> -> memref<1x80x125xi32, #tpu.memory_space<hbm>>
    %dma_wait3A_42 = tpu.memref_squeeze %dma_wait3A_41 : memref<1x80x125xi32, #tpu.memory_space<hbm>> -> memref<80x125xi32, #tpu.memory_space<hbm>>
    %dma_wait3A_43 = arith.constant 0 : i32
    %dma_wait3A_44 = arith.constant 0 : i32
    %dma_wait3A_45 = tpu.memref_slice %arg3[%mul3A_38, %dma_wait3A_43, %dma_wait3A_44] : memref<32x80x125xi32, #tpu.memory_space<hbm>> -> memref<1x80x125xi32, #tpu.memory_space<hbm>>
    %dma_wait3A_46 = tpu.memref_squeeze %dma_wait3A_45 : memref<1x80x125xi32, #tpu.memory_space<hbm>> -> memref<80x125xi32, #tpu.memory_space<hbm>>
    tpu.wait_dma2 semaphore(%arg13 : memref<!tpu.dma_semaphore, #tpu.memory_space<semaphore_mem>>) src(%dma_wait3A_46 : memref<80x125xi32, #tpu.memory_space<hbm>>) dst(%arg8 : memref<80x125xi32, #tpu.memory_space<vmem>>)
    %mul3A_47 = arith.constant 320 : i32
    %mul3A_48 = arith.muli %arg1, %mul3A_47 : i32
    %dma_wait3A_49 = arith.constant 0 : i32
    %dma_wait3A_50 = tpu.memref_slice %arg11[%mul3A_48, %dma_wait3A_49] : memref<5120x128xf32, #tpu.memory_space<vmem_shared>> -> memref<320x128xf32, #tpu.memory_space<vmem_shared>>
    %dma_wait3A_51 = arith.constant 0 : i32
    %dma_wait3A_52 = arith.constant 0 : i32
    %dma_wait3A_53 = tpu.memref_slice %arg5[%dma_wait3A_51, %dma_wait3A_52] : memref<632x128xf32, #tpu.memory_space<hbm>> -> memref<320x128xf32, #tpu.memory_space<hbm>>
    tpu.wait_dma2 semaphore(%arg14 : memref<!tpu.dma_semaphore, #tpu.memory_space<semaphore_mem>>) src(%dma_wait3A_53 : memref<320x128xf32, #tpu.memory_space<hbm>>) dst(%dma_wait3A_50 : memref<320x128xf32, #tpu.memory_space<vmem_shared>>)
    %barrier3A = arith.constant 0 : index
    tpu.barrier barrier_id(%barrier3A)
    %dma_start3A_54 = arith.constant 0 : i32
    %dma_start3A_55 = arith.constant 0 : i32
    %dma_start3A_56 = tpu.memref_slice %arg7[%dma_start3A_54, %dma_start3A_55] : memref<80x125xi32, #tpu.memory_space<vmem>> -> memref<1x125xi32, #tpu.memory_space<vmem>>
    %dma_start3A_57 = tpu.memref_squeeze %dma_start3A_56 : memref<1x125xi32, #tpu.memory_space<vmem>> -> memref<125xi32, #tpu.memory_space<vmem>>
    %dma_start3A_58 = arith.constant 0 : i32
    %dma_start3A_59 = arith.constant 0 : i32
    %dma_start3A_60 = tpu.memref_slice %arg4[%dma_start3A_58, %dma_start3A_59] : memref<10000x128xf32, #tpu.memory_space<hbm>> -> memref<10000x128xf32, #tpu.memory_space<hbm>>
    tpu.enqueue_indirect_dma source(%dma_start3A_60 : memref<10000x128xf32, #tpu.memory_space<hbm>>) target(%arg9 : memref<125x128xf32, #tpu.memory_space<vmem>>) offsets(%dma_start3A_57 : memref<125xi32, #tpu.memory_space<vmem>>) semaphore(%arg12 : memref<!tpu.dma_semaphore, #tpu.memory_space<semaphore_mem>>)
    %dma_start3A_61 = arith.constant 1 : i32
    %dma_start3A_62 = arith.constant 0 : i32
    %dma_start3A_63 = tpu.memref_slice %arg7[%dma_start3A_61, %dma_start3A_62] : memref<80x125xi32, #tpu.memory_space<vmem>> -> memref<1x125xi32, #tpu.memory_space<vmem>>
    %dma_start3A_64 = tpu.memref_squeeze %dma_start3A_63 : memref<1x125xi32, #tpu.memory_space<vmem>> -> memref<125xi32, #tpu.memory_space<vmem>>
    %dma_start3A_65 = arith.constant 0 : i32
    %dma_start3A_66 = arith.constant 0 : i32
    %dma_start3A_67 = tpu.memref_slice %arg4[%dma_start3A_65, %dma_start3A_66] : memref<10000x128xf32, #tpu.memory_space<hbm>> -> memref<10000x128xf32, #tpu.memory_space<hbm>>
    tpu.enqueue_indirect_dma source(%dma_start3A_67 : memref<10000x128xf32, #tpu.memory_space<hbm>>) target(%arg10 : memref<125x128xf32, #tpu.memory_space<vmem>>) offsets(%dma_start3A_64 : memref<125xi32, #tpu.memory_space<vmem>>) semaphore(%arg13 : memref<!tpu.dma_semaphore, #tpu.memory_space<semaphore_mem>>)
    %scan3A = arith.constant 0 : i32
    %scan3A_68 = arith.constant 39 : i32
    %scan3A_69 = arith.addi %scan3A, %scan3A_68 : i32
    %scan3A_70 = arith.constant 1 : i32
    scf.for %scan3A_95 = %scan3A to %scan3A_69 step %scan3A_70  : i32 {
      %mul3A_96 = arith.constant 2 : i32
      %mul3A_97 = arith.muli %mul3A_96, %scan3A_95 : i32
      %dma_wait3A_98 = arith.constant 0 : i32
      %dma_wait3A_99 = tpu.memref_slice %arg7[%mul3A_97, %dma_wait3A_98] : memref<80x125xi32, #tpu.memory_space<vmem>> -> memref<1x125xi32, #tpu.memory_space<vmem>>
      %dma_wait3A_100 = tpu.memref_squeeze %dma_wait3A_99 : memref<1x125xi32, #tpu.memory_space<vmem>> -> memref<125xi32, #tpu.memory_space<vmem>>
      %dma_wait3A_101 = arith.constant 0 : i32
      %dma_wait3A_102 = arith.constant 0 : i32
      %dma_wait3A_103 = tpu.memref_slice %arg4[%dma_wait3A_101, %dma_wait3A_102] : memref<10000x128xf32, #tpu.memory_space<hbm>> -> memref<10000x128xf32, #tpu.memory_space<hbm>>
      tpu.wait_indirect_dma semaphore(%arg12 : memref<!tpu.dma_semaphore, #tpu.memory_space<semaphore_mem>>) src(%dma_wait3A_103 : memref<10000x128xf32, #tpu.memory_space<hbm>>) dst(%arg9 : memref<125x128xf32, #tpu.memory_space<vmem>>)
      "tpu.region"() ({
        %run_scoped3A_130 = tpu.sem_alloc : memref<!tpu.dma_semaphore, #tpu.memory_space<semaphore_mem>>
        %dma_start3A_131 = arith.constant 0 : i32
        %dma_start3A_132 = tpu.memref_slice %arg8[%mul3A_97, %dma_start3A_131] : memref<80x125xi32, #tpu.memory_space<vmem>> -> memref<1x125xi32, #tpu.memory_space<vmem>>
        %dma_start3A_133 = tpu.memref_squeeze %dma_start3A_132 : memref<1x125xi32, #tpu.memory_space<vmem>> -> memref<125xi32, #tpu.memory_space<vmem>>
        %dma_start3A_134 = arith.constant 0 : i32
        %dma_start3A_135 = arith.constant 0 : i32
        %dma_start3A_136 = tpu.memref_slice %arg11[%dma_start3A_134, %dma_start3A_135] : memref<5120x128xf32, #tpu.memory_space<vmem_shared>> -> memref<5120x128xf32, #tpu.memory_space<vmem_shared>>
        tpu.enqueue_indirect_dma source(%arg9 : memref<125x128xf32, #tpu.memory_space<vmem>>) target(%dma_start3A_136 : memref<5120x128xf32, #tpu.memory_space<vmem_shared>>) offsets(%dma_start3A_133 : memref<125xi32, #tpu.memory_space<vmem>>) semaphore(%run_scoped3A_130 : memref<!tpu.dma_semaphore, #tpu.memory_space<semaphore_mem>>) {add = true}
        %dma_wait3A_137 = arith.constant 0 : i32
        %dma_wait3A_138 = tpu.memref_slice %arg8[%mul3A_97, %dma_wait3A_137] : memref<80x125xi32, #tpu.memory_space<vmem>> -> memref<1x125xi32, #tpu.memory_space<vmem>>
        %dma_wait3A_139 = tpu.memref_squeeze %dma_wait3A_138 : memref<1x125xi32, #tpu.memory_space<vmem>> -> memref<125xi32, #tpu.memory_space<vmem>>
        %dma_wait3A_140 = arith.constant 0 : i32
        %dma_wait3A_141 = arith.constant 0 : i32
        %dma_wait3A_142 = tpu.memref_slice %arg11[%dma_wait3A_140, %dma_wait3A_141] : memref<5120x128xf32, #tpu.memory_space<vmem_shared>> -> memref<5120x128xf32, #tpu.memory_space<vmem_shared>>
        tpu.wait_indirect_dma semaphore(%run_scoped3A_130 : memref<!tpu.dma_semaphore, #tpu.memory_space<semaphore_mem>>) src(%arg9 : memref<125x128xf32, #tpu.memory_space<vmem>>) dst(%dma_wait3A_142 : memref<5120x128xf32, #tpu.memory_space<vmem_shared>>)
        tpu.yield
      }) : () -> ()
      %add3A_104 = arith.constant 2 : i32
      %add3A_105 = arith.addi %mul3A_97, %add3A_104 : i32
      %dma_start3A_106 = arith.constant 0 : i32
      %dma_start3A_107 = tpu.memref_slice %arg7[%add3A_105, %dma_start3A_106] : memref<80x125xi32, #tpu.memory_space<vmem>> -> memref<1x125xi32, #tpu.memory_space<vmem>>
      %dma_start3A_108 = tpu.memref_squeeze %dma_start3A_107 : memref<1x125xi32, #tpu.memory_space<vmem>> -> memref<125xi32, #tpu.memory_space<vmem>>
      %dma_start3A_109 = arith.constant 0 : i32
      %dma_start3A_110 = arith.constant 0 : i32
      %dma_start3A_111 = tpu.memref_slice %arg4[%dma_start3A_109, %dma_start3A_110] : memref<10000x128xf32, #tpu.memory_space<hbm>> -> memref<10000x128xf32, #tpu.memory_space<hbm>>
      tpu.enqueue_indirect_dma source(%dma_start3A_111 : memref<10000x128xf32, #tpu.memory_space<hbm>>) target(%arg9 : memref<125x128xf32, #tpu.memory_space<vmem>>) offsets(%dma_start3A_108 : memref<125xi32, #tpu.memory_space<vmem>>) semaphore(%arg12 : memref<!tpu.dma_semaphore, #tpu.memory_space<semaphore_mem>>)
      %add3A_112 = arith.constant 1 : i32
      %add3A_113 = arith.addi %mul3A_97, %add3A_112 : i32
      %dma_wait3A_114 = arith.constant 0 : i32
      %dma_wait3A_115 = tpu.memref_slice %arg7[%add3A_113, %dma_wait3A_114] : memref<80x125xi32, #tpu.memory_space<vmem>> -> memref<1x125xi32, #tpu.memory_space<vmem>>
      %dma_wait3A_116 = tpu.memref_squeeze %dma_wait3A_115 : memref<1x125xi32, #tpu.memory_space<vmem>> -> memref<125xi32, #tpu.memory_space<vmem>>
      %dma_wait3A_117 = arith.constant 0 : i32
      %dma_wait3A_118 = arith.constant 0 : i32
      %dma_wait3A_119 = tpu.memref_slice %arg4[%dma_wait3A_117, %dma_wait3A_118] : memref<10000x128xf32, #tpu.memory_space<hbm>> -> memref<10000x128xf32, #tpu.memory_space<hbm>>
      tpu.wait_indirect_dma semaphore(%arg13 : memref<!tpu.dma_semaphore, #tpu.memory_space<semaphore_mem>>) src(%dma_wait3A_119 : memref<10000x128xf32, #tpu.memory_space<hbm>>) dst(%arg10 : memref<125x128xf32, #tpu.memory_space<vmem>>)
      %add3A_120 = arith.constant 1 : i32
      %add3A_121 = arith.addi %mul3A_97, %add3A_120 : i32
      "tpu.region"() ({
        %run_scoped3A_130 = tpu.sem_alloc : memref<!tpu.dma_semaphore, #tpu.memory_space<semaphore_mem>>
        %dma_start3A_131 = arith.constant 0 : i32
        %dma_start3A_132 = tpu.memref_slice %arg8[%add3A_121, %dma_start3A_131] : memref<80x125xi32, #tpu.memory_space<vmem>> -> memref<1x125xi32, #tpu.memory_space<vmem>>
        %dma_start3A_133 = tpu.memref_squeeze %dma_start3A_132 : memref<1x125xi32, #tpu.memory_space<vmem>> -> memref<125xi32, #tpu.memory_space<vmem>>
        %dma_start3A_134 = arith.constant 0 : i32
        %dma_start3A_135 = arith.constant 0 : i32
        %dma_start3A_136 = tpu.memref_slice %arg11[%dma_start3A_134, %dma_start3A_135] : memref<5120x128xf32, #tpu.memory_space<vmem_shared>> -> memref<5120x128xf32, #tpu.memory_space<vmem_shared>>
        tpu.enqueue_indirect_dma source(%arg10 : memref<125x128xf32, #tpu.memory_space<vmem>>) target(%dma_start3A_136 : memref<5120x128xf32, #tpu.memory_space<vmem_shared>>) offsets(%dma_start3A_133 : memref<125xi32, #tpu.memory_space<vmem>>) semaphore(%run_scoped3A_130 : memref<!tpu.dma_semaphore, #tpu.memory_space<semaphore_mem>>) {add = true}
        %dma_wait3A_137 = arith.constant 0 : i32
        %dma_wait3A_138 = tpu.memref_slice %arg8[%add3A_121, %dma_wait3A_137] : memref<80x125xi32, #tpu.memory_space<vmem>> -> memref<1x125xi32, #tpu.memory_space<vmem>>
        %dma_wait3A_139 = tpu.memref_squeeze %dma_wait3A_138 : memref<1x125xi32, #tpu.memory_space<vmem>> -> memref<125xi32, #tpu.memory_space<vmem>>
        %dma_wait3A_140 = arith.constant 0 : i32
        %dma_wait3A_141 = arith.constant 0 : i32
        %dma_wait3A_142 = tpu.memref_slice %arg11[%dma_wait3A_140, %dma_wait3A_141] : memref<5120x128xf32, #tpu.memory_space<vmem_shared>> -> memref<5120x128xf32, #tpu.memory_space<vmem_shared>>
        tpu.wait_indirect_dma semaphore(%run_scoped3A_130 : memref<!tpu.dma_semaphore, #tpu.memory_space<semaphore_mem>>) src(%arg10 : memref<125x128xf32, #tpu.memory_space<vmem>>) dst(%dma_wait3A_142 : memref<5120x128xf32, #tpu.memory_space<vmem_shared>>)
        tpu.yield
      }) : () -> ()
      %add3A_122 = arith.constant 3 : i32
      %add3A_123 = arith.addi %mul3A_97, %add3A_122 : i32
      %dma_start3A_124 = arith.constant 0 : i32
      %dma_start3A_125 = tpu.memref_slice %arg7[%add3A_123, %dma_start3A_124] : memref<80x125xi32, #tpu.memory_space<vmem>> -> memref<1x125xi32, #tpu.memory_space<vmem>>
      %dma_start3A_126 = tpu.memref_squeeze %dma_start3A_125 : memref<1x125xi32, #tpu.memory_space<vmem>> -> memref<125xi32, #tpu.memory_space<vmem>>
      %dma_start3A_127 = arith.constant 0 : i32
      %dma_start3A_128 = arith.constant 0 : i32
      %dma_start3A_129 = tpu.memref_slice %arg4[%dma_start3A_127, %dma_start3A_128] : memref<10000x128xf32, #tpu.memory_space<hbm>> -> memref<10000x128xf32, #tpu.memory_space<hbm>>
      tpu.enqueue_indirect_dma source(%dma_start3A_129 : memref<10000x128xf32, #tpu.memory_space<hbm>>) target(%arg10 : memref<125x128xf32, #tpu.memory_space<vmem>>) offsets(%dma_start3A_126 : memref<125xi32, #tpu.memory_space<vmem>>) semaphore(%arg13 : memref<!tpu.dma_semaphore, #tpu.memory_space<semaphore_mem>>)
    }
    %scan3A_71 = arith.constant 39 : i32
    %dma_wait3A_72 = arith.constant 78 : i32
    %dma_wait3A_73 = arith.constant 0 : i32
    %dma_wait3A_74 = tpu.memref_slice %arg7[%dma_wait3A_72, %dma_wait3A_73] : memref<80x125xi32, #tpu.memory_space<vmem>> -> memref<1x125xi32, #tpu.memory_space<vmem>>
    %dma_wait3A_75 = tpu.memref_squeeze %dma_wait3A_74 : memref<1x125xi32, #tpu.memory_space<vmem>> -> memref<125xi32, #tpu.memory_space<vmem>>
    %dma_wait3A_76 = arith.constant 0 : i32
    %dma_wait3A_77 = arith.constant 0 : i32
    %dma_wait3A_78 = tpu.memref_slice %arg4[%dma_wait3A_76, %dma_wait3A_77] : memref<10000x128xf32, #tpu.memory_space<hbm>> -> memref<10000x128xf32, #tpu.memory_space<hbm>>
    tpu.wait_indirect_dma semaphore(%arg12 : memref<!tpu.dma_semaphore, #tpu.memory_space<semaphore_mem>>) src(%dma_wait3A_78 : memref<10000x128xf32, #tpu.memory_space<hbm>>) dst(%arg9 : memref<125x128xf32, #tpu.memory_space<vmem>>)
    %run_scoped3A = arith.constant 78 : i32
    "tpu.region"() ({
      %run_scoped3A_95 = tpu.sem_alloc : memref<!tpu.dma_semaphore, #tpu.memory_space<semaphore_mem>>
      %dma_start3A_96 = arith.constant 0 : i32
      %dma_start3A_97 = tpu.memref_slice %arg8[%run_scoped3A, %dma_start3A_96] : memref<80x125xi32, #tpu.memory_space<vmem>> -> memref<1x125xi32, #tpu.memory_space<vmem>>
      %dma_start3A_98 = tpu.memref_squeeze %dma_start3A_97 : memref<1x125xi32, #tpu.memory_space<vmem>> -> memref<125xi32, #tpu.memory_space<vmem>>
      %dma_start3A_99 = arith.constant 0 : i32
      %dma_start3A_100 = arith.constant 0 : i32
      %dma_start3A_101 = tpu.memref_slice %arg11[%dma_start3A_99, %dma_start3A_100] : memref<5120x128xf32, #tpu.memory_space<vmem_shared>> -> memref<5120x128xf32, #tpu.memory_space<vmem_shared>>
      tpu.enqueue_indirect_dma source(%arg9 : memref<125x128xf32, #tpu.memory_space<vmem>>) target(%dma_start3A_101 : memref<5120x128xf32, #tpu.memory_space<vmem_shared>>) offsets(%dma_start3A_98 : memref<125xi32, #tpu.memory_space<vmem>>) semaphore(%run_scoped3A_95 : memref<!tpu.dma_semaphore, #tpu.memory_space<semaphore_mem>>) {add = true}
      %dma_wait3A_102 = arith.constant 0 : i32
      %dma_wait3A_103 = tpu.memref_slice %arg8[%run_scoped3A, %dma_wait3A_102] : memref<80x125xi32, #tpu.memory_space<vmem>> -> memref<1x125xi32, #tpu.memory_space<vmem>>
      %dma_wait3A_104 = tpu.memref_squeeze %dma_wait3A_103 : memref<1x125xi32, #tpu.memory_space<vmem>> -> memref<125xi32, #tpu.memory_space<vmem>>
      %dma_wait3A_105 = arith.constant 0 : i32
      %dma_wait3A_106 = arith.constant 0 : i32
      %dma_wait3A_107 = tpu.memref_slice %arg11[%dma_wait3A_105, %dma_wait3A_106] : memref<5120x128xf32, #tpu.memory_space<vmem_shared>> -> memref<5120x128xf32, #tpu.memory_space<vmem_shared>>
      tpu.wait_indirect_dma semaphore(%run_scoped3A_95 : memref<!tpu.dma_semaphore, #tpu.memory_space<semaphore_mem>>) src(%arg9 : memref<125x128xf32, #tpu.memory_space<vmem>>) dst(%dma_wait3A_107 : memref<5120x128xf32, #tpu.memory_space<vmem_shared>>)
      tpu.yield
    }) : () -> ()
    %dma_wait3A_79 = arith.constant 79 : i32
    %dma_wait3A_80 = arith.constant 0 : i32
    %dma_wait3A_81 = tpu.memref_slice %arg7[%dma_wait3A_79, %dma_wait3A_80] : memref<80x125xi32, #tpu.memory_space<vmem>> -> memref<1x125xi32, #tpu.memory_space<vmem>>
    %dma_wait3A_82 = tpu.memref_squeeze %dma_wait3A_81 : memref<1x125xi32, #tpu.memory_space<vmem>> -> memref<125xi32, #tpu.memory_space<vmem>>
    %dma_wait3A_83 = arith.constant 0 : i32
    %dma_wait3A_84 = arith.constant 0 : i32
    %dma_wait3A_85 = tpu.memref_slice %arg4[%dma_wait3A_83, %dma_wait3A_84] : memref<10000x128xf32, #tpu.memory_space<hbm>> -> memref<10000x128xf32, #tpu.memory_space<hbm>>
    tpu.wait_indirect_dma semaphore(%arg13 : memref<!tpu.dma_semaphore, #tpu.memory_space<semaphore_mem>>) src(%dma_wait3A_85 : memref<10000x128xf32, #tpu.memory_space<hbm>>) dst(%arg10 : memref<125x128xf32, #tpu.memory_space<vmem>>)
    %run_scoped3A_86 = arith.constant 79 : i32
    "tpu.region"() ({
      %run_scoped3A_95 = tpu.sem_alloc : memref<!tpu.dma_semaphore, #tpu.memory_space<semaphore_mem>>
      %dma_start3A_96 = arith.constant 0 : i32
      %dma_start3A_97 = tpu.memref_slice %arg8[%run_scoped3A_86, %dma_start3A_96] : memref<80x125xi32, #tpu.memory_space<vmem>> -> memref<1x125xi32, #tpu.memory_space<vmem>>
      %dma_start3A_98 = tpu.memref_squeeze %dma_start3A_97 : memref<1x125xi32, #tpu.memory_space<vmem>> -> memref<125xi32, #tpu.memory_space<vmem>>
      %dma_start3A_99 = arith.constant 0 : i32
      %dma_start3A_100 = arith.constant 0 : i32
      %dma_start3A_101 = tpu.memref_slice %arg11[%dma_start3A_99, %dma_start3A_100] : memref<5120x128xf32, #tpu.memory_space<vmem_shared>> -> memref<5120x128xf32, #tpu.memory_space<vmem_shared>>
      tpu.enqueue_indirect_dma source(%arg10 : memref<125x128xf32, #tpu.memory_space<vmem>>) target(%dma_start3A_101 : memref<5120x128xf32, #tpu.memory_space<vmem_shared>>) offsets(%dma_start3A_98 : memref<125xi32, #tpu.memory_space<vmem>>) semaphore(%run_scoped3A_95 : memref<!tpu.dma_semaphore, #tpu.memory_space<semaphore_mem>>) {add = true}
      %dma_wait3A_102 = arith.constant 0 : i32
      %dma_wait3A_103 = tpu.memref_slice %arg8[%run_scoped3A_86, %dma_wait3A_102] : memref<80x125xi32, #tpu.memory_space<vmem>> -> memref<1x125xi32, #tpu.memory_space<vmem>>
      %dma_wait3A_104 = tpu.memref_squeeze %dma_wait3A_103 : memref<1x125xi32, #tpu.memory_space<vmem>> -> memref<125xi32, #tpu.memory_space<vmem>>
      %dma_wait3A_105 = arith.constant 0 : i32
      %dma_wait3A_106 = arith.constant 0 : i32
      %dma_wait3A_107 = tpu.memref_slice %arg11[%dma_wait3A_105, %dma_wait3A_106] : memref<5120x128xf32, #tpu.memory_space<vmem_shared>> -> memref<5120x128xf32, #tpu.memory_space<vmem_shared>>
      tpu.wait_indirect_dma semaphore(%run_scoped3A_95 : memref<!tpu.dma_semaphore, #tpu.memory_space<semaphore_mem>>) src(%arg10 : memref<125x128xf32, #tpu.memory_space<vmem>>) dst(%dma_wait3A_107 : memref<5120x128xf32, #tpu.memory_space<vmem_shared>>)
      tpu.yield
    }) : () -> ()
    %barrier3A_87 = arith.constant 0 : index
    tpu.barrier barrier_id(%barrier3A_87)
    %mul3A_88 = arith.constant 320 : i32
    %mul3A_89 = arith.muli %arg1, %mul3A_88 : i32
    %mul3A_90 = arith.constant 5120 : i32
    %mul3A_91 = arith.muli %arg0, %mul3A_90 : i32
    %mul3A_92 = arith.constant 320 : i32
    %mul3A_93 = arith.muli %arg1, %mul3A_92 : i32
    %add3A_94 = arith.addi %mul3A_91, %mul3A_93 : i32
    "tpu.region"() ({
      %run_scoped3A_95 = tpu.sem_alloc : memref<!tpu.dma_semaphore, #tpu.memory_space<semaphore_mem>>
      %dma_start3A_96 = arith.constant 0 : i32
      %dma_start3A_97 = tpu.memref_slice %arg6[%add3A_94, %dma_start3A_96] : memref<10240x128xf32, #tpu.memory_space<hbm>> -> memref<320x128xf32, #tpu.memory_space<hbm>>
      %dma_start3A_98 = arith.constant 0 : i32
      %dma_start3A_99 = tpu.memref_slice %arg11[%mul3A_89, %dma_start3A_98] : memref<5120x128xf32, #tpu.memory_space<vmem_shared>> -> memref<320x128xf32, #tpu.memory_space<vmem_shared>>
      tpu.enqueue_dma source(%dma_start3A_99 : memref<320x128xf32, #tpu.memory_space<vmem_shared>>) target(%dma_start3A_97 : memref<320x128xf32, #tpu.memory_space<hbm>>) target_semaphore(%run_scoped3A_95 : memref<!tpu.dma_semaphore, #tpu.memory_space<semaphore_mem>>)
      %dma_wait3A_100 = arith.constant 0 : i32
      %dma_wait3A_101 = tpu.memref_slice %arg6[%add3A_94, %dma_wait3A_100] : memref<10240x128xf32, #tpu.memory_space<hbm>> -> memref<320x128xf32, #tpu.memory_space<hbm>>
      %dma_wait3A_102 = arith.constant 0 : i32
      %dma_wait3A_103 = tpu.memref_slice %arg11[%mul3A_89, %dma_wait3A_102] : memref<5120x128xf32, #tpu.memory_space<vmem_shared>> -> memref<320x128xf32, #tpu.memory_space<vmem_shared>>
      tpu.wait_dma2 semaphore(%run_scoped3A_95 : memref<!tpu.dma_semaphore, #tpu.memory_space<semaphore_mem>>) src(%dma_wait3A_103 : memref<320x128xf32, #tpu.memory_space<vmem_shared>>) dst(%dma_wait3A_101 : memref<320x128xf32, #tpu.memory_space<hbm>>)
      tpu.yield
    }) : () -> ()
    return
  }
}

#map = affine_map<(d0, d1) -> (0, 0, 0)>
#map1 = affine_map<(d0, d1) -> (0, 0)>
module attributes {stable_mosaic.version = 14 : i64} {
  func.func @hop(%arg0: i32, %arg1: i32, %arg2: memref<64x40x125xi32, #tpu.memory_space<hbm>>, %arg3: memref<64x40x125xi32, #tpu.memory_space<hbm>>, %arg4: memref<5120x128xf32, #tpu.memory_space<hbm>>, %arg5: memref<632x128xf32, #tpu.memory_space<hbm>>, %arg6: memref<20224x128xf32, #tpu.memory_space<hbm>>, %arg7: memref<40x125xi32, #tpu.memory_space<vmem>>, %arg8: memref<40x125xi32, #tpu.memory_space<vmem>>, %arg9: memref<125x128xf32, #tpu.memory_space<vmem>>, %arg10: memref<125x128xf32, #tpu.memory_space<vmem>>, %arg11: memref<10112x128xf32, #tpu.memory_space<vmem_shared>>, %arg12: memref<!tpu.dma_semaphore, #tpu.memory_space<semaphore_mem>>, %arg13: memref<!tpu.dma_semaphore, #tpu.memory_space<semaphore_mem>>, %arg14: memref<!tpu.dma_semaphore, #tpu.memory_space<semaphore_mem>>) attributes {dimension_semantics = [#tpu.dimension_semantics<core_parallel>, #tpu.dimension_semantics<subcore_parallel>], iteration_bounds = array<i64: 2, 16>, scalar_prefetch = 0 : i64, scratch_operands = 8 : i64, tpu.core_type = #tpu.core_type<sc_vector_subcore>, window_params = [{transform_indices = #map}, {transform_indices = #map}, {transform_indices = #map1}, {transform_indices = #map1}, {transform_indices = #map1}]} {
    %mul3A = arith.constant 2 : i32
    %mul3A_0 = arith.muli %arg1, %mul3A : i32
    %add3A = arith.addi %mul3A_0, %arg0 : i32
    %mul3A_1 = arith.constant 632 : i32
    %mul3A_2 = arith.muli %arg1, %mul3A_1 : i32
    %dma_start3A = arith.constant 0 : i32
    %dma_start3A_3 = tpu.memref_slice %arg11[%mul3A_2, %dma_start3A] : memref<10112x128xf32, #tpu.memory_space<vmem_shared>> -> memref<632x128xf32, #tpu.memory_space<vmem_shared>>
    %dma_start3A_4 = arith.constant 0 : i32
    %dma_start3A_5 = arith.constant 0 : i32
    %dma_start3A_6 = tpu.memref_slice %arg5[%dma_start3A_4, %dma_start3A_5] : memref<632x128xf32, #tpu.memory_space<hbm>> -> memref<632x128xf32, #tpu.memory_space<hbm>>
    tpu.enqueue_dma source(%dma_start3A_6 : memref<632x128xf32, #tpu.memory_space<hbm>>) target(%dma_start3A_3 : memref<632x128xf32, #tpu.memory_space<vmem_shared>>) target_semaphore(%arg14 : memref<!tpu.dma_semaphore, #tpu.memory_space<semaphore_mem>>)
    %mul3A_7 = arith.constant 2 : i32
    %mul3A_8 = arith.muli %add3A, %mul3A_7 : i32
    %dma_start3A_9 = arith.constant 0 : i32
    %dma_start3A_10 = arith.constant 0 : i32
    %dma_start3A_11 = tpu.memref_slice %arg2[%mul3A_8, %dma_start3A_9, %dma_start3A_10] : memref<64x40x125xi32, #tpu.memory_space<hbm>> -> memref<1x40x125xi32, #tpu.memory_space<hbm>>
    %dma_start3A_12 = tpu.memref_squeeze %dma_start3A_11 : memref<1x40x125xi32, #tpu.memory_space<hbm>> -> memref<40x125xi32, #tpu.memory_space<hbm>>
    %dma_start3A_13 = arith.constant 0 : i32
    %dma_start3A_14 = arith.constant 0 : i32
    %dma_start3A_15 = tpu.memref_slice %arg2[%mul3A_8, %dma_start3A_13, %dma_start3A_14] : memref<64x40x125xi32, #tpu.memory_space<hbm>> -> memref<1x40x125xi32, #tpu.memory_space<hbm>>
    %dma_start3A_16 = tpu.memref_squeeze %dma_start3A_15 : memref<1x40x125xi32, #tpu.memory_space<hbm>> -> memref<40x125xi32, #tpu.memory_space<hbm>>
    tpu.enqueue_dma source(%dma_start3A_16 : memref<40x125xi32, #tpu.memory_space<hbm>>) target(%arg7 : memref<40x125xi32, #tpu.memory_space<vmem>>) target_semaphore(%arg12 : memref<!tpu.dma_semaphore, #tpu.memory_space<semaphore_mem>>)
    %mul3A_17 = arith.constant 2 : i32
    %mul3A_18 = arith.muli %add3A, %mul3A_17 : i32
    %dma_start3A_19 = arith.constant 0 : i32
    %dma_start3A_20 = arith.constant 0 : i32
    %dma_start3A_21 = tpu.memref_slice %arg3[%mul3A_18, %dma_start3A_19, %dma_start3A_20] : memref<64x40x125xi32, #tpu.memory_space<hbm>> -> memref<1x40x125xi32, #tpu.memory_space<hbm>>
    %dma_start3A_22 = tpu.memref_squeeze %dma_start3A_21 : memref<1x40x125xi32, #tpu.memory_space<hbm>> -> memref<40x125xi32, #tpu.memory_space<hbm>>
    %dma_start3A_23 = arith.constant 0 : i32
    %dma_start3A_24 = arith.constant 0 : i32
    %dma_start3A_25 = tpu.memref_slice %arg3[%mul3A_18, %dma_start3A_23, %dma_start3A_24] : memref<64x40x125xi32, #tpu.memory_space<hbm>> -> memref<1x40x125xi32, #tpu.memory_space<hbm>>
    %dma_start3A_26 = tpu.memref_squeeze %dma_start3A_25 : memref<1x40x125xi32, #tpu.memory_space<hbm>> -> memref<40x125xi32, #tpu.memory_space<hbm>>
    tpu.enqueue_dma source(%dma_start3A_26 : memref<40x125xi32, #tpu.memory_space<hbm>>) target(%arg8 : memref<40x125xi32, #tpu.memory_space<vmem>>) target_semaphore(%arg13 : memref<!tpu.dma_semaphore, #tpu.memory_space<semaphore_mem>>)
    %broadcast_in_dim3A = arith.constant 1.000000e+00 : f32
    %broadcast_in_dim3A_27 = vector.broadcast %broadcast_in_dim3A : f32 to vector<16xf32>
    %mul3A_28 = arith.constant 2 : i32
    %mul3A_29 = arith.muli %add3A, %mul3A_28 : i32
    %dma_wait3A = arith.constant 0 : i32
    %dma_wait3A_30 = arith.constant 0 : i32
    %dma_wait3A_31 = tpu.memref_slice %arg2[%mul3A_29, %dma_wait3A, %dma_wait3A_30] : memref<64x40x125xi32, #tpu.memory_space<hbm>> -> memref<1x40x125xi32, #tpu.memory_space<hbm>>
    %dma_wait3A_32 = tpu.memref_squeeze %dma_wait3A_31 : memref<1x40x125xi32, #tpu.memory_space<hbm>> -> memref<40x125xi32, #tpu.memory_space<hbm>>
    %dma_wait3A_33 = arith.constant 0 : i32
    %dma_wait3A_34 = arith.constant 0 : i32
    %dma_wait3A_35 = tpu.memref_slice %arg2[%mul3A_29, %dma_wait3A_33, %dma_wait3A_34] : memref<64x40x125xi32, #tpu.memory_space<hbm>> -> memref<1x40x125xi32, #tpu.memory_space<hbm>>
    %dma_wait3A_36 = tpu.memref_squeeze %dma_wait3A_35 : memref<1x40x125xi32, #tpu.memory_space<hbm>> -> memref<40x125xi32, #tpu.memory_space<hbm>>
    tpu.wait_dma2 semaphore(%arg12 : memref<!tpu.dma_semaphore, #tpu.memory_space<semaphore_mem>>) src(%dma_wait3A_36 : memref<40x125xi32, #tpu.memory_space<hbm>>) dst(%arg7 : memref<40x125xi32, #tpu.memory_space<vmem>>)
    %mul3A_37 = arith.constant 2 : i32
    %mul3A_38 = arith.muli %add3A, %mul3A_37 : i32
    %dma_wait3A_39 = arith.constant 0 : i32
    %dma_wait3A_40 = arith.constant 0 : i32
    %dma_wait3A_41 = tpu.memref_slice %arg3[%mul3A_38, %dma_wait3A_39, %dma_wait3A_40] : memref<64x40x125xi32, #tpu.memory_space<hbm>> -> memref<1x40x125xi32, #tpu.memory_space<hbm>>
    %dma_wait3A_42 = tpu.memref_squeeze %dma_wait3A_41 : memref<1x40x125xi32, #tpu.memory_space<hbm>> -> memref<40x125xi32, #tpu.memory_space<hbm>>
    %dma_wait3A_43 = arith.constant 0 : i32
    %dma_wait3A_44 = arith.constant 0 : i32
    %dma_wait3A_45 = tpu.memref_slice %arg3[%mul3A_38, %dma_wait3A_43, %dma_wait3A_44] : memref<64x40x125xi32, #tpu.memory_space<hbm>> -> memref<1x40x125xi32, #tpu.memory_space<hbm>>
    %dma_wait3A_46 = tpu.memref_squeeze %dma_wait3A_45 : memref<1x40x125xi32, #tpu.memory_space<hbm>> -> memref<40x125xi32, #tpu.memory_space<hbm>>
    tpu.wait_dma2 semaphore(%arg13 : memref<!tpu.dma_semaphore, #tpu.memory_space<semaphore_mem>>) src(%dma_wait3A_46 : memref<40x125xi32, #tpu.memory_space<hbm>>) dst(%arg8 : memref<40x125xi32, #tpu.memory_space<vmem>>)
    %mul3A_47 = arith.constant 632 : i32
    %mul3A_48 = arith.muli %arg1, %mul3A_47 : i32
    %dma_wait3A_49 = arith.constant 0 : i32
    %dma_wait3A_50 = tpu.memref_slice %arg11[%mul3A_48, %dma_wait3A_49] : memref<10112x128xf32, #tpu.memory_space<vmem_shared>> -> memref<632x128xf32, #tpu.memory_space<vmem_shared>>
    %dma_wait3A_51 = arith.constant 0 : i32
    %dma_wait3A_52 = arith.constant 0 : i32
    %dma_wait3A_53 = tpu.memref_slice %arg5[%dma_wait3A_51, %dma_wait3A_52] : memref<632x128xf32, #tpu.memory_space<hbm>> -> memref<632x128xf32, #tpu.memory_space<hbm>>
    tpu.wait_dma2 semaphore(%arg14 : memref<!tpu.dma_semaphore, #tpu.memory_space<semaphore_mem>>) src(%dma_wait3A_53 : memref<632x128xf32, #tpu.memory_space<hbm>>) dst(%dma_wait3A_50 : memref<632x128xf32, #tpu.memory_space<vmem_shared>>)
    %barrier3A = arith.constant 0 : index
    tpu.barrier barrier_id(%barrier3A)
    %dma_start3A_54 = arith.constant 0 : i32
    %dma_start3A_55 = arith.constant 0 : i32
    %dma_start3A_56 = tpu.memref_slice %arg7[%dma_start3A_54, %dma_start3A_55] : memref<40x125xi32, #tpu.memory_space<vmem>> -> memref<1x125xi32, #tpu.memory_space<vmem>>
    %dma_start3A_57 = tpu.memref_squeeze %dma_start3A_56 : memref<1x125xi32, #tpu.memory_space<vmem>> -> memref<125xi32, #tpu.memory_space<vmem>>
    %dma_start3A_58 = arith.constant 0 : i32
    %dma_start3A_59 = arith.constant 0 : i32
    %dma_start3A_60 = tpu.memref_slice %arg4[%dma_start3A_58, %dma_start3A_59] : memref<5120x128xf32, #tpu.memory_space<hbm>> -> memref<5120x128xf32, #tpu.memory_space<hbm>>
    tpu.enqueue_indirect_dma source(%dma_start3A_60 : memref<5120x128xf32, #tpu.memory_space<hbm>>) target(%arg9 : memref<125x128xf32, #tpu.memory_space<vmem>>) offsets(%dma_start3A_57 : memref<125xi32, #tpu.memory_space<vmem>>) semaphore(%arg12 : memref<!tpu.dma_semaphore, #tpu.memory_space<semaphore_mem>>)
    %dma_start3A_61 = arith.constant 1 : i32
    %dma_start3A_62 = arith.constant 0 : i32
    %dma_start3A_63 = tpu.memref_slice %arg7[%dma_start3A_61, %dma_start3A_62] : memref<40x125xi32, #tpu.memory_space<vmem>> -> memref<1x125xi32, #tpu.memory_space<vmem>>
    %dma_start3A_64 = tpu.memref_squeeze %dma_start3A_63 : memref<1x125xi32, #tpu.memory_space<vmem>> -> memref<125xi32, #tpu.memory_space<vmem>>
    %dma_start3A_65 = arith.constant 0 : i32
    %dma_start3A_66 = arith.constant 0 : i32
    %dma_start3A_67 = tpu.memref_slice %arg4[%dma_start3A_65, %dma_start3A_66] : memref<5120x128xf32, #tpu.memory_space<hbm>> -> memref<5120x128xf32, #tpu.memory_space<hbm>>
    tpu.enqueue_indirect_dma source(%dma_start3A_67 : memref<5120x128xf32, #tpu.memory_space<hbm>>) target(%arg10 : memref<125x128xf32, #tpu.memory_space<vmem>>) offsets(%dma_start3A_64 : memref<125xi32, #tpu.memory_space<vmem>>) semaphore(%arg13 : memref<!tpu.dma_semaphore, #tpu.memory_space<semaphore_mem>>)
    %scan3A = arith.constant 0 : i32
    %scan3A_68 = arith.constant 19 : i32
    %scan3A_69 = arith.addi %scan3A, %scan3A_68 : i32
    %scan3A_70 = arith.constant 1 : i32
    scf.for %scan3A_138 = %scan3A to %scan3A_69 step %scan3A_70  : i32 {
      %mul3A_139 = arith.constant 2 : i32
      %mul3A_140 = arith.muli %mul3A_139, %scan3A_138 : i32
      %dma_wait3A_141 = arith.constant 0 : i32
      %dma_wait3A_142 = tpu.memref_slice %arg7[%mul3A_140, %dma_wait3A_141] : memref<40x125xi32, #tpu.memory_space<vmem>> -> memref<1x125xi32, #tpu.memory_space<vmem>>
      %dma_wait3A_143 = tpu.memref_squeeze %dma_wait3A_142 : memref<1x125xi32, #tpu.memory_space<vmem>> -> memref<125xi32, #tpu.memory_space<vmem>>
      %dma_wait3A_144 = arith.constant 0 : i32
      %dma_wait3A_145 = arith.constant 0 : i32
      %dma_wait3A_146 = tpu.memref_slice %arg4[%dma_wait3A_144, %dma_wait3A_145] : memref<5120x128xf32, #tpu.memory_space<hbm>> -> memref<5120x128xf32, #tpu.memory_space<hbm>>
      tpu.wait_indirect_dma semaphore(%arg12 : memref<!tpu.dma_semaphore, #tpu.memory_space<semaphore_mem>>) src(%dma_wait3A_146 : memref<5120x128xf32, #tpu.memory_space<hbm>>) dst(%arg9 : memref<125x128xf32, #tpu.memory_space<vmem>>)
      "tpu.region"() ({
        %run_scoped3A_173 = tpu.sem_alloc : memref<!tpu.dma_semaphore, #tpu.memory_space<semaphore_mem>>
        %dma_start3A_174 = arith.constant 0 : i32
        %dma_start3A_175 = tpu.memref_slice %arg8[%mul3A_140, %dma_start3A_174] : memref<40x125xi32, #tpu.memory_space<vmem>> -> memref<1x125xi32, #tpu.memory_space<vmem>>
        %dma_start3A_176 = tpu.memref_squeeze %dma_start3A_175 : memref<1x125xi32, #tpu.memory_space<vmem>> -> memref<125xi32, #tpu.memory_space<vmem>>
        %dma_start3A_177 = arith.constant 0 : i32
        %dma_start3A_178 = arith.constant 0 : i32
        %dma_start3A_179 = tpu.memref_slice %arg11[%dma_start3A_177, %dma_start3A_178] : memref<10112x128xf32, #tpu.memory_space<vmem_shared>> -> memref<10112x128xf32, #tpu.memory_space<vmem_shared>>
        tpu.enqueue_indirect_dma source(%arg9 : memref<125x128xf32, #tpu.memory_space<vmem>>) target(%dma_start3A_179 : memref<10112x128xf32, #tpu.memory_space<vmem_shared>>) offsets(%dma_start3A_176 : memref<125xi32, #tpu.memory_space<vmem>>) semaphore(%run_scoped3A_173 : memref<!tpu.dma_semaphore, #tpu.memory_space<semaphore_mem>>) {add = true}
        %dma_wait3A_180 = arith.constant 0 : i32
        %dma_wait3A_181 = tpu.memref_slice %arg8[%mul3A_140, %dma_wait3A_180] : memref<40x125xi32, #tpu.memory_space<vmem>> -> memref<1x125xi32, #tpu.memory_space<vmem>>
        %dma_wait3A_182 = tpu.memref_squeeze %dma_wait3A_181 : memref<1x125xi32, #tpu.memory_space<vmem>> -> memref<125xi32, #tpu.memory_space<vmem>>
        %dma_wait3A_183 = arith.constant 0 : i32
        %dma_wait3A_184 = arith.constant 0 : i32
        %dma_wait3A_185 = tpu.memref_slice %arg11[%dma_wait3A_183, %dma_wait3A_184] : memref<10112x128xf32, #tpu.memory_space<vmem_shared>> -> memref<10112x128xf32, #tpu.memory_space<vmem_shared>>
        tpu.wait_indirect_dma semaphore(%run_scoped3A_173 : memref<!tpu.dma_semaphore, #tpu.memory_space<semaphore_mem>>) src(%arg9 : memref<125x128xf32, #tpu.memory_space<vmem>>) dst(%dma_wait3A_185 : memref<10112x128xf32, #tpu.memory_space<vmem_shared>>)
        tpu.yield
      }) : () -> ()
      %add3A_147 = arith.constant 2 : i32
      %add3A_148 = arith.addi %mul3A_140, %add3A_147 : i32
      %dma_start3A_149 = arith.constant 0 : i32
      %dma_start3A_150 = tpu.memref_slice %arg7[%add3A_148, %dma_start3A_149] : memref<40x125xi32, #tpu.memory_space<vmem>> -> memref<1x125xi32, #tpu.memory_space<vmem>>
      %dma_start3A_151 = tpu.memref_squeeze %dma_start3A_150 : memref<1x125xi32, #tpu.memory_space<vmem>> -> memref<125xi32, #tpu.memory_space<vmem>>
      %dma_start3A_152 = arith.constant 0 : i32
      %dma_start3A_153 = arith.constant 0 : i32
      %dma_start3A_154 = tpu.memref_slice %arg4[%dma_start3A_152, %dma_start3A_153] : memref<5120x128xf32, #tpu.memory_space<hbm>> -> memref<5120x128xf32, #tpu.memory_space<hbm>>
      tpu.enqueue_indirect_dma source(%dma_start3A_154 : memref<5120x128xf32, #tpu.memory_space<hbm>>) target(%arg9 : memref<125x128xf32, #tpu.memory_space<vmem>>) offsets(%dma_start3A_151 : memref<125xi32, #tpu.memory_space<vmem>>) semaphore(%arg12 : memref<!tpu.dma_semaphore, #tpu.memory_space<semaphore_mem>>)
      %add3A_155 = arith.constant 1 : i32
      %add3A_156 = arith.addi %mul3A_140, %add3A_155 : i32
      %dma_wait3A_157 = arith.constant 0 : i32
      %dma_wait3A_158 = tpu.memref_slice %arg7[%add3A_156, %dma_wait3A_157] : memref<40x125xi32, #tpu.memory_space<vmem>> -> memref<1x125xi32, #tpu.memory_space<vmem>>
      %dma_wait3A_159 = tpu.memref_squeeze %dma_wait3A_158 : memref<1x125xi32, #tpu.memory_space<vmem>> -> memref<125xi32, #tpu.memory_space<vmem>>
      %dma_wait3A_160 = arith.constant 0 : i32
      %dma_wait3A_161 = arith.constant 0 : i32
      %dma_wait3A_162 = tpu.memref_slice %arg4[%dma_wait3A_160, %dma_wait3A_161] : memref<5120x128xf32, #tpu.memory_space<hbm>> -> memref<5120x128xf32, #tpu.memory_space<hbm>>
      tpu.wait_indirect_dma semaphore(%arg13 : memref<!tpu.dma_semaphore, #tpu.memory_space<semaphore_mem>>) src(%dma_wait3A_162 : memref<5120x128xf32, #tpu.memory_space<hbm>>) dst(%arg10 : memref<125x128xf32, #tpu.memory_space<vmem>>)
      %add3A_163 = arith.constant 1 : i32
      %add3A_164 = arith.addi %mul3A_140, %add3A_163 : i32
      "tpu.region"() ({
        %run_scoped3A_173 = tpu.sem_alloc : memref<!tpu.dma_semaphore, #tpu.memory_space<semaphore_mem>>
        %dma_start3A_174 = arith.constant 0 : i32
        %dma_start3A_175 = tpu.memref_slice %arg8[%add3A_164, %dma_start3A_174] : memref<40x125xi32, #tpu.memory_space<vmem>> -> memref<1x125xi32, #tpu.memory_space<vmem>>
        %dma_start3A_176 = tpu.memref_squeeze %dma_start3A_175 : memref<1x125xi32, #tpu.memory_space<vmem>> -> memref<125xi32, #tpu.memory_space<vmem>>
        %dma_start3A_177 = arith.constant 0 : i32
        %dma_start3A_178 = arith.constant 0 : i32
        %dma_start3A_179 = tpu.memref_slice %arg11[%dma_start3A_177, %dma_start3A_178] : memref<10112x128xf32, #tpu.memory_space<vmem_shared>> -> memref<10112x128xf32, #tpu.memory_space<vmem_shared>>
        tpu.enqueue_indirect_dma source(%arg10 : memref<125x128xf32, #tpu.memory_space<vmem>>) target(%dma_start3A_179 : memref<10112x128xf32, #tpu.memory_space<vmem_shared>>) offsets(%dma_start3A_176 : memref<125xi32, #tpu.memory_space<vmem>>) semaphore(%run_scoped3A_173 : memref<!tpu.dma_semaphore, #tpu.memory_space<semaphore_mem>>) {add = true}
        %dma_wait3A_180 = arith.constant 0 : i32
        %dma_wait3A_181 = tpu.memref_slice %arg8[%add3A_164, %dma_wait3A_180] : memref<40x125xi32, #tpu.memory_space<vmem>> -> memref<1x125xi32, #tpu.memory_space<vmem>>
        %dma_wait3A_182 = tpu.memref_squeeze %dma_wait3A_181 : memref<1x125xi32, #tpu.memory_space<vmem>> -> memref<125xi32, #tpu.memory_space<vmem>>
        %dma_wait3A_183 = arith.constant 0 : i32
        %dma_wait3A_184 = arith.constant 0 : i32
        %dma_wait3A_185 = tpu.memref_slice %arg11[%dma_wait3A_183, %dma_wait3A_184] : memref<10112x128xf32, #tpu.memory_space<vmem_shared>> -> memref<10112x128xf32, #tpu.memory_space<vmem_shared>>
        tpu.wait_indirect_dma semaphore(%run_scoped3A_173 : memref<!tpu.dma_semaphore, #tpu.memory_space<semaphore_mem>>) src(%arg10 : memref<125x128xf32, #tpu.memory_space<vmem>>) dst(%dma_wait3A_185 : memref<10112x128xf32, #tpu.memory_space<vmem_shared>>)
        tpu.yield
      }) : () -> ()
      %add3A_165 = arith.constant 3 : i32
      %add3A_166 = arith.addi %mul3A_140, %add3A_165 : i32
      %dma_start3A_167 = arith.constant 0 : i32
      %dma_start3A_168 = tpu.memref_slice %arg7[%add3A_166, %dma_start3A_167] : memref<40x125xi32, #tpu.memory_space<vmem>> -> memref<1x125xi32, #tpu.memory_space<vmem>>
      %dma_start3A_169 = tpu.memref_squeeze %dma_start3A_168 : memref<1x125xi32, #tpu.memory_space<vmem>> -> memref<125xi32, #tpu.memory_space<vmem>>
      %dma_start3A_170 = arith.constant 0 : i32
      %dma_start3A_171 = arith.constant 0 : i32
      %dma_start3A_172 = tpu.memref_slice %arg4[%dma_start3A_170, %dma_start3A_171] : memref<5120x128xf32, #tpu.memory_space<hbm>> -> memref<5120x128xf32, #tpu.memory_space<hbm>>
      tpu.enqueue_indirect_dma source(%dma_start3A_172 : memref<5120x128xf32, #tpu.memory_space<hbm>>) target(%arg10 : memref<125x128xf32, #tpu.memory_space<vmem>>) offsets(%dma_start3A_169 : memref<125xi32, #tpu.memory_space<vmem>>) semaphore(%arg13 : memref<!tpu.dma_semaphore, #tpu.memory_space<semaphore_mem>>)
    }
    %scan3A_71 = arith.constant 19 : i32
    %dma_wait3A_72 = arith.constant 38 : i32
    %dma_wait3A_73 = arith.constant 0 : i32
    %dma_wait3A_74 = tpu.memref_slice %arg7[%dma_wait3A_72, %dma_wait3A_73] : memref<40x125xi32, #tpu.memory_space<vmem>> -> memref<1x125xi32, #tpu.memory_space<vmem>>
    %dma_wait3A_75 = tpu.memref_squeeze %dma_wait3A_74 : memref<1x125xi32, #tpu.memory_space<vmem>> -> memref<125xi32, #tpu.memory_space<vmem>>
    %dma_wait3A_76 = arith.constant 0 : i32
    %dma_wait3A_77 = arith.constant 0 : i32
    %dma_wait3A_78 = tpu.memref_slice %arg4[%dma_wait3A_76, %dma_wait3A_77] : memref<5120x128xf32, #tpu.memory_space<hbm>> -> memref<5120x128xf32, #tpu.memory_space<hbm>>
    tpu.wait_indirect_dma semaphore(%arg12 : memref<!tpu.dma_semaphore, #tpu.memory_space<semaphore_mem>>) src(%dma_wait3A_78 : memref<5120x128xf32, #tpu.memory_space<hbm>>) dst(%arg9 : memref<125x128xf32, #tpu.memory_space<vmem>>)
    %run_scoped3A = arith.constant 38 : i32
    "tpu.region"() ({
      %run_scoped3A_138 = tpu.sem_alloc : memref<!tpu.dma_semaphore, #tpu.memory_space<semaphore_mem>>
      %dma_start3A_139 = arith.constant 0 : i32
      %dma_start3A_140 = tpu.memref_slice %arg8[%run_scoped3A, %dma_start3A_139] : memref<40x125xi32, #tpu.memory_space<vmem>> -> memref<1x125xi32, #tpu.memory_space<vmem>>
      %dma_start3A_141 = tpu.memref_squeeze %dma_start3A_140 : memref<1x125xi32, #tpu.memory_space<vmem>> -> memref<125xi32, #tpu.memory_space<vmem>>
      %dma_start3A_142 = arith.constant 0 : i32
      %dma_start3A_143 = arith.constant 0 : i32
      %dma_start3A_144 = tpu.memref_slice %arg11[%dma_start3A_142, %dma_start3A_143] : memref<10112x128xf32, #tpu.memory_space<vmem_shared>> -> memref<10112x128xf32, #tpu.memory_space<vmem_shared>>
      tpu.enqueue_indirect_dma source(%arg9 : memref<125x128xf32, #tpu.memory_space<vmem>>) target(%dma_start3A_144 : memref<10112x128xf32, #tpu.memory_space<vmem_shared>>) offsets(%dma_start3A_141 : memref<125xi32, #tpu.memory_space<vmem>>) semaphore(%run_scoped3A_138 : memref<!tpu.dma_semaphore, #tpu.memory_space<semaphore_mem>>) {add = true}
      %dma_wait3A_145 = arith.constant 0 : i32
      %dma_wait3A_146 = tpu.memref_slice %arg8[%run_scoped3A, %dma_wait3A_145] : memref<40x125xi32, #tpu.memory_space<vmem>> -> memref<1x125xi32, #tpu.memory_space<vmem>>
      %dma_wait3A_147 = tpu.memref_squeeze %dma_wait3A_146 : memref<1x125xi32, #tpu.memory_space<vmem>> -> memref<125xi32, #tpu.memory_space<vmem>>
      %dma_wait3A_148 = arith.constant 0 : i32
      %dma_wait3A_149 = arith.constant 0 : i32
      %dma_wait3A_150 = tpu.memref_slice %arg11[%dma_wait3A_148, %dma_wait3A_149] : memref<10112x128xf32, #tpu.memory_space<vmem_shared>> -> memref<10112x128xf32, #tpu.memory_space<vmem_shared>>
      tpu.wait_indirect_dma semaphore(%run_scoped3A_138 : memref<!tpu.dma_semaphore, #tpu.memory_space<semaphore_mem>>) src(%arg9 : memref<125x128xf32, #tpu.memory_space<vmem>>) dst(%dma_wait3A_150 : memref<10112x128xf32, #tpu.memory_space<vmem_shared>>)
      tpu.yield
    }) : () -> ()
    %dma_wait3A_79 = arith.constant 39 : i32
    %dma_wait3A_80 = arith.constant 0 : i32
    %dma_wait3A_81 = tpu.memref_slice %arg7[%dma_wait3A_79, %dma_wait3A_80] : memref<40x125xi32, #tpu.memory_space<vmem>> -> memref<1x125xi32, #tpu.memory_space<vmem>>
    %dma_wait3A_82 = tpu.memref_squeeze %dma_wait3A_81 : memref<1x125xi32, #tpu.memory_space<vmem>> -> memref<125xi32, #tpu.memory_space<vmem>>
    %dma_wait3A_83 = arith.constant 0 : i32
    %dma_wait3A_84 = arith.constant 0 : i32
    %dma_wait3A_85 = tpu.memref_slice %arg4[%dma_wait3A_83, %dma_wait3A_84] : memref<5120x128xf32, #tpu.memory_space<hbm>> -> memref<5120x128xf32, #tpu.memory_space<hbm>>
    tpu.wait_indirect_dma semaphore(%arg13 : memref<!tpu.dma_semaphore, #tpu.memory_space<semaphore_mem>>) src(%dma_wait3A_85 : memref<5120x128xf32, #tpu.memory_space<hbm>>) dst(%arg10 : memref<125x128xf32, #tpu.memory_space<vmem>>)
    %run_scoped3A_86 = arith.constant 39 : i32
    "tpu.region"() ({
      %run_scoped3A_138 = tpu.sem_alloc : memref<!tpu.dma_semaphore, #tpu.memory_space<semaphore_mem>>
      %dma_start3A_139 = arith.constant 0 : i32
      %dma_start3A_140 = tpu.memref_slice %arg8[%run_scoped3A_86, %dma_start3A_139] : memref<40x125xi32, #tpu.memory_space<vmem>> -> memref<1x125xi32, #tpu.memory_space<vmem>>
      %dma_start3A_141 = tpu.memref_squeeze %dma_start3A_140 : memref<1x125xi32, #tpu.memory_space<vmem>> -> memref<125xi32, #tpu.memory_space<vmem>>
      %dma_start3A_142 = arith.constant 0 : i32
      %dma_start3A_143 = arith.constant 0 : i32
      %dma_start3A_144 = tpu.memref_slice %arg11[%dma_start3A_142, %dma_start3A_143] : memref<10112x128xf32, #tpu.memory_space<vmem_shared>> -> memref<10112x128xf32, #tpu.memory_space<vmem_shared>>
      tpu.enqueue_indirect_dma source(%arg10 : memref<125x128xf32, #tpu.memory_space<vmem>>) target(%dma_start3A_144 : memref<10112x128xf32, #tpu.memory_space<vmem_shared>>) offsets(%dma_start3A_141 : memref<125xi32, #tpu.memory_space<vmem>>) semaphore(%run_scoped3A_138 : memref<!tpu.dma_semaphore, #tpu.memory_space<semaphore_mem>>) {add = true}
      %dma_wait3A_145 = arith.constant 0 : i32
      %dma_wait3A_146 = tpu.memref_slice %arg8[%run_scoped3A_86, %dma_wait3A_145] : memref<40x125xi32, #tpu.memory_space<vmem>> -> memref<1x125xi32, #tpu.memory_space<vmem>>
      %dma_wait3A_147 = tpu.memref_squeeze %dma_wait3A_146 : memref<1x125xi32, #tpu.memory_space<vmem>> -> memref<125xi32, #tpu.memory_space<vmem>>
      %dma_wait3A_148 = arith.constant 0 : i32
      %dma_wait3A_149 = arith.constant 0 : i32
      %dma_wait3A_150 = tpu.memref_slice %arg11[%dma_wait3A_148, %dma_wait3A_149] : memref<10112x128xf32, #tpu.memory_space<vmem_shared>> -> memref<10112x128xf32, #tpu.memory_space<vmem_shared>>
      tpu.wait_indirect_dma semaphore(%run_scoped3A_138 : memref<!tpu.dma_semaphore, #tpu.memory_space<semaphore_mem>>) src(%arg10 : memref<125x128xf32, #tpu.memory_space<vmem>>) dst(%dma_wait3A_150 : memref<10112x128xf32, #tpu.memory_space<vmem_shared>>)
      tpu.yield
    }) : () -> ()
    %mul3A_87 = arith.constant 2 : i32
    %mul3A_88 = arith.muli %add3A, %mul3A_87 : i32
    %add3A_89 = arith.constant 1 : i32
    %add3A_90 = arith.addi %mul3A_88, %add3A_89 : i32
    "tpu.region"() ({
      %run_scoped3A_138 = tpu.sem_alloc : memref<!tpu.dma_semaphore, #tpu.memory_space<semaphore_mem>>
      %dma_start3A_139 = arith.constant 0 : i32
      %dma_start3A_140 = arith.constant 0 : i32
      %dma_start3A_141 = tpu.memref_slice %arg2[%add3A_90, %dma_start3A_139, %dma_start3A_140] : memref<64x40x125xi32, #tpu.memory_space<hbm>> -> memref<1x40x125xi32, #tpu.memory_space<hbm>>
      %dma_start3A_142 = tpu.memref_squeeze %dma_start3A_141 : memref<1x40x125xi32, #tpu.memory_space<hbm>> -> memref<40x125xi32, #tpu.memory_space<hbm>>
      %dma_start3A_143 = arith.constant 0 : i32
      %dma_start3A_144 = arith.constant 0 : i32
      %dma_start3A_145 = tpu.memref_slice %arg2[%add3A_90, %dma_start3A_143, %dma_start3A_144] : memref<64x40x125xi32, #tpu.memory_space<hbm>> -> memref<1x40x125xi32, #tpu.memory_space<hbm>>
      %dma_start3A_146 = tpu.memref_squeeze %dma_start3A_145 : memref<1x40x125xi32, #tpu.memory_space<hbm>> -> memref<40x125xi32, #tpu.memory_space<hbm>>
      tpu.enqueue_dma source(%dma_start3A_146 : memref<40x125xi32, #tpu.memory_space<hbm>>) target(%arg7 : memref<40x125xi32, #tpu.memory_space<vmem>>) target_semaphore(%run_scoped3A_138 : memref<!tpu.dma_semaphore, #tpu.memory_space<semaphore_mem>>)
      %dma_wait3A_147 = arith.constant 0 : i32
      %dma_wait3A_148 = arith.constant 0 : i32
      %dma_wait3A_149 = tpu.memref_slice %arg2[%add3A_90, %dma_wait3A_147, %dma_wait3A_148] : memref<64x40x125xi32, #tpu.memory_space<hbm>> -> memref<1x40x125xi32, #tpu.memory_space<hbm>>
      %dma_wait3A_150 = tpu.memref_squeeze %dma_wait3A_149 : memref<1x40x125xi32, #tpu.memory_space<hbm>> -> memref<40x125xi32, #tpu.memory_space<hbm>>
      %dma_wait3A_151 = arith.constant 0 : i32
      %dma_wait3A_152 = arith.constant 0 : i32
      %dma_wait3A_153 = tpu.memref_slice %arg2[%add3A_90, %dma_wait3A_151, %dma_wait3A_152] : memref<64x40x125xi32, #tpu.memory_space<hbm>> -> memref<1x40x125xi32, #tpu.memory_space<hbm>>
      %dma_wait3A_154 = tpu.memref_squeeze %dma_wait3A_153 : memref<1x40x125xi32, #tpu.memory_space<hbm>> -> memref<40x125xi32, #tpu.memory_space<hbm>>
      tpu.wait_dma2 semaphore(%run_scoped3A_138 : memref<!tpu.dma_semaphore, #tpu.memory_space<semaphore_mem>>) src(%dma_wait3A_154 : memref<40x125xi32, #tpu.memory_space<hbm>>) dst(%arg7 : memref<40x125xi32, #tpu.memory_space<vmem>>)
      tpu.yield
    }) : () -> ()
    %mul3A_91 = arith.constant 2 : i32
    %mul3A_92 = arith.muli %add3A, %mul3A_91 : i32
    %add3A_93 = arith.constant 1 : i32
    %add3A_94 = arith.addi %mul3A_92, %add3A_93 : i32
    "tpu.region"() ({
      %run_scoped3A_138 = tpu.sem_alloc : memref<!tpu.dma_semaphore, #tpu.memory_space<semaphore_mem>>
      %dma_start3A_139 = arith.constant 0 : i32
      %dma_start3A_140 = arith.constant 0 : i32
      %dma_start3A_141 = tpu.memref_slice %arg3[%add3A_94, %dma_start3A_139, %dma_start3A_140] : memref<64x40x125xi32, #tpu.memory_space<hbm>> -> memref<1x40x125xi32, #tpu.memory_space<hbm>>
      %dma_start3A_142 = tpu.memref_squeeze %dma_start3A_141 : memref<1x40x125xi32, #tpu.memory_space<hbm>> -> memref<40x125xi32, #tpu.memory_space<hbm>>
      %dma_start3A_143 = arith.constant 0 : i32
      %dma_start3A_144 = arith.constant 0 : i32
      %dma_start3A_145 = tpu.memref_slice %arg3[%add3A_94, %dma_start3A_143, %dma_start3A_144] : memref<64x40x125xi32, #tpu.memory_space<hbm>> -> memref<1x40x125xi32, #tpu.memory_space<hbm>>
      %dma_start3A_146 = tpu.memref_squeeze %dma_start3A_145 : memref<1x40x125xi32, #tpu.memory_space<hbm>> -> memref<40x125xi32, #tpu.memory_space<hbm>>
      tpu.enqueue_dma source(%dma_start3A_146 : memref<40x125xi32, #tpu.memory_space<hbm>>) target(%arg8 : memref<40x125xi32, #tpu.memory_space<vmem>>) target_semaphore(%run_scoped3A_138 : memref<!tpu.dma_semaphore, #tpu.memory_space<semaphore_mem>>)
      %dma_wait3A_147 = arith.constant 0 : i32
      %dma_wait3A_148 = arith.constant 0 : i32
      %dma_wait3A_149 = tpu.memref_slice %arg3[%add3A_94, %dma_wait3A_147, %dma_wait3A_148] : memref<64x40x125xi32, #tpu.memory_space<hbm>> -> memref<1x40x125xi32, #tpu.memory_space<hbm>>
      %dma_wait3A_150 = tpu.memref_squeeze %dma_wait3A_149 : memref<1x40x125xi32, #tpu.memory_space<hbm>> -> memref<40x125xi32, #tpu.memory_space<hbm>>
      %dma_wait3A_151 = arith.constant 0 : i32
      %dma_wait3A_152 = arith.constant 0 : i32
      %dma_wait3A_153 = tpu.memref_slice %arg3[%add3A_94, %dma_wait3A_151, %dma_wait3A_152] : memref<64x40x125xi32, #tpu.memory_space<hbm>> -> memref<1x40x125xi32, #tpu.memory_space<hbm>>
      %dma_wait3A_154 = tpu.memref_squeeze %dma_wait3A_153 : memref<1x40x125xi32, #tpu.memory_space<hbm>> -> memref<40x125xi32, #tpu.memory_space<hbm>>
      tpu.wait_dma2 semaphore(%run_scoped3A_138 : memref<!tpu.dma_semaphore, #tpu.memory_space<semaphore_mem>>) src(%dma_wait3A_154 : memref<40x125xi32, #tpu.memory_space<hbm>>) dst(%arg8 : memref<40x125xi32, #tpu.memory_space<vmem>>)
      tpu.yield
    }) : () -> ()
    %dma_start3A_95 = arith.constant 0 : i32
    %dma_start3A_96 = arith.constant 0 : i32
    %dma_start3A_97 = tpu.memref_slice %arg7[%dma_start3A_95, %dma_start3A_96] : memref<40x125xi32, #tpu.memory_space<vmem>> -> memref<1x125xi32, #tpu.memory_space<vmem>>
    %dma_start3A_98 = tpu.memref_squeeze %dma_start3A_97 : memref<1x125xi32, #tpu.memory_space<vmem>> -> memref<125xi32, #tpu.memory_space<vmem>>
    %dma_start3A_99 = arith.constant 0 : i32
    %dma_start3A_100 = arith.constant 0 : i32
    %dma_start3A_101 = tpu.memref_slice %arg4[%dma_start3A_99, %dma_start3A_100] : memref<5120x128xf32, #tpu.memory_space<hbm>> -> memref<5120x128xf32, #tpu.memory_space<hbm>>
    tpu.enqueue_indirect_dma source(%dma_start3A_101 : memref<5120x128xf32, #tpu.memory_space<hbm>>) target(%arg9 : memref<125x128xf32, #tpu.memory_space<vmem>>) offsets(%dma_start3A_98 : memref<125xi32, #tpu.memory_space<vmem>>) semaphore(%arg12 : memref<!tpu.dma_semaphore, #tpu.memory_space<semaphore_mem>>)
    %dma_start3A_102 = arith.constant 1 : i32
    %dma_start3A_103 = arith.constant 0 : i32
    %dma_start3A_104 = tpu.memref_slice %arg7[%dma_start3A_102, %dma_start3A_103] : memref<40x125xi32, #tpu.memory_space<vmem>> -> memref<1x125xi32, #tpu.memory_space<vmem>>
    %dma_start3A_105 = tpu.memref_squeeze %dma_start3A_104 : memref<1x125xi32, #tpu.memory_space<vmem>> -> memref<125xi32, #tpu.memory_space<vmem>>
    %dma_start3A_106 = arith.constant 0 : i32
    %dma_start3A_107 = arith.constant 0 : i32
    %dma_start3A_108 = tpu.memref_slice %arg4[%dma_start3A_106, %dma_start3A_107] : memref<5120x128xf32, #tpu.memory_space<hbm>> -> memref<5120x128xf32, #tpu.memory_space<hbm>>
    tpu.enqueue_indirect_dma source(%dma_start3A_108 : memref<5120x128xf32, #tpu.memory_space<hbm>>) target(%arg10 : memref<125x128xf32, #tpu.memory_space<vmem>>) offsets(%dma_start3A_105 : memref<125xi32, #tpu.memory_space<vmem>>) semaphore(%arg13 : memref<!tpu.dma_semaphore, #tpu.memory_space<semaphore_mem>>)
    %scan3A_109 = arith.constant 0 : i32
    %scan3A_110 = arith.constant 19 : i32
    %scan3A_111 = arith.addi %scan3A_109, %scan3A_110 : i32
    %scan3A_112 = arith.constant 1 : i32
    scf.for %scan3A_138 = %scan3A_109 to %scan3A_111 step %scan3A_112  : i32 {
      %mul3A_139 = arith.constant 2 : i32
      %mul3A_140 = arith.muli %mul3A_139, %scan3A_138 : i32
      %dma_wait3A_141 = arith.constant 0 : i32
      %dma_wait3A_142 = tpu.memref_slice %arg7[%mul3A_140, %dma_wait3A_141] : memref<40x125xi32, #tpu.memory_space<vmem>> -> memref<1x125xi32, #tpu.memory_space<vmem>>
      %dma_wait3A_143 = tpu.memref_squeeze %dma_wait3A_142 : memref<1x125xi32, #tpu.memory_space<vmem>> -> memref<125xi32, #tpu.memory_space<vmem>>
      %dma_wait3A_144 = arith.constant 0 : i32
      %dma_wait3A_145 = arith.constant 0 : i32
      %dma_wait3A_146 = tpu.memref_slice %arg4[%dma_wait3A_144, %dma_wait3A_145] : memref<5120x128xf32, #tpu.memory_space<hbm>> -> memref<5120x128xf32, #tpu.memory_space<hbm>>
      tpu.wait_indirect_dma semaphore(%arg12 : memref<!tpu.dma_semaphore, #tpu.memory_space<semaphore_mem>>) src(%dma_wait3A_146 : memref<5120x128xf32, #tpu.memory_space<hbm>>) dst(%arg9 : memref<125x128xf32, #tpu.memory_space<vmem>>)
      "tpu.region"() ({
        %run_scoped3A_173 = tpu.sem_alloc : memref<!tpu.dma_semaphore, #tpu.memory_space<semaphore_mem>>
        %dma_start3A_174 = arith.constant 0 : i32
        %dma_start3A_175 = tpu.memref_slice %arg8[%mul3A_140, %dma_start3A_174] : memref<40x125xi32, #tpu.memory_space<vmem>> -> memref<1x125xi32, #tpu.memory_space<vmem>>
        %dma_start3A_176 = tpu.memref_squeeze %dma_start3A_175 : memref<1x125xi32, #tpu.memory_space<vmem>> -> memref<125xi32, #tpu.memory_space<vmem>>
        %dma_start3A_177 = arith.constant 0 : i32
        %dma_start3A_178 = arith.constant 0 : i32
        %dma_start3A_179 = tpu.memref_slice %arg11[%dma_start3A_177, %dma_start3A_178] : memref<10112x128xf32, #tpu.memory_space<vmem_shared>> -> memref<10112x128xf32, #tpu.memory_space<vmem_shared>>
        tpu.enqueue_indirect_dma source(%arg9 : memref<125x128xf32, #tpu.memory_space<vmem>>) target(%dma_start3A_179 : memref<10112x128xf32, #tpu.memory_space<vmem_shared>>) offsets(%dma_start3A_176 : memref<125xi32, #tpu.memory_space<vmem>>) semaphore(%run_scoped3A_173 : memref<!tpu.dma_semaphore, #tpu.memory_space<semaphore_mem>>) {add = true}
        %dma_wait3A_180 = arith.constant 0 : i32
        %dma_wait3A_181 = tpu.memref_slice %arg8[%mul3A_140, %dma_wait3A_180] : memref<40x125xi32, #tpu.memory_space<vmem>> -> memref<1x125xi32, #tpu.memory_space<vmem>>
        %dma_wait3A_182 = tpu.memref_squeeze %dma_wait3A_181 : memref<1x125xi32, #tpu.memory_space<vmem>> -> memref<125xi32, #tpu.memory_space<vmem>>
        %dma_wait3A_183 = arith.constant 0 : i32
        %dma_wait3A_184 = arith.constant 0 : i32
        %dma_wait3A_185 = tpu.memref_slice %arg11[%dma_wait3A_183, %dma_wait3A_184] : memref<10112x128xf32, #tpu.memory_space<vmem_shared>> -> memref<10112x128xf32, #tpu.memory_space<vmem_shared>>
        tpu.wait_indirect_dma semaphore(%run_scoped3A_173 : memref<!tpu.dma_semaphore, #tpu.memory_space<semaphore_mem>>) src(%arg9 : memref<125x128xf32, #tpu.memory_space<vmem>>) dst(%dma_wait3A_185 : memref<10112x128xf32, #tpu.memory_space<vmem_shared>>)
        tpu.yield
      }) : () -> ()
      %add3A_147 = arith.constant 2 : i32
      %add3A_148 = arith.addi %mul3A_140, %add3A_147 : i32
      %dma_start3A_149 = arith.constant 0 : i32
      %dma_start3A_150 = tpu.memref_slice %arg7[%add3A_148, %dma_start3A_149] : memref<40x125xi32, #tpu.memory_space<vmem>> -> memref<1x125xi32, #tpu.memory_space<vmem>>
      %dma_start3A_151 = tpu.memref_squeeze %dma_start3A_150 : memref<1x125xi32, #tpu.memory_space<vmem>> -> memref<125xi32, #tpu.memory_space<vmem>>
      %dma_start3A_152 = arith.constant 0 : i32
      %dma_start3A_153 = arith.constant 0 : i32
      %dma_start3A_154 = tpu.memref_slice %arg4[%dma_start3A_152, %dma_start3A_153] : memref<5120x128xf32, #tpu.memory_space<hbm>> -> memref<5120x128xf32, #tpu.memory_space<hbm>>
      tpu.enqueue_indirect_dma source(%dma_start3A_154 : memref<5120x128xf32, #tpu.memory_space<hbm>>) target(%arg9 : memref<125x128xf32, #tpu.memory_space<vmem>>) offsets(%dma_start3A_151 : memref<125xi32, #tpu.memory_space<vmem>>) semaphore(%arg12 : memref<!tpu.dma_semaphore, #tpu.memory_space<semaphore_mem>>)
      %add3A_155 = arith.constant 1 : i32
      %add3A_156 = arith.addi %mul3A_140, %add3A_155 : i32
      %dma_wait3A_157 = arith.constant 0 : i32
      %dma_wait3A_158 = tpu.memref_slice %arg7[%add3A_156, %dma_wait3A_157] : memref<40x125xi32, #tpu.memory_space<vmem>> -> memref<1x125xi32, #tpu.memory_space<vmem>>
      %dma_wait3A_159 = tpu.memref_squeeze %dma_wait3A_158 : memref<1x125xi32, #tpu.memory_space<vmem>> -> memref<125xi32, #tpu.memory_space<vmem>>
      %dma_wait3A_160 = arith.constant 0 : i32
      %dma_wait3A_161 = arith.constant 0 : i32
      %dma_wait3A_162 = tpu.memref_slice %arg4[%dma_wait3A_160, %dma_wait3A_161] : memref<5120x128xf32, #tpu.memory_space<hbm>> -> memref<5120x128xf32, #tpu.memory_space<hbm>>
      tpu.wait_indirect_dma semaphore(%arg13 : memref<!tpu.dma_semaphore, #tpu.memory_space<semaphore_mem>>) src(%dma_wait3A_162 : memref<5120x128xf32, #tpu.memory_space<hbm>>) dst(%arg10 : memref<125x128xf32, #tpu.memory_space<vmem>>)
      %add3A_163 = arith.constant 1 : i32
      %add3A_164 = arith.addi %mul3A_140, %add3A_163 : i32
      "tpu.region"() ({
        %run_scoped3A_173 = tpu.sem_alloc : memref<!tpu.dma_semaphore, #tpu.memory_space<semaphore_mem>>
        %dma_start3A_174 = arith.constant 0 : i32
        %dma_start3A_175 = tpu.memref_slice %arg8[%add3A_164, %dma_start3A_174] : memref<40x125xi32, #tpu.memory_space<vmem>> -> memref<1x125xi32, #tpu.memory_space<vmem>>
        %dma_start3A_176 = tpu.memref_squeeze %dma_start3A_175 : memref<1x125xi32, #tpu.memory_space<vmem>> -> memref<125xi32, #tpu.memory_space<vmem>>
        %dma_start3A_177 = arith.constant 0 : i32
        %dma_start3A_178 = arith.constant 0 : i32
        %dma_start3A_179 = tpu.memref_slice %arg11[%dma_start3A_177, %dma_start3A_178] : memref<10112x128xf32, #tpu.memory_space<vmem_shared>> -> memref<10112x128xf32, #tpu.memory_space<vmem_shared>>
        tpu.enqueue_indirect_dma source(%arg10 : memref<125x128xf32, #tpu.memory_space<vmem>>) target(%dma_start3A_179 : memref<10112x128xf32, #tpu.memory_space<vmem_shared>>) offsets(%dma_start3A_176 : memref<125xi32, #tpu.memory_space<vmem>>) semaphore(%run_scoped3A_173 : memref<!tpu.dma_semaphore, #tpu.memory_space<semaphore_mem>>) {add = true}
        %dma_wait3A_180 = arith.constant 0 : i32
        %dma_wait3A_181 = tpu.memref_slice %arg8[%add3A_164, %dma_wait3A_180] : memref<40x125xi32, #tpu.memory_space<vmem>> -> memref<1x125xi32, #tpu.memory_space<vmem>>
        %dma_wait3A_182 = tpu.memref_squeeze %dma_wait3A_181 : memref<1x125xi32, #tpu.memory_space<vmem>> -> memref<125xi32, #tpu.memory_space<vmem>>
        %dma_wait3A_183 = arith.constant 0 : i32
        %dma_wait3A_184 = arith.constant 0 : i32
        %dma_wait3A_185 = tpu.memref_slice %arg11[%dma_wait3A_183, %dma_wait3A_184] : memref<10112x128xf32, #tpu.memory_space<vmem_shared>> -> memref<10112x128xf32, #tpu.memory_space<vmem_shared>>
        tpu.wait_indirect_dma semaphore(%run_scoped3A_173 : memref<!tpu.dma_semaphore, #tpu.memory_space<semaphore_mem>>) src(%arg10 : memref<125x128xf32, #tpu.memory_space<vmem>>) dst(%dma_wait3A_185 : memref<10112x128xf32, #tpu.memory_space<vmem_shared>>)
        tpu.yield
      }) : () -> ()
      %add3A_165 = arith.constant 3 : i32
      %add3A_166 = arith.addi %mul3A_140, %add3A_165 : i32
      %dma_start3A_167 = arith.constant 0 : i32
      %dma_start3A_168 = tpu.memref_slice %arg7[%add3A_166, %dma_start3A_167] : memref<40x125xi32, #tpu.memory_space<vmem>> -> memref<1x125xi32, #tpu.memory_space<vmem>>
      %dma_start3A_169 = tpu.memref_squeeze %dma_start3A_168 : memref<1x125xi32, #tpu.memory_space<vmem>> -> memref<125xi32, #tpu.memory_space<vmem>>
      %dma_start3A_170 = arith.constant 0 : i32
      %dma_start3A_171 = arith.constant 0 : i32
      %dma_start3A_172 = tpu.memref_slice %arg4[%dma_start3A_170, %dma_start3A_171] : memref<5120x128xf32, #tpu.memory_space<hbm>> -> memref<5120x128xf32, #tpu.memory_space<hbm>>
      tpu.enqueue_indirect_dma source(%dma_start3A_172 : memref<5120x128xf32, #tpu.memory_space<hbm>>) target(%arg10 : memref<125x128xf32, #tpu.memory_space<vmem>>) offsets(%dma_start3A_169 : memref<125xi32, #tpu.memory_space<vmem>>) semaphore(%arg13 : memref<!tpu.dma_semaphore, #tpu.memory_space<semaphore_mem>>)
    }
    %scan3A_113 = arith.constant 19 : i32
    %dma_wait3A_114 = arith.constant 38 : i32
    %dma_wait3A_115 = arith.constant 0 : i32
    %dma_wait3A_116 = tpu.memref_slice %arg7[%dma_wait3A_114, %dma_wait3A_115] : memref<40x125xi32, #tpu.memory_space<vmem>> -> memref<1x125xi32, #tpu.memory_space<vmem>>
    %dma_wait3A_117 = tpu.memref_squeeze %dma_wait3A_116 : memref<1x125xi32, #tpu.memory_space<vmem>> -> memref<125xi32, #tpu.memory_space<vmem>>
    %dma_wait3A_118 = arith.constant 0 : i32
    %dma_wait3A_119 = arith.constant 0 : i32
    %dma_wait3A_120 = tpu.memref_slice %arg4[%dma_wait3A_118, %dma_wait3A_119] : memref<5120x128xf32, #tpu.memory_space<hbm>> -> memref<5120x128xf32, #tpu.memory_space<hbm>>
    tpu.wait_indirect_dma semaphore(%arg12 : memref<!tpu.dma_semaphore, #tpu.memory_space<semaphore_mem>>) src(%dma_wait3A_120 : memref<5120x128xf32, #tpu.memory_space<hbm>>) dst(%arg9 : memref<125x128xf32, #tpu.memory_space<vmem>>)
    %run_scoped3A_121 = arith.constant 38 : i32
    "tpu.region"() ({
      %run_scoped3A_138 = tpu.sem_alloc : memref<!tpu.dma_semaphore, #tpu.memory_space<semaphore_mem>>
      %dma_start3A_139 = arith.constant 0 : i32
      %dma_start3A_140 = tpu.memref_slice %arg8[%run_scoped3A_121, %dma_start3A_139] : memref<40x125xi32, #tpu.memory_space<vmem>> -> memref<1x125xi32, #tpu.memory_space<vmem>>
      %dma_start3A_141 = tpu.memref_squeeze %dma_start3A_140 : memref<1x125xi32, #tpu.memory_space<vmem>> -> memref<125xi32, #tpu.memory_space<vmem>>
      %dma_start3A_142 = arith.constant 0 : i32
      %dma_start3A_143 = arith.constant 0 : i32
      %dma_start3A_144 = tpu.memref_slice %arg11[%dma_start3A_142, %dma_start3A_143] : memref<10112x128xf32, #tpu.memory_space<vmem_shared>> -> memref<10112x128xf32, #tpu.memory_space<vmem_shared>>
      tpu.enqueue_indirect_dma source(%arg9 : memref<125x128xf32, #tpu.memory_space<vmem>>) target(%dma_start3A_144 : memref<10112x128xf32, #tpu.memory_space<vmem_shared>>) offsets(%dma_start3A_141 : memref<125xi32, #tpu.memory_space<vmem>>) semaphore(%run_scoped3A_138 : memref<!tpu.dma_semaphore, #tpu.memory_space<semaphore_mem>>) {add = true}
      %dma_wait3A_145 = arith.constant 0 : i32
      %dma_wait3A_146 = tpu.memref_slice %arg8[%run_scoped3A_121, %dma_wait3A_145] : memref<40x125xi32, #tpu.memory_space<vmem>> -> memref<1x125xi32, #tpu.memory_space<vmem>>
      %dma_wait3A_147 = tpu.memref_squeeze %dma_wait3A_146 : memref<1x125xi32, #tpu.memory_space<vmem>> -> memref<125xi32, #tpu.memory_space<vmem>>
      %dma_wait3A_148 = arith.constant 0 : i32
      %dma_wait3A_149 = arith.constant 0 : i32
      %dma_wait3A_150 = tpu.memref_slice %arg11[%dma_wait3A_148, %dma_wait3A_149] : memref<10112x128xf32, #tpu.memory_space<vmem_shared>> -> memref<10112x128xf32, #tpu.memory_space<vmem_shared>>
      tpu.wait_indirect_dma semaphore(%run_scoped3A_138 : memref<!tpu.dma_semaphore, #tpu.memory_space<semaphore_mem>>) src(%arg9 : memref<125x128xf32, #tpu.memory_space<vmem>>) dst(%dma_wait3A_150 : memref<10112x128xf32, #tpu.memory_space<vmem_shared>>)
      tpu.yield
    }) : () -> ()
    %dma_wait3A_122 = arith.constant 39 : i32
    %dma_wait3A_123 = arith.constant 0 : i32
    %dma_wait3A_124 = tpu.memref_slice %arg7[%dma_wait3A_122, %dma_wait3A_123] : memref<40x125xi32, #tpu.memory_space<vmem>> -> memref<1x125xi32, #tpu.memory_space<vmem>>
    %dma_wait3A_125 = tpu.memref_squeeze %dma_wait3A_124 : memref<1x125xi32, #tpu.memory_space<vmem>> -> memref<125xi32, #tpu.memory_space<vmem>>
    %dma_wait3A_126 = arith.constant 0 : i32
    %dma_wait3A_127 = arith.constant 0 : i32
    %dma_wait3A_128 = tpu.memref_slice %arg4[%dma_wait3A_126, %dma_wait3A_127] : memref<5120x128xf32, #tpu.memory_space<hbm>> -> memref<5120x128xf32, #tpu.memory_space<hbm>>
    tpu.wait_indirect_dma semaphore(%arg13 : memref<!tpu.dma_semaphore, #tpu.memory_space<semaphore_mem>>) src(%dma_wait3A_128 : memref<5120x128xf32, #tpu.memory_space<hbm>>) dst(%arg10 : memref<125x128xf32, #tpu.memory_space<vmem>>)
    %run_scoped3A_129 = arith.constant 39 : i32
    "tpu.region"() ({
      %run_scoped3A_138 = tpu.sem_alloc : memref<!tpu.dma_semaphore, #tpu.memory_space<semaphore_mem>>
      %dma_start3A_139 = arith.constant 0 : i32
      %dma_start3A_140 = tpu.memref_slice %arg8[%run_scoped3A_129, %dma_start3A_139] : memref<40x125xi32, #tpu.memory_space<vmem>> -> memref<1x125xi32, #tpu.memory_space<vmem>>
      %dma_start3A_141 = tpu.memref_squeeze %dma_start3A_140 : memref<1x125xi32, #tpu.memory_space<vmem>> -> memref<125xi32, #tpu.memory_space<vmem>>
      %dma_start3A_142 = arith.constant 0 : i32
      %dma_start3A_143 = arith.constant 0 : i32
      %dma_start3A_144 = tpu.memref_slice %arg11[%dma_start3A_142, %dma_start3A_143] : memref<10112x128xf32, #tpu.memory_space<vmem_shared>> -> memref<10112x128xf32, #tpu.memory_space<vmem_shared>>
      tpu.enqueue_indirect_dma source(%arg10 : memref<125x128xf32, #tpu.memory_space<vmem>>) target(%dma_start3A_144 : memref<10112x128xf32, #tpu.memory_space<vmem_shared>>) offsets(%dma_start3A_141 : memref<125xi32, #tpu.memory_space<vmem>>) semaphore(%run_scoped3A_138 : memref<!tpu.dma_semaphore, #tpu.memory_space<semaphore_mem>>) {add = true}
      %dma_wait3A_145 = arith.constant 0 : i32
      %dma_wait3A_146 = tpu.memref_slice %arg8[%run_scoped3A_129, %dma_wait3A_145] : memref<40x125xi32, #tpu.memory_space<vmem>> -> memref<1x125xi32, #tpu.memory_space<vmem>>
      %dma_wait3A_147 = tpu.memref_squeeze %dma_wait3A_146 : memref<1x125xi32, #tpu.memory_space<vmem>> -> memref<125xi32, #tpu.memory_space<vmem>>
      %dma_wait3A_148 = arith.constant 0 : i32
      %dma_wait3A_149 = arith.constant 0 : i32
      %dma_wait3A_150 = tpu.memref_slice %arg11[%dma_wait3A_148, %dma_wait3A_149] : memref<10112x128xf32, #tpu.memory_space<vmem_shared>> -> memref<10112x128xf32, #tpu.memory_space<vmem_shared>>
      tpu.wait_indirect_dma semaphore(%run_scoped3A_138 : memref<!tpu.dma_semaphore, #tpu.memory_space<semaphore_mem>>) src(%arg10 : memref<125x128xf32, #tpu.memory_space<vmem>>) dst(%dma_wait3A_150 : memref<10112x128xf32, #tpu.memory_space<vmem_shared>>)
      tpu.yield
    }) : () -> ()
    %barrier3A_130 = arith.constant 0 : index
    tpu.barrier barrier_id(%barrier3A_130)
    %mul3A_131 = arith.constant 632 : i32
    %mul3A_132 = arith.muli %arg1, %mul3A_131 : i32
    %mul3A_133 = arith.constant 10112 : i32
    %mul3A_134 = arith.muli %arg0, %mul3A_133 : i32
    %mul3A_135 = arith.constant 632 : i32
    %mul3A_136 = arith.muli %arg1, %mul3A_135 : i32
    %add3A_137 = arith.addi %mul3A_134, %mul3A_136 : i32
    "tpu.region"() ({
      %run_scoped3A_138 = tpu.sem_alloc : memref<!tpu.dma_semaphore, #tpu.memory_space<semaphore_mem>>
      %dma_start3A_139 = arith.constant 0 : i32
      %dma_start3A_140 = tpu.memref_slice %arg6[%add3A_137, %dma_start3A_139] : memref<20224x128xf32, #tpu.memory_space<hbm>> -> memref<632x128xf32, #tpu.memory_space<hbm>>
      %dma_start3A_141 = arith.constant 0 : i32
      %dma_start3A_142 = tpu.memref_slice %arg11[%mul3A_132, %dma_start3A_141] : memref<10112x128xf32, #tpu.memory_space<vmem_shared>> -> memref<632x128xf32, #tpu.memory_space<vmem_shared>>
      tpu.enqueue_dma source(%dma_start3A_142 : memref<632x128xf32, #tpu.memory_space<vmem_shared>>) target(%dma_start3A_140 : memref<632x128xf32, #tpu.memory_space<hbm>>) target_semaphore(%run_scoped3A_138 : memref<!tpu.dma_semaphore, #tpu.memory_space<semaphore_mem>>)
      %dma_wait3A_143 = arith.constant 0 : i32
      %dma_wait3A_144 = tpu.memref_slice %arg6[%add3A_137, %dma_wait3A_143] : memref<20224x128xf32, #tpu.memory_space<hbm>> -> memref<632x128xf32, #tpu.memory_space<hbm>>
      %dma_wait3A_145 = arith.constant 0 : i32
      %dma_wait3A_146 = tpu.memref_slice %arg11[%mul3A_132, %dma_wait3A_145] : memref<10112x128xf32, #tpu.memory_space<vmem_shared>> -> memref<632x128xf32, #tpu.memory_space<vmem_shared>>
      tpu.wait_dma2 semaphore(%run_scoped3A_138 : memref<!tpu.dma_semaphore, #tpu.memory_space<semaphore_mem>>) src(%dma_wait3A_146 : memref<632x128xf32, #tpu.memory_space<vmem_shared>>) dst(%dma_wait3A_144 : memref<632x128xf32, #tpu.memory_space<hbm>>)
      tpu.yield
    }) : () -> ()
    return
  }
}

module attributes {stable_mosaic.version = 14 : i64} {
  func.func @_tc_dense0(%arg0: memref<10000x128xf32, #tpu.memory_space<vmem>>, %arg1: memref<128x128xf32, #tpu.memory_space<vmem>>, %arg2: memref<1x128xf32, #tpu.memory_space<vmem>>, %arg3: memref<1x128xf32, #tpu.memory_space<vmem>>, %arg4: memref<1x128xf32, #tpu.memory_space<vmem>>, %arg5: memref<10000x128xf32, #tpu.memory_space<vmem>>) attributes {dimension_semantics = [], scalar_prefetch = 0 : i64, scratch_operands = 0 : i64, tpu.core_type = #tpu.core_type<tc>} {
    %get3A = arith.constant 0 : index
    %get3A_0 = arith.constant 0 : index
    %get3A_1 = vector.load %arg0[%get3A, %get3A_0] : memref<10000x128xf32, #tpu.memory_space<vmem>>, vector<10000x128xf32>
    %get3A_2 = arith.constant 0 : index
    %get3A_3 = arith.constant 0 : index
    %get3A_4 = vector.load %arg1[%get3A_2, %get3A_3] : memref<128x128xf32, #tpu.memory_space<vmem>>, vector<128x128xf32>
    %dot_general3A = arith.constant dense<0.000000e+00> : vector<10000x128xf32>
    %dot_general3A_5 = tpu.matmul %get3A_1, %get3A_4, %dot_general3A {dimension_numbers = #tpu.dot_dimension_numbers<[1], [0], [0], [1], [0, 0, 1, 1], [], []>, transpose_lhs_hint = false} : vector<10000x128xf32>, vector<128x128xf32>, vector<10000x128xf32> -> vector<10000x128xf32>
    %get3A_6 = arith.constant 0 : index
    %get3A_7 = arith.constant 0 : index
    %get3A_8 = vector.load %arg2[%get3A_6, %get3A_7] : memref<1x128xf32, #tpu.memory_space<vmem>>, vector<1x128xf32>
    %add3A = vector.broadcast %get3A_8 : vector<1x128xf32> to vector<10000x128xf32>
    %add3A_9 = arith.addf %dot_general3A_5, %add3A : vector<10000x128xf32>
    %get3A_10 = arith.constant 0 : index
    %get3A_11 = arith.constant 0 : index
    %get3A_12 = vector.load %arg3[%get3A_10, %get3A_11] : memref<1x128xf32, #tpu.memory_space<vmem>>, vector<1x128xf32>
    %get3A_13 = arith.constant 0 : index
    %get3A_14 = arith.constant 0 : index
    %get3A_15 = vector.load %arg4[%get3A_13, %get3A_14] : memref<1x128xf32, #tpu.memory_space<vmem>>, vector<1x128xf32>
    %reduce_sum3A = arith.constant dense<0.000000e+00> : vector<128xf32>
    %reduce_sum3A_16 = vector.multi_reduction <add>, %add3A_9, %reduce_sum3A [0] : vector<10000x128xf32> to vector<128xf32>
    %broadcast_in_dim3A = vector.shape_cast %reduce_sum3A_16 : vector<128xf32> to vector<1x128xf32>
    %div3A = arith.constant 1.000000e+04 : f32
    %div3A_17 = vector.broadcast %div3A : f32 to vector<1x128xf32>
    %div3A_18 = arith.divf %broadcast_in_dim3A, %div3A_17 : vector<1x128xf32>
    %sub3A = vector.broadcast %div3A_18 : vector<1x128xf32> to vector<10000x128xf32>
    %sub3A_19 = arith.subf %add3A_9, %sub3A : vector<10000x128xf32>
    %mul3A = arith.mulf %sub3A_19, %sub3A_19 : vector<10000x128xf32>
    %reduce_sum3A_20 = arith.constant dense<0.000000e+00> : vector<128xf32>
    %reduce_sum3A_21 = vector.multi_reduction <add>, %mul3A, %reduce_sum3A_20 [0] : vector<10000x128xf32> to vector<128xf32>
    %broadcast_in_dim3A_22 = vector.shape_cast %reduce_sum3A_21 : vector<128xf32> to vector<1x128xf32>
    %div3A_23 = arith.constant 1.000000e+04 : f32
    %div3A_24 = vector.broadcast %div3A_23 : f32 to vector<1x128xf32>
    %div3A_25 = arith.divf %broadcast_in_dim3A_22, %div3A_24 : vector<1x128xf32>
    %add3A_26 = arith.constant 9.99999974E-6 : f32
    %add3A_27 = vector.broadcast %add3A_26 : f32 to vector<1x128xf32>
    %add3A_28 = arith.addf %div3A_25, %add3A_27 : vector<1x128xf32>
    %rsqrt3A = math.rsqrt %add3A_28 : vector<1x128xf32>
    %mul3A_29 = vector.broadcast %rsqrt3A : vector<1x128xf32> to vector<10000x128xf32>
    %mul3A_30 = arith.mulf %sub3A_19, %mul3A_29 : vector<10000x128xf32>
    %mul3A_31 = vector.broadcast %get3A_12 : vector<1x128xf32> to vector<10000x128xf32>
    %mul3A_32 = arith.mulf %mul3A_30, %mul3A_31 : vector<10000x128xf32>
    %add3A_33 = vector.broadcast %get3A_15 : vector<1x128xf32> to vector<10000x128xf32>
    %add3A_34 = arith.addf %mul3A_32, %add3A_33 : vector<10000x128xf32>
    %swap3A = arith.constant 0 : index
    %swap3A_35 = arith.constant 0 : index
    %swap3A_36 = vector.load %arg5[%swap3A, %swap3A_35] : memref<10000x128xf32, #tpu.memory_space<vmem>>, vector<10000x128xf32>
    tpu.vector_store %arg5[%swap3A, %swap3A_35], %add3A_34 {strides = array<i32>} : memref<10000x128xf32, #tpu.memory_space<vmem>>, vector<10000x128xf32>,
    return
  }
}

module attributes {stable_mosaic.version = 14 : i64} {
  func.func @_tc_ecombine(%arg0: memref<10240x128xf32, #tpu.memory_space<vmem>>, %arg1: memref<32x15232xf32, #tpu.memory_space<vmem>>, %arg2: memref<5120x128xf32, #tpu.memory_space<vmem>>) attributes {dimension_semantics = [], scalar_prefetch = 0 : i64, scratch_operands = 0 : i64, tpu.core_type = #tpu.core_type<tc>} {
    %get3A = arith.constant 0 : index
    %get3A_0 = arith.constant 0 : index
    %get3A_1 = vector.load %arg0[%get3A, %get3A_0] : memref<10240x128xf32, #tpu.memory_space<vmem>>, vector<5120x128xf32>
    %get3A_2 = arith.constant 5120 : index
    %get3A_3 = arith.constant 0 : index
    %get3A_4 = vector.load %arg0[%get3A_2, %get3A_3] : memref<10240x128xf32, #tpu.memory_space<vmem>>, vector<5120x128xf32>
    %get3A_5 = arith.constant 0 : index
    %get3A_6 = arith.constant 0 : index
    %get3A_7 = vector.load %arg1[%get3A_5, %get3A_6] : memref<32x15232xf32, #tpu.memory_space<vmem>>, vector<32x15232xf32>
    %reduce_sum3A = arith.constant dense<0.000000e+00> : vector<15232xf32>
    %reduce_sum3A_8 = vector.multi_reduction <add>, %get3A_7, %reduce_sum3A [0] : vector<32x15232xf32> to vector<15232xf32>
    %broadcast_in_dim3A = vector.shape_cast %reduce_sum3A_8 : vector<15232xf32> to vector<1x15232xf32>
    %slice3A = vector.extract_strided_slice %broadcast_in_dim3A {offsets = [0, 0], sizes = [1, 5120], strides = [1, 1]} : vector<1x15232xf32> to vector<1x5120xf32>
    %transpose3A = tpu.transpose %slice3A, [1, 0] : vector<1x5120xf32> -> vector<5120x1xf32>
    %max3A = arith.constant 1.000000e+00 : f32
    %max3A_9 = vector.broadcast %max3A : f32 to vector<5120x1xf32>
    %max3A_10 = arith.maximumf %transpose3A, %max3A_9 : vector<5120x1xf32>
    %div3A = arith.constant 1.000000e+00 : f32
    %div3A_11 = vector.broadcast %div3A : f32 to vector<5120x1xf32>
    %div3A_12 = arith.divf %div3A_11, %max3A_10 : vector<5120x1xf32>
    %add3A = arith.addf %get3A_1, %get3A_4 : vector<5120x128xf32>
    %mul3A = vector.broadcast %div3A_12 : vector<5120x1xf32> to vector<5120x128xf32>
    %mul3A_13 = arith.mulf %add3A, %mul3A : vector<5120x128xf32>
    %swap3A = arith.constant 0 : index
    %swap3A_14 = arith.constant 0 : index
    %swap3A_15 = vector.load %arg2[%swap3A, %swap3A_14] : memref<5120x128xf32, #tpu.memory_space<vmem>>, vector<5120x128xf32>
    tpu.vector_store %arg2[%swap3A, %swap3A_14], %mul3A_13 {strides = array<i32>} : memref<5120x128xf32, #tpu.memory_space<vmem>>, vector<5120x128xf32>,
    return
  }
}

module attributes {stable_mosaic.version = 14 : i64} {
  func.func @_tc_dense(%arg0: memref<20224x128xf32, #tpu.memory_space<vmem>>, %arg1: memref<32x15232xf32, #tpu.memory_space<vmem>>, %arg2: memref<128x128xf32, #tpu.memory_space<vmem>>, %arg3: memref<1x128xf32, #tpu.memory_space<vmem>>, %arg4: memref<1x128xf32, #tpu.memory_space<vmem>>, %arg5: memref<1x128xf32, #tpu.memory_space<vmem>>, %arg6: memref<10000x128xf32, #tpu.memory_space<vmem>>) attributes {dimension_semantics = [], scalar_prefetch = 0 : i64, scratch_operands = 0 : i64, tpu.core_type = #tpu.core_type<tc>} {
    %get3A = arith.constant 0 : index
    %get3A_0 = arith.constant 0 : index
    %get3A_1 = vector.load %arg0[%get3A, %get3A_0] : memref<20224x128xf32, #tpu.memory_space<vmem>>, vector<10000x128xf32>
    %get3A_2 = arith.constant 10112 : index
    %get3A_3 = arith.constant 0 : index
    %get3A_4 = vector.load %arg0[%get3A_2, %get3A_3] : memref<20224x128xf32, #tpu.memory_space<vmem>>, vector<10000x128xf32>
    %get3A_5 = arith.constant 0 : index
    %get3A_6 = arith.constant 0 : index
    %get3A_7 = vector.load %arg1[%get3A_5, %get3A_6] : memref<32x15232xf32, #tpu.memory_space<vmem>>, vector<32x15232xf32>
    %reduce_sum3A = arith.constant dense<0.000000e+00> : vector<15232xf32>
    %reduce_sum3A_8 = vector.multi_reduction <add>, %get3A_7, %reduce_sum3A [0] : vector<32x15232xf32> to vector<15232xf32>
    %broadcast_in_dim3A = vector.shape_cast %reduce_sum3A_8 : vector<15232xf32> to vector<1x15232xf32>
    %slice3A = vector.extract_strided_slice %broadcast_in_dim3A {offsets = [0, 5120], sizes = [1, 10000], strides = [1, 1]} : vector<1x15232xf32> to vector<1x10000xf32>
    %transpose3A = tpu.transpose %slice3A, [1, 0] : vector<1x10000xf32> -> vector<10000x1xf32>
    %max3A = arith.constant 1.000000e+00 : f32
    %max3A_9 = vector.broadcast %max3A : f32 to vector<10000x1xf32>
    %max3A_10 = arith.maximumf %transpose3A, %max3A_9 : vector<10000x1xf32>
    %div3A = arith.constant 1.000000e+00 : f32
    %div3A_11 = vector.broadcast %div3A : f32 to vector<10000x1xf32>
    %div3A_12 = arith.divf %div3A_11, %max3A_10 : vector<10000x1xf32>
    %add3A = arith.addf %get3A_1, %get3A_4 : vector<10000x128xf32>
    %mul3A = vector.broadcast %div3A_12 : vector<10000x1xf32> to vector<10000x128xf32>
    %mul3A_13 = arith.mulf %add3A, %mul3A : vector<10000x128xf32>
    %max3A_14 = arith.constant 0.000000e+00 : f32
    %max3A_15 = vector.broadcast %max3A_14 : f32 to vector<10000x128xf32>
    %max3A_16 = arith.maximumf %mul3A_13, %max3A_15 : vector<10000x128xf32>
    %get3A_17 = arith.constant 0 : index
    %get3A_18 = arith.constant 0 : index
    %get3A_19 = vector.load %arg2[%get3A_17, %get3A_18] : memref<128x128xf32, #tpu.memory_space<vmem>>, vector<128x128xf32>
    %dot_general3A = arith.constant dense<0.000000e+00> : vector<10000x128xf32>
    %dot_general3A_20 = tpu.matmul %max3A_16, %get3A_19, %dot_general3A {dimension_numbers = #tpu.dot_dimension_numbers<[1], [0], [0], [1], [0, 0, 1, 1], [], []>, transpose_lhs_hint = false} : vector<10000x128xf32>, vector<128x128xf32>, vector<10000x128xf32> -> vector<10000x128xf32>
    %get3A_21 = arith.constant 0 : index
    %get3A_22 = arith.constant 0 : index
    %get3A_23 = vector.load %arg3[%get3A_21, %get3A_22] : memref<1x128xf32, #tpu.memory_space<vmem>>, vector<1x128xf32>
    %add3A_24 = vector.broadcast %get3A_23 : vector<1x128xf32> to vector<10000x128xf32>
    %add3A_25 = arith.addf %dot_general3A_20, %add3A_24 : vector<10000x128xf32>
    %get3A_26 = arith.constant 0 : index
    %get3A_27 = arith.constant 0 : index
    %get3A_28 = vector.load %arg4[%get3A_26, %get3A_27] : memref<1x128xf32, #tpu.memory_space<vmem>>, vector<1x128xf32>
    %get3A_29 = arith.constant 0 : index
    %get3A_30 = arith.constant 0 : index
    %get3A_31 = vector.load %arg5[%get3A_29, %get3A_30] : memref<1x128xf32, #tpu.memory_space<vmem>>, vector<1x128xf32>
    %reduce_sum3A_32 = arith.constant dense<0.000000e+00> : vector<128xf32>
    %reduce_sum3A_33 = vector.multi_reduction <add>, %add3A_25, %reduce_sum3A_32 [0] : vector<10000x128xf32> to vector<128xf32>
    %broadcast_in_dim3A_34 = vector.shape_cast %reduce_sum3A_33 : vector<128xf32> to vector<1x128xf32>
    %div3A_35 = arith.constant 1.000000e+04 : f32
    %div3A_36 = vector.broadcast %div3A_35 : f32 to vector<1x128xf32>
    %div3A_37 = arith.divf %broadcast_in_dim3A_34, %div3A_36 : vector<1x128xf32>
    %sub3A = vector.broadcast %div3A_37 : vector<1x128xf32> to vector<10000x128xf32>
    %sub3A_38 = arith.subf %add3A_25, %sub3A : vector<10000x128xf32>
    %mul3A_39 = arith.mulf %sub3A_38, %sub3A_38 : vector<10000x128xf32>
    %reduce_sum3A_40 = arith.constant dense<0.000000e+00> : vector<128xf32>
    %reduce_sum3A_41 = vector.multi_reduction <add>, %mul3A_39, %reduce_sum3A_40 [0] : vector<10000x128xf32> to vector<128xf32>
    %broadcast_in_dim3A_42 = vector.shape_cast %reduce_sum3A_41 : vector<128xf32> to vector<1x128xf32>
    %div3A_43 = arith.constant 1.000000e+04 : f32
    %div3A_44 = vector.broadcast %div3A_43 : f32 to vector<1x128xf32>
    %div3A_45 = arith.divf %broadcast_in_dim3A_42, %div3A_44 : vector<1x128xf32>
    %add3A_46 = arith.constant 9.99999974E-6 : f32
    %add3A_47 = vector.broadcast %add3A_46 : f32 to vector<1x128xf32>
    %add3A_48 = arith.addf %div3A_45, %add3A_47 : vector<1x128xf32>
    %rsqrt3A = math.rsqrt %add3A_48 : vector<1x128xf32>
    %mul3A_49 = vector.broadcast %rsqrt3A : vector<1x128xf32> to vector<10000x128xf32>
    %mul3A_50 = arith.mulf %sub3A_38, %mul3A_49 : vector<10000x128xf32>
    %mul3A_51 = vector.broadcast %get3A_28 : vector<1x128xf32> to vector<10000x128xf32>
    %mul3A_52 = arith.mulf %mul3A_50, %mul3A_51 : vector<10000x128xf32>
    %add3A_53 = vector.broadcast %get3A_31 : vector<1x128xf32> to vector<10000x128xf32>
    %add3A_54 = arith.addf %mul3A_52, %add3A_53 : vector<10000x128xf32>
    %swap3A = arith.constant 0 : index
    %swap3A_55 = arith.constant 0 : index
    %swap3A_56 = vector.load %arg6[%swap3A, %swap3A_55] : memref<10000x128xf32, #tpu.memory_space<vmem>>, vector<10000x128xf32>
    tpu.vector_store %arg6[%swap3A, %swap3A_55], %add3A_54 {strides = array<i32>} : memref<10000x128xf32, #tpu.memory_space<vmem>>, vector<10000x128xf32>,
    return
  }
}

module attributes {stable_mosaic.version = 14 : i64} {
  func.func @_tc_head(%arg0: memref<20224x128xf32, #tpu.memory_space<vmem>>, %arg1: memref<32x15232xf32, #tpu.memory_space<vmem>>, %arg2: memref<128x128xf32, #tpu.memory_space<vmem>>, %arg3: memref<1x128xf32, #tpu.memory_space<vmem>>, %arg4: memref<128x1xf32, #tpu.memory_space<vmem>>, %arg5: memref<1x1xf32, #tpu.memory_space<vmem>>, %arg6: memref<128x128xf32, #tpu.memory_space<vmem>>, %arg7: memref<1x128xf32, #tpu.memory_space<vmem>>, %arg8: memref<128x128xf32, #tpu.memory_space<vmem>>, %arg9: memref<1x128xf32, #tpu.memory_space<vmem>>, %arg10: memref<128x1xf32, #tpu.memory_space<vmem>>, %arg11: memref<1x1xf32, #tpu.memory_space<vmem>>, %arg12: memref<1x128xf32, #tpu.memory_space<vmem>>, %arg13: memref<1x128xf32, #tpu.memory_space<vmem>>, %arg14: memref<10000x1xf32, #tpu.memory_space<vmem>>, %arg15: memref<10000x1xf32, #tpu.memory_space<vmem>>) attributes {dimension_semantics = [], scalar_prefetch = 0 : i64, scratch_operands = 0 : i64, tpu.core_type = #tpu.core_type<tc>} {
    %get3A = arith.constant 0 : index
    %get3A_0 = arith.constant 0 : index
    %get3A_1 = vector.load %arg0[%get3A, %get3A_0] : memref<20224x128xf32, #tpu.memory_space<vmem>>, vector<10000x128xf32>
    %get3A_2 = arith.constant 10112 : index
    %get3A_3 = arith.constant 0 : index
    %get3A_4 = vector.load %arg0[%get3A_2, %get3A_3] : memref<20224x128xf32, #tpu.memory_space<vmem>>, vector<10000x128xf32>
    %get3A_5 = arith.constant 0 : index
    %get3A_6 = arith.constant 0 : index
    %get3A_7 = vector.load %arg1[%get3A_5, %get3A_6] : memref<32x15232xf32, #tpu.memory_space<vmem>>, vector<32x15232xf32>
    %reduce_sum3A = arith.constant dense<0.000000e+00> : vector<15232xf32>
    %reduce_sum3A_8 = vector.multi_reduction <add>, %get3A_7, %reduce_sum3A [0] : vector<32x15232xf32> to vector<15232xf32>
    %broadcast_in_dim3A = vector.shape_cast %reduce_sum3A_8 : vector<15232xf32> to vector<1x15232xf32>
    %slice3A = vector.extract_strided_slice %broadcast_in_dim3A {offsets = [0, 5120], sizes = [1, 10000], strides = [1, 1]} : vector<1x15232xf32> to vector<1x10000xf32>
    %transpose3A = tpu.transpose %slice3A, [1, 0] : vector<1x10000xf32> -> vector<10000x1xf32>
    %max3A = arith.constant 1.000000e+00 : f32
    %max3A_9 = vector.broadcast %max3A : f32 to vector<10000x1xf32>
    %max3A_10 = arith.maximumf %transpose3A, %max3A_9 : vector<10000x1xf32>
    %div3A = arith.constant 1.000000e+00 : f32
    %div3A_11 = vector.broadcast %div3A : f32 to vector<10000x1xf32>
    %div3A_12 = arith.divf %div3A_11, %max3A_10 : vector<10000x1xf32>
    %add3A = arith.addf %get3A_1, %get3A_4 : vector<10000x128xf32>
    %mul3A = vector.broadcast %div3A_12 : vector<10000x1xf32> to vector<10000x128xf32>
    %mul3A_13 = arith.mulf %add3A, %mul3A : vector<10000x128xf32>
    %max3A_14 = arith.constant 0.000000e+00 : f32
    %max3A_15 = vector.broadcast %max3A_14 : f32 to vector<10000x128xf32>
    %max3A_16 = arith.maximumf %mul3A_13, %max3A_15 : vector<10000x128xf32>
    %get3A_17 = arith.constant 0 : index
    %get3A_18 = arith.constant 0 : index
    %get3A_19 = vector.load %arg2[%get3A_17, %get3A_18] : memref<128x128xf32, #tpu.memory_space<vmem>>, vector<128x128xf32>
    %dot_general3A = arith.constant dense<0.000000e+00> : vector<10000x128xf32>
    %dot_general3A_20 = tpu.matmul %max3A_16, %get3A_19, %dot_general3A {dimension_numbers = #tpu.dot_dimension_numbers<[1], [0], [0], [1], [0, 0, 1, 1], [], []>, transpose_lhs_hint = false} : vector<10000x128xf32>, vector<128x128xf32>, vector<10000x128xf32> -> vector<10000x128xf32>
    %get3A_21 = arith.constant 0 : index
    %get3A_22 = arith.constant 0 : index
    %get3A_23 = vector.load %arg3[%get3A_21, %get3A_22] : memref<1x128xf32, #tpu.memory_space<vmem>>, vector<1x128xf32>
    %add3A_24 = vector.broadcast %get3A_23 : vector<1x128xf32> to vector<10000x128xf32>
    %add3A_25 = arith.addf %dot_general3A_20, %add3A_24 : vector<10000x128xf32>
    %tanh3A = math.tanh %add3A_25 : vector<10000x128xf32>
    %get3A_26 = arith.constant 0 : index
    %get3A_27 = arith.constant 0 : index
    %get3A_28 = vector.load %arg4[%get3A_26, %get3A_27] : memref<128x1xf32, #tpu.memory_space<vmem>>, vector<128x1xf32>
    %dot_general3A_29 = arith.constant dense<0.000000e+00> : vector<10000x1xf32>
    %dot_general3A_30 = tpu.matmul %tanh3A, %get3A_28, %dot_general3A_29 {dimension_numbers = #tpu.dot_dimension_numbers<[1], [0], [0], [1], [0, 0, 1, 1], [], []>, transpose_lhs_hint = false} : vector<10000x128xf32>, vector<128x1xf32>, vector<10000x1xf32> -> vector<10000x1xf32>
    %get3A_31 = arith.constant 0 : index
    %get3A_32 = arith.constant 0 : index
    %get3A_33 = vector.load %arg5[%get3A_31, %get3A_32] : memref<1x1xf32, #tpu.memory_space<vmem>>, vector<1x1xf32>
    %add3A_34 = vector.broadcast %get3A_33 : vector<1x1xf32> to vector<10000x1xf32>
    %add3A_35 = arith.addf %dot_general3A_30, %add3A_34 : vector<10000x1xf32>
    %logistic3A = arith.negf %add3A_35 : vector<10000x1xf32>
    %logistic3A_36 = math.exp %logistic3A : vector<10000x1xf32>
    %logistic3A_37 = arith.constant 1.000000e+00 : f32
    %logistic3A_38 = vector.broadcast %logistic3A_37 : f32 to vector<10000x1xf32>
    %logistic3A_39 = arith.addf %logistic3A_38, %logistic3A_36 : vector<10000x1xf32>
    %logistic3A_40 = arith.divf %logistic3A_38, %logistic3A_39 : vector<10000x1xf32>
    %mul3A_41 = vector.broadcast %logistic3A_40 : vector<10000x1xf32> to vector<10000x128xf32>
    %mul3A_42 = arith.mulf %max3A_16, %mul3A_41 : vector<10000x128xf32>
    %max3A_43 = arith.constant 0.000000e+00 : f32
    %max3A_44 = vector.broadcast %max3A_43 : f32 to vector<10000x128xf32>
    %max3A_45 = arith.maximumf %mul3A_42, %max3A_44 : vector<10000x128xf32>
    %get3A_46 = arith.constant 0 : index
    %get3A_47 = arith.constant 0 : index
    %get3A_48 = vector.load %arg12[%get3A_46, %get3A_47] : memref<1x128xf32, #tpu.memory_space<vmem>>, vector<1x128xf32>
    %get3A_49 = arith.constant 0 : index
    %get3A_50 = arith.constant 0 : index
    %get3A_51 = vector.load %arg13[%get3A_49, %get3A_50] : memref<1x128xf32, #tpu.memory_space<vmem>>, vector<1x128xf32>
    %reduce_sum3A_52 = arith.constant dense<0.000000e+00> : vector<128xf32>
    %reduce_sum3A_53 = vector.multi_reduction <add>, %max3A_45, %reduce_sum3A_52 [0] : vector<10000x128xf32> to vector<128xf32>
    %broadcast_in_dim3A_54 = vector.shape_cast %reduce_sum3A_53 : vector<128xf32> to vector<1x128xf32>
    %div3A_55 = arith.constant 1.000000e+04 : f32
    %div3A_56 = vector.broadcast %div3A_55 : f32 to vector<1x128xf32>
    %div3A_57 = arith.divf %broadcast_in_dim3A_54, %div3A_56 : vector<1x128xf32>
    %sub3A = vector.broadcast %div3A_57 : vector<1x128xf32> to vector<10000x128xf32>
    %sub3A_58 = arith.subf %max3A_45, %sub3A : vector<10000x128xf32>
    %mul3A_59 = arith.mulf %sub3A_58, %sub3A_58 : vector<10000x128xf32>
    %reduce_sum3A_60 = arith.constant dense<0.000000e+00> : vector<128xf32>
    %reduce_sum3A_61 = vector.multi_reduction <add>, %mul3A_59, %reduce_sum3A_60 [0] : vector<10000x128xf32> to vector<128xf32>
    %broadcast_in_dim3A_62 = vector.shape_cast %reduce_sum3A_61 : vector<128xf32> to vector<1x128xf32>
    %div3A_63 = arith.constant 1.000000e+04 : f32
    %div3A_64 = vector.broadcast %div3A_63 : f32 to vector<1x128xf32>
    %div3A_65 = arith.divf %broadcast_in_dim3A_62, %div3A_64 : vector<1x128xf32>
    %add3A_66 = arith.constant 9.99999974E-6 : f32
    %add3A_67 = vector.broadcast %add3A_66 : f32 to vector<1x128xf32>
    %add3A_68 = arith.addf %div3A_65, %add3A_67 : vector<1x128xf32>
    %rsqrt3A = math.rsqrt %add3A_68 : vector<1x128xf32>
    %mul3A_69 = vector.broadcast %rsqrt3A : vector<1x128xf32> to vector<10000x128xf32>
    %mul3A_70 = arith.mulf %sub3A_58, %mul3A_69 : vector<10000x128xf32>
    %mul3A_71 = vector.broadcast %get3A_48 : vector<1x128xf32> to vector<10000x128xf32>
    %mul3A_72 = arith.mulf %mul3A_70, %mul3A_71 : vector<10000x128xf32>
    %add3A_73 = vector.broadcast %get3A_51 : vector<1x128xf32> to vector<10000x128xf32>
    %add3A_74 = arith.addf %mul3A_72, %add3A_73 : vector<10000x128xf32>
    %get3A_75 = arith.constant 0 : index
    %get3A_76 = arith.constant 0 : index
    %get3A_77 = vector.load %arg6[%get3A_75, %get3A_76] : memref<128x128xf32, #tpu.memory_space<vmem>>, vector<128x128xf32>
    %dot_general3A_78 = arith.constant dense<0.000000e+00> : vector<10000x128xf32>
    %dot_general3A_79 = tpu.matmul %add3A_74, %get3A_77, %dot_general3A_78 {dimension_numbers = #tpu.dot_dimension_numbers<[1], [0], [0], [1], [0, 0, 1, 1], [], []>, transpose_lhs_hint = false} : vector<10000x128xf32>, vector<128x128xf32>, vector<10000x128xf32> -> vector<10000x128xf32>
    %get3A_80 = arith.constant 0 : index
    %get3A_81 = arith.constant 0 : index
    %get3A_82 = vector.load %arg7[%get3A_80, %get3A_81] : memref<1x128xf32, #tpu.memory_space<vmem>>, vector<1x128xf32>
    %add3A_83 = vector.broadcast %get3A_82 : vector<1x128xf32> to vector<10000x128xf32>
    %add3A_84 = arith.addf %dot_general3A_79, %add3A_83 : vector<10000x128xf32>
    %max3A_85 = arith.constant 0.000000e+00 : f32
    %max3A_86 = vector.broadcast %max3A_85 : f32 to vector<10000x128xf32>
    %max3A_87 = arith.maximumf %add3A_84, %max3A_86 : vector<10000x128xf32>
    %get3A_88 = arith.constant 0 : index
    %get3A_89 = arith.constant 0 : index
    %get3A_90 = vector.load %arg8[%get3A_88, %get3A_89] : memref<128x128xf32, #tpu.memory_space<vmem>>, vector<128x128xf32>
    %dot_general3A_91 = arith.constant dense<0.000000e+00> : vector<10000x128xf32>
    %dot_general3A_92 = tpu.matmul %max3A_87, %get3A_90, %dot_general3A_91 {dimension_numbers = #tpu.dot_dimension_numbers<[1], [0], [0], [1], [0, 0, 1, 1], [], []>, transpose_lhs_hint = false} : vector<10000x128xf32>, vector<128x128xf32>, vector<10000x128xf32> -> vector<10000x128xf32>
    %get3A_93 = arith.constant 0 : index
    %get3A_94 = arith.constant 0 : index
    %get3A_95 = vector.load %arg9[%get3A_93, %get3A_94] : memref<1x128xf32, #tpu.memory_space<vmem>>, vector<1x128xf32>
    %add3A_96 = vector.broadcast %get3A_95 : vector<1x128xf32> to vector<10000x128xf32>
    %add3A_97 = arith.addf %dot_general3A_92, %add3A_96 : vector<10000x128xf32>
    %max3A_98 = arith.constant 0.000000e+00 : f32
    %max3A_99 = vector.broadcast %max3A_98 : f32 to vector<10000x128xf32>
    %max3A_100 = arith.maximumf %add3A_97, %max3A_99 : vector<10000x128xf32>
    %get3A_101 = arith.constant 0 : index
    %get3A_102 = arith.constant 0 : index
    %get3A_103 = vector.load %arg10[%get3A_101, %get3A_102] : memref<128x1xf32, #tpu.memory_space<vmem>>, vector<128x1xf32>
    %dot_general3A_104 = arith.constant dense<0.000000e+00> : vector<10000x1xf32>
    %dot_general3A_105 = tpu.matmul %max3A_100, %get3A_103, %dot_general3A_104 {dimension_numbers = #tpu.dot_dimension_numbers<[1], [0], [0], [1], [0, 0, 1, 1], [], []>, transpose_lhs_hint = false} : vector<10000x128xf32>, vector<128x1xf32>, vector<10000x1xf32> -> vector<10000x1xf32>
    %get3A_106 = arith.constant 0 : index
    %get3A_107 = arith.constant 0 : index
    %get3A_108 = vector.load %arg11[%get3A_106, %get3A_107] : memref<1x1xf32, #tpu.memory_space<vmem>>, vector<1x1xf32>
    %add3A_109 = vector.broadcast %get3A_108 : vector<1x1xf32> to vector<10000x1xf32>
    %add3A_110 = arith.addf %dot_general3A_105, %add3A_109 : vector<10000x1xf32>
    %logistic3A_111 = arith.negf %add3A_110 : vector<10000x1xf32>
    %logistic3A_112 = math.exp %logistic3A_111 : vector<10000x1xf32>
    %logistic3A_113 = arith.constant 1.000000e+00 : f32
    %logistic3A_114 = vector.broadcast %logistic3A_113 : f32 to vector<10000x1xf32>
    %logistic3A_115 = arith.addf %logistic3A_114, %logistic3A_112 : vector<10000x1xf32>
    %logistic3A_116 = arith.divf %logistic3A_114, %logistic3A_115 : vector<10000x1xf32>
    %swap3A = arith.constant 0 : index
    %swap3A_117 = arith.constant 0 : index
    %swap3A_118 = vector.load %arg14[%swap3A, %swap3A_117] : memref<10000x1xf32, #tpu.memory_space<vmem>>, vector<10000x1xf32>
    tpu.vector_store %arg14[%swap3A, %swap3A_117], %logistic3A_116 {strides = array<i32>} : memref<10000x1xf32, #tpu.memory_space<vmem>>, vector<10000x1xf32>,
    %swap3A_119 = arith.constant 0 : index
    %swap3A_120 = arith.constant 0 : index
    %swap3A_121 = vector.load %arg15[%swap3A_119, %swap3A_120] : memref<10000x1xf32, #tpu.memory_space<vmem>>, vector<10000x1xf32>
    tpu.vector_store %arg15[%swap3A_119, %swap3A_120], %logistic3A_40 {strides = array<i32>} : memref<10000x1xf32, #tpu.memory_space<vmem>>, vector<10000x1xf32>,
    return
  }
}

</mosaic_0001>

<sc_bundles>
// kernel: kernel.15.cloned.1.call-start
scs
__scs_entry_jumppad:
0x0: {  	(pc) =	sbr.rel $0x88, $3  }
0x1: {  	(tag) =	ssettag $0x0;
	lr =	simm.s32 $0x1  }
0x2: {  	[smem:$0x3F86] =	sst lr;
	_ =	strace $0xD0000000  }
0x3: {  	_ = 	snop  }
0x4: {  	_ = 	snop  }
0x5: {  	_ = 	snop  }
0x6: {  	_ = 	snop  }
0x7: {  	_ = 	snop  }
__scs_overlays_trampoline_lowered:
0x8: {  	[smem:$0x3F95] =	sst s0  }
0x9: {  	[smem:$0x3F96] =	sst s1  }
0xa: {  	[smem:$0x3F97] =	sst s2  }
0xb: {  	[smem:$0x3F98] =	sst s3  }
0xc: {  	[smem:$0x3F99] =	sst s4  }
0xd: {  	[smem:$0x3F9A] =	sst s5  }
0xe: {  	[smem:$0x3F9B] =	sst s6  }
0xf: {  	[smem:$0x3F9C] =	sst s7  }
0x10: {  	[smem:$0x3F9D] =	sst s8  }
0x11: {  	[smem:$0x3F9E] =	sst s9;
	s0 =	simm.s32 @!p0 $0x0  }
0x12: {  	s1 =	sld [smem:$0x3F84];
	s0 =	simm.s32 @p0 $0x1  }
0x13: {  	[smem:$0x3F9F] =	sst s0;
	s0 =	simm.s32 @!p1 $0x0  }
0x14: {  	s2 =	sld [smem:$0x3F83];
	s0 =	simm.s32 @p1 $0x1  }
0x15: {  	[smem:$0x3FA0] =	sst s0;
	s0 =	simm.s32 @!p2 $0x0  }
0x16: {  	s3 =	sld [smem:$0x3FDB];
	s0 =	simm.s32 @p2 $0x1  }
0x17: {  	s4 =	simm.s32 $0x1BF5;
	[smem:$0x3FA2] =	sst s0  }
0x18: {  	s0 =	sld [smem:$0x3F85];
	_ =	swait.ge [sflag:s4], $0x0  }
0x19: {  	s7 =	sld [smem:$0x3F86]  }
0x1a: {  	s8 =	sadd.s32 $0xFFFFE003, lr  }
0x1b: {  	s9 =	sadd.s32 $0xFFFFFEF7, lr;
	s5 =	simm.s32 $0xFFFFFFFF;
	p2 =	slt.u32 s8, $0xFFFFF086  }
0x1c: {  	p1 =	slt.u32 s9, $0xF7A;
	s5 =	simm.s32 @!p2 $0x0  }
0x1d: {  	s5 =	simm.s32 @p1 $0x1;
	p0 =	seq.s32 s7, s2  }
0x1e: {  	s7 =	smul.u32 @!p0 $0xF7A, s2;
	p2 =	seq.s32 @!p0 s5, $0x0  }
0x1f: {  	s9 =	smul.u32 $0xF7A, s1;
	s8 =	simm.s32 @!p0 $0x1BF5;
	p2 =	por !p2, p0  }
0x20: {  	[sflag:s8] =	ssyncset.s32 @!p0 $0xFFFFF086;
	s6 =	sadd.s32 @!p0 s3, s7;
	s7 =	simm.s32 @!p0 $0x108  }
0x21: {  	s3 =	sadd.s32 s3, s9;
	s6 =	sadd.s32 @!p0 $0x88, s6;
	s7 =	simm.s32 @p2 $0x1082  }
0x22: {  	[simem:s7], [sflag:s8] =	dma.local @!p0 [hbm:s6], $0xF7A  }
0x23: {  	s9 =	sor.u32 $0xD0000000, s2;
	s6 =	simm.s32 $0x108;
	_ =	swait.ge @!p0 [sflag:s8], $0x0  }
0x24: {  	s3 =	sadd.s32 $0x88, s3;
	s6 =	simm.s32 @!p1 $0x1082;
	[sflag:s4] =	ssyncset.s32 $0xFFFFF086  }
0x25: {  	[simem:s6], [sflag:s4] =	dma.local [hbm:s3], $0xF7A  }
0x26: {  	[smem:$0x3F86] =	sst s1;
	(tag) =	ssettag s2;
	_ =	strace s9  }
0x27: {  	s1 =	sld [smem:$0x3F96]  }
0x28: {  	s2 =	sld [smem:$0x3F97]  }
0x29: {  	s4 =	sld [smem:$0x3F99]  }
0x2a: {  	p0 =	seq.s32 s5, $0x0;
	s5 =	sld [smem:$0x3F9A]  }
0x2b: {  	s6 =	sld [smem:$0x3F9B]  }
0x2c: {  	s7 =	sld [smem:$0x3F9C]  }
0x2d: {  	s3 =	simm.s32 $0x108;
	s8 =	sld [smem:$0x3F9D]  }
0x2e: {  	s3 =	simm.s32 @!p0 $0x1082;
	s9 =	sld [smem:$0x3F9E]  }
0x2f: {  	lr =	sadd.s32 s0, s3;
	s0 =	sld [smem:$0x3F95]  }
0x30: {  	s3 =	sld [smem:$0x3F98]  }
0x31: {  	[smem:$0x3FA1] =	sst s10  }
0x32: {  	s10 =	sld [smem:$0x3F9F];
	_ =	sdelay $0x3  }
0x33: {  	p0 =	seq.s32 s10, $0x1;
	s10 =	sld [smem:$0x3FA1];
	_ =	sdelay $0x3  }
0x34: {  	[smem:$0x3FA1] =	sst s10  }
0x35: {  	s10 =	sld [smem:$0x3FA0];
	_ =	sdelay $0x3  }
0x36: {  	p1 =	seq.s32 s10, $0x1;
	s10 =	sld [smem:$0x3FA1];
	_ =	sdelay $0x3  }
0x37: {  	[smem:$0x3FA1] =	sst s10  }
0x38: {  	s10 =	sld [smem:$0x3FA2]  }
0x39: {  	_ = 	snop;
	(pc) =	sbr.ind lr, $3  }
0x3a: {  	_ = 	snop  }
0x3b: {  	_ = 	snop  }
0x3c: {  	p2 =	seq.s32 s10, $0x1;
	s10 =	sld [smem:$0x3FA1]  }
0x3d: {  	_ =	shalt  }
0x3e: {  	_ =	shalt  }
0x3f: {  	_ =	shalt  }
0x40: {  	_ =	shalt  }
0x41: {  	_ =	shalt  }
0x42: {  	_ =	shalt  }
0x43: {  	_ =	shalt  }
0x44: {  	_ =	shalt  }
0x45: {  	_ =	shalt  }
0x46: {  	_ =	shalt  }
0x47: {  	_ =	shalt  }
0x48: {  	_ =	shalt  }
0x49: {  	_ =	shalt  }
0x4a: {  	_ =	shalt  }
0x4b: {  	_ =	shalt  }
0x4c: {  	_ =	shalt  }
0x4d: {  	_ =	shalt  }
0x4e: {  	_ =	shalt  }
0x4f: {  	_ =	shalt  }
0x50: {  	_ =	shalt  }
0x51: {  	_ =	shalt  }
0x52: {  	_ =	shalt  }
0x53: {  	_ =	shalt  }
0x54: {  	_ =	shalt  }
0x55: {  	_ =	shalt  }
0x56: {  	_ =	shalt  }
0x57: {  	_ =	shalt  }
0x58: {  	_ =	shalt  }
0x59: {  	_ =	shalt  }
0x5a: {  	_ =	shalt  }
0x5b: {  	_ =	shalt  }
0x5c: {  	_ =	shalt  }
0x5d: {  	_ =	shalt  }
0x5e: {  	_ =	shalt  }
0x5f: {  	_ =	shalt  }
0x60: {  	_ =	shalt  }
0x61: {  	_ =	shalt  }
0x62: {  	_ =	shalt  }
0x63: {  	_ =	shalt  }
0x64: {  	_ =	shalt  }
0x65: {  	_ =	shalt  }
0x66: {  	_ =	shalt  }
0x67: {  	_ =	shalt  }
0x68: {  	_ =	shalt  }
0x69: {  	_ =	shalt  }
0x6a: {  	_ =	shalt  }
0x6b: {  	_ =	shalt  }
0x6c: {  	_ =	shalt  }
0x6d: {  	_ =	shalt  }
0x6e: {  	_ =	shalt  }
0x6f: {  	_ =	shalt  }
0x70: {  	_ =	shalt  }
0x71: {  	_ =	shalt  }
0x72: {  	_ =	shalt  }
0x73: {  	_ =	shalt  }
0x74: {  	_ =	shalt  }
0x75: {  	_ =	shalt  }
0x76: {  	_ =	shalt  }
0x77: {  	_ =	shalt  }
0x78: {  	_ =	shalt  }
0x79: {  	_ =	shalt  }
0x7a: {  	_ =	shalt  }
0x7b: {  	_ =	shalt  }
0x7c: {  	_ =	shalt  }
0x7d: {  	_ =	shalt  }
0x7e: {  	_ =	shalt  }
0x7f: {  	_ =	shalt  }
0x80: {  	_ =	shalt  }
0x81: {  	_ =	shalt  }
0x82: {  	_ =	shalt  }
0x83: {  	_ =	shalt  }
0x84: {  	_ =	shalt  }
0x85: {  	_ =	shalt  }
0x86: {  	_ =	shalt  }
0x87: {  	_ =	shalt  }
.Lfunc_end0:
.L_simem_size_0:
called_computation_lowered:
.L_overlay_start_0:
0x88: {  	s2 =	sld [smem:$0x3FD9]  }
0x89: {  	s3 =	sld [smem:$0x3FFE];
	_ =	sdelay $0x1  }
0x8a: {  	s1 =	srdreg.scid  }
0x8b: {  	s0 =	sand.u32 $0x1, s1  }
0x8c: {  	s16 =	sshll.u32 s0, $0xA;
	s2 =	sadd.s32 s3, s2  }
0x8d: {  	s2 =	sadd.s32 s2, s16  }
0x8e: {  	[smem:$0x3FAD] =	sst s2  }
0x8f: {  	_ = 	snop  }
0x90: {  	(tm) =	ssettm $0x1  }
0x91: {  	s17 =	sld [smem:$0x3FFB];
	_ =	sdelay $0x3  }
0x92: {  	_ =	strace s17  }
0x93: {  	s2 =	sld [smem:$0x3FFC];
	_ =	sdelay $0x3  }
0x94: {  	_ =	strace s2  }
0x95: {  	s2 =	sld [smem:$0x3FFD];
	_ =	sdelay $0x3  }
0x96: {  	_ =	strace s2  }
0x97: {  	_ =	strace $0x8FFFFFFF  }
0x98: {  	s18 =	sld [smem:$0x3FDB];
	_ =	sdelay $0x1  }
0x99: {  	s19 =	simm.s32 $_scs_section_size  }
0x9a: {  	s4 =	simm.s32 $_size__tile_overlayer_lowered;
	s5 =	simm.s32 $_tile_overlayer_lowered  }
0x9b: {  	s22 =	simm.s32 $0x1BFF;
	s21 =	sshll.u32 s5, $0x1;
	s2 =	sadd.s32 s19, s18  }
0x9c: {  	s6 =	simm.s32 $0x0;
	s20 =	sshll.u32 s4, $0x1;
	s4 =	sadd.s32 s21, s2  }
0x9d: {  	[timem:s6], [sflag:s22] =	dma.local [hbm:s4], s20  }
0x9e: {  	_ =	swait.ge [sflag:s22], s20  }
0x9f: {  	s3 =	ssub.s32 $0x0, s20;
	[sflag:s22] =	ssyncset.done $0x0  }
0xa0: {  	[sflag:s22] =	ssyncadd.s32 s3;
	_ =	sdelay $0x1  }
0xa1: {  	s23 =	simm.s32 $0x1B8B  }
0xa2: {  	_ =	swait.ge [sflag:s23], $0x1  }
0xa3: {  	[sflag:s23] =	ssyncset.done $0x0  }
0xa4: {  	s25 =	simm.s32 $0x1B8E;
	s24 =	sld [smem:$0x3FFE];
	[sflag:s23] =	ssyncadd.s32 $0xFFFFFFFF  }
0xa5: {  	s26 =	simm.s32 $execute0_lowered;
	[smem:$0x3FD2] =	sst s25  }
0xa6: {  	s4 =	sshll.u32 s26, $0x1;
	_ =	strace $0x80000046;
	[dreg:$0x1] =	wrdreg $0xFFFFFFFF  }
0xa7: {  	s28 =	simm.s32 $_size_execute0_lowered;
	s2 =	sadd.s32 s2, s4;
	[dreg:$0x0] =	wrdreg $0x0  }
0xa8: {  	s4 =	sshll.u32 s28, $0x1;
	[dreg:$0x2] =	wrdreg s2  }
0xa9: {  	[dreg:$0x3] =	wrdreg s4  }
0xaa: {  	[dreg:$0x4] =	wrdreg $0xC0  }
0xab: {  	_ =	task [dreg:s6], $0x5FFFF  }
0xac: {  	[dreg:$0x1] =	wrdreg $0xFFFFFFFF  }
0xad: {  	[dreg:$0x0] =	wrdreg $0x60  }
0xae: {  	[dreg:$0x2] =	wrdreg s24  }
0xaf: {  	[dreg:$0x3] =	wrdreg $0xD0000  }
0xb0: {  	[dreg:$0x4] =	wrdreg $0x9  }
0xb1: {  	_ =	task.clear_ibuf [dreg:s6], $0x5FFFF;
	_ =	strace $0x90000046  }
0xb2: {  	s29 =	simm.s32 $0x9;
	_ =	strace $0x80000048  }
0xb3: {  	_ =	swait.ge [sflag:s29], $0x1  }
0xb4: {  	[sflag:s29] =	ssyncadd.s32 $0xFFFFFFFF  }
0xb5: {  	_ =	strace $0x90000048  }
0xb6: {  	_ =	sfence  }
0xb7: {  	s30 =	sld [smem:$0x0];
	_ =	sdelay $0x2  }
0xb8: {  	s31 =	sshll.u32 s1, $0xD;
	s1 =	sshrl.u32 s1, $0x2  }
0xb9: {  	s3 =	sand.u32 $0x4000, s31;
	s1 =	sadd.s32 s1, s30  }
0xba: {  	s0 =	sor.u32 s3, s0;
	s1 =	sshll.u32 s1, $0x11  }
0xbb: {  	s0 =	sor.u32 s1, s0  }
0xbc: {  	s0 =	sadd.s32 $0x8F2B, s0  }
0xbd: {  	[sflag:s0] =	ssyncadd.remote.s32 $0x1  }
0xbe: {  	_ =	sfence.sel $0xFFFF  }
0xbf: {  	[dreg:$0x0] =	wrdreg $0xFFFFFFFF;
	(pc) =	sbr.abs _section_cstart, $3  }
0xc0: {  	[dreg:$0x1] =	wrdreg $0xFFFFFFFF  }
0xc1: {  	_ =	task.clear_ibuf [dreg:s6], $0x2FFFF;
	_ =	strace $0x9FFFFFFF  }
0xc2: {  	(tm) =	ssettm $0x7FFFFFFF  }
0xc3: {  	_ =	shalt  }
tec
execute0_lowered:
.L_overlay_start_1:
0x0: {  	(tag) =	ssettag $0x1  }
0x1: {  	s0 =	srdreg.scid;
	s1 =	rddreg [dreg:$0x0]  }
0x2: {  	s14 =	stileid.u32;
	s2 =	rddreg [dreg:$0x1]  }
0x3: {  	s17 =	simm.s32 $0x80;
	s18 =	simm.s32 $0x400;
	s20 =	simm.s32 $0x4  }
0x4: {  	s21 =	simm.s32 $0x1BE80;
	s22 =	simm.s32 $0x1;
	s28 =	simm.s32 $0x9000  }
0x5: {  	s29 =	simm.s32 $0x4F00;
	s30 =	simm.s32 $0x4F80;
	s9 =	smul.u32 $0x1400, s14  }
0x6: {  	s31 =	simm.s32 $0x0;
	s6 =	sshrl.u32 s14, $0x2;
	s24 =	smul.u32 $0x28000, s14  }
0x7: {  	s0 =	sand.u32 $0x1, s0;
	s3 =	sshll.u32 s14, $0x1;
	s7 =	smul.u32 $0x27400, s6  }
0x8: {  	s4 =	sor.u32 s0, s3;
	s3 =	simm.s32 $0x0;
	s23 =	smul.u32 $0x14000, s0  }
0x9: {  	s12 =	smul.u32 $0x1DC00, s6;
	s6 =	sadd.s32 $0x58600, s1;
	s0 =	ssub.s32 $0x2, s0  }
0xa: {  	s5 =	smul.u32 $0x500, s4;
	s4 =	sshll.u32 s4, $0x7;
	[smem:$0x7FF] =	sst s3  }
0xb: {  	s25 =	sshrl.u32 s0, $0x1;
	s26 =	sshrl.u32 s24, $0x2;
	s24 =	simm.s32 $0x3  }
0xc: {  	s8 =	sand.u32 $0x380, s4;
	_ =	strace $0x80000047;
	s0 =	ssub.s32 s0, s25  }
0xd: {  	s15 =	sadd.s32 s26, s2;
	s25 =	simm.s32 $0x7D;
	s26 =	simm.s32 $0x5000  }
0xe: {  	s4 =	sor.u32 s7, s8;
	s10 =	sadd.s32 s5, s1;
	s5 =	sadd.s32 $0x55E00, s1  }
0xf: {  	s7 =	sadd.s32 s9, s23;
	s8 =	sor.u32 s12, s8;
	s15 =	sshrl.u32 s15, $0x3  }
0x10: {  	s23 =	simm.s32 $0x2;
	s11 =	sshrl.u32 s4, $0x3;
	s4 =	sadd.s32 $0x2EC00, s1  }
0x11: {  	s8 =	sshrl.u32 s8, $0x3;
	s13 =	sadd.s32 s7, s1;
	s7 =	sshll.u32 s14, $0x6  }
0x12: {  	s9 =	sadd.s32 $0x7200, s10;
	s10 =	sadd.s32 $0x11200, s10;
	s14 =	smax.u32 s0, $0x1  }
0x13: {  	s11 =	sadd.s32 s11, s1;
	s1 =	sadd.s32 s8, s1;
	s8 =	sor.u32 $0x1C03, s7  }
0x14: {  	v0 =	vimm.f32 $1.000000000e+00;
	s13 =	sadd.s32 $0x58E00, s13;
	s11 =	sadd.s32 $0x1B200, s11;
	s12 =	sadd.s32 $0x80E00, s1  }
.LBB2_1:
0x15: {  	[spmem:s15], [sflag:s8] =	dma.local [hbm:s5], $0x1400  }
0x16: {  	[tilespmem:s3], [sflag:$0x1] =	stream.linear.gather [hbm4b:s9+s3], $0x2800, $0x38;
	[tilespmem:$0x1FB00] =	vst v63  }
0x17: {  	s0 =	simm.s32 $0x2800  }
0x18: {  	[tilespmem:s0], [sflag:$0x2] =	stream.linear.gather [hbm4b:s10+s3], $0x2800, $0x38;
	[tilespmem:$0x1FB00] =	vst v63  }
0x19: {  	s19 =	simm.s32 $0x17000  }
0x1a: {  	[tilespmem:s19], [sflag:$0x4] =	stream.strided.gather [hbm4b:s11+s17], $0x4E80, s18, s17, $0x38;
	[tilespmem:$0x1FB00] =	vst v63  }
0x1b: {  	_ =	swait.ge [sflag:s20], $0x4E80  }
0x1c: {  	[sflag:s20] =	ssyncset.done $0x0  }
0x1d: {  	[sflag:s20] =	ssyncadd.s32 $0xFFFFB180  }
0x1e: {  	[tilespmem:s21], [sflag:$0x4] =	stream.linear.gather [hbm4b:s6+s3], $0x3C80, $0x38;
	[tilespmem:$0x1FB00] =	vst v63  }
0x1f: {  	_ =	swait.ge [sflag:s20], $0x3C80  }
0x20: {  	[sflag:s20] =	ssyncset.done $0x0  }
0x21: {  	[sflag:s20] =	ssyncadd.s32 $0xFFFFC380  }
0x22: {  	_ =	swait.ge [sflag:s22], $0x2800  }
0x23: {  	[sflag:s22] =	ssyncset.done $0x0  }
0x24: {  	[sflag:s22] =	ssyncadd.s32 $0xFFFFD800  }
0x25: {  	_ =	swait.ge [sflag:s23], $0x2800  }
0x26: {  	[sflag:s23] =	ssyncset.done $0x0  }
0x27: {  	[sflag:s23] =	ssyncadd.s32 $0xFFFFD800  }
0x28: {  	_ =	swait.ge [sflag:s24], $0x1400  }
0x29: {  	[sflag:s24] =	ssyncset.done $0x0  }
0x2a: {  	[sflag:s24] =	ssyncadd.s32 $0xFFFFEC00  }
0x2b: {  	[bflag:$0x0] =	sbarrier.arrive $0xFFFF  }
0x2c: {  	[tilespmem:s26], [sflag:$0x1] =	stream.indirect.gather [hbm4b:s4+s25], $0x80, s3, s25, $0xb8;
	[tilespmem:$0x1FB00] =	vst v63  }
0x2d: {  	s1 =	simm.s32 $0x17100;
	s0 =	simm.s32 $0x0  }
0x2e: {  	[tilespmem:s28], [sflag:$0x2] =	stream.indirect.gather [hbm4b:s4+s25], $0x80, s17, s25, $0xb8;
	[tilespmem:$0x1FB00] =	vst v63  }
.LBB2_2:
0x2f: {  	v1 =	vld [tilespmem:s1+$0xFFFFFF00];
	_ =	sdelay $0x7  }
0x30: {  	[tilespmem:v1+s21+$0x0] =	vst.idx.add.f32.msk $0xffff, v0  }
0x31: {  	v1 =	vld [tilespmem:s1+$0xFFFFFF10];
	_ =	sdelay $0x7  }
0x32: {  	[tilespmem:v1+s21+$0x0] =	vst.idx.add.f32.msk $0xffff, v0  }
0x33: {  	v1 =	vld [tilespmem:s1+$0xFFFFFF20];
	_ =	sdelay $0x7  }
0x34: {  	[tilespmem:v1+s21+$0x0] =	vst.idx.add.f32.msk $0xffff, v0  }
0x35: {  	v1 =	vld [tilespmem:s1+$0xFFFFFF30];
	_ =	sdelay $0x7  }
0x36: {  	[tilespmem:v1+s21+$0x0] =	vst.idx.add.f32.msk $0xffff, v0  }
0x37: {  	v1 =	vld [tilespmem:s1+$0xFFFFFF40];
	_ =	sdelay $0x7  }
0x38: {  	[tilespmem:v1+s21+$0x0] =	vst.idx.add.f32.msk $0xffff, v0  }
0x39: {  	v1 =	vld [tilespmem:s1+$0xFFFFFF50];
	_ =	sdelay $0x7  }
0x3a: {  	[tilespmem:v1+s21+$0x0] =	vst.idx.add.f32.msk $0xffff, v0  }
0x3b: {  	v1 =	vld [tilespmem:s1+$0xFFFFFF60];
	_ =	sdelay $0x7  }
0x3c: {  	[tilespmem:v1+s21+$0x0] =	vst.idx.add.f32.msk $0xffff, v0  }
0x3d: {  	v1 =	vld [tilespmem:s1+$0xFFFFFF70];
	_ =	sdelay $0x7  }
0x3e: {  	[tilespmem:v1+s21+$0x0] =	vst.idx.add.f32.msk $0xffff, v0  }
0x3f: {  	v1 =	vld [tilespmem:s1+$0xFFFFFF80];
	_ =	sdelay $0x7  }
0x40: {  	[tilespmem:v1+s21+$0x0] =	vst.idx.add.f32.msk $0xffff, v0  }
0x41: {  	v1 =	vld [tilespmem:s1+$0xFFFFFF90];
	_ =	sdelay $0x7  }
0x42: {  	[tilespmem:v1+s21+$0x0] =	vst.idx.add.f32.msk $0xffff, v0  }
0x43: {  	v1 =	vld [tilespmem:s1+$0xFFFFFFA0];
	_ =	sdelay $0x7  }
0x44: {  	[tilespmem:v1+s21+$0x0] =	vst.idx.add.f32.msk $0xffff, v0  }
0x45: {  	v1 =	vld [tilespmem:s1+$0xFFFFFFB0];
	_ =	sdelay $0x7  }
0x46: {  	[tilespmem:v1+s21+$0x0] =	vst.idx.add.f32.msk $0xffff, v0  }
0x47: {  	v1 =	vld [tilespmem:s1+$0xFFFFFFC0];
	_ =	sdelay $0x7  }
0x48: {  	[tilespmem:v1+s21+$0x0] =	vst.idx.add.f32.msk $0xffff, v0  }
0x49: {  	v1 =	vld [tilespmem:s1+$0xFFFFFFD0];
	_ =	sdelay $0x7  }
0x4a: {  	[tilespmem:v1+s21+$0x0] =	vst.idx.add.f32.msk $0xffff, v0  }
0x4b: {  	v1 =	vld [tilespmem:s1+$0xFFFFFFE0];
	_ =	sdelay $0x7  }
0x4c: {  	[tilespmem:v1+s21+$0x0] =	vst.idx.add.f32.msk $0xffff, v0  }
0x4d: {  	v1 =	vld [tilespmem:s1+$0xFFFFFFF0];
	_ =	sdelay $0x7  }
0x4e: {  	[tilespmem:v1+s21+$0x0] =	vst.idx.add.f32.msk $0xffff, v0  }
0x4f: {  	v1 =	vld [tilespmem:s1+$0x0];
	_ =	sdelay $0x7  }
0x50: {  	[tilespmem:v1+s21+$0x0] =	vst.idx.add.f32.msk $0xffff, v0  }
0x51: {  	v1 =	vld [tilespmem:s1+$0x10];
	_ =	sdelay $0x7  }
0x52: {  	[tilespmem:v1+s21+$0x0] =	vst.idx.add.f32.msk $0xffff, v0  }
0x53: {  	v1 =	vld [tilespmem:s1+$0x20];
	_ =	sdelay $0x7  }
0x54: {  	[tilespmem:v1+s21+$0x0] =	vst.idx.add.f32.msk $0xffff, v0  }
0x55: {  	v1 =	vld [tilespmem:s1+$0x30];
	_ =	sdelay $0x7  }
0x56: {  	[tilespmem:v1+s21+$0x0] =	vst.idx.add.f32.msk $0xffff, v0  }
0x57: {  	v1 =	vld [tilespmem:s1+$0x40];
	_ =	sdelay $0x7  }
0x58: {  	[tilespmem:v1+s21+$0x0] =	vst.idx.add.f32.msk $0xffff, v0  }
0x59: {  	v1 =	vld [tilespmem:s1+$0x50];
	_ =	sdelay $0x7  }
0x5a: {  	[tilespmem:v1+s21+$0x0] =	vst.idx.add.f32.msk $0xffff, v0  }
0x5b: {  	v1 =	vld [tilespmem:s1+$0x60];
	_ =	sdelay $0x7  }
0x5c: {  	[tilespmem:v1+s21+$0x0] =	vst.idx.add.f32.msk $0xffff, v0  }
0x5d: {  	v1 =	vld [tilespmem:s1+$0x70];
	_ =	sdelay $0x7  }
0x5e: {  	[tilespmem:v1+s21+$0x0] =	vst.idx.add.f32.msk $0xffff, v0  }
0x5f: {  	v1 =	vld [tilespmem:s1+$0x80];
	_ =	sdelay $0x7  }
0x60: {  	[tilespmem:v1+s21+$0x0] =	vst.idx.add.f32.msk $0xffff, v0  }
0x61: {  	v1 =	vld [tilespmem:s1+$0x90];
	_ =	sdelay $0x7  }
0x62: {  	[tilespmem:v1+s21+$0x0] =	vst.idx.add.f32.msk $0xffff, v0  }
0x63: {  	v1 =	vld [tilespmem:s1+$0xA0];
	_ =	sdelay $0x7  }
0x64: {  	[tilespmem:v1+s21+$0x0] =	vst.idx.add.f32.msk $0xffff, v0  }
0x65: {  	v1 =	vld [tilespmem:s1+$0xB0];
	_ =	sdelay $0x7  }
0x66: {  	[tilespmem:v1+s21+$0x0] =	vst.idx.add.f32.msk $0xffff, v0  }
0x67: {  	v1 =	vld [tilespmem:s1+$0xC0];
	_ =	sdelay $0x7  }
0x68: {  	[tilespmem:v1+s21+$0x0] =	vst.idx.add.f32.msk $0xffff, v0  }
0x69: {  	v1 =	vld [tilespmem:s1+$0xD0];
	_ =	sdelay $0x7  }
0x6a: {  	[tilespmem:v1+s21+$0x0] =	vst.idx.add.f32.msk $0xffff, v0  }
0x6b: {  	v1 =	vld [tilespmem:s1+$0xE0];
	_ =	sdelay $0x7  }
0x6c: {  	[tilespmem:v1+s21+$0x0] =	vst.idx.add.f32.msk $0xffff, v0  }
0x6d: {  	v1 =	vld [tilespmem:s1+$0xF0];
	_ =	sdelay $0x7  }
0x6e: {  	[tilespmem:v1+s21+$0x0] =	vst.idx.add.f32.msk $0xffff, v0  }
0x6f: {  	_ =	swait.ge [sflag:s22], $0x3E80  }
0x70: {  	s16 =	sshra.s32 s0, $0x2;
	[sflag:s22] =	ssyncset.done $0x0  }
0x71: {  	s19 =	sadd.s32 $0x2800, s16;
	[sflag:s22] =	ssyncadd.s32 $0xFFFFC180  }
0x72: {  	[spmem:s2] =	stream.indirect.scatter.add.f32 [tilespmem:s26], [sflag:$0x4], $0x80, s19, s25, $0xb8;
	[tilespmem:$0x1FB00] =	vst v63  }
0x73: {  	_ =	swait.ge [sflag:s20], $0x3E80  }
0x74: {  	[sflag:s20] =	ssyncset.done $0x0  }
0x75: {  	s19 =	sadd.s32 $0x100, s16;
	[sflag:s20] =	ssyncadd.s32 $0xFFFFC180  }
0x76: {  	[tilespmem:s26], [sflag:$0x1] =	stream.indirect.gather [hbm4b:s4+s25], $0x80, s19, s25, $0xb8;
	[tilespmem:$0x1FB00] =	vst v63  }
0x77: {  	_ =	swait.ge [sflag:s23], $0x3E80  }
0x78: {  	[sflag:s23] =	ssyncset.done $0x0  }
0x79: {  	p0 =	sne.s32 s0, $0x9800;
	s19 =	sadd.s32 $0x2880, s16;
	[sflag:s23] =	ssyncadd.s32 $0xFFFFC180  }
0x7a: {  	[spmem:s2] =	stream.indirect.scatter.add.f32 [tilespmem:s28], [sflag:$0x4], $0x80, s19, s25, $0xb8;
	[tilespmem:$0x1FB00] =	vst v63  }
.Ltmp0:
0x7b: {  	_ = 	snop;
	(pc) =	sbr.rel @p0 .LBB2_2-.Ltmp0, $4  }
0x7c: {  	_ =	swait.ge [sflag:s20], $0x3E80  }
0x7d: {  	s0 =	sadd.s32 $0x400, s0;
	[sflag:s20] =	ssyncset.done $0x0  }
0x7e: {  	s1 =	sadd.s32 $0x200, s1;
	s16 =	sadd.s32 $0x180, s16;
	[sflag:s20] =	ssyncadd.s32 $0xFFFFC180  }
0x7f: {  	[tilespmem:s28], [sflag:$0x2] =	stream.indirect.gather [hbm4b:s4+s25], $0x80, s16, s25, $0xb8;
	[tilespmem:$0x1FB00] =	vst v63  }
0x80: {  	_ =	swait.ge [sflag:s22], $0x3E80  }
0x81: {  	[sflag:s22] =	ssyncset.done $0x0  }
0x82: {  	[sflag:s22] =	ssyncadd.s32 $0xFFFFC180  }
0x83: {  	[spmem:s2] =	stream.indirect.scatter.add.f32 [tilespmem:s26], [sflag:$0x4], $0x80, s29, s25, $0xb8;
	[tilespmem:$0x1FB00] =	vst v63  }
0x84: {  	_ =	swait.ge [sflag:s20], $0x3E80  }
0x85: {  	[sflag:s20] =	ssyncset.done $0x0  }
0x86: {  	[sflag:s20] =	ssyncadd.s32 $0xFFFFC180  }
0x87: {  	_ =	swait.ge [sflag:s23], $0x3E80  }
0x88: {  	[sflag:s23] =	ssyncset.done $0x0  }
0x89: {  	[sflag:s23] =	ssyncadd.s32 $0xFFFFC180  }
0x8a: {  	[spmem:s2] =	stream.indirect.scatter.add.f32 [tilespmem:s28], [sflag:$0x4], $0x80, s30, s25, $0xb8;
	[tilespmem:$0x1FB00] =	vst v63  }
0x8b: {  	_ =	swait.ge [sflag:s20], $0x3E80  }
0x8c: {  	[sflag:s20] =	ssyncset.done $0x0  }
0x8d: {  	[sflag:s20] =	ssyncadd.s32 $0xFFFFC180  }
0x8e: {  	v1 =	vld [tilespmem:$0x1BE00];
	_ =	sdelay $0x7  }
0x8f: {  	[tilespmem:v1+s21+$0x0] =	vst.idx.add.f32.msk $0xffff, v0  }
0x90: {  	v1 =	vld [tilespmem:$0x1BE10];
	_ =	sdelay $0x7  }
0x91: {  	[tilespmem:v1+s21+$0x0] =	vst.idx.add.f32.msk $0xffff, v0  }
0x92: {  	v1 =	vld [tilespmem:$0x1BE20];
	_ =	sdelay $0x7  }
0x93: {  	[tilespmem:v1+s21+$0x0] =	vst.idx.add.f32.msk $0xffff, v0  }
0x94: {  	v1 =	vld [tilespmem:$0x1BE30];
	_ =	sdelay $0x7  }
0x95: {  	[tilespmem:v1+s21+$0x0] =	vst.idx.add.f32.msk $0xffff, v0  }
0x96: {  	v1 =	vld [tilespmem:$0x1BE40];
	_ =	sdelay $0x7  }
0x97: {  	[tilespmem:v1+s21+$0x0] =	vst.idx.add.f32.msk $0xffff, v0  }
0x98: {  	v1 =	vld [tilespmem:$0x1BE50];
	_ =	sdelay $0x7  }
0x99: {  	[tilespmem:v1+s21+$0x0] =	vst.idx.add.f32.msk $0xffff, v0  }
0x9a: {  	v1 =	vld [tilespmem:$0x1BE60];
	_ =	sdelay $0x7  }
0x9b: {  	[tilespmem:v1+s21+$0x0] =	vst.idx.add.f32.msk $0xffff, v0  }
0x9c: {  	v1 =	vld [tilespmem:$0x1BE70];
	_ =	sdelay $0x7  }
0x9d: {  	[tilespmem:v1+s21+$0x0] =	vst.idx.add.f32.msk $0xffff, v0  }
0x9e: {  	[hbm4b:s12+s17] =	stream.strided.scatter [tilespmem:s21], [sflag:$0x4], $0x3B80, s18, s17, $0x38;
	[tilespmem:$0x1FB00] =	vst v63  }
0x9f: {  	_ =	swait.ge [sflag:s20], $0x3B80  }
0xa0: {  	s31 =	sadd.s32 $0x1, s31;
	[sflag:s20] =	ssyncset.done $0x0  }
0xa1: {  	p0 =	sne.s32 s31, s14;
	[sflag:s20] =	ssyncadd.s32 $0xFFFFC480  }
.Ltmp1:
0xa2: {  	s0 =	sor.u32 $0x1C04, s7;
	[bflag:$0x0] =	sbarrier.arrive $0xFFFF;
	(pc) =	sbr.rel @p0 .LBB2_1-.Ltmp1, $4  }
0xa3: {  	[hbm:s13], [sflag:s0] =	dma.local [spmem:s15], $0x1400  }
0xa4: {  	_ =	swait.ge [sflag:s20], $0x1400  }
0xa5: {  	[sflag:s20] =	ssyncset.done $0x0  }
0xa6: {  	[sflag:s20] =	ssyncadd.s32 $0xFFFFEC00  }
0xa7: {  	_ =	sfence.sel $0x180000  }
0xa8: {  	[bflag:$0x0] =	sbarrier.arrive $0xFFFF  }
0xa9: {  	_ =	strace $0x90000047  }
0xaa: {  	s0 =	stileid.u32;
	[bflag:$0x2] =	sbarrier.arrive $0xFFFF  }
0xab: {  	p0 =	sne.s32 s0, $0x0;
	s0 =	rddreg [dreg:$0x2]  }
0xac: {  	s0 =	sadd.s32 @!p0 $0x100000, s0  }
0xad: {  	[sflag:s0] =	ssyncadd.tile.s32 @!p0 $0x1;
	_ =	shalt  }
.Lfunc_end2:
_tile_overlayer_lowered:
.L_overlay_start_2:
0xae: {  	(tag) =	ssettag $0x2  }
0xaf: {  	s0 =	rddreg [dreg:$0x0];
	s2 =	stileid.u32  }
0xb0: {  	s1 =	rddreg [dreg:$0x1];
	p0 =	sne.s32 s2, $0x0  }
0xb1: {  	s3 =	rddreg [dreg:$0x2];
	[bflag:$0x3] =	sbarrier.arrive $0xFFFF;
	s2 =	simm.s32 @!p0 $0x1C04  }
0xb2: {  	[timem:s3], [sflag:s2] =	dma.local @!p0 [hbm:s0], s1  }
0xb3: {  	s0 =	simm.s32 @!p0 $0x4  }
0xb4: {  	_ =	swait.ge @!p0 [sflag:s0], s1  }
0xb5: {  	s1 =	ssub.s32 @!p0 $0x0, s1;
	[sflag:s0] =	ssyncset.done @!p0 $0x0  }
0xb6: {  	[sflag:s0] =	ssyncadd.s32 @!p0 s1  }
0xb7: {  	[bflag:$0x3] =	sbarrier.arrive $0xFFFF  }
0xb8: {  	_ =	shalt  }

// kernel: kernel.18.cloned.1.call-start
scs
__scs_entry_jumppad:
0x0: {  	(pc) =	sbr.rel $0x88, $3  }
0x1: {  	(tag) =	ssettag $0x0;
	lr =	simm.s32 $0x1  }
0x2: {  	[smem:$0x3F86] =	sst lr;
	_ =	strace $0xD0000000  }
0x3: {  	_ = 	snop  }
0x4: {  	_ = 	snop  }
0x5: {  	_ = 	snop  }
0x6: {  	_ = 	snop  }
0x7: {  	_ = 	snop  }
__scs_overlays_trampoline_lowered:
0x8: {  	[smem:$0x3F95] =	sst s0  }
0x9: {  	[smem:$0x3F96] =	sst s1  }
0xa: {  	[smem:$0x3F97] =	sst s2  }
0xb: {  	[smem:$0x3F98] =	sst s3  }
0xc: {  	[smem:$0x3F99] =	sst s4  }
0xd: {  	[smem:$0x3F9A] =	sst s5  }
0xe: {  	[smem:$0x3F9B] =	sst s6  }
0xf: {  	[smem:$0x3F9C] =	sst s7  }
0x10: {  	[smem:$0x3F9D] =	sst s8  }
0x11: {  	[smem:$0x3F9E] =	sst s9;
	s0 =	simm.s32 @!p0 $0x0  }
0x12: {  	s1 =	sld [smem:$0x3F84];
	s0 =	simm.s32 @p0 $0x1  }
0x13: {  	[smem:$0x3F9F] =	sst s0;
	s0 =	simm.s32 @!p1 $0x0  }
0x14: {  	s2 =	sld [smem:$0x3F83];
	s0 =	simm.s32 @p1 $0x1  }
0x15: {  	[smem:$0x3FA0] =	sst s0;
	s0 =	simm.s32 @!p2 $0x0  }
0x16: {  	s3 =	sld [smem:$0x3FDB];
	s0 =	simm.s32 @p2 $0x1  }
0x17: {  	s4 =	simm.s32 $0x1BF5;
	[smem:$0x3FA2] =	sst s0  }
0x18: {  	s0 =	sld [smem:$0x3F85];
	_ =	swait.ge [sflag:s4], $0x0  }
0x19: {  	s7 =	sld [smem:$0x3F86]  }
0x1a: {  	s8 =	sadd.s32 $0xFFFFE003, lr  }
0x1b: {  	s9 =	sadd.s32 $0xFFFFFEF7, lr;
	s5 =	simm.s32 $0xFFFFFFFF;
	p2 =	slt.u32 s8, $0xFFFFF086  }
0x1c: {  	p1 =	slt.u32 s9, $0xF7A;
	s5 =	simm.s32 @!p2 $0x0  }
0x1d: {  	s5 =	simm.s32 @p1 $0x1;
	p0 =	seq.s32 s7, s2  }
0x1e: {  	s7 =	smul.u32 @!p0 $0xF7A, s2;
	p2 =	seq.s32 @!p0 s5, $0x0  }
0x1f: {  	s9 =	smul.u32 $0xF7A, s1;
	s8 =	simm.s32 @!p0 $0x1BF5;
	p2 =	por !p2, p0  }
0x20: {  	[sflag:s8] =	ssyncset.s32 @!p0 $0xFFFFF086;
	s6 =	sadd.s32 @!p0 s3, s7;
	s7 =	simm.s32 @!p0 $0x108  }
0x21: {  	s3 =	sadd.s32 s3, s9;
	s6 =	sadd.s32 @!p0 $0x88, s6;
	s7 =	simm.s32 @p2 $0x1082  }
0x22: {  	[simem:s7], [sflag:s8] =	dma.local @!p0 [hbm:s6], $0xF7A  }
0x23: {  	s9 =	sor.u32 $0xD0000000, s2;
	s6 =	simm.s32 $0x108;
	_ =	swait.ge @!p0 [sflag:s8], $0x0  }
0x24: {  	s3 =	sadd.s32 $0x88, s3;
	s6 =	simm.s32 @!p1 $0x1082;
	[sflag:s4] =	ssyncset.s32 $0xFFFFF086  }
0x25: {  	[simem:s6], [sflag:s4] =	dma.local [hbm:s3], $0xF7A  }
0x26: {  	[smem:$0x3F86] =	sst s1;
	(tag) =	ssettag s2;
	_ =	strace s9  }
0x27: {  	s1 =	sld [smem:$0x3F96]  }
0x28: {  	s2 =	sld [smem:$0x3F97]  }
0x29: {  	s4 =	sld [smem:$0x3F99]  }
0x2a: {  	p0 =	seq.s32 s5, $0x0;
	s5 =	sld [smem:$0x3F9A]  }
0x2b: {  	s6 =	sld [smem:$0x3F9B]  }
0x2c: {  	s7 =	sld [smem:$0x3F9C]  }
0x2d: {  	s3 =	simm.s32 $0x108;
	s8 =	sld [smem:$0x3F9D]  }
0x2e: {  	s3 =	simm.s32 @!p0 $0x1082;
	s9 =	sld [smem:$0x3F9E]  }
0x2f: {  	lr =	sadd.s32 s0, s3;
	s0 =	sld [smem:$0x3F95]  }
0x30: {  	s3 =	sld [smem:$0x3F98]  }
0x31: {  	[smem:$0x3FA1] =	sst s10  }
0x32: {  	s10 =	sld [smem:$0x3F9F];
	_ =	sdelay $0x3  }
0x33: {  	p0 =	seq.s32 s10, $0x1;
	s10 =	sld [smem:$0x3FA1];
	_ =	sdelay $0x3  }
0x34: {  	[smem:$0x3FA1] =	sst s10  }
0x35: {  	s10 =	sld [smem:$0x3FA0];
	_ =	sdelay $0x3  }
0x36: {  	p1 =	seq.s32 s10, $0x1;
	s10 =	sld [smem:$0x3FA1];
	_ =	sdelay $0x3  }
0x37: {  	[smem:$0x3FA1] =	sst s10  }
0x38: {  	s10 =	sld [smem:$0x3FA2]  }
0x39: {  	_ = 	snop;
	(pc) =	sbr.ind lr, $3  }
0x3a: {  	_ = 	snop  }
0x3b: {  	_ = 	snop  }
0x3c: {  	p2 =	seq.s32 s10, $0x1;
	s10 =	sld [smem:$0x3FA1]  }
0x3d: {  	_ =	shalt  }
0x3e: {  	_ =	shalt  }
0x3f: {  	_ =	shalt  }
0x40: {  	_ =	shalt  }
0x41: {  	_ =	shalt  }
0x42: {  	_ =	shalt  }
0x43: {  	_ =	shalt  }
0x44: {  	_ =	shalt  }
0x45: {  	_ =	shalt  }
0x46: {  	_ =	shalt  }
0x47: {  	_ =	shalt  }
0x48: {  	_ =	shalt  }
0x49: {  	_ =	shalt  }
0x4a: {  	_ =	shalt  }
0x4b: {  	_ =	shalt  }
0x4c: {  	_ =	shalt  }
0x4d: {  	_ =	shalt  }
0x4e: {  	_ =	shalt  }
0x4f: {  	_ =	shalt  }
0x50: {  	_ =	shalt  }
0x51: {  	_ =	shalt  }
0x52: {  	_ =	shalt  }
0x53: {  	_ =	shalt  }
0x54: {  	_ =	shalt  }
0x55: {  	_ =	shalt  }
0x56: {  	_ =	shalt  }
0x57: {  	_ =	shalt  }
0x58: {  	_ =	shalt  }
0x59: {  	_ =	shalt  }
0x5a: {  	_ =	shalt  }
0x5b: {  	_ =	shalt  }
0x5c: {  	_ =	shalt  }
0x5d: {  	_ =	shalt  }
0x5e: {  	_ =	shalt  }
0x5f: {  	_ =	shalt  }
0x60: {  	_ =	shalt  }
0x61: {  	_ =	shalt  }
0x62: {  	_ =	shalt  }
0x63: {  	_ =	shalt  }
0x64: {  	_ =	shalt  }
0x65: {  	_ =	shalt  }
0x66: {  	_ =	shalt  }
0x67: {  	_ =	shalt  }
0x68: {  	_ =	shalt  }
0x69: {  	_ =	shalt  }
0x6a: {  	_ =	shalt  }
0x6b: {  	_ =	shalt  }
0x6c: {  	_ =	shalt  }
0x6d: {  	_ =	shalt  }
0x6e: {  	_ =	shalt  }
0x6f: {  	_ =	shalt  }
0x70: {  	_ =	shalt  }
0x71: {  	_ =	shalt  }
0x72: {  	_ =	shalt  }
0x73: {  	_ =	shalt  }
0x74: {  	_ =	shalt  }
0x75: {  	_ =	shalt  }
0x76: {  	_ =	shalt  }
0x77: {  	_ =	shalt  }
0x78: {  	_ =	shalt  }
0x79: {  	_ =	shalt  }
0x7a: {  	_ =	shalt  }
0x7b: {  	_ =	shalt  }
0x7c: {  	_ =	shalt  }
0x7d: {  	_ =	shalt  }
0x7e: {  	_ =	shalt  }
0x7f: {  	_ =	shalt  }
0x80: {  	_ =	shalt  }
0x81: {  	_ =	shalt  }
0x82: {  	_ =	shalt  }
0x83: {  	_ =	shalt  }
0x84: {  	_ =	shalt  }
0x85: {  	_ =	shalt  }
0x86: {  	_ =	shalt  }
0x87: {  	_ =	shalt  }
.Lfunc_end0:
.L_simem_size_0:
called_computation.1_lowered:
.L_overlay_start_0:
0x88: {  	s2 =	sld [smem:$0x3FD9]  }
0x89: {  	s3 =	sld [smem:$0x3FFE];
	_ =	sdelay $0x1  }
0x8a: {  	s1 =	srdreg.scid  }
0x8b: {  	s0 =	sand.u32 $0x1, s1  }
0x8c: {  	s16 =	sshll.u32 s0, $0xA;
	s2 =	sadd.s32 s3, s2  }
0x8d: {  	s2 =	sadd.s32 s2, s16  }
0x8e: {  	[smem:$0x3FAD] =	sst s2  }
0x8f: {  	_ = 	snop  }
0x90: {  	(tm) =	ssettm $0x1  }
0x91: {  	s17 =	sld [smem:$0x3FFB];
	_ =	sdelay $0x3  }
0x92: {  	_ =	strace s17  }
0x93: {  	s2 =	sld [smem:$0x3FFC];
	_ =	sdelay $0x3  }
0x94: {  	_ =	strace s2  }
0x95: {  	s2 =	sld [smem:$0x3FFD];
	_ =	sdelay $0x3  }
0x96: {  	_ =	strace s2  }
0x97: {  	_ =	strace $0x8FFFFFFF  }
0x98: {  	s18 =	sld [smem:$0x3FDB];
	_ =	sdelay $0x1  }
0x99: {  	s19 =	simm.s32 $_scs_section_size  }
0x9a: {  	s4 =	simm.s32 $_size__tile_overlayer_lowered;
	s5 =	simm.s32 $_tile_overlayer_lowered  }
0x9b: {  	s22 =	simm.s32 $0x1BFF;
	s21 =	sshll.u32 s5, $0x1;
	s2 =	sadd.s32 s19, s18  }
0x9c: {  	s6 =	simm.s32 $0x0;
	s20 =	sshll.u32 s4, $0x1;
	s4 =	sadd.s32 s21, s2  }
0x9d: {  	[timem:s6], [sflag:s22] =	dma.local [hbm:s4], s20  }
0x9e: {  	_ =	swait.ge [sflag:s22], s20  }
0x9f: {  	s3 =	ssub.s32 $0x0, s20;
	[sflag:s22] =	ssyncset.done $0x0  }
0xa0: {  	[sflag:s22] =	ssyncadd.s32 s3;
	_ =	sdelay $0x1  }
0xa1: {  	s23 =	simm.s32 $0x1B8B  }
0xa2: {  	_ =	swait.ge [sflag:s23], $0x1  }
0xa3: {  	[sflag:s23] =	ssyncset.done $0x0  }
0xa4: {  	s25 =	simm.s32 $0x1B8E;
	s24 =	sld [smem:$0x3FFE];
	[sflag:s23] =	ssyncadd.s32 $0xFFFFFFFF  }
0xa5: {  	s26 =	simm.s32 $execute0_lowered;
	[smem:$0x3FD2] =	sst s25  }
0xa6: {  	s4 =	sshll.u32 s26, $0x1;
	_ =	strace $0x80000049;
	[dreg:$0x1] =	wrdreg $0xFFFFFFFF  }
0xa7: {  	s28 =	simm.s32 $_size_execute0_lowered;
	s2 =	sadd.s32 s2, s4;
	[dreg:$0x0] =	wrdreg $0x0  }
0xa8: {  	s4 =	sshll.u32 s28, $0x1;
	[dreg:$0x2] =	wrdreg s2  }
0xa9: {  	[dreg:$0x3] =	wrdreg s4  }
0xaa: {  	[dreg:$0x4] =	wrdreg $0xC0  }
0xab: {  	_ =	task [dreg:s6], $0x5FFFF  }
0xac: {  	[dreg:$0x1] =	wrdreg $0xFFFFFFFF  }
0xad: {  	[dreg:$0x0] =	wrdreg $0x60  }
0xae: {  	[dreg:$0x2] =	wrdreg s24  }
0xaf: {  	[dreg:$0x3] =	wrdreg $0xA8000  }
0xb0: {  	[dreg:$0x4] =	wrdreg $0x9  }
0xb1: {  	_ =	task.clear_ibuf [dreg:s6], $0x5FFFF;
	_ =	strace $0x90000049  }
0xb2: {  	s29 =	simm.s32 $0x9;
	_ =	strace $0x8000004B  }
0xb3: {  	_ =	swait.ge [sflag:s29], $0x1  }
0xb4: {  	[sflag:s29] =	ssyncadd.s32 $0xFFFFFFFF  }
0xb5: {  	_ =	strace $0x9000004B  }
0xb6: {  	_ =	sfence  }
0xb7: {  	s30 =	sld [smem:$0x0];
	_ =	sdelay $0x2  }
0xb8: {  	s31 =	sshll.u32 s1, $0xD;
	s1 =	sshrl.u32 s1, $0x2  }
0xb9: {  	s3 =	sand.u32 $0x4000, s31;
	s1 =	sadd.s32 s1, s30  }
0xba: {  	s0 =	sor.u32 s3, s0;
	s1 =	sshll.u32 s1, $0x11  }
0xbb: {  	s0 =	sor.u32 s1, s0  }
0xbc: {  	s0 =	sadd.s32 $0x8F2B, s0  }
0xbd: {  	[sflag:s0] =	ssyncadd.remote.s32 $0x1  }
0xbe: {  	_ =	sfence.sel $0xFFFF  }
0xbf: {  	[dreg:$0x0] =	wrdreg $0xFFFFFFFF;
	(pc) =	sbr.abs _section_cstart, $3  }
0xc0: {  	[dreg:$0x1] =	wrdreg $0xFFFFFFFF  }
0xc1: {  	_ =	task.clear_ibuf [dreg:s6], $0x2FFFF;
	_ =	strace $0x9FFFFFFF  }
0xc2: {  	(tm) =	ssettm $0x7FFFFFFF  }
0xc3: {  	_ =	shalt  }
tec
execute0_lowered:
.L_overlay_start_1:
0x0: {  	(tag) =	ssettag $0x1  }
0x1: {  	s6 =	rddreg [dreg:$0x0]  }
0x2: {  	s2 =	rddreg [dreg:$0x1]  }
0x3: {  	s0 =	rddreg [dreg:$0x2]  }
0x4: {  	s3 =	simm.s32 $0x0;
	s4 =	srdreg.scid;
	s1 =	stileid.u32  }
0x5: {  	s16 =	simm.s32 $0x1;
	s17 =	simm.s32 $0x2;
	s18 =	simm.s32 $0x3  }
0x6: {  	s19 =	simm.s32 $0x7D;
	s20 =	simm.s32 $0x2800;
	s21 =	simm.s32 $0x80  }
0x7: {  	s22 =	simm.s32 $0x6800;
	s23 =	simm.s32 $0x4;
	s24 =	simm.s32 $0x2700  }
0x8: {  	[smem:$0x7FF] =	sst s3;
	s7 =	sand.u32 $0x1, s4;
	s8 =	smul.u32 $0x2780, s1  }
0x9: {  	s10 =	sadd.s32 $0x99C00, s6;
	s11 =	sadd.s32 $0x8FC00, s6;
	s4 =	sadd.s32 $0x58600, s6  }
0xa: {  	s5 =	sadd.s32 $0x55E00, s6;
	s25 =	sshll.u32 s1, $0x2;
	s13 =	smul.u32 $0x4F000, s1  }
0xb: {  	s9 =	smul.u32 $0x27800, s7;
	s12 =	sshll.u32 s7, $0x1;
	s7 =	ssub.s32 $0x2, s7  }
0xc: {  	_ =	strace $0x8000004A;
	s28 =	sshrl.u32 s7, $0x1;
	s30 =	sshrl.u32 s13, $0x2  }
0xd: {  	s8 =	sadd.s32 s8, s9;
	s9 =	sor.u32 s12, s25;
	s14 =	ssub.s32 s7, s28  }
0xe: {  	s15 =	sadd.s32 s30, s2;
	s25 =	simm.s32 $0x2780;
	s29 =	smul.u32 $0x1400, s9  }
0xf: {  	s26 =	sadd.s32 s8, s6;
	s9 =	smul.u32 $0x280, s9;
	s6 =	sshll.u32 s1, $0x6  }
0x10: {  	s7 =	sor.u32 $0x1C03, s6;
	s12 =	sadd.s32 $0xA3C00, s26;
	s31 =	sshrl.u32 s29, $0x3  }
0x11: {  	s26 =	simm.s32 $0x0;
	s8 =	sadd.s32 s10, s9;
	s13 =	sadd.s32 $0x280, s31  }
0x12: {  	s9 =	sadd.s32 s11, s9;
	s10 =	sadd.s32 s10, s13;
	s11 =	sadd.s32 s11, s13  }
0x13: {  	s13 =	smax.u32 s14, $0x1;
	s14 =	sshrl.u32 s15, $0x3;
	s15 =	simm.s32 $0x1400  }
.LBB2_1:
0x14: {  	[spmem:s14], [sflag:s7] =	dma.local [hbm:s5], $0x2780  }
0x15: {  	[tilespmem:s3], [sflag:$0x1] =	stream.linear.gather [hbm4b:s8+s3], $0x1400, $0x38;
	[tilespmem:$0x1E400] =	vst v63  }
0x16: {  	_ = 	snop  }
0x17: {  	[tilespmem:s15], [sflag:$0x2] =	stream.linear.gather [hbm4b:s9+s3], $0x1400, $0x38;
	[tilespmem:$0x1E400] =	vst v63  }
0x18: {  	_ =	swait.ge [sflag:s16], $0x1400  }
0x19: {  	[sflag:s16] =	ssyncset.done $0x0  }
0x1a: {  	[sflag:s16] =	ssyncadd.s32 $0xFFFFEC00  }
0x1b: {  	_ =	swait.ge [sflag:s17], $0x1400  }
0x1c: {  	[sflag:s17] =	ssyncset.done $0x0  }
0x1d: {  	[sflag:s17] =	ssyncadd.s32 $0xFFFFEC00  }
0x1e: {  	_ =	swait.ge [sflag:s18], $0x2780  }
0x1f: {  	[sflag:s18] =	ssyncset.done $0x0  }
0x20: {  	[sflag:s18] =	ssyncadd.s32 $0xFFFFD880  }
0x21: {  	[bflag:$0x0] =	sbarrier.arrive $0xFFFF  }
0x22: {  	[tilespmem:s20], [sflag:$0x1] =	stream.indirect.gather [hbm4b:s4+s19], $0x80, s3, s19, $0xb8;
	[tilespmem:$0x1E400] =	vst v63  }
0x23: {  	_ = 	snop  }
0x24: {  	[tilespmem:s22], [sflag:$0x2] =	stream.indirect.gather [hbm4b:s4+s19], $0x80, s21, s19, $0xb8;
	[tilespmem:$0x1E400] =	vst v63  }
0x25: {  	_ =	swait.ge [sflag:s16], $0x3E80  }
0x26: {  	[sflag:s16] =	ssyncset.done $0x0  }
0x27: {  	s28 =	simm.s32 $0x1400;
	[sflag:s16] =	ssyncadd.s32 $0xFFFFC180  }
0x28: {  	[spmem:s2] =	stream.indirect.scatter.add.f32 [tilespmem:s20], [sflag:$0x4], $0x80, s28, s19, $0xb8;
	[tilespmem:$0x1E400] =	vst v63  }
0x29: {  	_ =	swait.ge [sflag:s23], $0x3E80  }
0x2a: {  	[sflag:s23] =	ssyncset.done $0x0  }
0x2b: {  	s28 =	simm.s32 $0x100;
	[sflag:s23] =	ssyncadd.s32 $0xFFFFC180  }
0x2c: {  	[tilespmem:s20], [sflag:$0x1] =	stream.indirect.gather [hbm4b:s4+s19], $0x80, s28, s19, $0xb8;
	[tilespmem:$0x1E400] =	vst v63  }
0x2d: {  	_ =	swait.ge [sflag:s17], $0x3E80  }
0x2e: {  	[sflag:s17] =	ssyncset.done $0x0  }
0x2f: {  	s28 =	simm.s32 $0x1480;
	[sflag:s17] =	ssyncadd.s32 $0xFFFFC180  }
0x30: {  	[spmem:s2] =	stream.indirect.scatter.add.f32 [tilespmem:s22], [sflag:$0x4], $0x80, s28, s19, $0xb8;
	[tilespmem:$0x1E400] =	vst v63  }
0x31: {  	_ =	swait.ge [sflag:s23], $0x3E80  }
0x32: {  	[sflag:s23] =	ssyncset.done $0x0  }
0x33: {  	s29 =	simm.s32 $0x180;
	s28 =	simm.s32 $0x400;
	[sflag:s23] =	ssyncadd.s32 $0xFFFFC180  }
.LBB2_2:
0x34: {  	[tilespmem:s22], [sflag:$0x2] =	stream.indirect.gather [hbm4b:s4+s19], $0x80, s29, s19, $0xb8;
	[tilespmem:$0x1E400] =	vst v63  }
0x35: {  	s29 =	smov.u32 s28  }
0x36: {  	p0 =	sne.s32 s28, $0x4800;
	s28 =	sadd.s32 $0x400, s28;
	_ =	swait.ge [sflag:s16], $0x3E80  }
0x37: {  	s29 =	sshra.s32 s29, $0x2;
	[sflag:s16] =	ssyncset.done $0x0  }
0x38: {  	s30 =	sadd.s32 $0x1400, s29;
	[sflag:s16] =	ssyncadd.s32 $0xFFFFC180  }
0x39: {  	[spmem:s2] =	stream.indirect.scatter.add.f32 [tilespmem:s20], [sflag:$0x4], $0x80, s30, s19, $0xb8;
	[tilespmem:$0x1E400] =	vst v63  }
0x3a: {  	_ =	swait.ge [sflag:s23], $0x3E80  }
0x3b: {  	[sflag:s23] =	ssyncset.done $0x0  }
0x3c: {  	s30 =	sadd.s32 $0x100, s29;
	[sflag:s23] =	ssyncadd.s32 $0xFFFFC180  }
0x3d: {  	[tilespmem:s20], [sflag:$0x1] =	stream.indirect.gather [hbm4b:s4+s19], $0x80, s30, s19, $0xb8;
	[tilespmem:$0x1E400] =	vst v63  }
0x3e: {  	_ =	swait.ge [sflag:s17], $0x3E80  }
0x3f: {  	[sflag:s17] =	ssyncset.done $0x0  }
.Ltmp0:
0x40: {  	s30 =	sadd.s32 $0x1480, s29;
	[sflag:s17] =	ssyncadd.s32 $0xFFFFC180;
	(pc) =	sbr.rel @p0 .LBB2_2-.Ltmp0, $4  }
0x41: {  	[spmem:s2] =	stream.indirect.scatter.add.f32 [tilespmem:s22], [sflag:$0x4], $0x80, s30, s19, $0xb8;
	[tilespmem:$0x1E400] =	vst v63  }
0x42: {  	_ =	swait.ge [sflag:s23], $0x3E80  }
0x43: {  	[sflag:s23] =	ssyncset.done $0x0  }
0x44: {  	s29 =	sadd.s32 $0x180, s29;
	[sflag:s23] =	ssyncadd.s32 $0xFFFFC180  }
0x45: {  	[tilespmem:s22], [sflag:$0x2] =	stream.indirect.gather [hbm4b:s4+s19], $0x80, s29, s19, $0xb8;
	[tilespmem:$0x1E400] =	vst v63  }
0x46: {  	_ =	swait.ge [sflag:s16], $0x3E80  }
0x47: {  	[sflag:s16] =	ssyncset.done $0x0  }
0x48: {  	[sflag:s16] =	ssyncadd.s32 $0xFFFFC180  }
0x49: {  	[spmem:s2] =	stream.indirect.scatter.add.f32 [tilespmem:s20], [sflag:$0x4], $0x80, s24, s19, $0xb8;
	[tilespmem:$0x1E400] =	vst v63  }
0x4a: {  	_ =	swait.ge [sflag:s23], $0x3E80  }
0x4b: {  	[sflag:s23] =	ssyncset.done $0x0  }
0x4c: {  	[sflag:s23] =	ssyncadd.s32 $0xFFFFC180  }
0x4d: {  	_ =	swait.ge [sflag:s17], $0x3E80  }
0x4e: {  	[sflag:s17] =	ssyncset.done $0x0  }
0x4f: {  	[sflag:s17] =	ssyncadd.s32 $0xFFFFC180  }
0x50: {  	[spmem:s2] =	stream.indirect.scatter.add.f32 [tilespmem:s22], [sflag:$0x4], $0x80, s25, s19, $0xb8;
	[tilespmem:$0x1E400] =	vst v63  }
0x51: {  	_ =	swait.ge [sflag:s23], $0x3E80  }
0x52: {  	[sflag:s23] =	ssyncset.done $0x0  }
0x53: {  	s28 =	simm.s32 $0x0;
	[sflag:s23] =	ssyncadd.s32 $0xFFFFC180  }
0x54: {  	[tilespmem:s28], [sflag:$0x4] =	stream.linear.gather [hbm4b:s10+s28], $0x1400, $0x38;
	[tilespmem:$0x1E400] =	vst v63  }
0x55: {  	_ =	swait.ge [sflag:s23], $0x1400  }
0x56: {  	[sflag:s23] =	ssyncset.done $0x0  }
0x57: {  	[sflag:s23] =	ssyncadd.s32 $0xFFFFEC00  }
0x58: {  	[tilespmem:s15], [sflag:$0x4] =	stream.linear.gather [hbm4b:s11+s28], $0x1400, $0x38;
	[tilespmem:$0x1E400] =	vst v63  }
0x59: {  	_ =	swait.ge [sflag:s23], $0x1400  }
0x5a: {  	[sflag:s23] =	ssyncset.done $0x0  }
0x5b: {  	[sflag:s23] =	ssyncadd.s32 $0xFFFFEC00  }
0x5c: {  	[tilespmem:s20], [sflag:$0x1] =	stream.indirect.gather [hbm4b:s4+s19], $0x80, s28, s19, $0xb8;
	[tilespmem:$0x1E400] =	vst v63  }
0x5d: {  	_ = 	snop  }
0x5e: {  	[tilespmem:s22], [sflag:$0x2] =	stream.indirect.gather [hbm4b:s4+s19], $0x80, s21, s19, $0xb8;
	[tilespmem:$0x1E400] =	vst v63  }
0x5f: {  	_ =	swait.ge [sflag:s16], $0x3E80  }
0x60: {  	[sflag:s16] =	ssyncset.done $0x0  }
0x61: {  	s28 =	simm.s32 $0x1400;
	[sflag:s16] =	ssyncadd.s32 $0xFFFFC180  }
0x62: {  	[spmem:s2] =	stream.indirect.scatter.add.f32 [tilespmem:s20], [sflag:$0x4], $0x80, s28, s19, $0xb8;
	[tilespmem:$0x1E400] =	vst v63  }
0x63: {  	_ =	swait.ge [sflag:s23], $0x3E80  }
0x64: {  	[sflag:s23] =	ssyncset.done $0x0  }
0x65: {  	s28 =	simm.s32 $0x100;
	[sflag:s23] =	ssyncadd.s32 $0xFFFFC180  }
0x66: {  	[tilespmem:s20], [sflag:$0x1] =	stream.indirect.gather [hbm4b:s4+s19], $0x80, s28, s19, $0xb8;
	[tilespmem:$0x1E400] =	vst v63  }
0x67: {  	_ =	swait.ge [sflag:s17], $0x3E80  }
0x68: {  	[sflag:s17] =	ssyncset.done $0x0  }
0x69: {  	s28 =	simm.s32 $0x1480;
	[sflag:s17] =	ssyncadd.s32 $0xFFFFC180  }
0x6a: {  	[spmem:s2] =	stream.indirect.scatter.add.f32 [tilespmem:s22], [sflag:$0x4], $0x80, s28, s19, $0xb8;
	[tilespmem:$0x1E400] =	vst v63  }
0x6b: {  	_ =	swait.ge [sflag:s23], $0x3E80  }
0x6c: {  	[sflag:s23] =	ssyncset.done $0x0  }
0x6d: {  	s29 =	simm.s32 $0x180;
	s28 =	simm.s32 $0x400;
	[sflag:s23] =	ssyncadd.s32 $0xFFFFC180  }
.LBB2_4:
0x6e: {  	[tilespmem:s22], [sflag:$0x2] =	stream.indirect.gather [hbm4b:s4+s19], $0x80, s29, s19, $0xb8;
	[tilespmem:$0x1E400] =	vst v63  }
0x6f: {  	s29 =	smov.u32 s28  }
0x70: {  	p0 =	sne.s32 s28, $0x4800;
	s28 =	sadd.s32 $0x400, s28;
	_ =	swait.ge [sflag:s16], $0x3E80  }
0x71: {  	s29 =	sshra.s32 s29, $0x2;
	[sflag:s16] =	ssyncset.done $0x0  }
0x72: {  	s30 =	sadd.s32 $0x1400, s29;
	[sflag:s16] =	ssyncadd.s32 $0xFFFFC180  }
0x73: {  	[spmem:s2] =	stream.indirect.scatter.add.f32 [tilespmem:s20], [sflag:$0x4], $0x80, s30, s19, $0xb8;
	[tilespmem:$0x1E400] =	vst v63  }
0x74: {  	_ =	swait.ge [sflag:s23], $0x3E80  }
0x75: {  	[sflag:s23] =	ssyncset.done $0x0  }
0x76: {  	s30 =	sadd.s32 $0x100, s29;
	[sflag:s23] =	ssyncadd.s32 $0xFFFFC180  }
0x77: {  	[tilespmem:s20], [sflag:$0x1] =	stream.indirect.gather [hbm4b:s4+s19], $0x80, s30, s19, $0xb8;
	[tilespmem:$0x1E400] =	vst v63  }
0x78: {  	_ =	swait.ge [sflag:s17], $0x3E80  }
0x79: {  	[sflag:s17] =	ssyncset.done $0x0  }
.Ltmp1:
0x7a: {  	s30 =	sadd.s32 $0x1480, s29;
	[sflag:s17] =	ssyncadd.s32 $0xFFFFC180;
	(pc) =	sbr.rel @p0 .LBB2_4-.Ltmp1, $4  }
0x7b: {  	[spmem:s2] =	stream.indirect.scatter.add.f32 [tilespmem:s22], [sflag:$0x4], $0x80, s30, s19, $0xb8;
	[tilespmem:$0x1E400] =	vst v63  }
0x7c: {  	_ =	swait.ge [sflag:s23], $0x3E80  }
0x7d: {  	[sflag:s23] =	ssyncset.done $0x0  }
0x7e: {  	s29 =	sadd.s32 $0x180, s29;
	[sflag:s23] =	ssyncadd.s32 $0xFFFFC180  }
0x7f: {  	[tilespmem:s22], [sflag:$0x2] =	stream.indirect.gather [hbm4b:s4+s19], $0x80, s29, s19, $0xb8;
	[tilespmem:$0x1E400] =	vst v63  }
0x80: {  	_ =	swait.ge [sflag:s16], $0x3E80  }
0x81: {  	[sflag:s16] =	ssyncset.done $0x0  }
0x82: {  	[sflag:s16] =	ssyncadd.s32 $0xFFFFC180  }
0x83: {  	[spmem:s2] =	stream.indirect.scatter.add.f32 [tilespmem:s20], [sflag:$0x4], $0x80, s24, s19, $0xb8;
	[tilespmem:$0x1E400] =	vst v63  }
0x84: {  	_ =	swait.ge [sflag:s23], $0x3E80  }
0x85: {  	[sflag:s23] =	ssyncset.done $0x0  }
0x86: {  	[sflag:s23] =	ssyncadd.s32 $0xFFFFC180  }
0x87: {  	_ =	swait.ge [sflag:s17], $0x3E80  }
0x88: {  	[sflag:s17] =	ssyncset.done $0x0  }
0x89: {  	[sflag:s17] =	ssyncadd.s32 $0xFFFFC180  }
0x8a: {  	[spmem:s2] =	stream.indirect.scatter.add.f32 [tilespmem:s22], [sflag:$0x4], $0x80, s25, s19, $0xb8;
	[tilespmem:$0x1E400] =	vst v63  }
0x8b: {  	_ =	swait.ge [sflag:s23], $0x3E80  }
0x8c: {  	s26 =	sadd.s32 $0x1, s26;
	[sflag:s23] =	ssyncset.done $0x0  }
0x8d: {  	p0 =	sne.s32 s26, s13;
	[sflag:s23] =	ssyncadd.s32 $0xFFFFC180  }
.Ltmp2:
0x8e: {  	s28 =	sor.u32 $0x1C04, s6;
	[bflag:$0x0] =	sbarrier.arrive $0xFFFF;
	(pc) =	sbr.rel @p0 .LBB2_1-.Ltmp2, $4  }
0x8f: {  	[hbm:s12], [sflag:s28] =	dma.local [spmem:s14], $0x2780  }
0x90: {  	_ =	swait.ge [sflag:s23], $0x2780  }
0x91: {  	[sflag:s23] =	ssyncset.done $0x0  }
0x92: {  	[sflag:s23] =	ssyncadd.s32 $0xFFFFD880  }
0x93: {  	_ =	sfence.sel $0x180000  }
0x94: {  	[bflag:$0x0] =	sbarrier.arrive $0xFFFF  }
0x95: {  	p0 =	sne.s32 s1, $0x0;
	_ =	strace $0x9000004A  }
0x96: {  	s0 =	sadd.s32 @!p0 $0x100000, s0;
	[bflag:$0x2] =	sbarrier.arrive $0xFFFF  }
0x97: {  	[sflag:s0] =	ssyncadd.tile.s32 @!p0 $0x1;
	_ =	shalt  }
.Lfunc_end2:
_tile_overlayer_lowered:
.L_overlay_start_2:
0x98: {  	(tag) =	ssettag $0x2  }
0x99: {  	s0 =	rddreg [dreg:$0x0];
	s2 =	stileid.u32  }
0x9a: {  	s1 =	rddreg [dreg:$0x1];
	p0 =	sne.s32 s2, $0x0  }
0x9b: {  	s3 =	rddreg [dreg:$0x2];
	[bflag:$0x3] =	sbarrier.arrive $0xFFFF;
	s2 =	simm.s32 @!p0 $0x1C04  }
0x9c: {  	[timem:s3], [sflag:s2] =	dma.local @!p0 [hbm:s0], s1  }
0x9d: {  	s0 =	simm.s32 @!p0 $0x4  }
0x9e: {  	_ =	swait.ge @!p0 [sflag:s0], s1  }
0x9f: {  	s1 =	ssub.s32 @!p0 $0x0, s1;
	[sflag:s0] =	ssyncset.done @!p0 $0x0  }
0xa0: {  	[sflag:s0] =	ssyncadd.s32 @!p0 s1  }
0xa1: {  	[bflag:$0x3] =	sbarrier.arrive $0xFFFF  }
0xa2: {  	_ =	shalt  }

// kernel: kernel.21.cloned.1.call-start
scs
__scs_entry_jumppad:
0x0: {  	(pc) =	sbr.rel $0x88, $3  }
0x1: {  	(tag) =	ssettag $0x0;
	lr =	simm.s32 $0x1  }
0x2: {  	[smem:$0x3F86] =	sst lr;
	_ =	strace $0xD0000000  }
0x3: {  	_ = 	snop  }
0x4: {  	_ = 	snop  }
0x5: {  	_ = 	snop  }
0x6: {  	_ = 	snop  }
0x7: {  	_ = 	snop  }
__scs_overlays_trampoline_lowered:
0x8: {  	[smem:$0x3F95] =	sst s0  }
0x9: {  	[smem:$0x3F96] =	sst s1  }
0xa: {  	[smem:$0x3F97] =	sst s2  }
0xb: {  	[smem:$0x3F98] =	sst s3  }
0xc: {  	[smem:$0x3F99] =	sst s4  }
0xd: {  	[smem:$0x3F9A] =	sst s5  }
0xe: {  	[smem:$0x3F9B] =	sst s6  }
0xf: {  	[smem:$0x3F9C] =	sst s7  }
0x10: {  	[smem:$0x3F9D] =	sst s8  }
0x11: {  	[smem:$0x3F9E] =	sst s9;
	s0 =	simm.s32 @!p0 $0x0  }
0x12: {  	s1 =	sld [smem:$0x3F84];
	s0 =	simm.s32 @p0 $0x1  }
0x13: {  	[smem:$0x3F9F] =	sst s0;
	s0 =	simm.s32 @!p1 $0x0  }
0x14: {  	s2 =	sld [smem:$0x3F83];
	s0 =	simm.s32 @p1 $0x1  }
0x15: {  	[smem:$0x3FA0] =	sst s0;
	s0 =	simm.s32 @!p2 $0x0  }
0x16: {  	s3 =	sld [smem:$0x3FDB];
	s0 =	simm.s32 @p2 $0x1  }
0x17: {  	s4 =	simm.s32 $0x1BF5;
	[smem:$0x3FA2] =	sst s0  }
0x18: {  	s0 =	sld [smem:$0x3F85];
	_ =	swait.ge [sflag:s4], $0x0  }
0x19: {  	s7 =	sld [smem:$0x3F86]  }
0x1a: {  	s8 =	sadd.s32 $0xFFFFE003, lr  }
0x1b: {  	s9 =	sadd.s32 $0xFFFFFEF7, lr;
	s5 =	simm.s32 $0xFFFFFFFF;
	p2 =	slt.u32 s8, $0xFFFFF086  }
0x1c: {  	p1 =	slt.u32 s9, $0xF7A;
	s5 =	simm.s32 @!p2 $0x0  }
0x1d: {  	s5 =	simm.s32 @p1 $0x1;
	p0 =	seq.s32 s7, s2  }
0x1e: {  	s7 =	smul.u32 @!p0 $0xF7A, s2;
	p2 =	seq.s32 @!p0 s5, $0x0  }
0x1f: {  	s9 =	smul.u32 $0xF7A, s1;
	s8 =	simm.s32 @!p0 $0x1BF5;
	p2 =	por !p2, p0  }
0x20: {  	[sflag:s8] =	ssyncset.s32 @!p0 $0xFFFFF086;
	s6 =	sadd.s32 @!p0 s3, s7;
	s7 =	simm.s32 @!p0 $0x108  }
0x21: {  	s3 =	sadd.s32 s3, s9;
	s6 =	sadd.s32 @!p0 $0x88, s6;
	s7 =	simm.s32 @p2 $0x1082  }
0x22: {  	[simem:s7], [sflag:s8] =	dma.local @!p0 [hbm:s6], $0xF7A  }
0x23: {  	s9 =	sor.u32 $0xD0000000, s2;
	s6 =	simm.s32 $0x108;
	_ =	swait.ge @!p0 [sflag:s8], $0x0  }
0x24: {  	s3 =	sadd.s32 $0x88, s3;
	s6 =	simm.s32 @!p1 $0x1082;
	[sflag:s4] =	ssyncset.s32 $0xFFFFF086  }
0x25: {  	[simem:s6], [sflag:s4] =	dma.local [hbm:s3], $0xF7A  }
0x26: {  	[smem:$0x3F86] =	sst s1;
	(tag) =	ssettag s2;
	_ =	strace s9  }
0x27: {  	s1 =	sld [smem:$0x3F96]  }
0x28: {  	s2 =	sld [smem:$0x3F97]  }
0x29: {  	s4 =	sld [smem:$0x3F99]  }
0x2a: {  	p0 =	seq.s32 s5, $0x0;
	s5 =	sld [smem:$0x3F9A]  }
0x2b: {  	s6 =	sld [smem:$0x3F9B]  }
0x2c: {  	s7 =	sld [smem:$0x3F9C]  }
0x2d: {  	s3 =	simm.s32 $0x108;
	s8 =	sld [smem:$0x3F9D]  }
0x2e: {  	s3 =	simm.s32 @!p0 $0x1082;
	s9 =	sld [smem:$0x3F9E]  }
0x2f: {  	lr =	sadd.s32 s0, s3;
	s0 =	sld [smem:$0x3F95]  }
0x30: {  	s3 =	sld [smem:$0x3F98]  }
0x31: {  	[smem:$0x3FA1] =	sst s10  }
0x32: {  	s10 =	sld [smem:$0x3F9F];
	_ =	sdelay $0x3  }
0x33: {  	p0 =	seq.s32 s10, $0x1;
	s10 =	sld [smem:$0x3FA1];
	_ =	sdelay $0x3  }
0x34: {  	[smem:$0x3FA1] =	sst s10  }
0x35: {  	s10 =	sld [smem:$0x3FA0];
	_ =	sdelay $0x3  }
0x36: {  	p1 =	seq.s32 s10, $0x1;
	s10 =	sld [smem:$0x3FA1];
	_ =	sdelay $0x3  }
0x37: {  	[smem:$0x3FA1] =	sst s10  }
0x38: {  	s10 =	sld [smem:$0x3FA2]  }
0x39: {  	_ = 	snop;
	(pc) =	sbr.ind lr, $3  }
0x3a: {  	_ = 	snop  }
0x3b: {  	_ = 	snop  }
0x3c: {  	p2 =	seq.s32 s10, $0x1;
	s10 =	sld [smem:$0x3FA1]  }
0x3d: {  	_ =	shalt  }
0x3e: {  	_ =	shalt  }
0x3f: {  	_ =	shalt  }
0x40: {  	_ =	shalt  }
0x41: {  	_ =	shalt  }
0x42: {  	_ =	shalt  }
0x43: {  	_ =	shalt  }
0x44: {  	_ =	shalt  }
0x45: {  	_ =	shalt  }
0x46: {  	_ =	shalt  }
0x47: {  	_ =	shalt  }
0x48: {  	_ =	shalt  }
0x49: {  	_ =	shalt  }
0x4a: {  	_ =	shalt  }
0x4b: {  	_ =	shalt  }
0x4c: {  	_ =	shalt  }
0x4d: {  	_ =	shalt  }
0x4e: {  	_ =	shalt  }
0x4f: {  	_ =	shalt  }
0x50: {  	_ =	shalt  }
0x51: {  	_ =	shalt  }
0x52: {  	_ =	shalt  }
0x53: {  	_ =	shalt  }
0x54: {  	_ =	shalt  }
0x55: {  	_ =	shalt  }
0x56: {  	_ =	shalt  }
0x57: {  	_ =	shalt  }
0x58: {  	_ =	shalt  }
0x59: {  	_ =	shalt  }
0x5a: {  	_ =	shalt  }
0x5b: {  	_ =	shalt  }
0x5c: {  	_ =	shalt  }
0x5d: {  	_ =	shalt  }
0x5e: {  	_ =	shalt  }
0x5f: {  	_ =	shalt  }
0x60: {  	_ =	shalt  }
0x61: {  	_ =	shalt  }
0x62: {  	_ =	shalt  }
0x63: {  	_ =	shalt  }
0x64: {  	_ =	shalt  }
0x65: {  	_ =	shalt  }
0x66: {  	_ =	shalt  }
0x67: {  	_ =	shalt  }
0x68: {  	_ =	shalt  }
0x69: {  	_ =	shalt  }
0x6a: {  	_ =	shalt  }
0x6b: {  	_ =	shalt  }
0x6c: {  	_ =	shalt  }
0x6d: {  	_ =	shalt  }
0x6e: {  	_ =	shalt  }
0x6f: {  	_ =	shalt  }
0x70: {  	_ =	shalt  }
0x71: {  	_ =	shalt  }
0x72: {  	_ =	shalt  }
0x73: {  	_ =	shalt  }
0x74: {  	_ =	shalt  }
0x75: {  	_ =	shalt  }
0x76: {  	_ =	shalt  }
0x77: {  	_ =	shalt  }
0x78: {  	_ =	shalt  }
0x79: {  	_ =	shalt  }
0x7a: {  	_ =	shalt  }
0x7b: {  	_ =	shalt  }
0x7c: {  	_ =	shalt  }
0x7d: {  	_ =	shalt  }
0x7e: {  	_ =	shalt  }
0x7f: {  	_ =	shalt  }
0x80: {  	_ =	shalt  }
0x81: {  	_ =	shalt  }
0x82: {  	_ =	shalt  }
0x83: {  	_ =	shalt  }
0x84: {  	_ =	shalt  }
0x85: {  	_ =	shalt  }
0x86: {  	_ =	shalt  }
0x87: {  	_ =	shalt  }
.Lfunc_end0:
.L_simem_size_0:
called_computation.2_lowered:
.L_overlay_start_0:
0x88: {  	s2 =	sld [smem:$0x3FD9]  }
0x89: {  	s3 =	sld [smem:$0x3FFE];
	_ =	sdelay $0x1  }
0x8a: {  	s1 =	srdreg.scid  }
0x8b: {  	s0 =	sand.u32 $0x1, s1  }
0x8c: {  	s16 =	sshll.u32 s0, $0xA;
	s2 =	sadd.s32 s3, s2  }
0x8d: {  	s2 =	sadd.s32 s2, s16  }
0x8e: {  	[smem:$0x3FAD] =	sst s2  }
0x8f: {  	_ = 	snop  }
0x90: {  	(tm) =	ssettm $0x1  }
0x91: {  	s17 =	sld [smem:$0x3FFB];
	_ =	sdelay $0x3  }
0x92: {  	_ =	strace s17  }
0x93: {  	s2 =	sld [smem:$0x3FFC];
	_ =	sdelay $0x3  }
0x94: {  	_ =	strace s2  }
0x95: {  	s2 =	sld [smem:$0x3FFD];
	_ =	sdelay $0x3  }
0x96: {  	_ =	strace s2  }
0x97: {  	_ =	strace $0x8FFFFFFF  }
0x98: {  	s18 =	sld [smem:$0x3FDB];
	_ =	sdelay $0x1  }
0x99: {  	s19 =	simm.s32 $_scs_section_size  }
0x9a: {  	s4 =	simm.s32 $_size__tile_overlayer_lowered;
	s5 =	simm.s32 $_tile_overlayer_lowered  }
0x9b: {  	s22 =	simm.s32 $0x1BFF;
	s21 =	sshll.u32 s5, $0x1;
	s2 =	sadd.s32 s19, s18  }
0x9c: {  	s6 =	simm.s32 $0x0;
	s20 =	sshll.u32 s4, $0x1;
	s4 =	sadd.s32 s21, s2  }
0x9d: {  	[timem:s6], [sflag:s22] =	dma.local [hbm:s4], s20  }
0x9e: {  	_ =	swait.ge [sflag:s22], s20  }
0x9f: {  	s3 =	ssub.s32 $0x0, s20;
	[sflag:s22] =	ssyncset.done $0x0  }
0xa0: {  	[sflag:s22] =	ssyncadd.s32 s3;
	_ =	sdelay $0x1  }
0xa1: {  	s23 =	simm.s32 $0x1B8B  }
0xa2: {  	_ =	swait.ge [sflag:s23], $0x1  }
0xa3: {  	[sflag:s23] =	ssyncset.done $0x0  }
0xa4: {  	s25 =	simm.s32 $0x1B8E;
	s24 =	sld [smem:$0x3FFE];
	[sflag:s23] =	ssyncadd.s32 $0xFFFFFFFF  }
0xa5: {  	s26 =	simm.s32 $execute0_lowered;
	[smem:$0x3FD2] =	sst s25  }
0xa6: {  	s4 =	sshll.u32 s26, $0x1;
	_ =	strace $0x8000004C;
	[dreg:$0x1] =	wrdreg $0xFFFFFFFF  }
0xa7: {  	s28 =	simm.s32 $_size_execute0_lowered;
	s2 =	sadd.s32 s2, s4;
	[dreg:$0x0] =	wrdreg $0x0  }
0xa8: {  	s4 =	sshll.u32 s28, $0x1;
	[dreg:$0x2] =	wrdreg s2  }
0xa9: {  	[dreg:$0x3] =	wrdreg s4  }
0xaa: {  	[dreg:$0x4] =	wrdreg $0xC0  }
0xab: {  	_ =	task [dreg:s6], $0x5FFFF  }
0xac: {  	[dreg:$0x1] =	wrdreg $0xFFFFFFFF  }
0xad: {  	[dreg:$0x0] =	wrdreg $0x60  }
0xae: {  	[dreg:$0x2] =	wrdreg s24  }
0xaf: {  	[dreg:$0x3] =	wrdreg $0xD0000  }
0xb0: {  	[dreg:$0x4] =	wrdreg $0x9  }
0xb1: {  	_ =	task.clear_ibuf [dreg:s6], $0x5FFFF;
	_ =	strace $0x9000004C  }
0xb2: {  	s29 =	simm.s32 $0x9;
	_ =	strace $0x8000004E  }
0xb3: {  	_ =	swait.ge [sflag:s29], $0x1  }
0xb4: {  	[sflag:s29] =	ssyncadd.s32 $0xFFFFFFFF  }
0xb5: {  	_ =	strace $0x9000004E  }
0xb6: {  	_ =	sfence  }
0xb7: {  	s30 =	sld [smem:$0x0];
	_ =	sdelay $0x2  }
0xb8: {  	s31 =	sshll.u32 s1, $0xD;
	s1 =	sshrl.u32 s1, $0x2  }
0xb9: {  	s3 =	sand.u32 $0x4000, s31;
	s1 =	sadd.s32 s1, s30  }
0xba: {  	s0 =	sor.u32 s3, s0;
	s1 =	sshll.u32 s1, $0x11  }
0xbb: {  	s0 =	sor.u32 s1, s0  }
0xbc: {  	s0 =	sadd.s32 $0x8F2B, s0  }
0xbd: {  	[sflag:s0] =	ssyncadd.remote.s32 $0x1  }
0xbe: {  	_ =	sfence.sel $0xFFFF  }
0xbf: {  	[dreg:$0x0] =	wrdreg $0xFFFFFFFF;
	(pc) =	sbr.abs _section_cstart, $3  }
0xc0: {  	[dreg:$0x1] =	wrdreg $0xFFFFFFFF  }
0xc1: {  	_ =	task.clear_ibuf [dreg:s6], $0x2FFFF;
	_ =	strace $0x9FFFFFFF  }
0xc2: {  	(tm) =	ssettm $0x7FFFFFFF  }
0xc3: {  	_ =	shalt  }
tec
execute0_lowered:
.L_overlay_start_1:
0x0: {  	(tag) =	ssettag $0x1  }
0x1: {  	s1 =	srdreg.scid  }
0x2: {  	s0 =	stileid.u32;
	s7 =	rddreg [dreg:$0x0]  }
0x3: {  	s2 =	rddreg [dreg:$0x1];
	s3 =	simm.s32 $0x0;
	s13 =	simm.s32 $0x1  }
0x4: {  	s14 =	simm.s32 $0x2;
	s15 =	simm.s32 $0x3;
	s16 =	simm.s32 $0x7D  }
0x5: {  	s17 =	simm.s32 $0x5000;
	s18 =	simm.s32 $0x80;
	s19 =	simm.s32 $0x9000  }
0x6: {  	s20 =	simm.s32 $0x4;
	s21 =	simm.s32 $0x4F00;
	s22 =	simm.s32 $0x4F80  }
0x7: {  	s24 =	simm.s32 $0x0;
	s6 =	sand.u32 $0x1, s1;
	s5 =	smul.u32 $0x1400, s0  }
0x8: {  	s28 =	sshll.u32 s0, $0x1;
	[smem:$0x7FF] =	sst s3;
	s10 =	smul.u32 $0x28000, s0  }
0x9: {  	s23 =	sshll.u32 s0, $0x6;
	s1 =	sor.u32 s6, s28;
	s8 =	smul.u32 $0x14000, s6  }
0xa: {  	s6 =	ssub.s32 $0x2, s6;
	s4 =	smul.u32 $0x500, s1;
	s1 =	rddreg [dreg:$0x2]  }
0xb: {  	_ =	strace $0x8000004D;
	s29 =	sshrl.u32 s6, $0x1;
	s30 =	sshrl.u32 s10, $0x2  }
0xc: {  	s8 =	sadd.s32 s5, s8;
	s5 =	sadd.s32 $0x55E00, s7;
	s31 =	ssub.s32 s6, s29  }
0xd: {  	s12 =	sadd.s32 s30, s2;
	s6 =	sor.u32 $0x1C03, s23;
	s23 =	sor.u32 $0x1C04, s23  }
0xe: {  	s9 =	sadd.s32 s4, s7;
	s4 =	sadd.s32 $0x58600, s7;
	s11 =	sadd.s32 s8, s7  }
0xf: {  	s10 =	smax.u32 s31, $0x1;
	s7 =	sadd.s32 $0x7200, s9;
	s8 =	sadd.s32 $0x11200, s9  }
0x10: {  	s9 =	sadd.s32 $0x1B200, s11;
	s11 =	sshrl.u32 s12, $0x3;
	s12 =	simm.s32 $0x2800  }
.LBB2_1:
0x11: {  	[spmem:s11], [sflag:s6] =	dma.local [hbm:s5], $0x1400  }
0x12: {  	[tilespmem:s3], [sflag:$0x1] =	stream.linear.gather [hbm4b:s7+s3], $0x2800, $0x38;
	[tilespmem:$0x17000] =	vst v63  }
0x13: {  	_ = 	snop  }
0x14: {  	[tilespmem:s12], [sflag:$0x2] =	stream.linear.gather [hbm4b:s8+s3], $0x2800, $0x38;
	[tilespmem:$0x17000] =	vst v63  }
0x15: {  	_ =	swait.ge [sflag:s13], $0x2800  }
0x16: {  	[sflag:s13] =	ssyncset.done $0x0  }
0x17: {  	[sflag:s13] =	ssyncadd.s32 $0xFFFFD800  }
0x18: {  	_ =	swait.ge [sflag:s14], $0x2800  }
0x19: {  	[sflag:s14] =	ssyncset.done $0x0  }
0x1a: {  	[sflag:s14] =	ssyncadd.s32 $0xFFFFD800  }
0x1b: {  	_ =	swait.ge [sflag:s15], $0x1400  }
0x1c: {  	[sflag:s15] =	ssyncset.done $0x0  }
0x1d: {  	[sflag:s15] =	ssyncadd.s32 $0xFFFFEC00  }
0x1e: {  	[bflag:$0x0] =	sbarrier.arrive $0xFFFF  }
0x1f: {  	[tilespmem:s17], [sflag:$0x1] =	stream.indirect.gather [hbm4b:s4+s16], $0x80, s3, s16, $0xb8;
	[tilespmem:$0x17000] =	vst v63  }
0x20: {  	_ = 	snop  }
0x21: {  	[tilespmem:s19], [sflag:$0x2] =	stream.indirect.gather [hbm4b:s4+s16], $0x80, s18, s16, $0xb8;
	[tilespmem:$0x17000] =	vst v63  }
0x22: {  	_ =	swait.ge [sflag:s13], $0x3E80  }
0x23: {  	[sflag:s13] =	ssyncset.done $0x0  }
0x24: {  	s25 =	simm.s32 $0x2800;
	[sflag:s13] =	ssyncadd.s32 $0xFFFFC180  }
0x25: {  	[spmem:s2] =	stream.indirect.scatter.add.f32 [tilespmem:s17], [sflag:$0x4], $0x80, s25, s16, $0xb8;
	[tilespmem:$0x17000] =	vst v63  }
0x26: {  	_ =	swait.ge [sflag:s20], $0x3E80  }
0x27: {  	[sflag:s20] =	ssyncset.done $0x0  }
0x28: {  	s30 =	simm.s32 $0x100;
	[sflag:s20] =	ssyncadd.s32 $0xFFFFC180  }
0x29: {  	[tilespmem:s17], [sflag:$0x1] =	stream.indirect.gather [hbm4b:s4+s16], $0x80, s30, s16, $0xb8;
	[tilespmem:$0x17000] =	vst v63  }
0x2a: {  	_ =	swait.ge [sflag:s14], $0x3E80  }
0x2b: {  	[sflag:s14] =	ssyncset.done $0x0  }
0x2c: {  	s31 =	simm.s32 $0x2880;
	[sflag:s14] =	ssyncadd.s32 $0xFFFFC180  }
0x2d: {  	[spmem:s2] =	stream.indirect.scatter.add.f32 [tilespmem:s19], [sflag:$0x4], $0x80, s31, s16, $0xb8;
	[tilespmem:$0x17000] =	vst v63  }
0x2e: {  	_ =	swait.ge [sflag:s20], $0x3E80  }
0x2f: {  	[sflag:s20] =	ssyncset.done $0x0  }
0x30: {  	s26 =	simm.s32 $0x180;
	s25 =	simm.s32 $0x400;
	[sflag:s20] =	ssyncadd.s32 $0xFFFFC180  }
.LBB2_2:
0x31: {  	[tilespmem:s19], [sflag:$0x2] =	stream.indirect.gather [hbm4b:s4+s16], $0x80, s26, s16, $0xb8;
	[tilespmem:$0x17000] =	vst v63  }
0x32: {  	s26 =	smov.u32 s25  }
0x33: {  	p0 =	sne.s32 s25, $0x9800;
	s25 =	sadd.s32 $0x400, s25;
	_ =	swait.ge [sflag:s13], $0x3E80  }
0x34: {  	s26 =	sshra.s32 s26, $0x2;
	[sflag:s13] =	ssyncset.done $0x0  }
0x35: {  	s28 =	sadd.s32 $0x2800, s26;
	[sflag:s13] =	ssyncadd.s32 $0xFFFFC180  }
0x36: {  	[spmem:s2] =	stream.indirect.scatter.add.f32 [tilespmem:s17], [sflag:$0x4], $0x80, s28, s16, $0xb8;
	[tilespmem:$0x17000] =	vst v63  }
0x37: {  	_ =	swait.ge [sflag:s20], $0x3E80  }
0x38: {  	[sflag:s20] =	ssyncset.done $0x0  }
0x39: {  	s28 =	sadd.s32 $0x100, s26;
	[sflag:s20] =	ssyncadd.s32 $0xFFFFC180  }
0x3a: {  	[tilespmem:s17], [sflag:$0x1] =	stream.indirect.gather [hbm4b:s4+s16], $0x80, s28, s16, $0xb8;
	[tilespmem:$0x17000] =	vst v63  }
0x3b: {  	_ =	swait.ge [sflag:s14], $0x3E80  }
0x3c: {  	[sflag:s14] =	ssyncset.done $0x0  }
.Ltmp0:
0x3d: {  	s28 =	sadd.s32 $0x2880, s26;
	[sflag:s14] =	ssyncadd.s32 $0xFFFFC180;
	(pc) =	sbr.rel @p0 .LBB2_2-.Ltmp0, $4  }
0x3e: {  	[spmem:s2] =	stream.indirect.scatter.add.f32 [tilespmem:s19], [sflag:$0x4], $0x80, s28, s16, $0xb8;
	[tilespmem:$0x17000] =	vst v63  }
0x3f: {  	_ =	swait.ge [sflag:s20], $0x3E80  }
0x40: {  	[sflag:s20] =	ssyncset.done $0x0  }
0x41: {  	s26 =	sadd.s32 $0x180, s26;
	[sflag:s20] =	ssyncadd.s32 $0xFFFFC180  }
0x42: {  	[tilespmem:s19], [sflag:$0x2] =	stream.indirect.gather [hbm4b:s4+s16], $0x80, s26, s16, $0xb8;
	[tilespmem:$0x17000] =	vst v63  }
0x43: {  	_ =	swait.ge [sflag:s13], $0x3E80  }
0x44: {  	[sflag:s13] =	ssyncset.done $0x0  }
0x45: {  	[sflag:s13] =	ssyncadd.s32 $0xFFFFC180  }
0x46: {  	[spmem:s2] =	stream.indirect.scatter.add.f32 [tilespmem:s17], [sflag:$0x4], $0x80, s21, s16, $0xb8;
	[tilespmem:$0x17000] =	vst v63  }
0x47: {  	_ =	swait.ge [sflag:s20], $0x3E80  }
0x48: {  	[sflag:s20] =	ssyncset.done $0x0  }
0x49: {  	[sflag:s20] =	ssyncadd.s32 $0xFFFFC180  }
0x4a: {  	_ =	swait.ge [sflag:s14], $0x3E80  }
0x4b: {  	[sflag:s14] =	ssyncset.done $0x0  }
0x4c: {  	[sflag:s14] =	ssyncadd.s32 $0xFFFFC180  }
0x4d: {  	[spmem:s2] =	stream.indirect.scatter.add.f32 [tilespmem:s19], [sflag:$0x4], $0x80, s22, s16, $0xb8;
	[tilespmem:$0x17000] =	vst v63  }
0x4e: {  	_ =	swait.ge [sflag:s20], $0x3E80  }
0x4f: {  	s24 =	sadd.s32 $0x1, s24;
	[sflag:s20] =	ssyncset.done $0x0  }
0x50: {  	p0 =	sne.s32 s24, s10;
	[sflag:s20] =	ssyncadd.s32 $0xFFFFC180  }
.Ltmp1:
0x51: {  	[bflag:$0x0] =	sbarrier.arrive $0xFFFF;
	(pc) =	sbr.rel @p0 .LBB2_1-.Ltmp1, $4  }
0x52: {  	[hbm:s9], [sflag:s23] =	dma.local [spmem:s11], $0x1400  }
0x53: {  	_ =	swait.ge [sflag:s20], $0x1400  }
0x54: {  	[sflag:s20] =	ssyncset.done $0x0  }
0x55: {  	[sflag:s20] =	ssyncadd.s32 $0xFFFFEC00  }
0x56: {  	_ =	sfence.sel $0x180000  }
0x57: {  	[bflag:$0x0] =	sbarrier.arrive $0xFFFF  }
0x58: {  	p0 =	sne.s32 s0, $0x0;
	_ =	strace $0x9000004D  }
0x59: {  	s0 =	sadd.s32 @!p0 $0x100000, s1;
	[bflag:$0x2] =	sbarrier.arrive $0xFFFF  }
0x5a: {  	[sflag:s0] =	ssyncadd.tile.s32 @!p0 $0x1;
	_ =	shalt  }
.Lfunc_end2:
_tile_overlayer_lowered:
.L_overlay_start_2:
0x5b: {  	(tag) =	ssettag $0x2  }
0x5c: {  	s0 =	rddreg [dreg:$0x0];
	s2 =	stileid.u32  }
0x5d: {  	s1 =	rddreg [dreg:$0x1];
	p0 =	sne.s32 s2, $0x0  }
0x5e: {  	s3 =	rddreg [dreg:$0x2];
	[bflag:$0x3] =	sbarrier.arrive $0xFFFF;
	s2 =	simm.s32 @!p0 $0x1C04  }
0x5f: {  	[timem:s3], [sflag:s2] =	dma.local @!p0 [hbm:s0], s1  }
0x60: {  	s0 =	simm.s32 @!p0 $0x4  }
0x61: {  	_ =	swait.ge @!p0 [sflag:s0], s1  }
0x62: {  	s1 =	ssub.s32 @!p0 $0x0, s1;
	[sflag:s0] =	ssyncset.done @!p0 $0x0  }
0x63: {  	[sflag:s0] =	ssyncadd.s32 @!p0 s1  }
0x64: {  	[bflag:$0x3] =	sbarrier.arrive $0xFFFF  }
0x65: {  	_ =	shalt  }

// kernel: kernel.24.cloned.1.call-start
scs
__scs_entry_jumppad:
0x0: {  	(pc) =	sbr.rel $0x88, $3  }
0x1: {  	(tag) =	ssettag $0x0;
	lr =	simm.s32 $0x1  }
0x2: {  	[smem:$0x3F86] =	sst lr;
	_ =	strace $0xD0000000  }
0x3: {  	_ = 	snop  }
0x4: {  	_ = 	snop  }
0x5: {  	_ = 	snop  }
0x6: {  	_ = 	snop  }
0x7: {  	_ = 	snop  }
__scs_overlays_trampoline_lowered:
0x8: {  	[smem:$0x3F95] =	sst s0  }
0x9: {  	[smem:$0x3F96] =	sst s1  }
0xa: {  	[smem:$0x3F97] =	sst s2  }
0xb: {  	[smem:$0x3F98] =	sst s3  }
0xc: {  	[smem:$0x3F99] =	sst s4  }
0xd: {  	[smem:$0x3F9A] =	sst s5  }
0xe: {  	[smem:$0x3F9B] =	sst s6  }
0xf: {  	[smem:$0x3F9C] =	sst s7  }
0x10: {  	[smem:$0x3F9D] =	sst s8  }
0x11: {  	[smem:$0x3F9E] =	sst s9;
	s0 =	simm.s32 @!p0 $0x0  }
0x12: {  	s1 =	sld [smem:$0x3F84];
	s0 =	simm.s32 @p0 $0x1  }
0x13: {  	[smem:$0x3F9F] =	sst s0;
	s0 =	simm.s32 @!p1 $0x0  }
0x14: {  	s2 =	sld [smem:$0x3F83];
	s0 =	simm.s32 @p1 $0x1  }
0x15: {  	[smem:$0x3FA0] =	sst s0;
	s0 =	simm.s32 @!p2 $0x0  }
0x16: {  	s3 =	sld [smem:$0x3FDB];
	s0 =	simm.s32 @p2 $0x1  }
0x17: {  	s4 =	simm.s32 $0x1BF5;
	[smem:$0x3FA2] =	sst s0  }
0x18: {  	s0 =	sld [smem:$0x3F85];
	_ =	swait.ge [sflag:s4], $0x0  }
0x19: {  	s7 =	sld [smem:$0x3F86]  }
0x1a: {  	s8 =	sadd.s32 $0xFFFFE003, lr  }
0x1b: {  	s9 =	sadd.s32 $0xFFFFFEF7, lr;
	s5 =	simm.s32 $0xFFFFFFFF;
	p2 =	slt.u32 s8, $0xFFFFF086  }
0x1c: {  	p1 =	slt.u32 s9, $0xF7A;
	s5 =	simm.s32 @!p2 $0x0  }
0x1d: {  	s5 =	simm.s32 @p1 $0x1;
	p0 =	seq.s32 s7, s2  }
0x1e: {  	s7 =	smul.u32 @!p0 $0xF7A, s2;
	p2 =	seq.s32 @!p0 s5, $0x0  }
0x1f: {  	s9 =	smul.u32 $0xF7A, s1;
	s8 =	simm.s32 @!p0 $0x1BF5;
	p2 =	por !p2, p0  }
0x20: {  	[sflag:s8] =	ssyncset.s32 @!p0 $0xFFFFF086;
	s6 =	sadd.s32 @!p0 s3, s7;
	s7 =	simm.s32 @!p0 $0x108  }
0x21: {  	s3 =	sadd.s32 s3, s9;
	s6 =	sadd.s32 @!p0 $0x88, s6;
	s7 =	simm.s32 @p2 $0x1082  }
0x22: {  	[simem:s7], [sflag:s8] =	dma.local @!p0 [hbm:s6], $0xF7A  }
0x23: {  	s9 =	sor.u32 $0xD0000000, s2;
	s6 =	simm.s32 $0x108;
	_ =	swait.ge @!p0 [sflag:s8], $0x0  }
0x24: {  	s3 =	sadd.s32 $0x88, s3;
	s6 =	simm.s32 @!p1 $0x1082;
	[sflag:s4] =	ssyncset.s32 $0xFFFFF086  }
0x25: {  	[simem:s6], [sflag:s4] =	dma.local [hbm:s3], $0xF7A  }
0x26: {  	[smem:$0x3F86] =	sst s1;
	(tag) =	ssettag s2;
	_ =	strace s9  }
0x27: {  	s1 =	sld [smem:$0x3F96]  }
0x28: {  	s2 =	sld [smem:$0x3F97]  }
0x29: {  	s4 =	sld [smem:$0x3F99]  }
0x2a: {  	p0 =	seq.s32 s5, $0x0;
	s5 =	sld [smem:$0x3F9A]  }
0x2b: {  	s6 =	sld [smem:$0x3F9B]  }
0x2c: {  	s7 =	sld [smem:$0x3F9C]  }
0x2d: {  	s3 =	simm.s32 $0x108;
	s8 =	sld [smem:$0x3F9D]  }
0x2e: {  	s3 =	simm.s32 @!p0 $0x1082;
	s9 =	sld [smem:$0x3F9E]  }
0x2f: {  	lr =	sadd.s32 s0, s3;
	s0 =	sld [smem:$0x3F95]  }
0x30: {  	s3 =	sld [smem:$0x3F98]  }
0x31: {  	[smem:$0x3FA1] =	sst s10  }
0x32: {  	s10 =	sld [smem:$0x3F9F];
	_ =	sdelay $0x3  }
0x33: {  	p0 =	seq.s32 s10, $0x1;
	s10 =	sld [smem:$0x3FA1];
	_ =	sdelay $0x3  }
0x34: {  	[smem:$0x3FA1] =	sst s10  }
0x35: {  	s10 =	sld [smem:$0x3FA0];
	_ =	sdelay $0x3  }
0x36: {  	p1 =	seq.s32 s10, $0x1;
	s10 =	sld [smem:$0x3FA1];
	_ =	sdelay $0x3  }
0x37: {  	[smem:$0x3FA1] =	sst s10  }
0x38: {  	s10 =	sld [smem:$0x3FA2]  }
0x39: {  	_ = 	snop;
	(pc) =	sbr.ind lr, $3  }
0x3a: {  	_ = 	snop  }
0x3b: {  	_ = 	snop  }
0x3c: {  	p2 =	seq.s32 s10, $0x1;
	s10 =	sld [smem:$0x3FA1]  }
0x3d: {  	_ =	shalt  }
0x3e: {  	_ =	shalt  }
0x3f: {  	_ =	shalt  }
0x40: {  	_ =	shalt  }
0x41: {  	_ =	shalt  }
0x42: {  	_ =	shalt  }
0x43: {  	_ =	shalt  }
0x44: {  	_ =	shalt  }
0x45: {  	_ =	shalt  }
0x46: {  	_ =	shalt  }
0x47: {  	_ =	shalt  }
0x48: {  	_ =	shalt  }
0x49: {  	_ =	shalt  }
0x4a: {  	_ =	shalt  }
0x4b: {  	_ =	shalt  }
0x4c: {  	_ =	shalt  }
0x4d: {  	_ =	shalt  }
0x4e: {  	_ =	shalt  }
0x4f: {  	_ =	shalt  }
0x50: {  	_ =	shalt  }
0x51: {  	_ =	shalt  }
0x52: {  	_ =	shalt  }
0x53: {  	_ =	shalt  }
0x54: {  	_ =	shalt  }
0x55: {  	_ =	shalt  }
0x56: {  	_ =	shalt  }
0x57: {  	_ =	shalt  }
0x58: {  	_ =	shalt  }
0x59: {  	_ =	shalt  }
0x5a: {  	_ =	shalt  }
0x5b: {  	_ =	shalt  }
0x5c: {  	_ =	shalt  }
0x5d: {  	_ =	shalt  }
0x5e: {  	_ =	shalt  }
0x5f: {  	_ =	shalt  }
0x60: {  	_ =	shalt  }
0x61: {  	_ =	shalt  }
0x62: {  	_ =	shalt  }
0x63: {  	_ =	shalt  }
0x64: {  	_ =	shalt  }
0x65: {  	_ =	shalt  }
0x66: {  	_ =	shalt  }
0x67: {  	_ =	shalt  }
0x68: {  	_ =	shalt  }
0x69: {  	_ =	shalt  }
0x6a: {  	_ =	shalt  }
0x6b: {  	_ =	shalt  }
0x6c: {  	_ =	shalt  }
0x6d: {  	_ =	shalt  }
0x6e: {  	_ =	shalt  }
0x6f: {  	_ =	shalt  }
0x70: {  	_ =	shalt  }
0x71: {  	_ =	shalt  }
0x72: {  	_ =	shalt  }
0x73: {  	_ =	shalt  }
0x74: {  	_ =	shalt  }
0x75: {  	_ =	shalt  }
0x76: {  	_ =	shalt  }
0x77: {  	_ =	shalt  }
0x78: {  	_ =	shalt  }
0x79: {  	_ =	shalt  }
0x7a: {  	_ =	shalt  }
0x7b: {  	_ =	shalt  }
0x7c: {  	_ =	shalt  }
0x7d: {  	_ =	shalt  }
0x7e: {  	_ =	shalt  }
0x7f: {  	_ =	shalt  }
0x80: {  	_ =	shalt  }
0x81: {  	_ =	shalt  }
0x82: {  	_ =	shalt  }
0x83: {  	_ =	shalt  }
0x84: {  	_ =	shalt  }
0x85: {  	_ =	shalt  }
0x86: {  	_ =	shalt  }
0x87: {  	_ =	shalt  }
.Lfunc_end0:
.L_simem_size_0:
called_computation.3_lowered:
.L_overlay_start_0:
0x88: {  	s2 =	sld [smem:$0x3FD9]  }
0x89: {  	s3 =	sld [smem:$0x3FFE];
	_ =	sdelay $0x1  }
0x8a: {  	s1 =	srdreg.scid  }
0x8b: {  	s0 =	sand.u32 $0x1, s1  }
0x8c: {  	s16 =	sshll.u32 s0, $0xA;
	s2 =	sadd.s32 s3, s2  }
0x8d: {  	s2 =	sadd.s32 s2, s16  }
0x8e: {  	[smem:$0x3FAD] =	sst s2  }
0x8f: {  	_ = 	snop  }
0x90: {  	(tm) =	ssettm $0x1  }
0x91: {  	s17 =	sld [smem:$0x3FFB];
	_ =	sdelay $0x3  }
0x92: {  	_ =	strace s17  }
0x93: {  	s2 =	sld [smem:$0x3FFC];
	_ =	sdelay $0x3  }
0x94: {  	_ =	strace s2  }
0x95: {  	s2 =	sld [smem:$0x3FFD];
	_ =	sdelay $0x3  }
0x96: {  	_ =	strace s2  }
0x97: {  	_ =	strace $0x8FFFFFFF  }
0x98: {  	s18 =	sld [smem:$0x3FDB];
	_ =	sdelay $0x1  }
0x99: {  	s19 =	simm.s32 $_scs_section_size  }
0x9a: {  	s4 =	simm.s32 $_size__tile_overlayer_lowered;
	s5 =	simm.s32 $_tile_overlayer_lowered  }
0x9b: {  	s22 =	simm.s32 $0x1BFF;
	s21 =	sshll.u32 s5, $0x1;
	s2 =	sadd.s32 s19, s18  }
0x9c: {  	s6 =	simm.s32 $0x0;
	s20 =	sshll.u32 s4, $0x1;
	s4 =	sadd.s32 s21, s2  }
0x9d: {  	[timem:s6], [sflag:s22] =	dma.local [hbm:s4], s20  }
0x9e: {  	_ =	swait.ge [sflag:s22], s20  }
0x9f: {  	s3 =	ssub.s32 $0x0, s20;
	[sflag:s22] =	ssyncset.done $0x0  }
0xa0: {  	[sflag:s22] =	ssyncadd.s32 s3;
	_ =	sdelay $0x1  }
0xa1: {  	s23 =	simm.s32 $0x1B8B  }
0xa2: {  	_ =	swait.ge [sflag:s23], $0x1  }
0xa3: {  	[sflag:s23] =	ssyncset.done $0x0  }
0xa4: {  	s25 =	simm.s32 $0x1B8E;
	s24 =	sld [smem:$0x3FFE];
	[sflag:s23] =	ssyncadd.s32 $0xFFFFFFFF  }
0xa5: {  	s26 =	simm.s32 $execute0_lowered;
	[smem:$0x3FD2] =	sst s25  }
0xa6: {  	s4 =	sshll.u32 s26, $0x1;
	_ =	strace $0x8000004F;
	[dreg:$0x1] =	wrdreg $0xFFFFFFFF  }
0xa7: {  	s28 =	simm.s32 $_size_execute0_lowered;
	s2 =	sadd.s32 s2, s4;
	[dreg:$0x0] =	wrdreg $0x0  }
0xa8: {  	s4 =	sshll.u32 s28, $0x1;
	[dreg:$0x2] =	wrdreg s2  }
0xa9: {  	[dreg:$0x3] =	wrdreg s4  }
0xaa: {  	[dreg:$0x4] =	wrdreg $0xC0  }
0xab: {  	_ =	task [dreg:s6], $0x5FFFF  }
0xac: {  	[dreg:$0x1] =	wrdreg $0xFFFFFFFF  }
0xad: {  	[dreg:$0x0] =	wrdreg $0x60  }
0xae: {  	[dreg:$0x2] =	wrdreg s24  }
0xaf: {  	[dreg:$0x3] =	wrdreg $0xA8000  }
0xb0: {  	[dreg:$0x4] =	wrdreg $0x9  }
0xb1: {  	_ =	task.clear_ibuf [dreg:s6], $0x5FFFF;
	_ =	strace $0x9000004F  }
0xb2: {  	s29 =	simm.s32 $0x9;
	_ =	strace $0x80000051  }
0xb3: {  	_ =	swait.ge [sflag:s29], $0x1  }
0xb4: {  	[sflag:s29] =	ssyncadd.s32 $0xFFFFFFFF  }
0xb5: {  	_ =	strace $0x90000051  }
0xb6: {  	_ =	sfence  }
0xb7: {  	s30 =	sld [smem:$0x0];
	_ =	sdelay $0x2  }
0xb8: {  	s31 =	sshll.u32 s1, $0xD;
	s1 =	sshrl.u32 s1, $0x2  }
0xb9: {  	s3 =	sand.u32 $0x4000, s31;
	s1 =	sadd.s32 s1, s30  }
0xba: {  	s0 =	sor.u32 s3, s0;
	s1 =	sshll.u32 s1, $0x11  }
0xbb: {  	s0 =	sor.u32 s1, s0  }
0xbc: {  	s0 =	sadd.s32 $0x8F2B, s0  }
0xbd: {  	[sflag:s0] =	ssyncadd.remote.s32 $0x1  }
0xbe: {  	_ =	sfence.sel $0xFFFF  }
0xbf: {  	[dreg:$0x0] =	wrdreg $0xFFFFFFFF;
	(pc) =	sbr.abs _section_cstart, $3  }
0xc0: {  	[dreg:$0x1] =	wrdreg $0xFFFFFFFF  }
0xc1: {  	_ =	task.clear_ibuf [dreg:s6], $0x2FFFF;
	_ =	strace $0x9FFFFFFF  }
0xc2: {  	(tm) =	ssettm $0x7FFFFFFF  }
0xc3: {  	_ =	shalt  }
tec
execute0_lowered:
.L_overlay_start_1:
0x0: {  	(tag) =	ssettag $0x1  }
0x1: {  	s6 =	rddreg [dreg:$0x0]  }
0x2: {  	s2 =	rddreg [dreg:$0x1]  }
0x3: {  	s0 =	rddreg [dreg:$0x2]  }
0x4: {  	s3 =	simm.s32 $0x0;
	s4 =	srdreg.scid;
	s1 =	stileid.u32  }
0x5: {  	s16 =	simm.s32 $0x1;
	s17 =	simm.s32 $0x2;
	s18 =	simm.s32 $0x3  }
0x6: {  	s19 =	simm.s32 $0x7D;
	s20 =	simm.s32 $0x2800;
	s21 =	simm.s32 $0x80  }
0x7: {  	s22 =	simm.s32 $0x6800;
	s23 =	simm.s32 $0x4;
	s24 =	simm.s32 $0x2700  }
0x8: {  	[smem:$0x7FF] =	sst s3;
	s7 =	sand.u32 $0x1, s4;
	s8 =	smul.u32 $0x2780, s1  }
0x9: {  	s10 =	sadd.s32 $0x99C00, s6;
	s11 =	sadd.s32 $0x8FC00, s6;
	s4 =	sadd.s32 $0x58600, s6  }
0xa: {  	s5 =	sadd.s32 $0x55E00, s6;
	s25 =	sshll.u32 s1, $0x2;
	s13 =	smul.u32 $0x4F000, s1  }
0xb: {  	s9 =	smul.u32 $0x27800, s7;
	s12 =	sshll.u32 s7, $0x1;
	s7 =	ssub.s32 $0x2, s7  }
0xc: {  	_ =	strace $0x80000050;
	s28 =	sshrl.u32 s7, $0x1;
	s30 =	sshrl.u32 s13, $0x2  }
0xd: {  	s8 =	sadd.s32 s8, s9;
	s9 =	sor.u32 s12, s25;
	s14 =	ssub.s32 s7, s28  }
0xe: {  	s15 =	sadd.s32 s30, s2;
	s25 =	simm.s32 $0x2780;
	s29 =	smul.u32 $0x1400, s9  }
0xf: {  	s26 =	sadd.s32 s8, s6;
	s9 =	smul.u32 $0x280, s9;
	s6 =	sshll.u32 s1, $0x6  }
0x10: {  	s7 =	sor.u32 $0x1C03, s6;
	s12 =	sadd.s32 $0xA3C00, s26;
	s31 =	sshrl.u32 s29, $0x3  }
0x11: {  	s26 =	simm.s32 $0x0;
	s8 =	sadd.s32 s10, s9;
	s13 =	sadd.s32 $0x280, s31  }
0x12: {  	s9 =	sadd.s32 s11, s9;
	s10 =	sadd.s32 s10, s13;
	s11 =	sadd.s32 s11, s13  }
0x13: {  	s13 =	smax.u32 s14, $0x1;
	s14 =	sshrl.u32 s15, $0x3;
	s15 =	simm.s32 $0x1400  }
.LBB2_1:
0x14: {  	[spmem:s14], [sflag:s7] =	dma.local [hbm:s5], $0x2780  }
0x15: {  	[tilespmem:s3], [sflag:$0x1] =	stream.linear.gather [hbm4b:s8+s3], $0x1400, $0x38;
	[tilespmem:$0x1E400] =	vst v63  }
0x16: {  	_ = 	snop  }
0x17: {  	[tilespmem:s15], [sflag:$0x2] =	stream.linear.gather [hbm4b:s9+s3], $0x1400, $0x38;
	[tilespmem:$0x1E400] =	vst v63  }
0x18: {  	_ =	swait.ge [sflag:s16], $0x1400  }
0x19: {  	[sflag:s16] =	ssyncset.done $0x0  }
0x1a: {  	[sflag:s16] =	ssyncadd.s32 $0xFFFFEC00  }
0x1b: {  	_ =	swait.ge [sflag:s17], $0x1400  }
0x1c: {  	[sflag:s17] =	ssyncset.done $0x0  }
0x1d: {  	[sflag:s17] =	ssyncadd.s32 $0xFFFFEC00  }
0x1e: {  	_ =	swait.ge [sflag:s18], $0x2780  }
0x1f: {  	[sflag:s18] =	ssyncset.done $0x0  }
0x20: {  	[sflag:s18] =	ssyncadd.s32 $0xFFFFD880  }
0x21: {  	[bflag:$0x0] =	sbarrier.arrive $0xFFFF  }
0x22: {  	[tilespmem:s20], [sflag:$0x1] =	stream.indirect.gather [hbm4b:s4+s19], $0x80, s3, s19, $0xb8;
	[tilespmem:$0x1E400] =	vst v63  }
0x23: {  	_ = 	snop  }
0x24: {  	[tilespmem:s22], [sflag:$0x2] =	stream.indirect.gather [hbm4b:s4+s19], $0x80, s21, s19, $0xb8;
	[tilespmem:$0x1E400] =	vst v63  }
0x25: {  	_ =	swait.ge [sflag:s16], $0x3E80  }
0x26: {  	[sflag:s16] =	ssyncset.done $0x0  }
0x27: {  	s28 =	simm.s32 $0x1400;
	[sflag:s16] =	ssyncadd.s32 $0xFFFFC180  }
0x28: {  	[spmem:s2] =	stream.indirect.scatter.add.f32 [tilespmem:s20], [sflag:$0x4], $0x80, s28, s19, $0xb8;
	[tilespmem:$0x1E400] =	vst v63  }
0x29: {  	_ =	swait.ge [sflag:s23], $0x3E80  }
0x2a: {  	[sflag:s23] =	ssyncset.done $0x0  }
0x2b: {  	s28 =	simm.s32 $0x100;
	[sflag:s23] =	ssyncadd.s32 $0xFFFFC180  }
0x2c: {  	[tilespmem:s20], [sflag:$0x1] =	stream.indirect.gather [hbm4b:s4+s19], $0x80, s28, s19, $0xb8;
	[tilespmem:$0x1E400] =	vst v63  }
0x2d: {  	_ =	swait.ge [sflag:s17], $0x3E80  }
0x2e: {  	[sflag:s17] =	ssyncset.done $0x0  }
0x2f: {  	s28 =	simm.s32 $0x1480;
	[sflag:s17] =	ssyncadd.s32 $0xFFFFC180  }
0x30: {  	[spmem:s2] =	stream.indirect.scatter.add.f32 [tilespmem:s22], [sflag:$0x4], $0x80, s28, s19, $0xb8;
	[tilespmem:$0x1E400] =	vst v63  }
0x31: {  	_ =	swait.ge [sflag:s23], $0x3E80  }
0x32: {  	[sflag:s23] =	ssyncset.done $0x0  }
0x33: {  	s29 =	simm.s32 $0x180;
	s28 =	simm.s32 $0x400;
	[sflag:s23] =	ssyncadd.s32 $0xFFFFC180  }
.LBB2_2:
0x34: {  	[tilespmem:s22], [sflag:$0x2] =	stream.indirect.gather [hbm4b:s4+s19], $0x80, s29, s19, $0xb8;
	[tilespmem:$0x1E400] =	vst v63  }
0x35: {  	s29 =	smov.u32 s28  }
0x36: {  	p0 =	sne.s32 s28, $0x4800;
	s28 =	sadd.s32 $0x400, s28;
	_ =	swait.ge [sflag:s16], $0x3E80  }
0x37: {  	s29 =	sshra.s32 s29, $0x2;
	[sflag:s16] =	ssyncset.done $0x0  }
0x38: {  	s30 =	sadd.s32 $0x1400, s29;
	[sflag:s16] =	ssyncadd.s32 $0xFFFFC180  }
0x39: {  	[spmem:s2] =	stream.indirect.scatter.add.f32 [tilespmem:s20], [sflag:$0x4], $0x80, s30, s19, $0xb8;
	[tilespmem:$0x1E400] =	vst v63  }
0x3a: {  	_ =	swait.ge [sflag:s23], $0x3E80  }
0x3b: {  	[sflag:s23] =	ssyncset.done $0x0  }
0x3c: {  	s30 =	sadd.s32 $0x100, s29;
	[sflag:s23] =	ssyncadd.s32 $0xFFFFC180  }
0x3d: {  	[tilespmem:s20], [sflag:$0x1] =	stream.indirect.gather [hbm4b:s4+s19], $0x80, s30, s19, $0xb8;
	[tilespmem:$0x1E400] =	vst v63  }
0x3e: {  	_ =	swait.ge [sflag:s17], $0x3E80  }
0x3f: {  	[sflag:s17] =	ssyncset.done $0x0  }
.Ltmp0:
0x40: {  	s30 =	sadd.s32 $0x1480, s29;
	[sflag:s17] =	ssyncadd.s32 $0xFFFFC180;
	(pc) =	sbr.rel @p0 .LBB2_2-.Ltmp0, $4  }
0x41: {  	[spmem:s2] =	stream.indirect.scatter.add.f32 [tilespmem:s22], [sflag:$0x4], $0x80, s30, s19, $0xb8;
	[tilespmem:$0x1E400] =	vst v63  }
0x42: {  	_ =	swait.ge [sflag:s23], $0x3E80  }
0x43: {  	[sflag:s23] =	ssyncset.done $0x0  }
0x44: {  	s29 =	sadd.s32 $0x180, s29;
	[sflag:s23] =	ssyncadd.s32 $0xFFFFC180  }
0x45: {  	[tilespmem:s22], [sflag:$0x2] =	stream.indirect.gather [hbm4b:s4+s19], $0x80, s29, s19, $0xb8;
	[tilespmem:$0x1E400] =	vst v63  }
0x46: {  	_ =	swait.ge [sflag:s16], $0x3E80  }
0x47: {  	[sflag:s16] =	ssyncset.done $0x0  }
0x48: {  	[sflag:s16] =	ssyncadd.s32 $0xFFFFC180  }
0x49: {  	[spmem:s2] =	stream.indirect.scatter.add.f32 [tilespmem:s20], [sflag:$0x4], $0x80, s24, s19, $0xb8;
	[tilespmem:$0x1E400] =	vst v63  }
0x4a: {  	_ =	swait.ge [sflag:s23], $0x3E80  }
0x4b: {  	[sflag:s23] =	ssyncset.done $0x0  }
0x4c: {  	[sflag:s23] =	ssyncadd.s32 $0xFFFFC180  }
0x4d: {  	_ =	swait.ge [sflag:s17], $0x3E80  }
0x4e: {  	[sflag:s17] =	ssyncset.done $0x0  }
0x4f: {  	[sflag:s17] =	ssyncadd.s32 $0xFFFFC180  }
0x50: {  	[spmem:s2] =	stream.indirect.scatter.add.f32 [tilespmem:s22], [sflag:$0x4], $0x80, s25, s19, $0xb8;
	[tilespmem:$0x1E400] =	vst v63  }
0x51: {  	_ =	swait.ge [sflag:s23], $0x3E80  }
0x52: {  	[sflag:s23] =	ssyncset.done $0x0  }
0x53: {  	s28 =	simm.s32 $0x0;
	[sflag:s23] =	ssyncadd.s32 $0xFFFFC180  }
0x54: {  	[tilespmem:s28], [sflag:$0x4] =	stream.linear.gather [hbm4b:s10+s28], $0x1400, $0x38;
	[tilespmem:$0x1E400] =	vst v63  }
0x55: {  	_ =	swait.ge [sflag:s23], $0x1400  }
0x56: {  	[sflag:s23] =	ssyncset.done $0x0  }
0x57: {  	[sflag:s23] =	ssyncadd.s32 $0xFFFFEC00  }
0x58: {  	[tilespmem:s15], [sflag:$0x4] =	stream.linear.gather [hbm4b:s11+s28], $0x1400, $0x38;
	[tilespmem:$0x1E400] =	vst v63  }
0x59: {  	_ =	swait.ge [sflag:s23], $0x1400  }
0x5a: {  	[sflag:s23] =	ssyncset.done $0x0  }
0x5b: {  	[sflag:s23] =	ssyncadd.s32 $0xFFFFEC00  }
0x5c: {  	[tilespmem:s20], [sflag:$0x1] =	stream.indirect.gather [hbm4b:s4+s19], $0x80, s28, s19, $0xb8;
	[tilespmem:$0x1E400] =	vst v63  }
0x5d: {  	_ = 	snop  }
0x5e: {  	[tilespmem:s22], [sflag:$0x2] =	stream.indirect.gather [hbm4b:s4+s19], $0x80, s21, s19, $0xb8;
	[tilespmem:$0x1E400] =	vst v63  }
0x5f: {  	_ =	swait.ge [sflag:s16], $0x3E80  }
0x60: {  	[sflag:s16] =	ssyncset.done $0x0  }
0x61: {  	s28 =	simm.s32 $0x1400;
	[sflag:s16] =	ssyncadd.s32 $0xFFFFC180  }
0x62: {  	[spmem:s2] =	stream.indirect.scatter.add.f32 [tilespmem:s20], [sflag:$0x4], $0x80, s28, s19, $0xb8;
	[tilespmem:$0x1E400] =	vst v63  }
0x63: {  	_ =	swait.ge [sflag:s23], $0x3E80  }
0x64: {  	[sflag:s23] =	ssyncset.done $0x0  }
0x65: {  	s28 =	simm.s32 $0x100;
	[sflag:s23] =	ssyncadd.s32 $0xFFFFC180  }
0x66: {  	[tilespmem:s20], [sflag:$0x1] =	stream.indirect.gather [hbm4b:s4+s19], $0x80, s28, s19, $0xb8;
	[tilespmem:$0x1E400] =	vst v63  }
0x67: {  	_ =	swait.ge [sflag:s17], $0x3E80  }
0x68: {  	[sflag:s17] =	ssyncset.done $0x0  }
0x69: {  	s28 =	simm.s32 $0x1480;
	[sflag:s17] =	ssyncadd.s32 $0xFFFFC180  }
0x6a: {  	[spmem:s2] =	stream.indirect.scatter.add.f32 [tilespmem:s22], [sflag:$0x4], $0x80, s28, s19, $0xb8;
	[tilespmem:$0x1E400] =	vst v63  }
0x6b: {  	_ =	swait.ge [sflag:s23], $0x3E80  }
0x6c: {  	[sflag:s23] =	ssyncset.done $0x0  }
0x6d: {  	s29 =	simm.s32 $0x180;
	s28 =	simm.s32 $0x400;
	[sflag:s23] =	ssyncadd.s32 $0xFFFFC180  }
.LBB2_4:
0x6e: {  	[tilespmem:s22], [sflag:$0x2] =	stream.indirect.gather [hbm4b:s4+s19], $0x80, s29, s19, $0xb8;
	[tilespmem:$0x1E400] =	vst v63  }
0x6f: {  	s29 =	smov.u32 s28  }
0x70: {  	p0 =	sne.s32 s28, $0x4800;
	s28 =	sadd.s32 $0x400, s28;
	_ =	swait.ge [sflag:s16], $0x3E80  }
0x71: {  	s29 =	sshra.s32 s29, $0x2;
	[sflag:s16] =	ssyncset.done $0x0  }
0x72: {  	s30 =	sadd.s32 $0x1400, s29;
	[sflag:s16] =	ssyncadd.s32 $0xFFFFC180  }
0x73: {  	[spmem:s2] =	stream.indirect.scatter.add.f32 [tilespmem:s20], [sflag:$0x4], $0x80, s30, s19, $0xb8;
	[tilespmem:$0x1E400] =	vst v63  }
0x74: {  	_ =	swait.ge [sflag:s23], $0x3E80  }
0x75: {  	[sflag:s23] =	ssyncset.done $0x0  }
0x76: {  	s30 =	sadd.s32 $0x100, s29;
	[sflag:s23] =	ssyncadd.s32 $0xFFFFC180  }
0x77: {  	[tilespmem:s20], [sflag:$0x1] =	stream.indirect.gather [hbm4b:s4+s19], $0x80, s30, s19, $0xb8;
	[tilespmem:$0x1E400] =	vst v63  }
0x78: {  	_ =	swait.ge [sflag:s17], $0x3E80  }
0x79: {  	[sflag:s17] =	ssyncset.done $0x0  }
.Ltmp1:
0x7a: {  	s30 =	sadd.s32 $0x1480, s29;
	[sflag:s17] =	ssyncadd.s32 $0xFFFFC180;
	(pc) =	sbr.rel @p0 .LBB2_4-.Ltmp1, $4  }
0x7b: {  	[spmem:s2] =	stream.indirect.scatter.add.f32 [tilespmem:s22], [sflag:$0x4], $0x80, s30, s19, $0xb8;
	[tilespmem:$0x1E400] =	vst v63  }
0x7c: {  	_ =	swait.ge [sflag:s23], $0x3E80  }
0x7d: {  	[sflag:s23] =	ssyncset.done $0x0  }
0x7e: {  	s29 =	sadd.s32 $0x180, s29;
	[sflag:s23] =	ssyncadd.s32 $0xFFFFC180  }
0x7f: {  	[tilespmem:s22], [sflag:$0x2] =	stream.indirect.gather [hbm4b:s4+s19], $0x80, s29, s19, $0xb8;
	[tilespmem:$0x1E400] =	vst v63  }
0x80: {  	_ =	swait.ge [sflag:s16], $0x3E80  }
0x81: {  	[sflag:s16] =	ssyncset.done $0x0  }
0x82: {  	[sflag:s16] =	ssyncadd.s32 $0xFFFFC180  }
0x83: {  	[spmem:s2] =	stream.indirect.scatter.add.f32 [tilespmem:s20], [sflag:$0x4], $0x80, s24, s19, $0xb8;
	[tilespmem:$0x1E400] =	vst v63  }
0x84: {  	_ =	swait.ge [sflag:s23], $0x3E80  }
0x85: {  	[sflag:s23] =	ssyncset.done $0x0  }
0x86: {  	[sflag:s23] =	ssyncadd.s32 $0xFFFFC180  }
0x87: {  	_ =	swait.ge [sflag:s17], $0x3E80  }
0x88: {  	[sflag:s17] =	ssyncset.done $0x0  }
0x89: {  	[sflag:s17] =	ssyncadd.s32 $0xFFFFC180  }
0x8a: {  	[spmem:s2] =	stream.indirect.scatter.add.f32 [tilespmem:s22], [sflag:$0x4], $0x80, s25, s19, $0xb8;
	[tilespmem:$0x1E400] =	vst v63  }
0x8b: {  	_ =	swait.ge [sflag:s23], $0x3E80  }
0x8c: {  	s26 =	sadd.s32 $0x1, s26;
	[sflag:s23] =	ssyncset.done $0x0  }
0x8d: {  	p0 =	sne.s32 s26, s13;
	[sflag:s23] =	ssyncadd.s32 $0xFFFFC180  }
.Ltmp2:
0x8e: {  	s28 =	sor.u32 $0x1C04, s6;
	[bflag:$0x0] =	sbarrier.arrive $0xFFFF;
	(pc) =	sbr.rel @p0 .LBB2_1-.Ltmp2, $4  }
0x8f: {  	[hbm:s12], [sflag:s28] =	dma.local [spmem:s14], $0x2780  }
0x90: {  	_ =	swait.ge [sflag:s23], $0x2780  }
0x91: {  	[sflag:s23] =	ssyncset.done $0x0  }
0x92: {  	[sflag:s23] =	ssyncadd.s32 $0xFFFFD880  }
0x93: {  	_ =	sfence.sel $0x180000  }
0x94: {  	[bflag:$0x0] =	sbarrier.arrive $0xFFFF  }
0x95: {  	p0 =	sne.s32 s1, $0x0;
	_ =	strace $0x90000050  }
0x96: {  	s0 =	sadd.s32 @!p0 $0x100000, s0;
	[bflag:$0x2] =	sbarrier.arrive $0xFFFF  }
0x97: {  	[sflag:s0] =	ssyncadd.tile.s32 @!p0 $0x1;
	_ =	shalt  }
.Lfunc_end2:
_tile_overlayer_lowered:
.L_overlay_start_2:
0x98: {  	(tag) =	ssettag $0x2  }
0x99: {  	s0 =	rddreg [dreg:$0x0];
	s2 =	stileid.u32  }
0x9a: {  	s1 =	rddreg [dreg:$0x1];
	p0 =	sne.s32 s2, $0x0  }
0x9b: {  	s3 =	rddreg [dreg:$0x2];
	[bflag:$0x3] =	sbarrier.arrive $0xFFFF;
	s2 =	simm.s32 @!p0 $0x1C04  }
0x9c: {  	[timem:s3], [sflag:s2] =	dma.local @!p0 [hbm:s0], s1  }
0x9d: {  	s0 =	simm.s32 @!p0 $0x4  }
0x9e: {  	_ =	swait.ge @!p0 [sflag:s0], s1  }
0x9f: {  	s1 =	ssub.s32 @!p0 $0x0, s1;
	[sflag:s0] =	ssyncset.done @!p0 $0x0  }
0xa0: {  	[sflag:s0] =	ssyncadd.s32 @!p0 s1  }
0xa1: {  	[bflag:$0x3] =	sbarrier.arrive $0xFFFF  }
0xa2: {  	_ =	shalt  }

// kernel: kernel.27.cloned.1.call-start
scs
__scs_entry_jumppad:
0x0: {  	(pc) =	sbr.rel $0x88, $3  }
0x1: {  	(tag) =	ssettag $0x0;
	lr =	simm.s32 $0x1  }
0x2: {  	[smem:$0x3F86] =	sst lr;
	_ =	strace $0xD0000000  }
0x3: {  	_ = 	snop  }
0x4: {  	_ = 	snop  }
0x5: {  	_ = 	snop  }
0x6: {  	_ = 	snop  }
0x7: {  	_ = 	snop  }
__scs_overlays_trampoline_lowered:
0x8: {  	[smem:$0x3F95] =	sst s0  }
0x9: {  	[smem:$0x3F96] =	sst s1  }
0xa: {  	[smem:$0x3F97] =	sst s2  }
0xb: {  	[smem:$0x3F98] =	sst s3  }
0xc: {  	[smem:$0x3F99] =	sst s4  }
0xd: {  	[smem:$0x3F9A] =	sst s5  }
0xe: {  	[smem:$0x3F9B] =	sst s6  }
0xf: {  	[smem:$0x3F9C] =	sst s7  }
0x10: {  	[smem:$0x3F9D] =	sst s8  }
0x11: {  	[smem:$0x3F9E] =	sst s9;
	s0 =	simm.s32 @!p0 $0x0  }
0x12: {  	s1 =	sld [smem:$0x3F84];
	s0 =	simm.s32 @p0 $0x1  }
0x13: {  	[smem:$0x3F9F] =	sst s0;
	s0 =	simm.s32 @!p1 $0x0  }
0x14: {  	s2 =	sld [smem:$0x3F83];
	s0 =	simm.s32 @p1 $0x1  }
0x15: {  	[smem:$0x3FA0] =	sst s0;
	s0 =	simm.s32 @!p2 $0x0  }
0x16: {  	s3 =	sld [smem:$0x3FDB];
	s0 =	simm.s32 @p2 $0x1  }
0x17: {  	s4 =	simm.s32 $0x1BF5;
	[smem:$0x3FA2] =	sst s0  }
0x18: {  	s0 =	sld [smem:$0x3F85];
	_ =	swait.ge [sflag:s4], $0x0  }
0x19: {  	s7 =	sld [smem:$0x3F86]  }
0x1a: {  	s8 =	sadd.s32 $0xFFFFE003, lr  }
0x1b: {  	s9 =	sadd.s32 $0xFFFFFEF7, lr;
	s5 =	simm.s32 $0xFFFFFFFF;
	p2 =	slt.u32 s8, $0xFFFFF086  }
0x1c: {  	p1 =	slt.u32 s9, $0xF7A;
	s5 =	simm.s32 @!p2 $0x0  }
0x1d: {  	s5 =	simm.s32 @p1 $0x1;
	p0 =	seq.s32 s7, s2  }
0x1e: {  	s7 =	smul.u32 @!p0 $0xF7A, s2;
	p2 =	seq.s32 @!p0 s5, $0x0  }
0x1f: {  	s9 =	smul.u32 $0xF7A, s1;
	s8 =	simm.s32 @!p0 $0x1BF5;
	p2 =	por !p2, p0  }
0x20: {  	[sflag:s8] =	ssyncset.s32 @!p0 $0xFFFFF086;
	s6 =	sadd.s32 @!p0 s3, s7;
	s7 =	simm.s32 @!p0 $0x108  }
0x21: {  	s3 =	sadd.s32 s3, s9;
	s6 =	sadd.s32 @!p0 $0x88, s6;
	s7 =	simm.s32 @p2 $0x1082  }
0x22: {  	[simem:s7], [sflag:s8] =	dma.local @!p0 [hbm:s6], $0xF7A  }
0x23: {  	s9 =	sor.u32 $0xD0000000, s2;
	s6 =	simm.s32 $0x108;
	_ =	swait.ge @!p0 [sflag:s8], $0x0  }
0x24: {  	s3 =	sadd.s32 $0x88, s3;
	s6 =	simm.s32 @!p1 $0x1082;
	[sflag:s4] =	ssyncset.s32 $0xFFFFF086  }
0x25: {  	[simem:s6], [sflag:s4] =	dma.local [hbm:s3], $0xF7A  }
0x26: {  	[smem:$0x3F86] =	sst s1;
	(tag) =	ssettag s2;
	_ =	strace s9  }
0x27: {  	s1 =	sld [smem:$0x3F96]  }
0x28: {  	s2 =	sld [smem:$0x3F97]  }
0x29: {  	s4 =	sld [smem:$0x3F99]  }
0x2a: {  	p0 =	seq.s32 s5, $0x0;
	s5 =	sld [smem:$0x3F9A]  }
0x2b: {  	s6 =	sld [smem:$0x3F9B]  }
0x2c: {  	s7 =	sld [smem:$0x3F9C]  }
0x2d: {  	s3 =	simm.s32 $0x108;
	s8 =	sld [smem:$0x3F9D]  }
0x2e: {  	s3 =	simm.s32 @!p0 $0x1082;
	s9 =	sld [smem:$0x3F9E]  }
0x2f: {  	lr =	sadd.s32 s0, s3;
	s0 =	sld [smem:$0x3F95]  }
0x30: {  	s3 =	sld [smem:$0x3F98]  }
0x31: {  	[smem:$0x3FA1] =	sst s10  }
0x32: {  	s10 =	sld [smem:$0x3F9F];
	_ =	sdelay $0x3  }
0x33: {  	p0 =	seq.s32 s10, $0x1;
	s10 =	sld [smem:$0x3FA1];
	_ =	sdelay $0x3  }
0x34: {  	[smem:$0x3FA1] =	sst s10  }
0x35: {  	s10 =	sld [smem:$0x3FA0];
	_ =	sdelay $0x3  }
0x36: {  	p1 =	seq.s32 s10, $0x1;
	s10 =	sld [smem:$0x3FA1];
	_ =	sdelay $0x3  }
0x37: {  	[smem:$0x3FA1] =	sst s10  }
0x38: {  	s10 =	sld [smem:$0x3FA2]  }
0x39: {  	_ = 	snop;
	(pc) =	sbr.ind lr, $3  }
0x3a: {  	_ = 	snop  }
0x3b: {  	_ = 	snop  }
0x3c: {  	p2 =	seq.s32 s10, $0x1;
	s10 =	sld [smem:$0x3FA1]  }
0x3d: {  	_ =	shalt  }
0x3e: {  	_ =	shalt  }
0x3f: {  	_ =	shalt  }
0x40: {  	_ =	shalt  }
0x41: {  	_ =	shalt  }
0x42: {  	_ =	shalt  }
0x43: {  	_ =	shalt  }
0x44: {  	_ =	shalt  }
0x45: {  	_ =	shalt  }
0x46: {  	_ =	shalt  }
0x47: {  	_ =	shalt  }
0x48: {  	_ =	shalt  }
0x49: {  	_ =	shalt  }
0x4a: {  	_ =	shalt  }
0x4b: {  	_ =	shalt  }
0x4c: {  	_ =	shalt  }
0x4d: {  	_ =	shalt  }
0x4e: {  	_ =	shalt  }
0x4f: {  	_ =	shalt  }
0x50: {  	_ =	shalt  }
0x51: {  	_ =	shalt  }
0x52: {  	_ =	shalt  }
0x53: {  	_ =	shalt  }
0x54: {  	_ =	shalt  }
0x55: {  	_ =	shalt  }
0x56: {  	_ =	shalt  }
0x57: {  	_ =	shalt  }
0x58: {  	_ =	shalt  }
0x59: {  	_ =	shalt  }
0x5a: {  	_ =	shalt  }
0x5b: {  	_ =	shalt  }
0x5c: {  	_ =	shalt  }
0x5d: {  	_ =	shalt  }
0x5e: {  	_ =	shalt  }
0x5f: {  	_ =	shalt  }
0x60: {  	_ =	shalt  }
0x61: {  	_ =	shalt  }
0x62: {  	_ =	shalt  }
0x63: {  	_ =	shalt  }
0x64: {  	_ =	shalt  }
0x65: {  	_ =	shalt  }
0x66: {  	_ =	shalt  }
0x67: {  	_ =	shalt  }
0x68: {  	_ =	shalt  }
0x69: {  	_ =	shalt  }
0x6a: {  	_ =	shalt  }
0x6b: {  	_ =	shalt  }
0x6c: {  	_ =	shalt  }
0x6d: {  	_ =	shalt  }
0x6e: {  	_ =	shalt  }
0x6f: {  	_ =	shalt  }
0x70: {  	_ =	shalt  }
0x71: {  	_ =	shalt  }
0x72: {  	_ =	shalt  }
0x73: {  	_ =	shalt  }
0x74: {  	_ =	shalt  }
0x75: {  	_ =	shalt  }
0x76: {  	_ =	shalt  }
0x77: {  	_ =	shalt  }
0x78: {  	_ =	shalt  }
0x79: {  	_ =	shalt  }
0x7a: {  	_ =	shalt  }
0x7b: {  	_ =	shalt  }
0x7c: {  	_ =	shalt  }
0x7d: {  	_ =	shalt  }
0x7e: {  	_ =	shalt  }
0x7f: {  	_ =	shalt  }
0x80: {  	_ =	shalt  }
0x81: {  	_ =	shalt  }
0x82: {  	_ =	shalt  }
0x83: {  	_ =	shalt  }
0x84: {  	_ =	shalt  }
0x85: {  	_ =	shalt  }
0x86: {  	_ =	shalt  }
0x87: {  	_ =	shalt  }
.Lfunc_end0:
.L_simem_size_0:
called_computation.4_lowered:
.L_overlay_start_0:
0x88: {  	s2 =	sld [smem:$0x3FD9]  }
0x89: {  	s3 =	sld [smem:$0x3FFE];
	_ =	sdelay $0x1  }
0x8a: {  	s1 =	srdreg.scid  }
0x8b: {  	s0 =	sand.u32 $0x1, s1  }
0x8c: {  	s16 =	sshll.u32 s0, $0xA;
	s2 =	sadd.s32 s3, s2  }
0x8d: {  	s2 =	sadd.s32 s2, s16  }
0x8e: {  	[smem:$0x3FAD] =	sst s2  }
0x8f: {  	_ = 	snop  }
0x90: {  	(tm) =	ssettm $0x1  }
0x91: {  	s17 =	sld [smem:$0x3FFB];
	_ =	sdelay $0x3  }
0x92: {  	_ =	strace s17  }
0x93: {  	s2 =	sld [smem:$0x3FFC];
	_ =	sdelay $0x3  }
0x94: {  	_ =	strace s2  }
0x95: {  	s2 =	sld [smem:$0x3FFD];
	_ =	sdelay $0x3  }
0x96: {  	_ =	strace s2  }
0x97: {  	_ =	strace $0x8FFFFFFF  }
0x98: {  	s18 =	sld [smem:$0x3FDB];
	_ =	sdelay $0x1  }
0x99: {  	s19 =	simm.s32 $_scs_section_size  }
0x9a: {  	s4 =	simm.s32 $_size__tile_overlayer_lowered;
	s5 =	simm.s32 $_tile_overlayer_lowered  }
0x9b: {  	s22 =	simm.s32 $0x1BFF;
	s21 =	sshll.u32 s5, $0x1;
	s2 =	sadd.s32 s19, s18  }
0x9c: {  	s6 =	simm.s32 $0x0;
	s20 =	sshll.u32 s4, $0x1;
	s4 =	sadd.s32 s21, s2  }
0x9d: {  	[timem:s6], [sflag:s22] =	dma.local [hbm:s4], s20  }
0x9e: {  	_ =	swait.ge [sflag:s22], s20  }
0x9f: {  	s3 =	ssub.s32 $0x0, s20;
	[sflag:s22] =	ssyncset.done $0x0  }
0xa0: {  	[sflag:s22] =	ssyncadd.s32 s3;
	_ =	sdelay $0x1  }
0xa1: {  	s23 =	simm.s32 $0x1B8B  }
0xa2: {  	_ =	swait.ge [sflag:s23], $0x1  }
0xa3: {  	[sflag:s23] =	ssyncset.done $0x0  }
0xa4: {  	s25 =	simm.s32 $0x1B8E;
	s24 =	sld [smem:$0x3FFE];
	[sflag:s23] =	ssyncadd.s32 $0xFFFFFFFF  }
0xa5: {  	s26 =	simm.s32 $execute0_lowered;
	[smem:$0x3FD2] =	sst s25  }
0xa6: {  	s4 =	sshll.u32 s26, $0x1;
	_ =	strace $0x80000052;
	[dreg:$0x1] =	wrdreg $0xFFFFFFFF  }
0xa7: {  	s28 =	simm.s32 $_size_execute0_lowered;
	s2 =	sadd.s32 s2, s4;
	[dreg:$0x0] =	wrdreg $0x0  }
0xa8: {  	s4 =	sshll.u32 s28, $0x1;
	[dreg:$0x2] =	wrdreg s2  }
0xa9: {  	[dreg:$0x3] =	wrdreg s4  }
0xaa: {  	[dreg:$0x4] =	wrdreg $0xC0  }
0xab: {  	_ =	task [dreg:s6], $0x5FFFF  }
0xac: {  	[dreg:$0x1] =	wrdreg $0xFFFFFFFF  }
0xad: {  	[dreg:$0x0] =	wrdreg $0x60  }
0xae: {  	[dreg:$0x2] =	wrdreg s24  }
0xaf: {  	[dreg:$0x3] =	wrdreg $0xD0000  }
0xb0: {  	[dreg:$0x4] =	wrdreg $0x9  }
0xb1: {  	_ =	task.clear_ibuf [dreg:s6], $0x5FFFF;
	_ =	strace $0x90000052  }
0xb2: {  	s29 =	simm.s32 $0x9;
	_ =	strace $0x80000054  }
0xb3: {  	_ =	swait.ge [sflag:s29], $0x1  }
0xb4: {  	[sflag:s29] =	ssyncadd.s32 $0xFFFFFFFF  }
0xb5: {  	_ =	strace $0x90000054  }
0xb6: {  	_ =	sfence  }
0xb7: {  	s30 =	sld [smem:$0x0];
	_ =	sdelay $0x2  }
0xb8: {  	s31 =	sshll.u32 s1, $0xD;
	s1 =	sshrl.u32 s1, $0x2  }
0xb9: {  	s3 =	sand.u32 $0x4000, s31;
	s1 =	sadd.s32 s1, s30  }
0xba: {  	s0 =	sor.u32 s3, s0;
	s1 =	sshll.u32 s1, $0x11  }
0xbb: {  	s0 =	sor.u32 s1, s0  }
0xbc: {  	s0 =	sadd.s32 $0x8F2B, s0  }
0xbd: {  	[sflag:s0] =	ssyncadd.remote.s32 $0x1  }
0xbe: {  	_ =	sfence.sel $0xFFFF  }
0xbf: {  	[dreg:$0x0] =	wrdreg $0xFFFFFFFF;
	(pc) =	sbr.abs _section_cstart, $3  }
0xc0: {  	[dreg:$0x1] =	wrdreg $0xFFFFFFFF  }
0xc1: {  	_ =	task.clear_ibuf [dreg:s6], $0x2FFFF;
	_ =	strace $0x9FFFFFFF  }
0xc2: {  	(tm) =	ssettm $0x7FFFFFFF  }
0xc3: {  	_ =	shalt  }
tec
execute0_lowered:
.L_overlay_start_1:
0x0: {  	(tag) =	ssettag $0x1  }
0x1: {  	s1 =	srdreg.scid  }
0x2: {  	s0 =	stileid.u32;
	s7 =	rddreg [dreg:$0x0]  }
0x3: {  	s2 =	rddreg [dreg:$0x1];
	s3 =	simm.s32 $0x0;
	s13 =	simm.s32 $0x1  }
0x4: {  	s14 =	simm.s32 $0x2;
	s15 =	simm.s32 $0x3;
	s16 =	simm.s32 $0x7D  }
0x5: {  	s17 =	simm.s32 $0x5000;
	s18 =	simm.s32 $0x80;
	s19 =	simm.s32 $0x9000  }
0x6: {  	s20 =	simm.s32 $0x4;
	s21 =	simm.s32 $0x4F00;
	s22 =	simm.s32 $0x4F80  }
0x7: {  	s24 =	simm.s32 $0x0;
	s6 =	sand.u32 $0x1, s1;
	s5 =	smul.u32 $0x1400, s0  }
0x8: {  	s28 =	sshll.u32 s0, $0x1;
	[smem:$0x7FF] =	sst s3;
	s10 =	smul.u32 $0x28000, s0  }
0x9: {  	s23 =	sshll.u32 s0, $0x6;
	s1 =	sor.u32 s6, s28;
	s8 =	smul.u32 $0x14000, s6  }
0xa: {  	s6 =	ssub.s32 $0x2, s6;
	s4 =	smul.u32 $0x500, s1;
	s1 =	rddreg [dreg:$0x2]  }
0xb: {  	_ =	strace $0x80000053;
	s29 =	sshrl.u32 s6, $0x1;
	s30 =	sshrl.u32 s10, $0x2  }
0xc: {  	s8 =	sadd.s32 s5, s8;
	s5 =	sadd.s32 $0x55E00, s7;
	s31 =	ssub.s32 s6, s29  }
0xd: {  	s12 =	sadd.s32 s30, s2;
	s6 =	sor.u32 $0x1C03, s23;
	s23 =	sor.u32 $0x1C04, s23  }
0xe: {  	s9 =	sadd.s32 s4, s7;
	s4 =	sadd.s32 $0x58600, s7;
	s11 =	sadd.s32 s8, s7  }
0xf: {  	s10 =	smax.u32 s31, $0x1;
	s7 =	sadd.s32 $0x7200, s9;
	s8 =	sadd.s32 $0x11200, s9  }
0x10: {  	s9 =	sadd.s32 $0x1B200, s11;
	s11 =	sshrl.u32 s12, $0x3;
	s12 =	simm.s32 $0x2800  }
.LBB2_1:
0x11: {  	[spmem:s11], [sflag:s6] =	dma.local [hbm:s5], $0x1400  }
0x12: {  	[tilespmem:s3], [sflag:$0x1] =	stream.linear.gather [hbm4b:s7+s3], $0x2800, $0x38;
	[tilespmem:$0x17000] =	vst v63  }
0x13: {  	_ = 	snop  }
0x14: {  	[tilespmem:s12], [sflag:$0x2] =	stream.linear.gather [hbm4b:s8+s3], $0x2800, $0x38;
	[tilespmem:$0x17000] =	vst v63  }
0x15: {  	_ =	swait.ge [sflag:s13], $0x2800  }
0x16: {  	[sflag:s13] =	ssyncset.done $0x0  }
0x17: {  	[sflag:s13] =	ssyncadd.s32 $0xFFFFD800  }
0x18: {  	_ =	swait.ge [sflag:s14], $0x2800  }
0x19: {  	[sflag:s14] =	ssyncset.done $0x0  }
0x1a: {  	[sflag:s14] =	ssyncadd.s32 $0xFFFFD800  }
0x1b: {  	_ =	swait.ge [sflag:s15], $0x1400  }
0x1c: {  	[sflag:s15] =	ssyncset.done $0x0  }
0x1d: {  	[sflag:s15] =	ssyncadd.s32 $0xFFFFEC00  }
0x1e: {  	[bflag:$0x0] =	sbarrier.arrive $0xFFFF  }
0x1f: {  	[tilespmem:s17], [sflag:$0x1] =	stream.indirect.gather [hbm4b:s4+s16], $0x80, s3, s16, $0xb8;
	[tilespmem:$0x17000] =	vst v63  }
0x20: {  	_ = 	snop  }
0x21: {  	[tilespmem:s19], [sflag:$0x2] =	stream.indirect.gather [hbm4b:s4+s16], $0x80, s18, s16, $0xb8;
	[tilespmem:$0x17000] =	vst v63  }
0x22: {  	_ =	swait.ge [sflag:s13], $0x3E80  }
0x23: {  	[sflag:s13] =	ssyncset.done $0x0  }
0x24: {  	s25 =	simm.s32 $0x2800;
	[sflag:s13] =	ssyncadd.s32 $0xFFFFC180  }
0x25: {  	[spmem:s2] =	stream.indirect.scatter.add.f32 [tilespmem:s17], [sflag:$0x4], $0x80, s25, s16, $0xb8;
	[tilespmem:$0x17000] =	vst v63  }
0x26: {  	_ =	swait.ge [sflag:s20], $0x3E80  }
0x27: {  	[sflag:s20] =	ssyncset.done $0x0  }
0x28: {  	s30 =	simm.s32 $0x100;
	[sflag:s20] =	ssyncadd.s32 $0xFFFFC180  }
0x29: {  	[tilespmem:s17], [sflag:$0x1] =	stream.indirect.gather [hbm4b:s4+s16], $0x80, s30, s16, $0xb8;
	[tilespmem:$0x17000] =	vst v63  }
0x2a: {  	_ =	swait.ge [sflag:s14], $0x3E80  }
0x2b: {  	[sflag:s14] =	ssyncset.done $0x0  }
0x2c: {  	s31 =	simm.s32 $0x2880;
	[sflag:s14] =	ssyncadd.s32 $0xFFFFC180  }
0x2d: {  	[spmem:s2] =	stream.indirect.scatter.add.f32 [tilespmem:s19], [sflag:$0x4], $0x80, s31, s16, $0xb8;
	[tilespmem:$0x17000] =	vst v63  }
0x2e: {  	_ =	swait.ge [sflag:s20], $0x3E80  }
0x2f: {  	[sflag:s20] =	ssyncset.done $0x0  }
0x30: {  	s26 =	simm.s32 $0x180;
	s25 =	simm.s32 $0x400;
	[sflag:s20] =	ssyncadd.s32 $0xFFFFC180  }
.LBB2_2:
0x31: {  	[tilespmem:s19], [sflag:$0x2] =	stream.indirect.gather [hbm4b:s4+s16], $0x80, s26, s16, $0xb8;
	[tilespmem:$0x17000] =	vst v63  }
0x32: {  	s26 =	smov.u32 s25  }
0x33: {  	p0 =	sne.s32 s25, $0x9800;
	s25 =	sadd.s32 $0x400, s25;
	_ =	swait.ge [sflag:s13], $0x3E80  }
0x34: {  	s26 =	sshra.s32 s26, $0x2;
	[sflag:s13] =	ssyncset.done $0x0  }
0x35: {  	s28 =	sadd.s32 $0x2800, s26;
	[sflag:s13] =	ssyncadd.s32 $0xFFFFC180  }
0x36: {  	[spmem:s2] =	stream.indirect.scatter.add.f32 [tilespmem:s17], [sflag:$0x4], $0x80, s28, s16, $0xb8;
	[tilespmem:$0x17000] =	vst v63  }
0x37: {  	_ =	swait.ge [sflag:s20], $0x3E80  }
0x38: {  	[sflag:s20] =	ssyncset.done $0x0  }
0x39: {  	s28 =	sadd.s32 $0x100, s26;
	[sflag:s20] =	ssyncadd.s32 $0xFFFFC180  }
0x3a: {  	[tilespmem:s17], [sflag:$0x1] =	stream.indirect.gather [hbm4b:s4+s16], $0x80, s28, s16, $0xb8;
	[tilespmem:$0x17000] =	vst v63  }
0x3b: {  	_ =	swait.ge [sflag:s14], $0x3E80  }
0x3c: {  	[sflag:s14] =	ssyncset.done $0x0  }
.Ltmp0:
0x3d: {  	s28 =	sadd.s32 $0x2880, s26;
	[sflag:s14] =	ssyncadd.s32 $0xFFFFC180;
	(pc) =	sbr.rel @p0 .LBB2_2-.Ltmp0, $4  }
0x3e: {  	[spmem:s2] =	stream.indirect.scatter.add.f32 [tilespmem:s19], [sflag:$0x4], $0x80, s28, s16, $0xb8;
	[tilespmem:$0x17000] =	vst v63  }
0x3f: {  	_ =	swait.ge [sflag:s20], $0x3E80  }
0x40: {  	[sflag:s20] =	ssyncset.done $0x0  }
0x41: {  	s26 =	sadd.s32 $0x180, s26;
	[sflag:s20] =	ssyncadd.s32 $0xFFFFC180  }
0x42: {  	[tilespmem:s19], [sflag:$0x2] =	stream.indirect.gather [hbm4b:s4+s16], $0x80, s26, s16, $0xb8;
	[tilespmem:$0x17000] =	vst v63  }
0x43: {  	_ =	swait.ge [sflag:s13], $0x3E80  }
0x44: {  	[sflag:s13] =	ssyncset.done $0x0  }
0x45: {  	[sflag:s13] =	ssyncadd.s32 $0xFFFFC180  }
0x46: {  	[spmem:s2] =	stream.indirect.scatter.add.f32 [tilespmem:s17], [sflag:$0x4], $0x80, s21, s16, $0xb8;
	[tilespmem:$0x17000] =	vst v63  }
0x47: {  	_ =	swait.ge [sflag:s20], $0x3E80  }
0x48: {  	[sflag:s20] =	ssyncset.done $0x0  }
0x49: {  	[sflag:s20] =	ssyncadd.s32 $0xFFFFC180  }
0x4a: {  	_ =	swait.ge [sflag:s14], $0x3E80  }
0x4b: {  	[sflag:s14] =	ssyncset.done $0x0  }
0x4c: {  	[sflag:s14] =	ssyncadd.s32 $0xFFFFC180  }
0x4d: {  	[spmem:s2] =	stream.indirect.scatter.add.f32 [tilespmem:s19], [sflag:$0x4], $0x80, s22, s16, $0xb8;
	[tilespmem:$0x17000] =	vst v63  }
0x4e: {  	_ =	swait.ge [sflag:s20], $0x3E80  }
0x4f: {  	s24 =	sadd.s32 $0x1, s24;
	[sflag:s20] =	ssyncset.done $0x0  }
0x50: {  	p0 =	sne.s32 s24, s10;
	[sflag:s20] =	ssyncadd.s32 $0xFFFFC180  }
.Ltmp1:
0x51: {  	[bflag:$0x0] =	sbarrier.arrive $0xFFFF;
	(pc) =	sbr.rel @p0 .LBB2_1-.Ltmp1, $4  }
0x52: {  	[hbm:s9], [sflag:s23] =	dma.local [spmem:s11], $0x1400  }
0x53: {  	_ =	swait.ge [sflag:s20], $0x1400  }
0x54: {  	[sflag:s20] =	ssyncset.done $0x0  }
0x55: {  	[sflag:s20] =	ssyncadd.s32 $0xFFFFEC00  }
0x56: {  	_ =	sfence.sel $0x180000  }
0x57: {  	[bflag:$0x0] =	sbarrier.arrive $0xFFFF  }
0x58: {  	p0 =	sne.s32 s0, $0x0;
	_ =	strace $0x90000053  }
0x59: {  	s0 =	sadd.s32 @!p0 $0x100000, s1;
	[bflag:$0x2] =	sbarrier.arrive $0xFFFF  }
0x5a: {  	[sflag:s0] =	ssyncadd.tile.s32 @!p0 $0x1;
	_ =	shalt  }
.Lfunc_end2:
_tile_overlayer_lowered:
.L_overlay_start_2:
0x5b: {  	(tag) =	ssettag $0x2  }
0x5c: {  	s0 =	rddreg [dreg:$0x0];
	s2 =	stileid.u32  }
0x5d: {  	s1 =	rddreg [dreg:$0x1];
	p0 =	sne.s32 s2, $0x0  }
0x5e: {  	s3 =	rddreg [dreg:$0x2];
	[bflag:$0x3] =	sbarrier.arrive $0xFFFF;
	s2 =	simm.s32 @!p0 $0x1C04  }
0x5f: {  	[timem:s3], [sflag:s2] =	dma.local @!p0 [hbm:s0], s1  }
0x60: {  	s0 =	simm.s32 @!p0 $0x4  }
0x61: {  	_ =	swait.ge @!p0 [sflag:s0], s1  }
0x62: {  	s1 =	ssub.s32 @!p0 $0x0, s1;
	[sflag:s0] =	ssyncset.done @!p0 $0x0  }
0x63: {  	[sflag:s0] =	ssyncadd.s32 @!p0 s1  }
0x64: {  	[bflag:$0x3] =	sbarrier.arrive $0xFFFF  }
0x65: {  	_ =	shalt  }

// kernel: kernel.30.cloned.1.call-start
scs
__scs_entry_jumppad:
0x0: {  	(pc) =	sbr.rel $0x88, $3  }
0x1: {  	(tag) =	ssettag $0x0;
	lr =	simm.s32 $0x1  }
0x2: {  	[smem:$0x3F86] =	sst lr;
	_ =	strace $0xD0000000  }
0x3: {  	_ = 	snop  }
0x4: {  	_ = 	snop  }
0x5: {  	_ = 	snop  }
0x6: {  	_ = 	snop  }
0x7: {  	_ = 	snop  }
__scs_overlays_trampoline_lowered:
0x8: {  	[smem:$0x3F95] =	sst s0  }
0x9: {  	[smem:$0x3F96] =	sst s1  }
0xa: {  	[smem:$0x3F97] =	sst s2  }
0xb: {  	[smem:$0x3F98] =	sst s3  }
0xc: {  	[smem:$0x3F99] =	sst s4  }
0xd: {  	[smem:$0x3F9A] =	sst s5  }
0xe: {  	[smem:$0x3F9B] =	sst s6  }
0xf: {  	[smem:$0x3F9C] =	sst s7  }
0x10: {  	[smem:$0x3F9D] =	sst s8  }
0x11: {  	[smem:$0x3F9E] =	sst s9;
	s0 =	simm.s32 @!p0 $0x0  }
0x12: {  	s1 =	sld [smem:$0x3F84];
	s0 =	simm.s32 @p0 $0x1  }
0x13: {  	[smem:$0x3F9F] =	sst s0;
	s0 =	simm.s32 @!p1 $0x0  }
0x14: {  	s2 =	sld [smem:$0x3F83];
	s0 =	simm.s32 @p1 $0x1  }
0x15: {  	[smem:$0x3FA0] =	sst s0;
	s0 =	simm.s32 @!p2 $0x0  }
0x16: {  	s3 =	sld [smem:$0x3FDB];
	s0 =	simm.s32 @p2 $0x1  }
0x17: {  	s4 =	simm.s32 $0x1BF5;
	[smem:$0x3FA2] =	sst s0  }
0x18: {  	s0 =	sld [smem:$0x3F85];
	_ =	swait.ge [sflag:s4], $0x0  }
0x19: {  	s7 =	sld [smem:$0x3F86]  }
0x1a: {  	s8 =	sadd.s32 $0xFFFFE003, lr  }
0x1b: {  	s9 =	sadd.s32 $0xFFFFFEF7, lr;
	s5 =	simm.s32 $0xFFFFFFFF;
	p2 =	slt.u32 s8, $0xFFFFF086  }
0x1c: {  	p1 =	slt.u32 s9, $0xF7A;
	s5 =	simm.s32 @!p2 $0x0  }
0x1d: {  	s5 =	simm.s32 @p1 $0x1;
	p0 =	seq.s32 s7, s2  }
0x1e: {  	s7 =	smul.u32 @!p0 $0xF7A, s2;
	p2 =	seq.s32 @!p0 s5, $0x0  }
0x1f: {  	s9 =	smul.u32 $0xF7A, s1;
	s8 =	simm.s32 @!p0 $0x1BF5;
	p2 =	por !p2, p0  }
0x20: {  	[sflag:s8] =	ssyncset.s32 @!p0 $0xFFFFF086;
	s6 =	sadd.s32 @!p0 s3, s7;
	s7 =	simm.s32 @!p0 $0x108  }
0x21: {  	s3 =	sadd.s32 s3, s9;
	s6 =	sadd.s32 @!p0 $0x88, s6;
	s7 =	simm.s32 @p2 $0x1082  }
0x22: {  	[simem:s7], [sflag:s8] =	dma.local @!p0 [hbm:s6], $0xF7A  }
0x23: {  	s9 =	sor.u32 $0xD0000000, s2;
	s6 =	simm.s32 $0x108;
	_ =	swait.ge @!p0 [sflag:s8], $0x0  }
0x24: {  	s3 =	sadd.s32 $0x88, s3;
	s6 =	simm.s32 @!p1 $0x1082;
	[sflag:s4] =	ssyncset.s32 $0xFFFFF086  }
0x25: {  	[simem:s6], [sflag:s4] =	dma.local [hbm:s3], $0xF7A  }
0x26: {  	[smem:$0x3F86] =	sst s1;
	(tag) =	ssettag s2;
	_ =	strace s9  }
0x27: {  	s1 =	sld [smem:$0x3F96]  }
0x28: {  	s2 =	sld [smem:$0x3F97]  }
0x29: {  	s4 =	sld [smem:$0x3F99]  }
0x2a: {  	p0 =	seq.s32 s5, $0x0;
	s5 =	sld [smem:$0x3F9A]  }
0x2b: {  	s6 =	sld [smem:$0x3F9B]  }
0x2c: {  	s7 =	sld [smem:$0x3F9C]  }
0x2d: {  	s3 =	simm.s32 $0x108;
	s8 =	sld [smem:$0x3F9D]  }
0x2e: {  	s3 =	simm.s32 @!p0 $0x1082;
	s9 =	sld [smem:$0x3F9E]  }
0x2f: {  	lr =	sadd.s32 s0, s3;
	s0 =	sld [smem:$0x3F95]  }
0x30: {  	s3 =	sld [smem:$0x3F98]  }
0x31: {  	[smem:$0x3FA1] =	sst s10  }
0x32: {  	s10 =	sld [smem:$0x3F9F];
	_ =	sdelay $0x3  }
0x33: {  	p0 =	seq.s32 s10, $0x1;
	s10 =	sld [smem:$0x3FA1];
	_ =	sdelay $0x3  }
0x34: {  	[smem:$0x3FA1] =	sst s10  }
0x35: {  	s10 =	sld [smem:$0x3FA0];
	_ =	sdelay $0x3  }
0x36: {  	p1 =	seq.s32 s10, $0x1;
	s10 =	sld [smem:$0x3FA1];
	_ =	sdelay $0x3  }
0x37: {  	[smem:$0x3FA1] =	sst s10  }
0x38: {  	s10 =	sld [smem:$0x3FA2]  }
0x39: {  	_ = 	snop;
	(pc) =	sbr.ind lr, $3  }
0x3a: {  	_ = 	snop  }
0x3b: {  	_ = 	snop  }
0x3c: {  	p2 =	seq.s32 s10, $0x1;
	s10 =	sld [smem:$0x3FA1]  }
0x3d: {  	_ =	shalt  }
0x3e: {  	_ =	shalt  }
0x3f: {  	_ =	shalt  }
0x40: {  	_ =	shalt  }
0x41: {  	_ =	shalt  }
0x42: {  	_ =	shalt  }
0x43: {  	_ =	shalt  }
0x44: {  	_ =	shalt  }
0x45: {  	_ =	shalt  }
0x46: {  	_ =	shalt  }
0x47: {  	_ =	shalt  }
0x48: {  	_ =	shalt  }
0x49: {  	_ =	shalt  }
0x4a: {  	_ =	shalt  }
0x4b: {  	_ =	shalt  }
0x4c: {  	_ =	shalt  }
0x4d: {  	_ =	shalt  }
0x4e: {  	_ =	shalt  }
0x4f: {  	_ =	shalt  }
0x50: {  	_ =	shalt  }
0x51: {  	_ =	shalt  }
0x52: {  	_ =	shalt  }
0x53: {  	_ =	shalt  }
0x54: {  	_ =	shalt  }
0x55: {  	_ =	shalt  }
0x56: {  	_ =	shalt  }
0x57: {  	_ =	shalt  }
0x58: {  	_ =	shalt  }
0x59: {  	_ =	shalt  }
0x5a: {  	_ =	shalt  }
0x5b: {  	_ =	shalt  }
0x5c: {  	_ =	shalt  }
0x5d: {  	_ =	shalt  }
0x5e: {  	_ =	shalt  }
0x5f: {  	_ =	shalt  }
0x60: {  	_ =	shalt  }
0x61: {  	_ =	shalt  }
0x62: {  	_ =	shalt  }
0x63: {  	_ =	shalt  }
0x64: {  	_ =	shalt  }
0x65: {  	_ =	shalt  }
0x66: {  	_ =	shalt  }
0x67: {  	_ =	shalt  }
0x68: {  	_ =	shalt  }
0x69: {  	_ =	shalt  }
0x6a: {  	_ =	shalt  }
0x6b: {  	_ =	shalt  }
0x6c: {  	_ =	shalt  }
0x6d: {  	_ =	shalt  }
0x6e: {  	_ =	shalt  }
0x6f: {  	_ =	shalt  }
0x70: {  	_ =	shalt  }
0x71: {  	_ =	shalt  }
0x72: {  	_ =	shalt  }
0x73: {  	_ =	shalt  }
0x74: {  	_ =	shalt  }
0x75: {  	_ =	shalt  }
0x76: {  	_ =	shalt  }
0x77: {  	_ =	shalt  }
0x78: {  	_ =	shalt  }
0x79: {  	_ =	shalt  }
0x7a: {  	_ =	shalt  }
0x7b: {  	_ =	shalt  }
0x7c: {  	_ =	shalt  }
0x7d: {  	_ =	shalt  }
0x7e: {  	_ =	shalt  }
0x7f: {  	_ =	shalt  }
0x80: {  	_ =	shalt  }
0x81: {  	_ =	shalt  }
0x82: {  	_ =	shalt  }
0x83: {  	_ =	shalt  }
0x84: {  	_ =	shalt  }
0x85: {  	_ =	shalt  }
0x86: {  	_ =	shalt  }
0x87: {  	_ =	shalt  }
.Lfunc_end0:
.L_simem_size_0:
called_computation.5_lowered:
.L_overlay_start_0:
0x88: {  	s2 =	sld [smem:$0x3FD9]  }
0x89: {  	s3 =	sld [smem:$0x3FFE];
	_ =	sdelay $0x1  }
0x8a: {  	s1 =	srdreg.scid  }
0x8b: {  	s0 =	sand.u32 $0x1, s1  }
0x8c: {  	s16 =	sshll.u32 s0, $0xA;
	s2 =	sadd.s32 s3, s2  }
0x8d: {  	s2 =	sadd.s32 s2, s16  }
0x8e: {  	[smem:$0x3FAD] =	sst s2  }
0x8f: {  	_ = 	snop  }
0x90: {  	(tm) =	ssettm $0x1  }
0x91: {  	s17 =	sld [smem:$0x3FFB];
	_ =	sdelay $0x3  }
0x92: {  	_ =	strace s17  }
0x93: {  	s2 =	sld [smem:$0x3FFC];
	_ =	sdelay $0x3  }
0x94: {  	_ =	strace s2  }
0x95: {  	s2 =	sld [smem:$0x3FFD];
	_ =	sdelay $0x3  }
0x96: {  	_ =	strace s2  }
0x97: {  	_ =	strace $0x8FFFFFFF  }
0x98: {  	s18 =	sld [smem:$0x3FDB];
	_ =	sdelay $0x1  }
0x99: {  	s19 =	simm.s32 $_scs_section_size  }
0x9a: {  	s4 =	simm.s32 $_size__tile_overlayer_lowered;
	s5 =	simm.s32 $_tile_overlayer_lowered  }
0x9b: {  	s22 =	simm.s32 $0x1BFF;
	s21 =	sshll.u32 s5, $0x1;
	s2 =	sadd.s32 s19, s18  }
0x9c: {  	s6 =	simm.s32 $0x0;
	s20 =	sshll.u32 s4, $0x1;
	s4 =	sadd.s32 s21, s2  }
0x9d: {  	[timem:s6], [sflag:s22] =	dma.local [hbm:s4], s20  }
0x9e: {  	_ =	swait.ge [sflag:s22], s20  }
0x9f: {  	s3 =	ssub.s32 $0x0, s20;
	[sflag:s22] =	ssyncset.done $0x0  }
0xa0: {  	[sflag:s22] =	ssyncadd.s32 s3;
	_ =	sdelay $0x1  }
0xa1: {  	s23 =	simm.s32 $0x1B8B  }
0xa2: {  	_ =	swait.ge [sflag:s23], $0x1  }
0xa3: {  	[sflag:s23] =	ssyncset.done $0x0  }
0xa4: {  	s25 =	simm.s32 $0x1B8E;
	s24 =	sld [smem:$0x3FFE];
	[sflag:s23] =	ssyncadd.s32 $0xFFFFFFFF  }
0xa5: {  	s26 =	simm.s32 $execute0_lowered;
	[smem:$0x3FD2] =	sst s25  }
0xa6: {  	s4 =	sshll.u32 s26, $0x1;
	_ =	strace $0x80000055;
	[dreg:$0x1] =	wrdreg $0xFFFFFFFF  }
0xa7: {  	s28 =	simm.s32 $_size_execute0_lowered;
	s2 =	sadd.s32 s2, s4;
	[dreg:$0x0] =	wrdreg $0x0  }
0xa8: {  	s4 =	sshll.u32 s28, $0x1;
	[dreg:$0x2] =	wrdreg s2  }
0xa9: {  	[dreg:$0x3] =	wrdreg s4  }
0xaa: {  	[dreg:$0x4] =	wrdreg $0xC0  }
0xab: {  	_ =	task [dreg:s6], $0x5FFFF  }
0xac: {  	[dreg:$0x1] =	wrdreg $0xFFFFFFFF  }
0xad: {  	[dreg:$0x0] =	wrdreg $0x60  }
0xae: {  	[dreg:$0x2] =	wrdreg s24  }
0xaf: {  	[dreg:$0x3] =	wrdreg $0xA8000  }
0xb0: {  	[dreg:$0x4] =	wrdreg $0x9  }
0xb1: {  	_ =	task.clear_ibuf [dreg:s6], $0x5FFFF;
	_ =	strace $0x90000055  }
0xb2: {  	s29 =	simm.s32 $0x9;
	_ =	strace $0x80000057  }
0xb3: {  	_ =	swait.ge [sflag:s29], $0x1  }
0xb4: {  	[sflag:s29] =	ssyncadd.s32 $0xFFFFFFFF  }
0xb5: {  	_ =	strace $0x90000057  }
0xb6: {  	_ =	sfence  }
0xb7: {  	s30 =	sld [smem:$0x0];
	_ =	sdelay $0x2  }
0xb8: {  	s31 =	sshll.u32 s1, $0xD;
	s1 =	sshrl.u32 s1, $0x2  }
0xb9: {  	s3 =	sand.u32 $0x4000, s31;
	s1 =	sadd.s32 s1, s30  }
0xba: {  	s0 =	sor.u32 s3, s0;
	s1 =	sshll.u32 s1, $0x11  }
0xbb: {  	s0 =	sor.u32 s1, s0  }
0xbc: {  	s0 =	sadd.s32 $0x8F2B, s0  }
0xbd: {  	[sflag:s0] =	ssyncadd.remote.s32 $0x1  }
0xbe: {  	_ =	sfence.sel $0xFFFF  }
0xbf: {  	[dreg:$0x0] =	wrdreg $0xFFFFFFFF;
	(pc) =	sbr.abs _section_cstart, $3  }
0xc0: {  	[dreg:$0x1] =	wrdreg $0xFFFFFFFF  }
0xc1: {  	_ =	task.clear_ibuf [dreg:s6], $0x2FFFF;
	_ =	strace $0x9FFFFFFF  }
0xc2: {  	(tm) =	ssettm $0x7FFFFFFF  }
0xc3: {  	_ =	shalt  }
tec
execute0_lowered:
.L_overlay_start_1:
0x0: {  	(tag) =	ssettag $0x1  }
0x1: {  	s6 =	rddreg [dreg:$0x0]  }
0x2: {  	s2 =	rddreg [dreg:$0x1]  }
0x3: {  	s0 =	rddreg [dreg:$0x2]  }
0x4: {  	s3 =	simm.s32 $0x0;
	s4 =	srdreg.scid;
	s1 =	stileid.u32  }
0x5: {  	s16 =	simm.s32 $0x1;
	s17 =	simm.s32 $0x2;
	s18 =	simm.s32 $0x3  }
0x6: {  	s19 =	simm.s32 $0x7D;
	s20 =	simm.s32 $0x2800;
	s21 =	simm.s32 $0x80  }
0x7: {  	s22 =	simm.s32 $0x6800;
	s23 =	simm.s32 $0x4;
	s24 =	simm.s32 $0x2700  }
0x8: {  	[smem:$0x7FF] =	sst s3;
	s7 =	sand.u32 $0x1, s4;
	s8 =	smul.u32 $0x2780, s1  }
0x9: {  	s10 =	sadd.s32 $0x99C00, s6;
	s11 =	sadd.s32 $0x8FC00, s6;
	s4 =	sadd.s32 $0x58600, s6  }
0xa: {  	s5 =	sadd.s32 $0x55E00, s6;
	s25 =	sshll.u32 s1, $0x2;
	s13 =	smul.u32 $0x4F000, s1  }
0xb: {  	s9 =	smul.u32 $0x27800, s7;
	s12 =	sshll.u32 s7, $0x1;
	s7 =	ssub.s32 $0x2, s7  }
0xc: {  	_ =	strace $0x80000056;
	s28 =	sshrl.u32 s7, $0x1;
	s30 =	sshrl.u32 s13, $0x2  }
0xd: {  	s8 =	sadd.s32 s8, s9;
	s9 =	sor.u32 s12, s25;
	s14 =	ssub.s32 s7, s28  }
0xe: {  	s15 =	sadd.s32 s30, s2;
	s25 =	simm.s32 $0x2780;
	s29 =	smul.u32 $0x1400, s9  }
0xf: {  	s26 =	sadd.s32 s8, s6;
	s9 =	smul.u32 $0x280, s9;
	s6 =	sshll.u32 s1, $0x6  }
0x10: {  	s7 =	sor.u32 $0x1C03, s6;
	s12 =	sadd.s32 $0xA3C00, s26;
	s31 =	sshrl.u32 s29, $0x3  }
0x11: {  	s26 =	simm.s32 $0x0;
	s8 =	sadd.s32 s10, s9;
	s13 =	sadd.s32 $0x280, s31  }
0x12: {  	s9 =	sadd.s32 s11, s9;
	s10 =	sadd.s32 s10, s13;
	s11 =	sadd.s32 s11, s13  }
0x13: {  	s13 =	smax.u32 s14, $0x1;
	s14 =	sshrl.u32 s15, $0x3;
	s15 =	simm.s32 $0x1400  }
.LBB2_1:
0x14: {  	[spmem:s14], [sflag:s7] =	dma.local [hbm:s5], $0x2780  }
0x15: {  	[tilespmem:s3], [sflag:$0x1] =	stream.linear.gather [hbm4b:s8+s3], $0x1400, $0x38;
	[tilespmem:$0x1E400] =	vst v63  }
0x16: {  	_ = 	snop  }
0x17: {  	[tilespmem:s15], [sflag:$0x2] =	stream.linear.gather [hbm4b:s9+s3], $0x1400, $0x38;
	[tilespmem:$0x1E400] =	vst v63  }
0x18: {  	_ =	swait.ge [sflag:s16], $0x1400  }
0x19: {  	[sflag:s16] =	ssyncset.done $0x0  }
0x1a: {  	[sflag:s16] =	ssyncadd.s32 $0xFFFFEC00  }
0x1b: {  	_ =	swait.ge [sflag:s17], $0x1400  }
0x1c: {  	[sflag:s17] =	ssyncset.done $0x0  }
0x1d: {  	[sflag:s17] =	ssyncadd.s32 $0xFFFFEC00  }
0x1e: {  	_ =	swait.ge [sflag:s18], $0x2780  }
0x1f: {  	[sflag:s18] =	ssyncset.done $0x0  }
0x20: {  	[sflag:s18] =	ssyncadd.s32 $0xFFFFD880  }
0x21: {  	[bflag:$0x0] =	sbarrier.arrive $0xFFFF  }
0x22: {  	[tilespmem:s20], [sflag:$0x1] =	stream.indirect.gather [hbm4b:s4+s19], $0x80, s3, s19, $0xb8;
	[tilespmem:$0x1E400] =	vst v63  }
0x23: {  	_ = 	snop  }
0x24: {  	[tilespmem:s22], [sflag:$0x2] =	stream.indirect.gather [hbm4b:s4+s19], $0x80, s21, s19, $0xb8;
	[tilespmem:$0x1E400] =	vst v63  }
0x25: {  	_ =	swait.ge [sflag:s16], $0x3E80  }
0x26: {  	[sflag:s16] =	ssyncset.done $0x0  }
0x27: {  	s28 =	simm.s32 $0x1400;
	[sflag:s16] =	ssyncadd.s32 $0xFFFFC180  }
0x28: {  	[spmem:s2] =	stream.indirect.scatter.add.f32 [tilespmem:s20], [sflag:$0x4], $0x80, s28, s19, $0xb8;
	[tilespmem:$0x1E400] =	vst v63  }
0x29: {  	_ =	swait.ge [sflag:s23], $0x3E80  }
0x2a: {  	[sflag:s23] =	ssyncset.done $0x0  }
0x2b: {  	s28 =	simm.s32 $0x100;
	[sflag:s23] =	ssyncadd.s32 $0xFFFFC180  }
0x2c: {  	[tilespmem:s20], [sflag:$0x1] =	stream.indirect.gather [hbm4b:s4+s19], $0x80, s28, s19, $0xb8;
	[tilespmem:$0x1E400] =	vst v63  }
0x2d: {  	_ =	swait.ge [sflag:s17], $0x3E80  }
0x2e: {  	[sflag:s17] =	ssyncset.done $0x0  }
0x2f: {  	s28 =	simm.s32 $0x1480;
	[sflag:s17] =	ssyncadd.s32 $0xFFFFC180  }
0x30: {  	[spmem:s2] =	stream.indirect.scatter.add.f32 [tilespmem:s22], [sflag:$0x4], $0x80, s28, s19, $0xb8;
	[tilespmem:$0x1E400] =	vst v63  }
0x31: {  	_ =	swait.ge [sflag:s23], $0x3E80  }
0x32: {  	[sflag:s23] =	ssyncset.done $0x0  }
0x33: {  	s29 =	simm.s32 $0x180;
	s28 =	simm.s32 $0x400;
	[sflag:s23] =	ssyncadd.s32 $0xFFFFC180  }
.LBB2_2:
0x34: {  	[tilespmem:s22], [sflag:$0x2] =	stream.indirect.gather [hbm4b:s4+s19], $0x80, s29, s19, $0xb8;
	[tilespmem:$0x1E400] =	vst v63  }
0x35: {  	s29 =	smov.u32 s28  }
0x36: {  	p0 =	sne.s32 s28, $0x4800;
	s28 =	sadd.s32 $0x400, s28;
	_ =	swait.ge [sflag:s16], $0x3E80  }
0x37: {  	s29 =	sshra.s32 s29, $0x2;
	[sflag:s16] =	ssyncset.done $0x0  }
0x38: {  	s30 =	sadd.s32 $0x1400, s29;
	[sflag:s16] =	ssyncadd.s32 $0xFFFFC180  }
0x39: {  	[spmem:s2] =	stream.indirect.scatter.add.f32 [tilespmem:s20], [sflag:$0x4], $0x80, s30, s19, $0xb8;
	[tilespmem:$0x1E400] =	vst v63  }
0x3a: {  	_ =	swait.ge [sflag:s23], $0x3E80  }
0x3b: {  	[sflag:s23] =	ssyncset.done $0x0  }
0x3c: {  	s30 =	sadd.s32 $0x100, s29;
	[sflag:s23] =	ssyncadd.s32 $0xFFFFC180  }
0x3d: {  	[tilespmem:s20], [sflag:$0x1] =	stream.indirect.gather [hbm4b:s4+s19], $0x80, s30, s19, $0xb8;
	[tilespmem:$0x1E400] =	vst v63  }
0x3e: {  	_ =	swait.ge [sflag:s17], $0x3E80  }
0x3f: {  	[sflag:s17] =	ssyncset.done $0x0  }
.Ltmp0:
0x40: {  	s30 =	sadd.s32 $0x1480, s29;
	[sflag:s17] =	ssyncadd.s32 $0xFFFFC180;
	(pc) =	sbr.rel @p0 .LBB2_2-.Ltmp0, $4  }
0x41: {  	[spmem:s2] =	stream.indirect.scatter.add.f32 [tilespmem:s22], [sflag:$0x4], $0x80, s30, s19, $0xb8;
	[tilespmem:$0x1E400] =	vst v63  }
0x42: {  	_ =	swait.ge [sflag:s23], $0x3E80  }
0x43: {  	[sflag:s23] =	ssyncset.done $0x0  }
0x44: {  	s29 =	sadd.s32 $0x180, s29;
	[sflag:s23] =	ssyncadd.s32 $0xFFFFC180  }
0x45: {  	[tilespmem:s22], [sflag:$0x2] =	stream.indirect.gather [hbm4b:s4+s19], $0x80, s29, s19, $0xb8;
	[tilespmem:$0x1E400] =	vst v63  }
0x46: {  	_ =	swait.ge [sflag:s16], $0x3E80  }
0x47: {  	[sflag:s16] =	ssyncset.done $0x0  }
0x48: {  	[sflag:s16] =	ssyncadd.s32 $0xFFFFC180  }
0x49: {  	[spmem:s2] =	stream.indirect.scatter.add.f32 [tilespmem:s20], [sflag:$0x4], $0x80, s24, s19, $0xb8;
	[tilespmem:$0x1E400] =	vst v63  }
0x4a: {  	_ =	swait.ge [sflag:s23], $0x3E80  }
0x4b: {  	[sflag:s23] =	ssyncset.done $0x0  }
0x4c: {  	[sflag:s23] =	ssyncadd.s32 $0xFFFFC180  }
0x4d: {  	_ =	swait.ge [sflag:s17], $0x3E80  }
0x4e: {  	[sflag:s17] =	ssyncset.done $0x0  }
0x4f: {  	[sflag:s17] =	ssyncadd.s32 $0xFFFFC180  }
0x50: {  	[spmem:s2] =	stream.indirect.scatter.add.f32 [tilespmem:s22], [sflag:$0x4], $0x80, s25, s19, $0xb8;
	[tilespmem:$0x1E400] =	vst v63  }
0x51: {  	_ =	swait.ge [sflag:s23], $0x3E80  }
0x52: {  	[sflag:s23] =	ssyncset.done $0x0  }
0x53: {  	s28 =	simm.s32 $0x0;
	[sflag:s23] =	ssyncadd.s32 $0xFFFFC180  }
0x54: {  	[tilespmem:s28], [sflag:$0x4] =	stream.linear.gather [hbm4b:s10+s28], $0x1400, $0x38;
	[tilespmem:$0x1E400] =	vst v63  }
0x55: {  	_ =	swait.ge [sflag:s23], $0x1400  }
0x56: {  	[sflag:s23] =	ssyncset.done $0x0  }
0x57: {  	[sflag:s23] =	ssyncadd.s32 $0xFFFFEC00  }
0x58: {  	[tilespmem:s15], [sflag:$0x4] =	stream.linear.gather [hbm4b:s11+s28], $0x1400, $0x38;
	[tilespmem:$0x1E400] =	vst v63  }
0x59: {  	_ =	swait.ge [sflag:s23], $0x1400  }
0x5a: {  	[sflag:s23] =	ssyncset.done $0x0  }
0x5b: {  	[sflag:s23] =	ssyncadd.s32 $0xFFFFEC00  }
0x5c: {  	[tilespmem:s20], [sflag:$0x1] =	stream.indirect.gather [hbm4b:s4+s19], $0x80, s28, s19, $0xb8;
	[tilespmem:$0x1E400] =	vst v63  }
0x5d: {  	_ = 	snop  }
0x5e: {  	[tilespmem:s22], [sflag:$0x2] =	stream.indirect.gather [hbm4b:s4+s19], $0x80, s21, s19, $0xb8;
	[tilespmem:$0x1E400] =	vst v63  }
0x5f: {  	_ =	swait.ge [sflag:s16], $0x3E80  }
0x60: {  	[sflag:s16] =	ssyncset.done $0x0  }
0x61: {  	s28 =	simm.s32 $0x1400;
	[sflag:s16] =	ssyncadd.s32 $0xFFFFC180  }
0x62: {  	[spmem:s2] =	stream.indirect.scatter.add.f32 [tilespmem:s20], [sflag:$0x4], $0x80, s28, s19, $0xb8;
	[tilespmem:$0x1E400] =	vst v63  }
0x63: {  	_ =	swait.ge [sflag:s23], $0x3E80  }
0x64: {  	[sflag:s23] =	ssyncset.done $0x0  }
0x65: {  	s28 =	simm.s32 $0x100;
	[sflag:s23] =	ssyncadd.s32 $0xFFFFC180  }
0x66: {  	[tilespmem:s20], [sflag:$0x1] =	stream.indirect.gather [hbm4b:s4+s19], $0x80, s28, s19, $0xb8;
	[tilespmem:$0x1E400] =	vst v63  }
0x67: {  	_ =	swait.ge [sflag:s17], $0x3E80  }
0x68: {  	[sflag:s17] =	ssyncset.done $0x0  }
0x69: {  	s28 =	simm.s32 $0x1480;
	[sflag:s17] =	ssyncadd.s32 $0xFFFFC180  }
0x6a: {  	[spmem:s2] =	stream.indirect.scatter.add.f32 [tilespmem:s22], [sflag:$0x4], $0x80, s28, s19, $0xb8;
	[tilespmem:$0x1E400] =	vst v63  }
0x6b: {  	_ =	swait.ge [sflag:s23], $0x3E80  }
0x6c: {  	[sflag:s23] =	ssyncset.done $0x0  }
0x6d: {  	s29 =	simm.s32 $0x180;
	s28 =	simm.s32 $0x400;
	[sflag:s23] =	ssyncadd.s32 $0xFFFFC180  }
.LBB2_4:
0x6e: {  	[tilespmem:s22], [sflag:$0x2] =	stream.indirect.gather [hbm4b:s4+s19], $0x80, s29, s19, $0xb8;
	[tilespmem:$0x1E400] =	vst v63  }
0x6f: {  	s29 =	smov.u32 s28  }
0x70: {  	p0 =	sne.s32 s28, $0x4800;
	s28 =	sadd.s32 $0x400, s28;
	_ =	swait.ge [sflag:s16], $0x3E80  }
0x71: {  	s29 =	sshra.s32 s29, $0x2;
	[sflag:s16] =	ssyncset.done $0x0  }
0x72: {  	s30 =	sadd.s32 $0x1400, s29;
	[sflag:s16] =	ssyncadd.s32 $0xFFFFC180  }
0x73: {  	[spmem:s2] =	stream.indirect.scatter.add.f32 [tilespmem:s20], [sflag:$0x4], $0x80, s30, s19, $0xb8;
	[tilespmem:$0x1E400] =	vst v63  }
0x74: {  	_ =	swait.ge [sflag:s23], $0x3E80  }
0x75: {  	[sflag:s23] =	ssyncset.done $0x0  }
0x76: {  	s30 =	sadd.s32 $0x100, s29;
	[sflag:s23] =	ssyncadd.s32 $0xFFFFC180  }
0x77: {  	[tilespmem:s20], [sflag:$0x1] =	stream.indirect.gather [hbm4b:s4+s19], $0x80, s30, s19, $0xb8;
	[tilespmem:$0x1E400] =	vst v63  }
0x78: {  	_ =	swait.ge [sflag:s17], $0x3E80  }
0x79: {  	[sflag:s17] =	ssyncset.done $0x0  }
.Ltmp1:
0x7a: {  	s30 =	sadd.s32 $0x1480, s29;
	[sflag:s17] =	ssyncadd.s32 $0xFFFFC180;
	(pc) =	sbr.rel @p0 .LBB2_4-.Ltmp1, $4  }
0x7b: {  	[spmem:s2] =	stream.indirect.scatter.add.f32 [tilespmem:s22], [sflag:$0x4], $0x80, s30, s19, $0xb8;
	[tilespmem:$0x1E400] =	vst v63  }
0x7c: {  	_ =	swait.ge [sflag:s23], $0x3E80  }
0x7d: {  	[sflag:s23] =	ssyncset.done $0x0  }
0x7e: {  	s29 =	sadd.s32 $0x180, s29;
	[sflag:s23] =	ssyncadd.s32 $0xFFFFC180  }
0x7f: {  	[tilespmem:s22], [sflag:$0x2] =	stream.indirect.gather [hbm4b:s4+s19], $0x80, s29, s19, $0xb8;
	[tilespmem:$0x1E400] =	vst v63  }
0x80: {  	_ =	swait.ge [sflag:s16], $0x3E80  }
0x81: {  	[sflag:s16] =	ssyncset.done $0x0  }
0x82: {  	[sflag:s16] =	ssyncadd.s32 $0xFFFFC180  }
0x83: {  	[spmem:s2] =	stream.indirect.scatter.add.f32 [tilespmem:s20], [sflag:$0x4], $0x80, s24, s19, $0xb8;
	[tilespmem:$0x1E400] =	vst v63  }
0x84: {  	_ =	swait.ge [sflag:s23], $0x3E80  }
0x85: {  	[sflag:s23] =	ssyncset.done $0x0  }
0x86: {  	[sflag:s23] =	ssyncadd.s32 $0xFFFFC180  }
0x87: {  	_ =	swait.ge [sflag:s17], $0x3E80  }
0x88: {  	[sflag:s17] =	ssyncset.done $0x0  }
0x89: {  	[sflag:s17] =	ssyncadd.s32 $0xFFFFC180  }
0x8a: {  	[spmem:s2] =	stream.indirect.scatter.add.f32 [tilespmem:s22], [sflag:$0x4], $0x80, s25, s19, $0xb8;
	[tilespmem:$0x1E400] =	vst v63  }
0x8b: {  	_ =	swait.ge [sflag:s23], $0x3E80  }
0x8c: {  	s26 =	sadd.s32 $0x1, s26;
	[sflag:s23] =	ssyncset.done $0x0  }
0x8d: {  	p0 =	sne.s32 s26, s13;
	[sflag:s23] =	ssyncadd.s32 $0xFFFFC180  }
.Ltmp2:
0x8e: {  	s28 =	sor.u32 $0x1C04, s6;
	[bflag:$0x0] =	sbarrier.arrive $0xFFFF;
	(pc) =	sbr.rel @p0 .LBB2_1-.Ltmp2, $4  }
0x8f: {  	[hbm:s12], [sflag:s28] =	dma.local [spmem:s14], $0x2780  }
0x90: {  	_ =	swait.ge [sflag:s23], $0x2780  }
0x91: {  	[sflag:s23] =	ssyncset.done $0x0  }
0x92: {  	[sflag:s23] =	ssyncadd.s32 $0xFFFFD880  }
0x93: {  	_ =	sfence.sel $0x180000  }
0x94: {  	[bflag:$0x0] =	sbarrier.arrive $0xFFFF  }
0x95: {  	p0 =	sne.s32 s1, $0x0;
	_ =	strace $0x90000056  }
0x96: {  	s0 =	sadd.s32 @!p0 $0x100000, s0;
	[bflag:$0x2] =	sbarrier.arrive $0xFFFF  }
0x97: {  	[sflag:s0] =	ssyncadd.tile.s32 @!p0 $0x1;
	_ =	shalt  }
.Lfunc_end2:
_tile_overlayer_lowered:
.L_overlay_start_2:
0x98: {  	(tag) =	ssettag $0x2  }
0x99: {  	s0 =	rddreg [dreg:$0x0];
	s2 =	stileid.u32  }
0x9a: {  	s1 =	rddreg [dreg:$0x1];
	p0 =	sne.s32 s2, $0x0  }
0x9b: {  	s3 =	rddreg [dreg:$0x2];
	[bflag:$0x3] =	sbarrier.arrive $0xFFFF;
	s2 =	simm.s32 @!p0 $0x1C04  }
0x9c: {  	[timem:s3], [sflag:s2] =	dma.local @!p0 [hbm:s0], s1  }
0x9d: {  	s0 =	simm.s32 @!p0 $0x4  }
0x9e: {  	_ =	swait.ge @!p0 [sflag:s0], s1  }
0x9f: {  	s1 =	ssub.s32 @!p0 $0x0, s1;
	[sflag:s0] =	ssyncset.done @!p0 $0x0  }
0xa0: {  	[sflag:s0] =	ssyncadd.s32 @!p0 s1  }
0xa1: {  	[bflag:$0x3] =	sbarrier.arrive $0xFFFF  }
0xa2: {  	_ =	shalt  }

</sc_bundles>
